<compile_context>
chip_gen: v7x
topology: tpu7x:2x2x1
jax: 0.10.2.dev20260603
libtpu: 0.0.44.dev20260713+nightly
codegen_flags: <defaults>
</compile_context>

<pallas_src>
import functools

import jax
import jax.numpy as jnp
from jax import lax
from jax.experimental import pallas as pl
from jax.experimental.pallas import tpu as pltpu
from jax.experimental.pallas import tpu_sc as plsc

N_NODES = 10000
D = 256
HALF = 128
N_PAD = 10240
E_PAD = 163840
NC = 2
NS = 16
BLK = 128
NBLKT = E_PAD // (NS * BLK)
NCHUNK = 2
NBLK = NBLKT // NCHUNK
RPT = N_PAD // NS
CH = 64
RB = 640
NBUF = 2


def _sc_degree(dst_blocks, zeros128, ones128):
    mesh = plsc.VectorSubcoreMesh(core_axis_name="c", subcore_axis_name="s")

    @functools.partial(
        pl.kernel,
        mesh=mesh,
        out_type=jax.ShapeDtypeStruct((NC, N_PAD, HALF), jnp.float32),
        scratch_types=[
            pltpu.VMEM((NBLK, BLK), jnp.int32),
            pltpu.VMEM((BLK, HALF), jnp.float32),
            pltpu.VMEM_SHARED((N_PAD, HALF), jnp.float32),
            pltpu.SemaphoreType.DMA,
        ],
    )
    def k(dst_r, z_r, o_r, out_r, didx, ones_v, acc, sem):
        cid = lax.axis_index("c")
        sid = lax.axis_index("s")
        wid = cid * NS + sid
        rows = pl.ds(sid * RPT, RPT)
        pltpu.sync_copy(z_r.at[rows], acc.at[rows])
        pltpu.sync_copy(o_r, ones_v)
        pltpu.sync_copy(dst_r.at[wid], didx)
        plsc.subcore_barrier()

        def body(g, carry):
            for i in range(8):
                pltpu.async_copy(ones_v, acc.at[didx.at[g * 8 + i]], sem,
                                 add=True)
            for i in range(8):
                pltpu.make_async_copy(
                    z_r.at[pl.ds(0, BLK)], ones_v, sem
                ).wait()
            return carry

        lax.fori_loop(0, NBLK // 8, body, 0)
        plsc.subcore_barrier()
        pltpu.sync_copy(acc.at[rows], out_r.at[cid].at[rows])

    return k(dst_blocks, zeros128, ones128)


def _sc_propagate(t, src_blocks, dst_blocks, zeros128, dinv, b, fuse_out):
    mesh = plsc.VectorSubcoreMesh(core_axis_name="c", subcore_axis_name="s")

    @functools.partial(
        pl.kernel,
        mesh=mesh,
        out_type=jax.ShapeDtypeStruct((NC, N_PAD, HALF), jnp.float32),
        scratch_types=[
            pltpu.VMEM((NBLK, BLK), jnp.int32),
            pltpu.VMEM((NBLK, BLK), jnp.int32),
            pltpu.VMEM((NBUF, BLK, HALF), jnp.float32),
            pltpu.VMEM((2, HALF), jnp.float32),
            pltpu.VMEM_SHARED((N_PAD, HALF), jnp.float32),
        ]
        + [pltpu.SemaphoreType.DMA] * NBUF,
    )
    def k(t_r, src_r, dst_r, z_r, dinv_r, b_r, out_r,
          sidx, didx, rows_v, bv, acc, *sems):
        cid = lax.axis_index("c")
        sid = lax.axis_index("s")
        rows = pl.ds(sid * RPT, RPT)
        th = t_r.at[cid]

        def drain(bf):
            pltpu.make_async_copy(
                z_r.at[pl.ds(0, BLK)], rows_v.at[bf], sems[bf]
            ).wait()

        pltpu.sync_copy(z_r.at[rows], acc.at[rows])
        plsc.subcore_barrier()
        for m in range(NCHUNK):
            base_blk = sid * NBLKT + m * NBLK
            pltpu.sync_copy(src_r.at[pl.ds(base_blk, NBLK)], sidx)
            pltpu.sync_copy(dst_r.at[pl.ds(base_blk, NBLK)], didx)
            for bf in range(NBUF):
                pltpu.async_copy(th.at[sidx.at[bf]], rows_v.at[bf], sems[bf])

            def round_(g, carry):
                base = g * NBUF
                for bf in range(NBUF):
                    drain(bf)
                    pltpu.async_copy(
                        rows_v.at[bf], acc.at[didx.at[base + bf]], sems[bf],
                        add=True,
                    )
                for bf in range(NBUF):
                    nj = base + NBUF + bf

                    @pl.when(nj < NBLK)
                    def _(bf=bf, nj=nj):
                        drain(bf)
                        pltpu.async_copy(
                            th.at[sidx.at[nj]], rows_v.at[bf], sems[bf]
                        )

                return carry

            lax.fori_loop(0, NBLK // NBUF, round_, 0)
            for bf in range(NBUF):
                drain(bf)
        plsc.subcore_barrier()

        if not fuse_out:
            pltpu.sync_copy(acc.at[rows], out_r.at[cid].at[rows])
        else:
            pltpu.sync_copy(b_r.at[cid], bv.at[0])

            def chunk(c, carry):
                r0 = sid * RPT + c * CH
                pltpu.sync_copy(acc.at[pl.ds(r0, CH)],
                                rows_v.at[0, pl.ds(0, CH)])
                pltpu.sync_copy(th.at[pl.ds(r0, CH)],
                                rows_v.at[0, pl.ds(CH, CH)])
                pltpu.sync_copy(dinv_r.at[pl.ds(r0, CH)],
                                rows_v.at[1, pl.ds(0, CH)])

                def row(r, carry2):
                    for cc in range(HALF // 16):
                        cs = pl.ds(cc * 16, 16)
                        v = rows_v[0, r, cs] + rows_v[0, CH + r, cs]
                        rows_v[1, CH + r, cs] = (
                            v * rows_v[1, r, cs] + bv[0, cs]
                        )
                    return carry2

                lax.fori_loop(0, CH, row, 0)
                pltpu.sync_copy(
                    rows_v.at[1, pl.ds(CH, CH)],
                    out_r.at[cid].at[pl.ds(r0, CH)],
                )
                return carry

            lax.fori_loop(0, RPT // CH, chunk, 0)

    return k(t, src_blocks, dst_blocks, zeros128, dinv, b)


def _tc_stage1(x, W1, d0, d1):
    def body(x_r, w_r, d0_r, d1_r, t_r, dinv_r):
        deg = d0_r[:, :1] + d1_r[:, :1] + 1.0
        dinv = lax.rsqrt(deg)
        dinv_r[...] = jnp.broadcast_to(dinv, (RB, 16))
        t = jnp.dot(x_r[...] * dinv, w_r[...],
                    preferred_element_type=jnp.float32)
        t_r[0] = t[:, :HALF]
        t_r[1] = t[:, HALF:]

    return pl.pallas_call(
        body,
        grid=(N_PAD // RB,),
        in_specs=[
            pl.BlockSpec((RB, D), lambda i: (i, 0)),
            pl.BlockSpec((D, D), lambda i: (0, 0)),
            pl.BlockSpec((RB, 16), lambda i: (i, 0)),
            pl.BlockSpec((RB, 16), lambda i: (i, 0)),
        ],
        out_specs=[
            pl.BlockSpec((2, RB, HALF), lambda i: (0, i, 0)),
            pl.BlockSpec((RB, 16), lambda i: (i, 0)),
        ],
        out_shape=[
            jax.ShapeDtypeStruct((2, N_PAD, HALF), jnp.float32),
            jax.ShapeDtypeStruct((N_PAD, 16), jnp.float32),
        ],
    )(x, W1, d0, d1)


def _tc_stage2(agg, t1, dinv, W2, b1):
    def body(a_r, t_r, dinv_r, w_r, b_r, u_r, de_r):
        dinv = dinv_r[:, :1]
        b = b_r[...]
        w = w_r[...]
        z0 = jnp.maximum(
            (a_r[0] + t_r[0]) * dinv + b[:, :HALF], 0.0) * dinv
        z1 = jnp.maximum(
            (a_r[1] + t_r[1]) * dinv + b[:, HALF:], 0.0) * dinv
        h2 = (
            jnp.dot(z0, w[:HALF], preferred_element_type=jnp.float32)
            + jnp.dot(z1, w[HALF:], preferred_element_type=jnp.float32)
        )
        u_r[0] = h2[:, :HALF]
        u_r[1] = h2[:, HALF:]
        de_r[...] = jnp.broadcast_to(dinv, (RB, HALF))

    return pl.pallas_call(
        body,
        grid=(N_PAD // RB,),
        in_specs=[
            pl.BlockSpec((2, RB, HALF), lambda i: (0, i, 0)),
            pl.BlockSpec((2, RB, HALF), lambda i: (0, i, 0)),
            pl.BlockSpec((RB, 16), lambda i: (i, 0)),
            pl.BlockSpec((D, D), lambda i: (0, 0)),
            pl.BlockSpec((1, D), lambda i: (0, 0)),
        ],
        out_specs=[
            pl.BlockSpec((2, RB, HALF), lambda i: (0, i, 0)),
            pl.BlockSpec((RB, HALF), lambda i: (i, 0)),
        ],
        out_shape=[
            jax.ShapeDtypeStruct((2, N_PAD, HALF), jnp.float32),
            jax.ShapeDtypeStruct((N_PAD, HALF), jnp.float32),
        ],
    )(agg, t1, dinv, W2, b1)


def kernel(x, edge_index, W1, b1, W2, b2):
    src = edge_index[0].astype(jnp.int32)
    dst = edge_index[1].astype(jnp.int32)
    e = src.shape[0]
    padfill = jnp.full((E_PAD - e,), N_NODES, jnp.int32)
    srcb = jnp.concatenate([src, padfill]).reshape(NS * NBLKT, BLK)
    dstb = jnp.concatenate([dst, padfill]).reshape(NS * NBLKT, BLK)
    dstb_deg = dstb.reshape(NC * NS, NBLK, BLK)
    xp = jnp.zeros((N_PAD, D), jnp.float32).at[:N_NODES].set(x)
    z128 = jnp.zeros((N_PAD, HALF), jnp.float32)
    o128 = jnp.ones((BLK, HALF), jnp.float32)
    b2h = b2.reshape(2, HALF)

    degp = _sc_degree(dstb_deg, z128, o128)
    t1, dinv = _tc_stage1(xp, W1, degp[0, :, :16], degp[1, :, :16])
    agg = _sc_propagate(t1, srcb, dstb, z128, z128, b2h, fuse_out=False)
    t2, dinv_exp = _tc_stage2(agg, t1, dinv, W2, b1.reshape(1, D))
    outh = _sc_propagate(t2, srcb, dstb, z128, dinv_exp, b2h, fuse_out=True)
    out = jnp.concatenate([outh[0], outh[1]], axis=1)
    return out[:N_NODES]

# --- scband reference (transcript-rebuilt; emitter-appended) ---
"""Pipeline reference for scband-gcn-23184233463900 (READ-ONLY COPY).

The authoritative reference and input builder live on the scoring server;
editing this copy changes nothing except your own understanding.
"""

import jax, jax.numpy as jnp
import numpy as np

N_NODES = 10000
N_EDGES = 160000
D_FEAT = 256
HIDDEN = 256


def gcn_conv(x, edge_index, W, b):
    num_nodes = x.shape[0]
    src = edge_index[0]
    dst = edge_index[1]
    # add self loops (PyG GCNConv default add_self_loops=True)
    loop = jnp.arange(num_nodes, dtype=edge_index.dtype)
    src = jnp.concatenate([src, loop])
    dst = jnp.concatenate([dst, loop])
    # symmetric normalization D^{-1/2} A_hat D^{-1/2}
    deg = jnp.zeros((num_nodes,), dtype=x.dtype).at[dst].add(1.0)
    deg_inv_sqrt = jnp.where(deg > 0, deg ** -0.5, 0.0)
    coef = deg_inv_sqrt[src] * deg_inv_sqrt[dst]
    # linear transform then propagate
    h = x @ W
    msg = h[src] * coef[:, None]
    out = jnp.zeros((num_nodes, W.shape[1]), dtype=x.dtype).at[dst].add(msg)
    return out + b


def setup_inputs(seed: int = 0) -> dict:
    key = jax.random.key(seed)
    k_x, k_e, k_w1, k_w2 = jax.random.split(key, 4)
    x = jax.random.normal(k_x, (N_NODES, D_FEAT), dtype=jnp.float32)
    edge_index = jax.random.randint(k_e, (2, N_EDGES), 0, N_NODES, dtype=jnp.int64)
    s1 = 1.0 / np.sqrt(D_FEAT)
    s2 = 1.0 / np.sqrt(HIDDEN)
    W1 = jax.random.uniform(k_w1, (D_FEAT, HIDDEN), dtype=jnp.float32, minval=-s1, maxval=s1)
    b1 = jnp.zeros((HIDDEN,), dtype=jnp.float32)
    W2 = jax.random.uniform(k_w2, (HIDDEN, D_FEAT), dtype=jnp.float32, minval=-s2, maxval=s2)
    b2 = jnp.zeros((D_FEAT,), dtype=jnp.float32)
    return {"x": x, "edge_index": edge_index, "W1": W1, "b1": b1, "W2": W2, "b2": b2}


def reference(x, edge_index, W1, b1, W2, b2):
    h = gcn_conv(x, edge_index, W1, b1)
    h = jax.nn.relu(h)
    out = gcn_conv(h, edge_index, W2, b2)
    return out

if __name__ == "__main__":
    import jax
    _d = setup_inputs()
    print(jax.jit(kernel)(*tuple(_d.values())))

</pallas_src>

<mosaic_0001>
#map = affine_map<(d0, d1) -> (0, 0, 0)>
#map1 = affine_map<(d0, d1) -> (0, 0)>
module attributes {stable_mosaic.version = 14 : i64} {
  func.func @k(%arg0: i32, %arg1: i32, %arg2: memref<2x10240x128xf32, #tpu.memory_space<hbm>>, %arg3: memref<1280x128xi32, #tpu.memory_space<hbm>>, %arg4: memref<1280x128xi32, #tpu.memory_space<hbm>>, %arg5: memref<10240x128xf32, #tpu.memory_space<hbm>>, %arg6: memref<10240x128xf32, #tpu.memory_space<hbm>>, %arg7: memref<2x128xf32, #tpu.memory_space<hbm>>, %arg8: memref<2x10240x128xf32, #tpu.memory_space<hbm>>, %arg9: memref<40x128xi32, #tpu.memory_space<vmem>>, %arg10: memref<40x128xi32, #tpu.memory_space<vmem>>, %arg11: memref<2x128x128xf32, #tpu.memory_space<vmem>>, %arg12: memref<2x128xf32, #tpu.memory_space<vmem>>, %arg13: memref<10240x128xf32, #tpu.memory_space<vmem_shared>>, %arg14: memref<!tpu.dma_semaphore, #tpu.memory_space<semaphore_mem>>, %arg15: memref<!tpu.dma_semaphore, #tpu.memory_space<semaphore_mem>>) attributes {dimension_semantics = [#tpu.dimension_semantics<core_parallel>, #tpu.dimension_semantics<subcore_parallel>], iteration_bounds = array<i64: 2, 16>, scalar_prefetch = 0 : i64, scratch_operands = 7 : i64, tpu.core_type = #tpu.core_type<sc_vector_subcore>, window_params = [{transform_indices = #map}, {transform_indices = #map1}, {transform_indices = #map1}, {transform_indices = #map1}, {transform_indices = #map1}, {transform_indices = #map1}, {transform_indices = #map}]} {
    %mul3A = arith.constant 640 : i32
    %mul3A_0 = arith.muli %arg1, %mul3A : i32
    "tpu.region"() ({
      %run_scoped3A_148 = tpu.sem_alloc : memref<!tpu.dma_semaphore, #tpu.memory_space<semaphore_mem>>
      %dma_start3A_149 = arith.constant 0 : i32
      %dma_start3A_150 = tpu.memref_slice %arg13[%mul3A_0, %dma_start3A_149] : memref<10240x128xf32, #tpu.memory_space<vmem_shared>> -> memref<640x128xf32, #tpu.memory_space<vmem_shared>>
      %dma_start3A_151 = arith.constant 0 : i32
      %dma_start3A_152 = tpu.memref_slice %arg5[%mul3A_0, %dma_start3A_151] : memref<10240x128xf32, #tpu.memory_space<hbm>> -> memref<640x128xf32, #tpu.memory_space<hbm>>
      tpu.enqueue_dma source(%dma_start3A_152 : memref<640x128xf32, #tpu.memory_space<hbm>>) target(%dma_start3A_150 : memref<640x128xf32, #tpu.memory_space<vmem_shared>>) target_semaphore(%run_scoped3A_148 : memref<!tpu.dma_semaphore, #tpu.memory_space<semaphore_mem>>)
      %dma_wait3A_153 = arith.constant 0 : i32
      %dma_wait3A_154 = tpu.memref_slice %arg13[%mul3A_0, %dma_wait3A_153] : memref<10240x128xf32, #tpu.memory_space<vmem_shared>> -> memref<640x128xf32, #tpu.memory_space<vmem_shared>>
      %dma_wait3A_155 = arith.constant 0 : i32
      %dma_wait3A_156 = tpu.memref_slice %arg5[%mul3A_0, %dma_wait3A_155] : memref<10240x128xf32, #tpu.memory_space<hbm>> -> memref<640x128xf32, #tpu.memory_space<hbm>>
      tpu.wait_dma2 semaphore(%run_scoped3A_148 : memref<!tpu.dma_semaphore, #tpu.memory_space<semaphore_mem>>) src(%dma_wait3A_156 : memref<640x128xf32, #tpu.memory_space<hbm>>) dst(%dma_wait3A_154 : memref<640x128xf32, #tpu.memory_space<vmem_shared>>)
      tpu.yield
    }) : () -> ()
    %barrier3A = arith.constant 0 : index
    tpu.barrier barrier_id(%barrier3A)
    %mul3A_1 = arith.constant 80 : i32
    %mul3A_2 = arith.muli %arg1, %mul3A_1 : i32
    %add3A = arith.constant 0 : i32
    %add3A_3 = arith.addi %mul3A_2, %add3A : i32
    "tpu.region"() ({
      %run_scoped3A_148 = tpu.sem_alloc : memref<!tpu.dma_semaphore, #tpu.memory_space<semaphore_mem>>
      %dma_start3A_149 = arith.constant 0 : i32
      %dma_start3A_150 = tpu.memref_slice %arg3[%add3A_3, %dma_start3A_149] : memref<1280x128xi32, #tpu.memory_space<hbm>> -> memref<40x128xi32, #tpu.memory_space<hbm>>
      %dma_start3A_151 = arith.constant 0 : i32
      %dma_start3A_152 = tpu.memref_slice %arg3[%add3A_3, %dma_start3A_151] : memref<1280x128xi32, #tpu.memory_space<hbm>> -> memref<40x128xi32, #tpu.memory_space<hbm>>
      tpu.enqueue_dma source(%dma_start3A_152 : memref<40x128xi32, #tpu.memory_space<hbm>>) target(%arg9 : memref<40x128xi32, #tpu.memory_space<vmem>>) target_semaphore(%run_scoped3A_148 : memref<!tpu.dma_semaphore, #tpu.memory_space<semaphore_mem>>)
      %dma_wait3A_153 = arith.constant 0 : i32
      %dma_wait3A_154 = tpu.memref_slice %arg3[%add3A_3, %dma_wait3A_153] : memref<1280x128xi32, #tpu.memory_space<hbm>> -> memref<40x128xi32, #tpu.memory_space<hbm>>
      %dma_wait3A_155 = arith.constant 0 : i32
      %dma_wait3A_156 = tpu.memref_slice %arg3[%add3A_3, %dma_wait3A_155] : memref<1280x128xi32, #tpu.memory_space<hbm>> -> memref<40x128xi32, #tpu.memory_space<hbm>>
      tpu.wait_dma2 semaphore(%run_scoped3A_148 : memref<!tpu.dma_semaphore, #tpu.memory_space<semaphore_mem>>) src(%dma_wait3A_156 : memref<40x128xi32, #tpu.memory_space<hbm>>) dst(%arg9 : memref<40x128xi32, #tpu.memory_space<vmem>>)
      tpu.yield
    }) : () -> ()
    "tpu.region"() ({
      %run_scoped3A_148 = tpu.sem_alloc : memref<!tpu.dma_semaphore, #tpu.memory_space<semaphore_mem>>
      %dma_start3A_149 = arith.constant 0 : i32
      %dma_start3A_150 = tpu.memref_slice %arg4[%add3A_3, %dma_start3A_149] : memref<1280x128xi32, #tpu.memory_space<hbm>> -> memref<40x128xi32, #tpu.memory_space<hbm>>
      %dma_start3A_151 = arith.constant 0 : i32
      %dma_start3A_152 = tpu.memref_slice %arg4[%add3A_3, %dma_start3A_151] : memref<1280x128xi32, #tpu.memory_space<hbm>> -> memref<40x128xi32, #tpu.memory_space<hbm>>
      tpu.enqueue_dma source(%dma_start3A_152 : memref<40x128xi32, #tpu.memory_space<hbm>>) target(%arg10 : memref<40x128xi32, #tpu.memory_space<vmem>>) target_semaphore(%run_scoped3A_148 : memref<!tpu.dma_semaphore, #tpu.memory_space<semaphore_mem>>)
      %dma_wait3A_153 = arith.constant 0 : i32
      %dma_wait3A_154 = tpu.memref_slice %arg4[%add3A_3, %dma_wait3A_153] : memref<1280x128xi32, #tpu.memory_space<hbm>> -> memref<40x128xi32, #tpu.memory_space<hbm>>
      %dma_wait3A_155 = arith.constant 0 : i32
      %dma_wait3A_156 = tpu.memref_slice %arg4[%add3A_3, %dma_wait3A_155] : memref<1280x128xi32, #tpu.memory_space<hbm>> -> memref<40x128xi32, #tpu.memory_space<hbm>>
      tpu.wait_dma2 semaphore(%run_scoped3A_148 : memref<!tpu.dma_semaphore, #tpu.memory_space<semaphore_mem>>) src(%dma_wait3A_156 : memref<40x128xi32, #tpu.memory_space<hbm>>) dst(%arg10 : memref<40x128xi32, #tpu.memory_space<vmem>>)
      tpu.yield
    }) : () -> ()
    %dma_start3A = arith.constant 0 : i32
    %dma_start3A_4 = arith.constant 0 : i32
    %dma_start3A_5 = arith.constant 0 : i32
    %dma_start3A_6 = arith.constant 0 : i32
    %dma_start3A_7 = tpu.memref_slice %arg11[%dma_start3A_4, %dma_start3A_5, %dma_start3A_6] : memref<2x128x128xf32, #tpu.memory_space<vmem>> -> memref<1x128x128xf32, #tpu.memory_space<vmem>>
    %dma_start3A_8 = tpu.memref_squeeze %dma_start3A_7 : memref<1x128x128xf32, #tpu.memory_space<vmem>> -> memref<128x128xf32, #tpu.memory_space<vmem>>
    %dma_start3A_9 = arith.constant 0 : i32
    %dma_start3A_10 = tpu.memref_slice %arg9[%dma_start3A, %dma_start3A_9] : memref<40x128xi32, #tpu.memory_space<vmem>> -> memref<1x128xi32, #tpu.memory_space<vmem>>
    %dma_start3A_11 = tpu.memref_squeeze %dma_start3A_10 : memref<1x128xi32, #tpu.memory_space<vmem>> -> memref<128xi32, #tpu.memory_space<vmem>>
    %dma_start3A_12 = arith.constant 0 : i32
    %dma_start3A_13 = arith.constant 0 : i32
    %dma_start3A_14 = tpu.memref_slice %arg2[%arg0, %dma_start3A_12, %dma_start3A_13] : memref<2x10240x128xf32, #tpu.memory_space<hbm>> -> memref<1x10240x128xf32, #tpu.memory_space<hbm>>
    %dma_start3A_15 = tpu.memref_squeeze %dma_start3A_14 : memref<1x10240x128xf32, #tpu.memory_space<hbm>> -> memref<10240x128xf32, #tpu.memory_space<hbm>>
    %dma_start3A_16 = arith.constant 0 : i32
    %dma_start3A_17 = arith.constant 0 : i32
    %dma_start3A_18 = tpu.memref_slice %dma_start3A_15[%dma_start3A_16, %dma_start3A_17] : memref<10240x128xf32, #tpu.memory_space<hbm>> -> memref<10240x128xf32, #tpu.memory_space<hbm>>
    tpu.enqueue_indirect_dma source(%dma_start3A_18 : memref<10240x128xf32, #tpu.memory_space<hbm>>) target(%dma_start3A_8 : memref<128x128xf32, #tpu.memory_space<vmem>>) offsets(%dma_start3A_11 : memref<128xi32, #tpu.memory_space<vmem>>) semaphore(%arg14 : memref<!tpu.dma_semaphore, #tpu.memory_space<semaphore_mem>>)
    %dma_start3A_19 = arith.constant 1 : i32
    %dma_start3A_20 = arith.constant 1 : i32
    %dma_start3A_21 = arith.constant 0 : i32
    %dma_start3A_22 = arith.constant 0 : i32
    %dma_start3A_23 = tpu.memref_slice %arg11[%dma_start3A_20, %dma_start3A_21, %dma_start3A_22] : memref<2x128x128xf32, #tpu.memory_space<vmem>> -> memref<1x128x128xf32, #tpu.memory_space<vmem>>
    %dma_start3A_24 = tpu.memref_squeeze %dma_start3A_23 : memref<1x128x128xf32, #tpu.memory_space<vmem>> -> memref<128x128xf32, #tpu.memory_space<vmem>>
    %dma_start3A_25 = arith.constant 0 : i32
    %dma_start3A_26 = tpu.memref_slice %arg9[%dma_start3A_19, %dma_start3A_25] : memref<40x128xi32, #tpu.memory_space<vmem>> -> memref<1x128xi32, #tpu.memory_space<vmem>>
    %dma_start3A_27 = tpu.memref_squeeze %dma_start3A_26 : memref<1x128xi32, #tpu.memory_space<vmem>> -> memref<128xi32, #tpu.memory_space<vmem>>
    %dma_start3A_28 = arith.constant 0 : i32
    %dma_start3A_29 = arith.constant 0 : i32
    %dma_start3A_30 = tpu.memref_slice %arg2[%arg0, %dma_start3A_28, %dma_start3A_29] : memref<2x10240x128xf32, #tpu.memory_space<hbm>> -> memref<1x10240x128xf32, #tpu.memory_space<hbm>>
    %dma_start3A_31 = tpu.memref_squeeze %dma_start3A_30 : memref<1x10240x128xf32, #tpu.memory_space<hbm>> -> memref<10240x128xf32, #tpu.memory_space<hbm>>
    %dma_start3A_32 = arith.constant 0 : i32
    %dma_start3A_33 = arith.constant 0 : i32
    %dma_start3A_34 = tpu.memref_slice %dma_start3A_31[%dma_start3A_32, %dma_start3A_33] : memref<10240x128xf32, #tpu.memory_space<hbm>> -> memref<10240x128xf32, #tpu.memory_space<hbm>>
    tpu.enqueue_indirect_dma source(%dma_start3A_34 : memref<10240x128xf32, #tpu.memory_space<hbm>>) target(%dma_start3A_24 : memref<128x128xf32, #tpu.memory_space<vmem>>) offsets(%dma_start3A_27 : memref<128xi32, #tpu.memory_space<vmem>>) semaphore(%arg15 : memref<!tpu.dma_semaphore, #tpu.memory_space<semaphore_mem>>)
    %scan3A = arith.constant 0 : i32
    %scan3A_35 = arith.constant 0 : i32
    %scan3A_36 = arith.constant 20 : i32
    %scan3A_37 = arith.addi %scan3A_35, %scan3A_36 : i32
    %scan3A_38 = arith.constant 1 : i32
    scf.for %scan3A_148 = %scan3A_35 to %scan3A_37 step %scan3A_38  : i32 {
      %mul3A_149 = arith.constant 2 : i32
      %mul3A_150 = arith.muli %scan3A_148, %mul3A_149 : i32
      %dma_wait3A_151 = arith.constant 0 : i32
      %dma_wait3A_152 = arith.constant 0 : i32
      %dma_wait3A_153 = arith.constant 0 : i32
      %dma_wait3A_154 = tpu.memref_slice %arg11[%dma_wait3A_151, %dma_wait3A_152, %dma_wait3A_153] : memref<2x128x128xf32, #tpu.memory_space<vmem>> -> memref<1x128x128xf32, #tpu.memory_space<vmem>>
      %dma_wait3A_155 = tpu.memref_squeeze %dma_wait3A_154 : memref<1x128x128xf32, #tpu.memory_space<vmem>> -> memref<128x128xf32, #tpu.memory_space<vmem>>
      %dma_wait3A_156 = arith.constant 0 : i32
      %dma_wait3A_157 = arith.constant 0 : i32
      %dma_wait3A_158 = tpu.memref_slice %arg5[%dma_wait3A_156, %dma_wait3A_157] : memref<10240x128xf32, #tpu.memory_space<hbm>> -> memref<128x128xf32, #tpu.memory_space<hbm>>
      %dma_wait3A_159 = arith.constant 0 : i32
      %dma_wait3A_160 = arith.constant 0 : i32
      %dma_wait3A_161 = tpu.memref_slice %arg11[%dma_wait3A_151, %dma_wait3A_159, %dma_wait3A_160] : memref<2x128x128xf32, #tpu.memory_space<vmem>> -> memref<1x128x128xf32, #tpu.memory_space<vmem>>
      %dma_wait3A_162 = tpu.memref_squeeze %dma_wait3A_161 : memref<1x128x128xf32, #tpu.memory_space<vmem>> -> memref<128x128xf32, #tpu.memory_space<vmem>>
      %dma_wait3A_163 = arith.constant 0 : i32
      %dma_wait3A_164 = arith.constant 0 : i32
      %dma_wait3A_165 = tpu.memref_slice %arg5[%dma_wait3A_163, %dma_wait3A_164] : memref<10240x128xf32, #tpu.memory_space<hbm>> -> memref<128x128xf32, #tpu.memory_space<hbm>>
      tpu.wait_dma2 semaphore(%arg14 : memref<!tpu.dma_semaphore, #tpu.memory_space<semaphore_mem>>) src(%dma_wait3A_165 : memref<128x128xf32, #tpu.memory_space<hbm>>) dst(%dma_wait3A_162 : memref<128x128xf32, #tpu.memory_space<vmem>>)
      %add3A_166 = arith.constant 0 : i32
      %add3A_167 = arith.addi %mul3A_150, %add3A_166 : i32
      %dma_start3A_168 = arith.constant 0 : i32
      %dma_start3A_169 = arith.constant 0 : i32
      %dma_start3A_170 = arith.constant 0 : i32
      %dma_start3A_171 = tpu.memref_slice %arg11[%dma_start3A_168, %dma_start3A_169, %dma_start3A_170] : memref<2x128x128xf32, #tpu.memory_space<vmem>> -> memref<1x128x128xf32, #tpu.memory_space<vmem>>
      %dma_start3A_172 = tpu.memref_squeeze %dma_start3A_171 : memref<1x128x128xf32, #tpu.memory_space<vmem>> -> memref<128x128xf32, #tpu.memory_space<vmem>>
      %dma_start3A_173 = arith.constant 0 : i32
      %dma_start3A_174 = tpu.memref_slice %arg10[%add3A_167, %dma_start3A_173] : memref<40x128xi32, #tpu.memory_space<vmem>> -> memref<1x128xi32, #tpu.memory_space<vmem>>
      %dma_start3A_175 = tpu.memref_squeeze %dma_start3A_174 : memref<1x128xi32, #tpu.memory_space<vmem>> -> memref<128xi32, #tpu.memory_space<vmem>>
      %dma_start3A_176 = arith.constant 0 : i32
      %dma_start3A_177 = arith.constant 0 : i32
      %dma_start3A_178 = tpu.memref_slice %arg13[%dma_start3A_176, %dma_start3A_177] : memref<10240x128xf32, #tpu.memory_space<vmem_shared>> -> memref<10240x128xf32, #tpu.memory_space<vmem_shared>>
      tpu.enqueue_indirect_dma source(%dma_start3A_172 : memref<128x128xf32, #tpu.memory_space<vmem>>) target(%dma_start3A_178 : memref<10240x128xf32, #tpu.memory_space<vmem_shared>>) offsets(%dma_start3A_175 : memref<128xi32, #tpu.memory_space<vmem>>) semaphore(%arg14 : memref<!tpu.dma_semaphore, #tpu.memory_space<semaphore_mem>>) {add = true}
      %dma_wait3A_179 = arith.constant 1 : i32
      %dma_wait3A_180 = arith.constant 0 : i32
      %dma_wait3A_181 = arith.constant 0 : i32
      %dma_wait3A_182 = tpu.memref_slice %arg11[%dma_wait3A_179, %dma_wait3A_180, %dma_wait3A_181] : memref<2x128x128xf32, #tpu.memory_space<vmem>> -> memref<1x128x128xf32, #tpu.memory_space<vmem>>
      %dma_wait3A_183 = tpu.memref_squeeze %dma_wait3A_182 : memref<1x128x128xf32, #tpu.memory_space<vmem>> -> memref<128x128xf32, #tpu.memory_space<vmem>>
      %dma_wait3A_184 = arith.constant 0 : i32
      %dma_wait3A_185 = arith.constant 0 : i32
      %dma_wait3A_186 = tpu.memref_slice %arg5[%dma_wait3A_184, %dma_wait3A_185] : memref<10240x128xf32, #tpu.memory_space<hbm>> -> memref<128x128xf32, #tpu.memory_space<hbm>>
      %dma_wait3A_187 = arith.constant 0 : i32
      %dma_wait3A_188 = arith.constant 0 : i32
      %dma_wait3A_189 = tpu.memref_slice %arg11[%dma_wait3A_179, %dma_wait3A_187, %dma_wait3A_188] : memref<2x128x128xf32, #tpu.memory_space<vmem>> -> memref<1x128x128xf32, #tpu.memory_space<vmem>>
      %dma_wait3A_190 = tpu.memref_squeeze %dma_wait3A_189 : memref<1x128x128xf32, #tpu.memory_space<vmem>> -> memref<128x128xf32, #tpu.memory_space<vmem>>
      %dma_wait3A_191 = arith.constant 0 : i32
      %dma_wait3A_192 = arith.constant 0 : i32
      %dma_wait3A_193 = tpu.memref_slice %arg5[%dma_wait3A_191, %dma_wait3A_192] : memref<10240x128xf32, #tpu.memory_space<hbm>> -> memref<128x128xf32, #tpu.memory_space<hbm>>
      tpu.wait_dma2 semaphore(%arg15 : memref<!tpu.dma_semaphore, #tpu.memory_space<semaphore_mem>>) src(%dma_wait3A_193 : memref<128x128xf32, #tpu.memory_space<hbm>>) dst(%dma_wait3A_190 : memref<128x128xf32, #tpu.memory_space<vmem>>)
      %add3A_194 = arith.constant 1 : i32
      %add3A_195 = arith.addi %mul3A_150, %add3A_194 : i32
      %dma_start3A_196 = arith.constant 1 : i32
      %dma_start3A_197 = arith.constant 0 : i32
      %dma_start3A_198 = arith.constant 0 : i32
      %dma_start3A_199 = tpu.memref_slice %arg11[%dma_start3A_196, %dma_start3A_197, %dma_start3A_198] : memref<2x128x128xf32, #tpu.memory_space<vmem>> -> memref<1x128x128xf32, #tpu.memory_space<vmem>>
      %dma_start3A_200 = tpu.memref_squeeze %dma_start3A_199 : memref<1x128x128xf32, #tpu.memory_space<vmem>> -> memref<128x128xf32, #tpu.memory_space<vmem>>
      %dma_start3A_201 = arith.constant 0 : i32
      %dma_start3A_202 = tpu.memref_slice %arg10[%add3A_195, %dma_start3A_201] : memref<40x128xi32, #tpu.memory_space<vmem>> -> memref<1x128xi32, #tpu.memory_space<vmem>>
      %dma_start3A_203 = tpu.memref_squeeze %dma_start3A_202 : memref<1x128xi32, #tpu.memory_space<vmem>> -> memref<128xi32, #tpu.memory_space<vmem>>
      %dma_start3A_204 = arith.constant 0 : i32
      %dma_start3A_205 = arith.constant 0 : i32
      %dma_start3A_206 = tpu.memref_slice %arg13[%dma_start3A_204, %dma_start3A_205] : memref<10240x128xf32, #tpu.memory_space<vmem_shared>> -> memref<10240x128xf32, #tpu.memory_space<vmem_shared>>
      tpu.enqueue_indirect_dma source(%dma_start3A_200 : memref<128x128xf32, #tpu.memory_space<vmem>>) target(%dma_start3A_206 : memref<10240x128xf32, #tpu.memory_space<vmem_shared>>) offsets(%dma_start3A_203 : memref<128xi32, #tpu.memory_space<vmem>>) semaphore(%arg15 : memref<!tpu.dma_semaphore, #tpu.memory_space<semaphore_mem>>) {add = true}
      %add3A_207 = arith.constant 2 : i32
      %add3A_208 = arith.addi %mul3A_150, %add3A_207 : i32
      %add3A_209 = arith.constant 0 : i32
      %add3A_210 = arith.addi %add3A_208, %add3A_209 : i32
      %lt3A = arith.constant 40 : i32
      %lt3A_211 = arith.cmpi slt, %add3A_210, %lt3A : i32
      %convert_element_type3A = arith.extui %lt3A_211 : i1 to i32
      %cond3A = arith.constant 0 : i32
      %cond3A_212 = arith.cmpi ne, %convert_element_type3A, %cond3A : i32
      scf.if %cond3A_212 {
        %dma_wait3A_222 = arith.constant 0 : i32
        %dma_wait3A_223 = arith.constant 0 : i32
        %dma_wait3A_224 = arith.constant 0 : i32
        %dma_wait3A_225 = tpu.memref_slice %arg11[%dma_wait3A_222, %dma_wait3A_223, %dma_wait3A_224] : memref<2x128x128xf32, #tpu.memory_space<vmem>> -> memref<1x128x128xf32, #tpu.memory_space<vmem>>
        %dma_wait3A_226 = tpu.memref_squeeze %dma_wait3A_225 : memref<1x128x128xf32, #tpu.memory_space<vmem>> -> memref<128x128xf32, #tpu.memory_space<vmem>>
        %dma_wait3A_227 = arith.constant 0 : i32
        %dma_wait3A_228 = arith.constant 0 : i32
        %dma_wait3A_229 = tpu.memref_slice %arg5[%dma_wait3A_227, %dma_wait3A_228] : memref<10240x128xf32, #tpu.memory_space<hbm>> -> memref<128x128xf32, #tpu.memory_space<hbm>>
        %dma_wait3A_230 = arith.constant 0 : i32
        %dma_wait3A_231 = arith.constant 0 : i32
        %dma_wait3A_232 = tpu.memref_slice %arg11[%dma_wait3A_222, %dma_wait3A_230, %dma_wait3A_231] : memref<2x128x128xf32, #tpu.memory_space<vmem>> -> memref<1x128x128xf32, #tpu.memory_space<vmem>>
        %dma_wait3A_233 = tpu.memref_squeeze %dma_wait3A_232 : memref<1x128x128xf32, #tpu.memory_space<vmem>> -> memref<128x128xf32, #tpu.memory_space<vmem>>
        %dma_wait3A_234 = arith.constant 0 : i32
        %dma_wait3A_235 = arith.constant 0 : i32
        %dma_wait3A_236 = tpu.memref_slice %arg5[%dma_wait3A_234, %dma_wait3A_235] : memref<10240x128xf32, #tpu.memory_space<hbm>> -> memref<128x128xf32, #tpu.memory_space<hbm>>
        tpu.wait_dma2 semaphore(%arg14 : memref<!tpu.dma_semaphore, #tpu.memory_space<semaphore_mem>>) src(%dma_wait3A_236 : memref<128x128xf32, #tpu.memory_space<hbm>>) dst(%dma_wait3A_233 : memref<128x128xf32, #tpu.memory_space<vmem>>)
        %dma_start3A_237 = arith.constant 0 : i32
        %dma_start3A_238 = arith.constant 0 : i32
        %dma_start3A_239 = arith.constant 0 : i32
        %dma_start3A_240 = tpu.memref_slice %arg11[%dma_start3A_237, %dma_start3A_238, %dma_start3A_239] : memref<2x128x128xf32, #tpu.memory_space<vmem>> -> memref<1x128x128xf32, #tpu.memory_space<vmem>>
        %dma_start3A_241 = tpu.memref_squeeze %dma_start3A_240 : memref<1x128x128xf32, #tpu.memory_space<vmem>> -> memref<128x128xf32, #tpu.memory_space<vmem>>
        %dma_start3A_242 = arith.constant 0 : i32
        %dma_start3A_243 = tpu.memref_slice %arg9[%add3A_210, %dma_start3A_242] : memref<40x128xi32, #tpu.memory_space<vmem>> -> memref<1x128xi32, #tpu.memory_space<vmem>>
        %dma_start3A_244 = tpu.memref_squeeze %dma_start3A_243 : memref<1x128xi32, #tpu.memory_space<vmem>> -> memref<128xi32, #tpu.memory_space<vmem>>
        %dma_start3A_245 = arith.constant 0 : i32
        %dma_start3A_246 = arith.constant 0 : i32
        %dma_start3A_247 = tpu.memref_slice %arg2[%arg0, %dma_start3A_245, %dma_start3A_246] : memref<2x10240x128xf32, #tpu.memory_space<hbm>> -> memref<1x10240x128xf32, #tpu.memory_space<hbm>>
        %dma_start3A_248 = tpu.memref_squeeze %dma_start3A_247 : memref<1x10240x128xf32, #tpu.memory_space<hbm>> -> memref<10240x128xf32, #tpu.memory_space<hbm>>
        %dma_start3A_249 = arith.constant 0 : i32
        %dma_start3A_250 = arith.constant 0 : i32
        %dma_start3A_251 = tpu.memref_slice %dma_start3A_248[%dma_start3A_249, %dma_start3A_250] : memref<10240x128xf32, #tpu.memory_space<hbm>> -> memref<10240x128xf32, #tpu.memory_space<hbm>>
        tpu.enqueue_indirect_dma source(%dma_start3A_251 : memref<10240x128xf32, #tpu.memory_space<hbm>>) target(%dma_start3A_241 : memref<128x128xf32, #tpu.memory_space<vmem>>) offsets(%dma_start3A_244 : memref<128xi32, #tpu.memory_space<vmem>>) semaphore(%arg14 : memref<!tpu.dma_semaphore, #tpu.memory_space<semaphore_mem>>)
      } else {
      }
      %add3A_213 = arith.constant 2 : i32
      %add3A_214 = arith.addi %mul3A_150, %add3A_213 : i32
      %add3A_215 = arith.constant 1 : i32
      %add3A_216 = arith.addi %add3A_214, %add3A_215 : i32
      %lt3A_217 = arith.constant 40 : i32
      %lt3A_218 = arith.cmpi slt, %add3A_216, %lt3A_217 : i32
      %convert_element_type3A_219 = arith.extui %lt3A_218 : i1 to i32
      %cond3A_220 = arith.constant 0 : i32
      %cond3A_221 = arith.cmpi ne, %convert_element_type3A_219, %cond3A_220 : i32
      scf.if %cond3A_221 {
        %dma_wait3A_222 = arith.constant 1 : i32
        %dma_wait3A_223 = arith.constant 0 : i32
        %dma_wait3A_224 = arith.constant 0 : i32
        %dma_wait3A_225 = tpu.memref_slice %arg11[%dma_wait3A_222, %dma_wait3A_223, %dma_wait3A_224] : memref<2x128x128xf32, #tpu.memory_space<vmem>> -> memref<1x128x128xf32, #tpu.memory_space<vmem>>
        %dma_wait3A_226 = tpu.memref_squeeze %dma_wait3A_225 : memref<1x128x128xf32, #tpu.memory_space<vmem>> -> memref<128x128xf32, #tpu.memory_space<vmem>>
        %dma_wait3A_227 = arith.constant 0 : i32
        %dma_wait3A_228 = arith.constant 0 : i32
        %dma_wait3A_229 = tpu.memref_slice %arg5[%dma_wait3A_227, %dma_wait3A_228] : memref<10240x128xf32, #tpu.memory_space<hbm>> -> memref<128x128xf32, #tpu.memory_space<hbm>>
        %dma_wait3A_230 = arith.constant 0 : i32
        %dma_wait3A_231 = arith.constant 0 : i32
        %dma_wait3A_232 = tpu.memref_slice %arg11[%dma_wait3A_222, %dma_wait3A_230, %dma_wait3A_231] : memref<2x128x128xf32, #tpu.memory_space<vmem>> -> memref<1x128x128xf32, #tpu.memory_space<vmem>>
        %dma_wait3A_233 = tpu.memref_squeeze %dma_wait3A_232 : memref<1x128x128xf32, #tpu.memory_space<vmem>> -> memref<128x128xf32, #tpu.memory_space<vmem>>
        %dma_wait3A_234 = arith.constant 0 : i32
        %dma_wait3A_235 = arith.constant 0 : i32
        %dma_wait3A_236 = tpu.memref_slice %arg5[%dma_wait3A_234, %dma_wait3A_235] : memref<10240x128xf32, #tpu.memory_space<hbm>> -> memref<128x128xf32, #tpu.memory_space<hbm>>
        tpu.wait_dma2 semaphore(%arg15 : memref<!tpu.dma_semaphore, #tpu.memory_space<semaphore_mem>>) src(%dma_wait3A_236 : memref<128x128xf32, #tpu.memory_space<hbm>>) dst(%dma_wait3A_233 : memref<128x128xf32, #tpu.memory_space<vmem>>)
        %dma_start3A_237 = arith.constant 1 : i32
        %dma_start3A_238 = arith.constant 0 : i32
        %dma_start3A_239 = arith.constant 0 : i32
        %dma_start3A_240 = tpu.memref_slice %arg11[%dma_start3A_237, %dma_start3A_238, %dma_start3A_239] : memref<2x128x128xf32, #tpu.memory_space<vmem>> -> memref<1x128x128xf32, #tpu.memory_space<vmem>>
        %dma_start3A_241 = tpu.memref_squeeze %dma_start3A_240 : memref<1x128x128xf32, #tpu.memory_space<vmem>> -> memref<128x128xf32, #tpu.memory_space<vmem>>
        %dma_start3A_242 = arith.constant 0 : i32
        %dma_start3A_243 = tpu.memref_slice %arg9[%add3A_216, %dma_start3A_242] : memref<40x128xi32, #tpu.memory_space<vmem>> -> memref<1x128xi32, #tpu.memory_space<vmem>>
        %dma_start3A_244 = tpu.memref_squeeze %dma_start3A_243 : memref<1x128xi32, #tpu.memory_space<vmem>> -> memref<128xi32, #tpu.memory_space<vmem>>
        %dma_start3A_245 = arith.constant 0 : i32
        %dma_start3A_246 = arith.constant 0 : i32
        %dma_start3A_247 = tpu.memref_slice %arg2[%arg0, %dma_start3A_245, %dma_start3A_246] : memref<2x10240x128xf32, #tpu.memory_space<hbm>> -> memref<1x10240x128xf32, #tpu.memory_space<hbm>>
        %dma_start3A_248 = tpu.memref_squeeze %dma_start3A_247 : memref<1x10240x128xf32, #tpu.memory_space<hbm>> -> memref<10240x128xf32, #tpu.memory_space<hbm>>
        %dma_start3A_249 = arith.constant 0 : i32
        %dma_start3A_250 = arith.constant 0 : i32
        %dma_start3A_251 = tpu.memref_slice %dma_start3A_248[%dma_start3A_249, %dma_start3A_250] : memref<10240x128xf32, #tpu.memory_space<hbm>> -> memref<10240x128xf32, #tpu.memory_space<hbm>>
        tpu.enqueue_indirect_dma source(%dma_start3A_251 : memref<10240x128xf32, #tpu.memory_space<hbm>>) target(%dma_start3A_241 : memref<128x128xf32, #tpu.memory_space<vmem>>) offsets(%dma_start3A_244 : memref<128xi32, #tpu.memory_space<vmem>>) semaphore(%arg15 : memref<!tpu.dma_semaphore, #tpu.memory_space<semaphore_mem>>)
      } else {
      }
    }
    %scan3A_39 = arith.constant 20 : i32
    %dma_wait3A = arith.constant 0 : i32
    %dma_wait3A_40 = arith.constant 0 : i32
    %dma_wait3A_41 = arith.constant 0 : i32
    %dma_wait3A_42 = tpu.memref_slice %arg11[%dma_wait3A, %dma_wait3A_40, %dma_wait3A_41] : memref<2x128x128xf32, #tpu.memory_space<vmem>> -> memref<1x128x128xf32, #tpu.memory_space<vmem>>
    %dma_wait3A_43 = tpu.memref_squeeze %dma_wait3A_42 : memref<1x128x128xf32, #tpu.memory_space<vmem>> -> memref<128x128xf32, #tpu.memory_space<vmem>>
    %dma_wait3A_44 = arith.constant 0 : i32
    %dma_wait3A_45 = arith.constant 0 : i32
    %dma_wait3A_46 = tpu.memref_slice %arg5[%dma_wait3A_44, %dma_wait3A_45] : memref<10240x128xf32, #tpu.memory_space<hbm>> -> memref<128x128xf32, #tpu.memory_space<hbm>>
    %dma_wait3A_47 = arith.constant 0 : i32
    %dma_wait3A_48 = arith.constant 0 : i32
    %dma_wait3A_49 = tpu.memref_slice %arg11[%dma_wait3A, %dma_wait3A_47, %dma_wait3A_48] : memref<2x128x128xf32, #tpu.memory_space<vmem>> -> memref<1x128x128xf32, #tpu.memory_space<vmem>>
    %dma_wait3A_50 = tpu.memref_squeeze %dma_wait3A_49 : memref<1x128x128xf32, #tpu.memory_space<vmem>> -> memref<128x128xf32, #tpu.memory_space<vmem>>
    %dma_wait3A_51 = arith.constant 0 : i32
    %dma_wait3A_52 = arith.constant 0 : i32
    %dma_wait3A_53 = tpu.memref_slice %arg5[%dma_wait3A_51, %dma_wait3A_52] : memref<10240x128xf32, #tpu.memory_space<hbm>> -> memref<128x128xf32, #tpu.memory_space<hbm>>
    tpu.wait_dma2 semaphore(%arg14 : memref<!tpu.dma_semaphore, #tpu.memory_space<semaphore_mem>>) src(%dma_wait3A_53 : memref<128x128xf32, #tpu.memory_space<hbm>>) dst(%dma_wait3A_50 : memref<128x128xf32, #tpu.memory_space<vmem>>)
    %dma_wait3A_54 = arith.constant 1 : i32
    %dma_wait3A_55 = arith.constant 0 : i32
    %dma_wait3A_56 = arith.constant 0 : i32
    %dma_wait3A_57 = tpu.memref_slice %arg11[%dma_wait3A_54, %dma_wait3A_55, %dma_wait3A_56] : memref<2x128x128xf32, #tpu.memory_space<vmem>> -> memref<1x128x128xf32, #tpu.memory_space<vmem>>
    %dma_wait3A_58 = tpu.memref_squeeze %dma_wait3A_57 : memref<1x128x128xf32, #tpu.memory_space<vmem>> -> memref<128x128xf32, #tpu.memory_space<vmem>>
    %dma_wait3A_59 = arith.constant 0 : i32
    %dma_wait3A_60 = arith.constant 0 : i32
    %dma_wait3A_61 = tpu.memref_slice %arg5[%dma_wait3A_59, %dma_wait3A_60] : memref<10240x128xf32, #tpu.memory_space<hbm>> -> memref<128x128xf32, #tpu.memory_space<hbm>>
    %dma_wait3A_62 = arith.constant 0 : i32
    %dma_wait3A_63 = arith.constant 0 : i32
    %dma_wait3A_64 = tpu.memref_slice %arg11[%dma_wait3A_54, %dma_wait3A_62, %dma_wait3A_63] : memref<2x128x128xf32, #tpu.memory_space<vmem>> -> memref<1x128x128xf32, #tpu.memory_space<vmem>>
    %dma_wait3A_65 = tpu.memref_squeeze %dma_wait3A_64 : memref<1x128x128xf32, #tpu.memory_space<vmem>> -> memref<128x128xf32, #tpu.memory_space<vmem>>
    %dma_wait3A_66 = arith.constant 0 : i32
    %dma_wait3A_67 = arith.constant 0 : i32
    %dma_wait3A_68 = tpu.memref_slice %arg5[%dma_wait3A_66, %dma_wait3A_67] : memref<10240x128xf32, #tpu.memory_space<hbm>> -> memref<128x128xf32, #tpu.memory_space<hbm>>
    tpu.wait_dma2 semaphore(%arg15 : memref<!tpu.dma_semaphore, #tpu.memory_space<semaphore_mem>>) src(%dma_wait3A_68 : memref<128x128xf32, #tpu.memory_space<hbm>>) dst(%dma_wait3A_65 : memref<128x128xf32, #tpu.memory_space<vmem>>)
    %mul3A_69 = arith.constant 80 : i32
    %mul3A_70 = arith.muli %arg1, %mul3A_69 : i32
    %add3A_71 = arith.constant 40 : i32
    %add3A_72 = arith.addi %mul3A_70, %add3A_71 : i32
    "tpu.region"() ({
      %run_scoped3A_148 = tpu.sem_alloc : memref<!tpu.dma_semaphore, #tpu.memory_space<semaphore_mem>>
      %dma_start3A_149 = arith.constant 0 : i32
      %dma_start3A_150 = tpu.memref_slice %arg3[%add3A_72, %dma_start3A_149] : memref<1280x128xi32, #tpu.memory_space<hbm>> -> memref<40x128xi32, #tpu.memory_space<hbm>>
      %dma_start3A_151 = arith.constant 0 : i32
      %dma_start3A_152 = tpu.memref_slice %arg3[%add3A_72, %dma_start3A_151] : memref<1280x128xi32, #tpu.memory_space<hbm>> -> memref<40x128xi32, #tpu.memory_space<hbm>>
      tpu.enqueue_dma source(%dma_start3A_152 : memref<40x128xi32, #tpu.memory_space<hbm>>) target(%arg9 : memref<40x128xi32, #tpu.memory_space<vmem>>) target_semaphore(%run_scoped3A_148 : memref<!tpu.dma_semaphore, #tpu.memory_space<semaphore_mem>>)
      %dma_wait3A_153 = arith.constant 0 : i32
      %dma_wait3A_154 = tpu.memref_slice %arg3[%add3A_72, %dma_wait3A_153] : memref<1280x128xi32, #tpu.memory_space<hbm>> -> memref<40x128xi32, #tpu.memory_space<hbm>>
      %dma_wait3A_155 = arith.constant 0 : i32
      %dma_wait3A_156 = tpu.memref_slice %arg3[%add3A_72, %dma_wait3A_155] : memref<1280x128xi32, #tpu.memory_space<hbm>> -> memref<40x128xi32, #tpu.memory_space<hbm>>
      tpu.wait_dma2 semaphore(%run_scoped3A_148 : memref<!tpu.dma_semaphore, #tpu.memory_space<semaphore_mem>>) src(%dma_wait3A_156 : memref<40x128xi32, #tpu.memory_space<hbm>>) dst(%arg9 : memref<40x128xi32, #tpu.memory_space<vmem>>)
      tpu.yield
    }) : () -> ()
    "tpu.region"() ({
      %run_scoped3A_148 = tpu.sem_alloc : memref<!tpu.dma_semaphore, #tpu.memory_space<semaphore_mem>>
      %dma_start3A_149 = arith.constant 0 : i32
      %dma_start3A_150 = tpu.memref_slice %arg4[%add3A_72, %dma_start3A_149] : memref<1280x128xi32, #tpu.memory_space<hbm>> -> memref<40x128xi32, #tpu.memory_space<hbm>>
      %dma_start3A_151 = arith.constant 0 : i32
      %dma_start3A_152 = tpu.memref_slice %arg4[%add3A_72, %dma_start3A_151] : memref<1280x128xi32, #tpu.memory_space<hbm>> -> memref<40x128xi32, #tpu.memory_space<hbm>>
      tpu.enqueue_dma source(%dma_start3A_152 : memref<40x128xi32, #tpu.memory_space<hbm>>) target(%arg10 : memref<40x128xi32, #tpu.memory_space<vmem>>) target_semaphore(%run_scoped3A_148 : memref<!tpu.dma_semaphore, #tpu.memory_space<semaphore_mem>>)
      %dma_wait3A_153 = arith.constant 0 : i32
      %dma_wait3A_154 = tpu.memref_slice %arg4[%add3A_72, %dma_wait3A_153] : memref<1280x128xi32, #tpu.memory_space<hbm>> -> memref<40x128xi32, #tpu.memory_space<hbm>>
      %dma_wait3A_155 = arith.constant 0 : i32
      %dma_wait3A_156 = tpu.memref_slice %arg4[%add3A_72, %dma_wait3A_155] : memref<1280x128xi32, #tpu.memory_space<hbm>> -> memref<40x128xi32, #tpu.memory_space<hbm>>
      tpu.wait_dma2 semaphore(%run_scoped3A_148 : memref<!tpu.dma_semaphore, #tpu.memory_space<semaphore_mem>>) src(%dma_wait3A_156 : memref<40x128xi32, #tpu.memory_space<hbm>>) dst(%arg10 : memref<40x128xi32, #tpu.memory_space<vmem>>)
      tpu.yield
    }) : () -> ()
    %dma_start3A_73 = arith.constant 0 : i32
    %dma_start3A_74 = arith.constant 0 : i32
    %dma_start3A_75 = arith.constant 0 : i32
    %dma_start3A_76 = arith.constant 0 : i32
    %dma_start3A_77 = tpu.memref_slice %arg11[%dma_start3A_74, %dma_start3A_75, %dma_start3A_76] : memref<2x128x128xf32, #tpu.memory_space<vmem>> -> memref<1x128x128xf32, #tpu.memory_space<vmem>>
    %dma_start3A_78 = tpu.memref_squeeze %dma_start3A_77 : memref<1x128x128xf32, #tpu.memory_space<vmem>> -> memref<128x128xf32, #tpu.memory_space<vmem>>
    %dma_start3A_79 = arith.constant 0 : i32
    %dma_start3A_80 = tpu.memref_slice %arg9[%dma_start3A_73, %dma_start3A_79] : memref<40x128xi32, #tpu.memory_space<vmem>> -> memref<1x128xi32, #tpu.memory_space<vmem>>
    %dma_start3A_81 = tpu.memref_squeeze %dma_start3A_80 : memref<1x128xi32, #tpu.memory_space<vmem>> -> memref<128xi32, #tpu.memory_space<vmem>>
    %dma_start3A_82 = arith.constant 0 : i32
    %dma_start3A_83 = arith.constant 0 : i32
    %dma_start3A_84 = tpu.memref_slice %arg2[%arg0, %dma_start3A_82, %dma_start3A_83] : memref<2x10240x128xf32, #tpu.memory_space<hbm>> -> memref<1x10240x128xf32, #tpu.memory_space<hbm>>
    %dma_start3A_85 = tpu.memref_squeeze %dma_start3A_84 : memref<1x10240x128xf32, #tpu.memory_space<hbm>> -> memref<10240x128xf32, #tpu.memory_space<hbm>>
    %dma_start3A_86 = arith.constant 0 : i32
    %dma_start3A_87 = arith.constant 0 : i32
    %dma_start3A_88 = tpu.memref_slice %dma_start3A_85[%dma_start3A_86, %dma_start3A_87] : memref<10240x128xf32, #tpu.memory_space<hbm>> -> memref<10240x128xf32, #tpu.memory_space<hbm>>
    tpu.enqueue_indirect_dma source(%dma_start3A_88 : memref<10240x128xf32, #tpu.memory_space<hbm>>) target(%dma_start3A_78 : memref<128x128xf32, #tpu.memory_space<vmem>>) offsets(%dma_start3A_81 : memref<128xi32, #tpu.memory_space<vmem>>) semaphore(%arg14 : memref<!tpu.dma_semaphore, #tpu.memory_space<semaphore_mem>>)
    %dma_start3A_89 = arith.constant 1 : i32
    %dma_start3A_90 = arith.constant 1 : i32
    %dma_start3A_91 = arith.constant 0 : i32
    %dma_start3A_92 = arith.constant 0 : i32
    %dma_start3A_93 = tpu.memref_slice %arg11[%dma_start3A_90, %dma_start3A_91, %dma_start3A_92] : memref<2x128x128xf32, #tpu.memory_space<vmem>> -> memref<1x128x128xf32, #tpu.memory_space<vmem>>
    %dma_start3A_94 = tpu.memref_squeeze %dma_start3A_93 : memref<1x128x128xf32, #tpu.memory_space<vmem>> -> memref<128x128xf32, #tpu.memory_space<vmem>>
    %dma_start3A_95 = arith.constant 0 : i32
    %dma_start3A_96 = tpu.memref_slice %arg9[%dma_start3A_89, %dma_start3A_95] : memref<40x128xi32, #tpu.memory_space<vmem>> -> memref<1x128xi32, #tpu.memory_space<vmem>>
    %dma_start3A_97 = tpu.memref_squeeze %dma_start3A_96 : memref<1x128xi32, #tpu.memory_space<vmem>> -> memref<128xi32, #tpu.memory_space<vmem>>
    %dma_start3A_98 = arith.constant 0 : i32
    %dma_start3A_99 = arith.constant 0 : i32
    %dma_start3A_100 = tpu.memref_slice %arg2[%arg0, %dma_start3A_98, %dma_start3A_99] : memref<2x10240x128xf32, #tpu.memory_space<hbm>> -> memref<1x10240x128xf32, #tpu.memory_space<hbm>>
    %dma_start3A_101 = tpu.memref_squeeze %dma_start3A_100 : memref<1x10240x128xf32, #tpu.memory_space<hbm>> -> memref<10240x128xf32, #tpu.memory_space<hbm>>
    %dma_start3A_102 = arith.constant 0 : i32
    %dma_start3A_103 = arith.constant 0 : i32
    %dma_start3A_104 = tpu.memref_slice %dma_start3A_101[%dma_start3A_102, %dma_start3A_103] : memref<10240x128xf32, #tpu.memory_space<hbm>> -> memref<10240x128xf32, #tpu.memory_space<hbm>>
    tpu.enqueue_indirect_dma source(%dma_start3A_104 : memref<10240x128xf32, #tpu.memory_space<hbm>>) target(%dma_start3A_94 : memref<128x128xf32, #tpu.memory_space<vmem>>) offsets(%dma_start3A_97 : memref<128xi32, #tpu.memory_space<vmem>>) semaphore(%arg15 : memref<!tpu.dma_semaphore, #tpu.memory_space<semaphore_mem>>)
    %scan3A_105 = arith.constant 0 : i32
    %scan3A_106 = arith.constant 0 : i32
    %scan3A_107 = arith.constant 20 : i32
    %scan3A_108 = arith.addi %scan3A_106, %scan3A_107 : i32
    %scan3A_109 = arith.constant 1 : i32
    scf.for %scan3A_148 = %scan3A_106 to %scan3A_108 step %scan3A_109  : i32 {
      %mul3A_149 = arith.constant 2 : i32
      %mul3A_150 = arith.muli %scan3A_148, %mul3A_149 : i32
      %dma_wait3A_151 = arith.constant 0 : i32
      %dma_wait3A_152 = arith.constant 0 : i32
      %dma_wait3A_153 = arith.constant 0 : i32
      %dma_wait3A_154 = tpu.memref_slice %arg11[%dma_wait3A_151, %dma_wait3A_152, %dma_wait3A_153] : memref<2x128x128xf32, #tpu.memory_space<vmem>> -> memref<1x128x128xf32, #tpu.memory_space<vmem>>
      %dma_wait3A_155 = tpu.memref_squeeze %dma_wait3A_154 : memref<1x128x128xf32, #tpu.memory_space<vmem>> -> memref<128x128xf32, #tpu.memory_space<vmem>>
      %dma_wait3A_156 = arith.constant 0 : i32
      %dma_wait3A_157 = arith.constant 0 : i32
      %dma_wait3A_158 = tpu.memref_slice %arg5[%dma_wait3A_156, %dma_wait3A_157] : memref<10240x128xf32, #tpu.memory_space<hbm>> -> memref<128x128xf32, #tpu.memory_space<hbm>>
      %dma_wait3A_159 = arith.constant 0 : i32
      %dma_wait3A_160 = arith.constant 0 : i32
      %dma_wait3A_161 = tpu.memref_slice %arg11[%dma_wait3A_151, %dma_wait3A_159, %dma_wait3A_160] : memref<2x128x128xf32, #tpu.memory_space<vmem>> -> memref<1x128x128xf32, #tpu.memory_space<vmem>>
      %dma_wait3A_162 = tpu.memref_squeeze %dma_wait3A_161 : memref<1x128x128xf32, #tpu.memory_space<vmem>> -> memref<128x128xf32, #tpu.memory_space<vmem>>
      %dma_wait3A_163 = arith.constant 0 : i32
      %dma_wait3A_164 = arith.constant 0 : i32
      %dma_wait3A_165 = tpu.memref_slice %arg5[%dma_wait3A_163, %dma_wait3A_164] : memref<10240x128xf32, #tpu.memory_space<hbm>> -> memref<128x128xf32, #tpu.memory_space<hbm>>
      tpu.wait_dma2 semaphore(%arg14 : memref<!tpu.dma_semaphore, #tpu.memory_space<semaphore_mem>>) src(%dma_wait3A_165 : memref<128x128xf32, #tpu.memory_space<hbm>>) dst(%dma_wait3A_162 : memref<128x128xf32, #tpu.memory_space<vmem>>)
      %add3A_166 = arith.constant 0 : i32
      %add3A_167 = arith.addi %mul3A_150, %add3A_166 : i32
      %dma_start3A_168 = arith.constant 0 : i32
      %dma_start3A_169 = arith.constant 0 : i32
      %dma_start3A_170 = arith.constant 0 : i32
      %dma_start3A_171 = tpu.memref_slice %arg11[%dma_start3A_168, %dma_start3A_169, %dma_start3A_170] : memref<2x128x128xf32, #tpu.memory_space<vmem>> -> memref<1x128x128xf32, #tpu.memory_space<vmem>>
      %dma_start3A_172 = tpu.memref_squeeze %dma_start3A_171 : memref<1x128x128xf32, #tpu.memory_space<vmem>> -> memref<128x128xf32, #tpu.memory_space<vmem>>
      %dma_start3A_173 = arith.constant 0 : i32
      %dma_start3A_174 = tpu.memref_slice %arg10[%add3A_167, %dma_start3A_173] : memref<40x128xi32, #tpu.memory_space<vmem>> -> memref<1x128xi32, #tpu.memory_space<vmem>>
      %dma_start3A_175 = tpu.memref_squeeze %dma_start3A_174 : memref<1x128xi32, #tpu.memory_space<vmem>> -> memref<128xi32, #tpu.memory_space<vmem>>
      %dma_start3A_176 = arith.constant 0 : i32
      %dma_start3A_177 = arith.constant 0 : i32
      %dma_start3A_178 = tpu.memref_slice %arg13[%dma_start3A_176, %dma_start3A_177] : memref<10240x128xf32, #tpu.memory_space<vmem_shared>> -> memref<10240x128xf32, #tpu.memory_space<vmem_shared>>
      tpu.enqueue_indirect_dma source(%dma_start3A_172 : memref<128x128xf32, #tpu.memory_space<vmem>>) target(%dma_start3A_178 : memref<10240x128xf32, #tpu.memory_space<vmem_shared>>) offsets(%dma_start3A_175 : memref<128xi32, #tpu.memory_space<vmem>>) semaphore(%arg14 : memref<!tpu.dma_semaphore, #tpu.memory_space<semaphore_mem>>) {add = true}
      %dma_wait3A_179 = arith.constant 1 : i32
      %dma_wait3A_180 = arith.constant 0 : i32
      %dma_wait3A_181 = arith.constant 0 : i32
      %dma_wait3A_182 = tpu.memref_slice %arg11[%dma_wait3A_179, %dma_wait3A_180, %dma_wait3A_181] : memref<2x128x128xf32, #tpu.memory_space<vmem>> -> memref<1x128x128xf32, #tpu.memory_space<vmem>>
      %dma_wait3A_183 = tpu.memref_squeeze %dma_wait3A_182 : memref<1x128x128xf32, #tpu.memory_space<vmem>> -> memref<128x128xf32, #tpu.memory_space<vmem>>
      %dma_wait3A_184 = arith.constant 0 : i32
      %dma_wait3A_185 = arith.constant 0 : i32
      %dma_wait3A_186 = tpu.memref_slice %arg5[%dma_wait3A_184, %dma_wait3A_185] : memref<10240x128xf32, #tpu.memory_space<hbm>> -> memref<128x128xf32, #tpu.memory_space<hbm>>
      %dma_wait3A_187 = arith.constant 0 : i32
      %dma_wait3A_188 = arith.constant 0 : i32
      %dma_wait3A_189 = tpu.memref_slice %arg11[%dma_wait3A_179, %dma_wait3A_187, %dma_wait3A_188] : memref<2x128x128xf32, #tpu.memory_space<vmem>> -> memref<1x128x128xf32, #tpu.memory_space<vmem>>
      %dma_wait3A_190 = tpu.memref_squeeze %dma_wait3A_189 : memref<1x128x128xf32, #tpu.memory_space<vmem>> -> memref<128x128xf32, #tpu.memory_space<vmem>>
      %dma_wait3A_191 = arith.constant 0 : i32
      %dma_wait3A_192 = arith.constant 0 : i32
      %dma_wait3A_193 = tpu.memref_slice %arg5[%dma_wait3A_191, %dma_wait3A_192] : memref<10240x128xf32, #tpu.memory_space<hbm>> -> memref<128x128xf32, #tpu.memory_space<hbm>>
      tpu.wait_dma2 semaphore(%arg15 : memref<!tpu.dma_semaphore, #tpu.memory_space<semaphore_mem>>) src(%dma_wait3A_193 : memref<128x128xf32, #tpu.memory_space<hbm>>) dst(%dma_wait3A_190 : memref<128x128xf32, #tpu.memory_space<vmem>>)
      %add3A_194 = arith.constant 1 : i32
      %add3A_195 = arith.addi %mul3A_150, %add3A_194 : i32
      %dma_start3A_196 = arith.constant 1 : i32
      %dma_start3A_197 = arith.constant 0 : i32
      %dma_start3A_198 = arith.constant 0 : i32
      %dma_start3A_199 = tpu.memref_slice %arg11[%dma_start3A_196, %dma_start3A_197, %dma_start3A_198] : memref<2x128x128xf32, #tpu.memory_space<vmem>> -> memref<1x128x128xf32, #tpu.memory_space<vmem>>
      %dma_start3A_200 = tpu.memref_squeeze %dma_start3A_199 : memref<1x128x128xf32, #tpu.memory_space<vmem>> -> memref<128x128xf32, #tpu.memory_space<vmem>>
      %dma_start3A_201 = arith.constant 0 : i32
      %dma_start3A_202 = tpu.memref_slice %arg10[%add3A_195, %dma_start3A_201] : memref<40x128xi32, #tpu.memory_space<vmem>> -> memref<1x128xi32, #tpu.memory_space<vmem>>
      %dma_start3A_203 = tpu.memref_squeeze %dma_start3A_202 : memref<1x128xi32, #tpu.memory_space<vmem>> -> memref<128xi32, #tpu.memory_space<vmem>>
      %dma_start3A_204 = arith.constant 0 : i32
      %dma_start3A_205 = arith.constant 0 : i32
      %dma_start3A_206 = tpu.memref_slice %arg13[%dma_start3A_204, %dma_start3A_205] : memref<10240x128xf32, #tpu.memory_space<vmem_shared>> -> memref<10240x128xf32, #tpu.memory_space<vmem_shared>>
      tpu.enqueue_indirect_dma source(%dma_start3A_200 : memref<128x128xf32, #tpu.memory_space<vmem>>) target(%dma_start3A_206 : memref<10240x128xf32, #tpu.memory_space<vmem_shared>>) offsets(%dma_start3A_203 : memref<128xi32, #tpu.memory_space<vmem>>) semaphore(%arg15 : memref<!tpu.dma_semaphore, #tpu.memory_space<semaphore_mem>>) {add = true}
      %add3A_207 = arith.constant 2 : i32
      %add3A_208 = arith.addi %mul3A_150, %add3A_207 : i32
      %add3A_209 = arith.constant 0 : i32
      %add3A_210 = arith.addi %add3A_208, %add3A_209 : i32
      %lt3A = arith.constant 40 : i32
      %lt3A_211 = arith.cmpi slt, %add3A_210, %lt3A : i32
      %convert_element_type3A = arith.extui %lt3A_211 : i1 to i32
      %cond3A = arith.constant 0 : i32
      %cond3A_212 = arith.cmpi ne, %convert_element_type3A, %cond3A : i32
      scf.if %cond3A_212 {
        %dma_wait3A_222 = arith.constant 0 : i32
        %dma_wait3A_223 = arith.constant 0 : i32
        %dma_wait3A_224 = arith.constant 0 : i32
        %dma_wait3A_225 = tpu.memref_slice %arg11[%dma_wait3A_222, %dma_wait3A_223, %dma_wait3A_224] : memref<2x128x128xf32, #tpu.memory_space<vmem>> -> memref<1x128x128xf32, #tpu.memory_space<vmem>>
        %dma_wait3A_226 = tpu.memref_squeeze %dma_wait3A_225 : memref<1x128x128xf32, #tpu.memory_space<vmem>> -> memref<128x128xf32, #tpu.memory_space<vmem>>
        %dma_wait3A_227 = arith.constant 0 : i32
        %dma_wait3A_228 = arith.constant 0 : i32
        %dma_wait3A_229 = tpu.memref_slice %arg5[%dma_wait3A_227, %dma_wait3A_228] : memref<10240x128xf32, #tpu.memory_space<hbm>> -> memref<128x128xf32, #tpu.memory_space<hbm>>
        %dma_wait3A_230 = arith.constant 0 : i32
        %dma_wait3A_231 = arith.constant 0 : i32
        %dma_wait3A_232 = tpu.memref_slice %arg11[%dma_wait3A_222, %dma_wait3A_230, %dma_wait3A_231] : memref<2x128x128xf32, #tpu.memory_space<vmem>> -> memref<1x128x128xf32, #tpu.memory_space<vmem>>
        %dma_wait3A_233 = tpu.memref_squeeze %dma_wait3A_232 : memref<1x128x128xf32, #tpu.memory_space<vmem>> -> memref<128x128xf32, #tpu.memory_space<vmem>>
        %dma_wait3A_234 = arith.constant 0 : i32
        %dma_wait3A_235 = arith.constant 0 : i32
        %dma_wait3A_236 = tpu.memref_slice %arg5[%dma_wait3A_234, %dma_wait3A_235] : memref<10240x128xf32, #tpu.memory_space<hbm>> -> memref<128x128xf32, #tpu.memory_space<hbm>>
        tpu.wait_dma2 semaphore(%arg14 : memref<!tpu.dma_semaphore, #tpu.memory_space<semaphore_mem>>) src(%dma_wait3A_236 : memref<128x128xf32, #tpu.memory_space<hbm>>) dst(%dma_wait3A_233 : memref<128x128xf32, #tpu.memory_space<vmem>>)
        %dma_start3A_237 = arith.constant 0 : i32
        %dma_start3A_238 = arith.constant 0 : i32
        %dma_start3A_239 = arith.constant 0 : i32
        %dma_start3A_240 = tpu.memref_slice %arg11[%dma_start3A_237, %dma_start3A_238, %dma_start3A_239] : memref<2x128x128xf32, #tpu.memory_space<vmem>> -> memref<1x128x128xf32, #tpu.memory_space<vmem>>
        %dma_start3A_241 = tpu.memref_squeeze %dma_start3A_240 : memref<1x128x128xf32, #tpu.memory_space<vmem>> -> memref<128x128xf32, #tpu.memory_space<vmem>>
        %dma_start3A_242 = arith.constant 0 : i32
        %dma_start3A_243 = tpu.memref_slice %arg9[%add3A_210, %dma_start3A_242] : memref<40x128xi32, #tpu.memory_space<vmem>> -> memref<1x128xi32, #tpu.memory_space<vmem>>
        %dma_start3A_244 = tpu.memref_squeeze %dma_start3A_243 : memref<1x128xi32, #tpu.memory_space<vmem>> -> memref<128xi32, #tpu.memory_space<vmem>>
        %dma_start3A_245 = arith.constant 0 : i32
        %dma_start3A_246 = arith.constant 0 : i32
        %dma_start3A_247 = tpu.memref_slice %arg2[%arg0, %dma_start3A_245, %dma_start3A_246] : memref<2x10240x128xf32, #tpu.memory_space<hbm>> -> memref<1x10240x128xf32, #tpu.memory_space<hbm>>
        %dma_start3A_248 = tpu.memref_squeeze %dma_start3A_247 : memref<1x10240x128xf32, #tpu.memory_space<hbm>> -> memref<10240x128xf32, #tpu.memory_space<hbm>>
        %dma_start3A_249 = arith.constant 0 : i32
        %dma_start3A_250 = arith.constant 0 : i32
        %dma_start3A_251 = tpu.memref_slice %dma_start3A_248[%dma_start3A_249, %dma_start3A_250] : memref<10240x128xf32, #tpu.memory_space<hbm>> -> memref<10240x128xf32, #tpu.memory_space<hbm>>
        tpu.enqueue_indirect_dma source(%dma_start3A_251 : memref<10240x128xf32, #tpu.memory_space<hbm>>) target(%dma_start3A_241 : memref<128x128xf32, #tpu.memory_space<vmem>>) offsets(%dma_start3A_244 : memref<128xi32, #tpu.memory_space<vmem>>) semaphore(%arg14 : memref<!tpu.dma_semaphore, #tpu.memory_space<semaphore_mem>>)
      } else {
      }
      %add3A_213 = arith.constant 2 : i32
      %add3A_214 = arith.addi %mul3A_150, %add3A_213 : i32
      %add3A_215 = arith.constant 1 : i32
      %add3A_216 = arith.addi %add3A_214, %add3A_215 : i32
      %lt3A_217 = arith.constant 40 : i32
      %lt3A_218 = arith.cmpi slt, %add3A_216, %lt3A_217 : i32
      %convert_element_type3A_219 = arith.extui %lt3A_218 : i1 to i32
      %cond3A_220 = arith.constant 0 : i32
      %cond3A_221 = arith.cmpi ne, %convert_element_type3A_219, %cond3A_220 : i32
      scf.if %cond3A_221 {
        %dma_wait3A_222 = arith.constant 1 : i32
        %dma_wait3A_223 = arith.constant 0 : i32
        %dma_wait3A_224 = arith.constant 0 : i32
        %dma_wait3A_225 = tpu.memref_slice %arg11[%dma_wait3A_222, %dma_wait3A_223, %dma_wait3A_224] : memref<2x128x128xf32, #tpu.memory_space<vmem>> -> memref<1x128x128xf32, #tpu.memory_space<vmem>>
        %dma_wait3A_226 = tpu.memref_squeeze %dma_wait3A_225 : memref<1x128x128xf32, #tpu.memory_space<vmem>> -> memref<128x128xf32, #tpu.memory_space<vmem>>
        %dma_wait3A_227 = arith.constant 0 : i32
        %dma_wait3A_228 = arith.constant 0 : i32
        %dma_wait3A_229 = tpu.memref_slice %arg5[%dma_wait3A_227, %dma_wait3A_228] : memref<10240x128xf32, #tpu.memory_space<hbm>> -> memref<128x128xf32, #tpu.memory_space<hbm>>
        %dma_wait3A_230 = arith.constant 0 : i32
        %dma_wait3A_231 = arith.constant 0 : i32
        %dma_wait3A_232 = tpu.memref_slice %arg11[%dma_wait3A_222, %dma_wait3A_230, %dma_wait3A_231] : memref<2x128x128xf32, #tpu.memory_space<vmem>> -> memref<1x128x128xf32, #tpu.memory_space<vmem>>
        %dma_wait3A_233 = tpu.memref_squeeze %dma_wait3A_232 : memref<1x128x128xf32, #tpu.memory_space<vmem>> -> memref<128x128xf32, #tpu.memory_space<vmem>>
        %dma_wait3A_234 = arith.constant 0 : i32
        %dma_wait3A_235 = arith.constant 0 : i32
        %dma_wait3A_236 = tpu.memref_slice %arg5[%dma_wait3A_234, %dma_wait3A_235] : memref<10240x128xf32, #tpu.memory_space<hbm>> -> memref<128x128xf32, #tpu.memory_space<hbm>>
        tpu.wait_dma2 semaphore(%arg15 : memref<!tpu.dma_semaphore, #tpu.memory_space<semaphore_mem>>) src(%dma_wait3A_236 : memref<128x128xf32, #tpu.memory_space<hbm>>) dst(%dma_wait3A_233 : memref<128x128xf32, #tpu.memory_space<vmem>>)
        %dma_start3A_237 = arith.constant 1 : i32
        %dma_start3A_238 = arith.constant 0 : i32
        %dma_start3A_239 = arith.constant 0 : i32
        %dma_start3A_240 = tpu.memref_slice %arg11[%dma_start3A_237, %dma_start3A_238, %dma_start3A_239] : memref<2x128x128xf32, #tpu.memory_space<vmem>> -> memref<1x128x128xf32, #tpu.memory_space<vmem>>
        %dma_start3A_241 = tpu.memref_squeeze %dma_start3A_240 : memref<1x128x128xf32, #tpu.memory_space<vmem>> -> memref<128x128xf32, #tpu.memory_space<vmem>>
        %dma_start3A_242 = arith.constant 0 : i32
        %dma_start3A_243 = tpu.memref_slice %arg9[%add3A_216, %dma_start3A_242] : memref<40x128xi32, #tpu.memory_space<vmem>> -> memref<1x128xi32, #tpu.memory_space<vmem>>
        %dma_start3A_244 = tpu.memref_squeeze %dma_start3A_243 : memref<1x128xi32, #tpu.memory_space<vmem>> -> memref<128xi32, #tpu.memory_space<vmem>>
        %dma_start3A_245 = arith.constant 0 : i32
        %dma_start3A_246 = arith.constant 0 : i32
        %dma_start3A_247 = tpu.memref_slice %arg2[%arg0, %dma_start3A_245, %dma_start3A_246] : memref<2x10240x128xf32, #tpu.memory_space<hbm>> -> memref<1x10240x128xf32, #tpu.memory_space<hbm>>
        %dma_start3A_248 = tpu.memref_squeeze %dma_start3A_247 : memref<1x10240x128xf32, #tpu.memory_space<hbm>> -> memref<10240x128xf32, #tpu.memory_space<hbm>>
        %dma_start3A_249 = arith.constant 0 : i32
        %dma_start3A_250 = arith.constant 0 : i32
        %dma_start3A_251 = tpu.memref_slice %dma_start3A_248[%dma_start3A_249, %dma_start3A_250] : memref<10240x128xf32, #tpu.memory_space<hbm>> -> memref<10240x128xf32, #tpu.memory_space<hbm>>
        tpu.enqueue_indirect_dma source(%dma_start3A_251 : memref<10240x128xf32, #tpu.memory_space<hbm>>) target(%dma_start3A_241 : memref<128x128xf32, #tpu.memory_space<vmem>>) offsets(%dma_start3A_244 : memref<128xi32, #tpu.memory_space<vmem>>) semaphore(%arg15 : memref<!tpu.dma_semaphore, #tpu.memory_space<semaphore_mem>>)
      } else {
      }
    }
    %scan3A_110 = arith.constant 20 : i32
    %dma_wait3A_111 = arith.constant 0 : i32
    %dma_wait3A_112 = arith.constant 0 : i32
    %dma_wait3A_113 = arith.constant 0 : i32
    %dma_wait3A_114 = tpu.memref_slice %arg11[%dma_wait3A_111, %dma_wait3A_112, %dma_wait3A_113] : memref<2x128x128xf32, #tpu.memory_space<vmem>> -> memref<1x128x128xf32, #tpu.memory_space<vmem>>
    %dma_wait3A_115 = tpu.memref_squeeze %dma_wait3A_114 : memref<1x128x128xf32, #tpu.memory_space<vmem>> -> memref<128x128xf32, #tpu.memory_space<vmem>>
    %dma_wait3A_116 = arith.constant 0 : i32
    %dma_wait3A_117 = arith.constant 0 : i32
    %dma_wait3A_118 = tpu.memref_slice %arg5[%dma_wait3A_116, %dma_wait3A_117] : memref<10240x128xf32, #tpu.memory_space<hbm>> -> memref<128x128xf32, #tpu.memory_space<hbm>>
    %dma_wait3A_119 = arith.constant 0 : i32
    %dma_wait3A_120 = arith.constant 0 : i32
    %dma_wait3A_121 = tpu.memref_slice %arg11[%dma_wait3A_111, %dma_wait3A_119, %dma_wait3A_120] : memref<2x128x128xf32, #tpu.memory_space<vmem>> -> memref<1x128x128xf32, #tpu.memory_space<vmem>>
    %dma_wait3A_122 = tpu.memref_squeeze %dma_wait3A_121 : memref<1x128x128xf32, #tpu.memory_space<vmem>> -> memref<128x128xf32, #tpu.memory_space<vmem>>
    %dma_wait3A_123 = arith.constant 0 : i32
    %dma_wait3A_124 = arith.constant 0 : i32
    %dma_wait3A_125 = tpu.memref_slice %arg5[%dma_wait3A_123, %dma_wait3A_124] : memref<10240x128xf32, #tpu.memory_space<hbm>> -> memref<128x128xf32, #tpu.memory_space<hbm>>
    tpu.wait_dma2 semaphore(%arg14 : memref<!tpu.dma_semaphore, #tpu.memory_space<semaphore_mem>>) src(%dma_wait3A_125 : memref<128x128xf32, #tpu.memory_space<hbm>>) dst(%dma_wait3A_122 : memref<128x128xf32, #tpu.memory_space<vmem>>)
    %dma_wait3A_126 = arith.constant 1 : i32
    %dma_wait3A_127 = arith.constant 0 : i32
    %dma_wait3A_128 = arith.constant 0 : i32
    %dma_wait3A_129 = tpu.memref_slice %arg11[%dma_wait3A_126, %dma_wait3A_127, %dma_wait3A_128] : memref<2x128x128xf32, #tpu.memory_space<vmem>> -> memref<1x128x128xf32, #tpu.memory_space<vmem>>
    %dma_wait3A_130 = tpu.memref_squeeze %dma_wait3A_129 : memref<1x128x128xf32, #tpu.memory_space<vmem>> -> memref<128x128xf32, #tpu.memory_space<vmem>>
    %dma_wait3A_131 = arith.constant 0 : i32
    %dma_wait3A_132 = arith.constant 0 : i32
    %dma_wait3A_133 = tpu.memref_slice %arg5[%dma_wait3A_131, %dma_wait3A_132] : memref<10240x128xf32, #tpu.memory_space<hbm>> -> memref<128x128xf32, #tpu.memory_space<hbm>>
    %dma_wait3A_134 = arith.constant 0 : i32
    %dma_wait3A_135 = arith.constant 0 : i32
    %dma_wait3A_136 = tpu.memref_slice %arg11[%dma_wait3A_126, %dma_wait3A_134, %dma_wait3A_135] : memref<2x128x128xf32, #tpu.memory_space<vmem>> -> memref<1x128x128xf32, #tpu.memory_space<vmem>>
    %dma_wait3A_137 = tpu.memref_squeeze %dma_wait3A_136 : memref<1x128x128xf32, #tpu.memory_space<vmem>> -> memref<128x128xf32, #tpu.memory_space<vmem>>
    %dma_wait3A_138 = arith.constant 0 : i32
    %dma_wait3A_139 = arith.constant 0 : i32
    %dma_wait3A_140 = tpu.memref_slice %arg5[%dma_wait3A_138, %dma_wait3A_139] : memref<10240x128xf32, #tpu.memory_space<hbm>> -> memref<128x128xf32, #tpu.memory_space<hbm>>
    tpu.wait_dma2 semaphore(%arg15 : memref<!tpu.dma_semaphore, #tpu.memory_space<semaphore_mem>>) src(%dma_wait3A_140 : memref<128x128xf32, #tpu.memory_space<hbm>>) dst(%dma_wait3A_137 : memref<128x128xf32, #tpu.memory_space<vmem>>)
    %barrier3A_141 = arith.constant 0 : index
    tpu.barrier barrier_id(%barrier3A_141)
    %run_scoped3A = arith.constant 0 : i32
    "tpu.region"() ({
      %run_scoped3A_148 = tpu.sem_alloc : memref<!tpu.dma_semaphore, #tpu.memory_space<semaphore_mem>>
      %dma_start3A_149 = arith.constant 0 : i32
      %dma_start3A_150 = tpu.memref_slice %arg12[%run_scoped3A, %dma_start3A_149] : memref<2x128xf32, #tpu.memory_space<vmem>> -> memref<1x128xf32, #tpu.memory_space<vmem>>
      %dma_start3A_151 = tpu.memref_squeeze %dma_start3A_150 : memref<1x128xf32, #tpu.memory_space<vmem>> -> memref<128xf32, #tpu.memory_space<vmem>>
      %dma_start3A_152 = arith.constant 0 : i32
      %dma_start3A_153 = tpu.memref_slice %arg7[%arg0, %dma_start3A_152] : memref<2x128xf32, #tpu.memory_space<hbm>> -> memref<1x128xf32, #tpu.memory_space<hbm>>
      %dma_start3A_154 = tpu.memref_squeeze %dma_start3A_153 : memref<1x128xf32, #tpu.memory_space<hbm>> -> memref<128xf32, #tpu.memory_space<hbm>>
      %dma_start3A_155 = arith.constant 0 : i32
      %dma_start3A_156 = tpu.memref_slice %arg12[%run_scoped3A, %dma_start3A_155] : memref<2x128xf32, #tpu.memory_space<vmem>> -> memref<1x128xf32, #tpu.memory_space<vmem>>
      %dma_start3A_157 = tpu.memref_squeeze %dma_start3A_156 : memref<1x128xf32, #tpu.memory_space<vmem>> -> memref<128xf32, #tpu.memory_space<vmem>>
      %dma_start3A_158 = arith.constant 0 : i32
      %dma_start3A_159 = tpu.memref_slice %arg7[%arg0, %dma_start3A_158] : memref<2x128xf32, #tpu.memory_space<hbm>> -> memref<1x128xf32, #tpu.memory_space<hbm>>
      %dma_start3A_160 = tpu.memref_squeeze %dma_start3A_159 : memref<1x128xf32, #tpu.memory_space<hbm>> -> memref<128xf32, #tpu.memory_space<hbm>>
      tpu.enqueue_dma source(%dma_start3A_160 : memref<128xf32, #tpu.memory_space<hbm>>) target(%dma_start3A_157 : memref<128xf32, #tpu.memory_space<vmem>>) target_semaphore(%run_scoped3A_148 : memref<!tpu.dma_semaphore, #tpu.memory_space<semaphore_mem>>)
      %dma_wait3A_161 = arith.constant 0 : i32
      %dma_wait3A_162 = tpu.memref_slice %arg12[%run_scoped3A, %dma_wait3A_161] : memref<2x128xf32, #tpu.memory_space<vmem>> -> memref<1x128xf32, #tpu.memory_space<vmem>>
      %dma_wait3A_163 = tpu.memref_squeeze %dma_wait3A_162 : memref<1x128xf32, #tpu.memory_space<vmem>> -> memref<128xf32, #tpu.memory_space<vmem>>
      %dma_wait3A_164 = arith.constant 0 : i32
      %dma_wait3A_165 = tpu.memref_slice %arg7[%arg0, %dma_wait3A_164] : memref<2x128xf32, #tpu.memory_space<hbm>> -> memref<1x128xf32, #tpu.memory_space<hbm>>
      %dma_wait3A_166 = tpu.memref_squeeze %dma_wait3A_165 : memref<1x128xf32, #tpu.memory_space<hbm>> -> memref<128xf32, #tpu.memory_space<hbm>>
      %dma_wait3A_167 = arith.constant 0 : i32
      %dma_wait3A_168 = tpu.memref_slice %arg12[%run_scoped3A, %dma_wait3A_167] : memref<2x128xf32, #tpu.memory_space<vmem>> -> memref<1x128xf32, #tpu.memory_space<vmem>>
      %dma_wait3A_169 = tpu.memref_squeeze %dma_wait3A_168 : memref<1x128xf32, #tpu.memory_space<vmem>> -> memref<128xf32, #tpu.memory_space<vmem>>
      %dma_wait3A_170 = arith.constant 0 : i32
      %dma_wait3A_171 = tpu.memref_slice %arg7[%arg0, %dma_wait3A_170] : memref<2x128xf32, #tpu.memory_space<hbm>> -> memref<1x128xf32, #tpu.memory_space<hbm>>
      %dma_wait3A_172 = tpu.memref_squeeze %dma_wait3A_171 : memref<1x128xf32, #tpu.memory_space<hbm>> -> memref<128xf32, #tpu.memory_space<hbm>>
      tpu.wait_dma2 semaphore(%run_scoped3A_148 : memref<!tpu.dma_semaphore, #tpu.memory_space<semaphore_mem>>) src(%dma_wait3A_172 : memref<128xf32, #tpu.memory_space<hbm>>) dst(%dma_wait3A_169 : memref<128xf32, #tpu.memory_space<vmem>>)
      tpu.yield
    }) : () -> ()
    %scan3A_142 = arith.constant 0 : i32
    %scan3A_143 = arith.constant 0 : i32
    %scan3A_144 = arith.constant 10 : i32
    %scan3A_145 = arith.addi %scan3A_143, %scan3A_144 : i32
    %scan3A_146 = arith.constant 1 : i32
    scf.for %scan3A_148 = %scan3A_143 to %scan3A_145 step %scan3A_146  : i32 {
      %mul3A_149 = arith.constant 640 : i32
      %mul3A_150 = arith.muli %arg1, %mul3A_149 : i32
      %mul3A_151 = arith.constant 64 : i32
      %mul3A_152 = arith.muli %scan3A_148, %mul3A_151 : i32
      %add3A_153 = arith.addi %mul3A_150, %mul3A_152 : i32
      %run_scoped3A_154 = arith.constant 0 : i32
      "tpu.region"() ({
        %run_scoped3A_164 = tpu.sem_alloc : memref<!tpu.dma_semaphore, #tpu.memory_space<semaphore_mem>>
        %dma_start3A_165 = arith.constant 0 : i32
        %dma_start3A_166 = arith.constant 0 : i32
        %dma_start3A_167 = tpu.memref_slice %arg11[%run_scoped3A_154, %dma_start3A_165, %dma_start3A_166] : memref<2x128x128xf32, #tpu.memory_space<vmem>> -> memref<1x64x128xf32, #tpu.memory_space<vmem>>
        %dma_start3A_168 = tpu.memref_squeeze %dma_start3A_167 : memref<1x64x128xf32, #tpu.memory_space<vmem>> -> memref<64x128xf32, #tpu.memory_space<vmem>>
        %dma_start3A_169 = arith.constant 0 : i32
        %dma_start3A_170 = tpu.memref_slice %arg13[%add3A_153, %dma_start3A_169] : memref<10240x128xf32, #tpu.memory_space<vmem_shared>> -> memref<64x128xf32, #tpu.memory_space<vmem_shared>>
        %dma_start3A_171 = arith.constant 0 : i32
        %dma_start3A_172 = arith.constant 0 : i32
        %dma_start3A_173 = tpu.memref_slice %arg11[%run_scoped3A_154, %dma_start3A_171, %dma_start3A_172] : memref<2x128x128xf32, #tpu.memory_space<vmem>> -> memref<1x64x128xf32, #tpu.memory_space<vmem>>
        %dma_start3A_174 = tpu.memref_squeeze %dma_start3A_173 : memref<1x64x128xf32, #tpu.memory_space<vmem>> -> memref<64x128xf32, #tpu.memory_space<vmem>>
        %dma_start3A_175 = arith.constant 0 : i32
        %dma_start3A_176 = tpu.memref_slice %arg13[%add3A_153, %dma_start3A_175] : memref<10240x128xf32, #tpu.memory_space<vmem_shared>> -> memref<64x128xf32, #tpu.memory_space<vmem_shared>>
        tpu.enqueue_dma source(%dma_start3A_176 : memref<64x128xf32, #tpu.memory_space<vmem_shared>>) target(%dma_start3A_174 : memref<64x128xf32, #tpu.memory_space<vmem>>) target_semaphore(%run_scoped3A_164 : memref<!tpu.dma_semaphore, #tpu.memory_space<semaphore_mem>>)
        %dma_wait3A_177 = arith.constant 0 : i32
        %dma_wait3A_178 = arith.constant 0 : i32
        %dma_wait3A_179 = tpu.memref_slice %arg11[%run_scoped3A_154, %dma_wait3A_177, %dma_wait3A_178] : memref<2x128x128xf32, #tpu.memory_space<vmem>> -> memref<1x64x128xf32, #tpu.memory_space<vmem>>
        %dma_wait3A_180 = tpu.memref_squeeze %dma_wait3A_179 : memref<1x64x128xf32, #tpu.memory_space<vmem>> -> memref<64x128xf32, #tpu.memory_space<vmem>>
        %dma_wait3A_181 = arith.constant 0 : i32
        %dma_wait3A_182 = tpu.memref_slice %arg13[%add3A_153, %dma_wait3A_181] : memref<10240x128xf32, #tpu.memory_space<vmem_shared>> -> memref<64x128xf32, #tpu.memory_space<vmem_shared>>
        %dma_wait3A_183 = arith.constant 0 : i32
        %dma_wait3A_184 = arith.constant 0 : i32
        %dma_wait3A_185 = tpu.memref_slice %arg11[%run_scoped3A_154, %dma_wait3A_183, %dma_wait3A_184] : memref<2x128x128xf32, #tpu.memory_space<vmem>> -> memref<1x64x128xf32, #tpu.memory_space<vmem>>
        %dma_wait3A_186 = tpu.memref_squeeze %dma_wait3A_185 : memref<1x64x128xf32, #tpu.memory_space<vmem>> -> memref<64x128xf32, #tpu.memory_space<vmem>>
        %dma_wait3A_187 = arith.constant 0 : i32
        %dma_wait3A_188 = tpu.memref_slice %arg13[%add3A_153, %dma_wait3A_187] : memref<10240x128xf32, #tpu.memory_space<vmem_shared>> -> memref<64x128xf32, #tpu.memory_space<vmem_shared>>
        tpu.wait_dma2 semaphore(%run_scoped3A_164 : memref<!tpu.dma_semaphore, #tpu.memory_space<semaphore_mem>>) src(%dma_wait3A_188 : memref<64x128xf32, #tpu.memory_space<vmem_shared>>) dst(%dma_wait3A_186 : memref<64x128xf32, #tpu.memory_space<vmem>>)
        tpu.yield
      }) : () -> ()
      %run_scoped3A_155 = arith.constant 0 : i32
      "tpu.region"() ({
        %run_scoped3A_164 = tpu.sem_alloc : memref<!tpu.dma_semaphore, #tpu.memory_space<semaphore_mem>>
        %dma_start3A_165 = arith.constant 64 : i32
        %dma_start3A_166 = arith.constant 0 : i32
        %dma_start3A_167 = tpu.memref_slice %arg11[%run_scoped3A_155, %dma_start3A_165, %dma_start3A_166] : memref<2x128x128xf32, #tpu.memory_space<vmem>> -> memref<1x64x128xf32, #tpu.memory_space<vmem>>
        %dma_start3A_168 = tpu.memref_squeeze %dma_start3A_167 : memref<1x64x128xf32, #tpu.memory_space<vmem>> -> memref<64x128xf32, #tpu.memory_space<vmem>>
        %dma_start3A_169 = arith.constant 0 : i32
        %dma_start3A_170 = arith.constant 0 : i32
        %dma_start3A_171 = tpu.memref_slice %arg2[%arg0, %dma_start3A_169, %dma_start3A_170] : memref<2x10240x128xf32, #tpu.memory_space<hbm>> -> memref<1x10240x128xf32, #tpu.memory_space<hbm>>
        %dma_start3A_172 = tpu.memref_squeeze %dma_start3A_171 : memref<1x10240x128xf32, #tpu.memory_space<hbm>> -> memref<10240x128xf32, #tpu.memory_space<hbm>>
        %dma_start3A_173 = arith.constant 0 : i32
        %dma_start3A_174 = tpu.memref_slice %dma_start3A_172[%add3A_153, %dma_start3A_173] : memref<10240x128xf32, #tpu.memory_space<hbm>> -> memref<64x128xf32, #tpu.memory_space<hbm>>
        %dma_start3A_175 = arith.constant 64 : i32
        %dma_start3A_176 = arith.constant 0 : i32
        %dma_start3A_177 = tpu.memref_slice %arg11[%run_scoped3A_155, %dma_start3A_175, %dma_start3A_176] : memref<2x128x128xf32, #tpu.memory_space<vmem>> -> memref<1x64x128xf32, #tpu.memory_space<vmem>>
        %dma_start3A_178 = tpu.memref_squeeze %dma_start3A_177 : memref<1x64x128xf32, #tpu.memory_space<vmem>> -> memref<64x128xf32, #tpu.memory_space<vmem>>
        %dma_start3A_179 = arith.constant 0 : i32
        %dma_start3A_180 = arith.constant 0 : i32
        %dma_start3A_181 = tpu.memref_slice %arg2[%arg0, %dma_start3A_179, %dma_start3A_180] : memref<2x10240x128xf32, #tpu.memory_space<hbm>> -> memref<1x10240x128xf32, #tpu.memory_space<hbm>>
        %dma_start3A_182 = tpu.memref_squeeze %dma_start3A_181 : memref<1x10240x128xf32, #tpu.memory_space<hbm>> -> memref<10240x128xf32, #tpu.memory_space<hbm>>
        %dma_start3A_183 = arith.constant 0 : i32
        %dma_start3A_184 = tpu.memref_slice %dma_start3A_182[%add3A_153, %dma_start3A_183] : memref<10240x128xf32, #tpu.memory_space<hbm>> -> memref<64x128xf32, #tpu.memory_space<hbm>>
        tpu.enqueue_dma source(%dma_start3A_184 : memref<64x128xf32, #tpu.memory_space<hbm>>) target(%dma_start3A_178 : memref<64x128xf32, #tpu.memory_space<vmem>>) target_semaphore(%run_scoped3A_164 : memref<!tpu.dma_semaphore, #tpu.memory_space<semaphore_mem>>)
        %dma_wait3A_185 = arith.constant 64 : i32
        %dma_wait3A_186 = arith.constant 0 : i32
        %dma_wait3A_187 = tpu.memref_slice %arg11[%run_scoped3A_155, %dma_wait3A_185, %dma_wait3A_186] : memref<2x128x128xf32, #tpu.memory_space<vmem>> -> memref<1x64x128xf32, #tpu.memory_space<vmem>>
        %dma_wait3A_188 = tpu.memref_squeeze %dma_wait3A_187 : memref<1x64x128xf32, #tpu.memory_space<vmem>> -> memref<64x128xf32, #tpu.memory_space<vmem>>
        %dma_wait3A_189 = arith.constant 0 : i32
        %dma_wait3A_190 = arith.constant 0 : i32
        %dma_wait3A_191 = tpu.memref_slice %arg2[%arg0, %dma_wait3A_189, %dma_wait3A_190] : memref<2x10240x128xf32, #tpu.memory_space<hbm>> -> memref<1x10240x128xf32, #tpu.memory_space<hbm>>
        %dma_wait3A_192 = tpu.memref_squeeze %dma_wait3A_191 : memref<1x10240x128xf32, #tpu.memory_space<hbm>> -> memref<10240x128xf32, #tpu.memory_space<hbm>>
        %dma_wait3A_193 = arith.constant 0 : i32
        %dma_wait3A_194 = tpu.memref_slice %dma_wait3A_192[%add3A_153, %dma_wait3A_193] : memref<10240x128xf32, #tpu.memory_space<hbm>> -> memref<64x128xf32, #tpu.memory_space<hbm>>
        %dma_wait3A_195 = arith.constant 64 : i32
        %dma_wait3A_196 = arith.constant 0 : i32
        %dma_wait3A_197 = tpu.memref_slice %arg11[%run_scoped3A_155, %dma_wait3A_195, %dma_wait3A_196] : memref<2x128x128xf32, #tpu.memory_space<vmem>> -> memref<1x64x128xf32, #tpu.memory_space<vmem>>
        %dma_wait3A_198 = tpu.memref_squeeze %dma_wait3A_197 : memref<1x64x128xf32, #tpu.memory_space<vmem>> -> memref<64x128xf32, #tpu.memory_space<vmem>>
        %dma_wait3A_199 = arith.constant 0 : i32
        %dma_wait3A_200 = arith.constant 0 : i32
        %dma_wait3A_201 = tpu.memref_slice %arg2[%arg0, %dma_wait3A_199, %dma_wait3A_200] : memref<2x10240x128xf32, #tpu.memory_space<hbm>> -> memref<1x10240x128xf32, #tpu.memory_space<hbm>>
        %dma_wait3A_202 = tpu.memref_squeeze %dma_wait3A_201 : memref<1x10240x128xf32, #tpu.memory_space<hbm>> -> memref<10240x128xf32, #tpu.memory_space<hbm>>
        %dma_wait3A_203 = arith.constant 0 : i32
        %dma_wait3A_204 = tpu.memref_slice %dma_wait3A_202[%add3A_153, %dma_wait3A_203] : memref<10240x128xf32, #tpu.memory_space<hbm>> -> memref<64x128xf32, #tpu.memory_space<hbm>>
        tpu.wait_dma2 semaphore(%run_scoped3A_164 : memref<!tpu.dma_semaphore, #tpu.memory_space<semaphore_mem>>) src(%dma_wait3A_204 : memref<64x128xf32, #tpu.memory_space<hbm>>) dst(%dma_wait3A_198 : memref<64x128xf32, #tpu.memory_space<vmem>>)
        tpu.yield
      }) : () -> ()
      %run_scoped3A_156 = arith.constant 1 : i32
      "tpu.region"() ({
        %run_scoped3A_164 = tpu.sem_alloc : memref<!tpu.dma_semaphore, #tpu.memory_space<semaphore_mem>>
        %dma_start3A_165 = arith.constant 0 : i32
        %dma_start3A_166 = arith.constant 0 : i32
        %dma_start3A_167 = tpu.memref_slice %arg11[%run_scoped3A_156, %dma_start3A_165, %dma_start3A_166] : memref<2x128x128xf32, #tpu.memory_space<vmem>> -> memref<1x64x128xf32, #tpu.memory_space<vmem>>
        %dma_start3A_168 = tpu.memref_squeeze %dma_start3A_167 : memref<1x64x128xf32, #tpu.memory_space<vmem>> -> memref<64x128xf32, #tpu.memory_space<vmem>>
        %dma_start3A_169 = arith.constant 0 : i32
        %dma_start3A_170 = tpu.memref_slice %arg6[%add3A_153, %dma_start3A_169] : memref<10240x128xf32, #tpu.memory_space<hbm>> -> memref<64x128xf32, #tpu.memory_space<hbm>>
        %dma_start3A_171 = arith.constant 0 : i32
        %dma_start3A_172 = arith.constant 0 : i32
        %dma_start3A_173 = tpu.memref_slice %arg11[%run_scoped3A_156, %dma_start3A_171, %dma_start3A_172] : memref<2x128x128xf32, #tpu.memory_space<vmem>> -> memref<1x64x128xf32, #tpu.memory_space<vmem>>
        %dma_start3A_174 = tpu.memref_squeeze %dma_start3A_173 : memref<1x64x128xf32, #tpu.memory_space<vmem>> -> memref<64x128xf32, #tpu.memory_space<vmem>>
        %dma_start3A_175 = arith.constant 0 : i32
        %dma_start3A_176 = tpu.memref_slice %arg6[%add3A_153, %dma_start3A_175] : memref<10240x128xf32, #tpu.memory_space<hbm>> -> memref<64x128xf32, #tpu.memory_space<hbm>>
        tpu.enqueue_dma source(%dma_start3A_176 : memref<64x128xf32, #tpu.memory_space<hbm>>) target(%dma_start3A_174 : memref<64x128xf32, #tpu.memory_space<vmem>>) target_semaphore(%run_scoped3A_164 : memref<!tpu.dma_semaphore, #tpu.memory_space<semaphore_mem>>)
        %dma_wait3A_177 = arith.constant 0 : i32
        %dma_wait3A_178 = arith.constant 0 : i32
        %dma_wait3A_179 = tpu.memref_slice %arg11[%run_scoped3A_156, %dma_wait3A_177, %dma_wait3A_178] : memref<2x128x128xf32, #tpu.memory_space<vmem>> -> memref<1x64x128xf32, #tpu.memory_space<vmem>>
        %dma_wait3A_180 = tpu.memref_squeeze %dma_wait3A_179 : memref<1x64x128xf32, #tpu.memory_space<vmem>> -> memref<64x128xf32, #tpu.memory_space<vmem>>
        %dma_wait3A_181 = arith.constant 0 : i32
        %dma_wait3A_182 = tpu.memref_slice %arg6[%add3A_153, %dma_wait3A_181] : memref<10240x128xf32, #tpu.memory_space<hbm>> -> memref<64x128xf32, #tpu.memory_space<hbm>>
        %dma_wait3A_183 = arith.constant 0 : i32
        %dma_wait3A_184 = arith.constant 0 : i32
        %dma_wait3A_185 = tpu.memref_slice %arg11[%run_scoped3A_156, %dma_wait3A_183, %dma_wait3A_184] : memref<2x128x128xf32, #tpu.memory_space<vmem>> -> memref<1x64x128xf32, #tpu.memory_space<vmem>>
        %dma_wait3A_186 = tpu.memref_squeeze %dma_wait3A_185 : memref<1x64x128xf32, #tpu.memory_space<vmem>> -> memref<64x128xf32, #tpu.memory_space<vmem>>
        %dma_wait3A_187 = arith.constant 0 : i32
        %dma_wait3A_188 = tpu.memref_slice %arg6[%add3A_153, %dma_wait3A_187] : memref<10240x128xf32, #tpu.memory_space<hbm>> -> memref<64x128xf32, #tpu.memory_space<hbm>>
        tpu.wait_dma2 semaphore(%run_scoped3A_164 : memref<!tpu.dma_semaphore, #tpu.memory_space<semaphore_mem>>) src(%dma_wait3A_188 : memref<64x128xf32, #tpu.memory_space<hbm>>) dst(%dma_wait3A_186 : memref<64x128xf32, #tpu.memory_space<vmem>>)
        tpu.yield
      }) : () -> ()
      %scan3A_157 = arith.constant 0 : i32
      %scan3A_158 = arith.constant 0 : i32
      %scan3A_159 = arith.constant 64 : i32
      %scan3A_160 = arith.addi %scan3A_158, %scan3A_159 : i32
      %scan3A_161 = arith.constant 1 : i32
      scf.for %scan3A_164 = %scan3A_158 to %scan3A_160 step %scan3A_161  : i32 {
        %get3A = arith.constant 0 : i32
        %get3A_165 = arith.index_cast %get3A : i32 to index
        %get3A_166 = arith.index_cast %scan3A_164 : i32 to index
        %get3A_167 = arith.constant 0 : index
        %get3A_168 = tpu.vector_load %arg11[%get3A_165, %get3A_166, %get3A_167] {strides = array<i32>} : memref<2x128x128xf32, #tpu.memory_space<vmem>>, vector<1x1x16xf32>,
        %get3A_169 = vector.shape_cast %get3A_168 : vector<1x1x16xf32> to vector<16xf32>
        %add3A_170 = arith.constant 64 : i32
        %add3A_171 = arith.addi %add3A_170, %scan3A_164 : i32
        %get3A_172 = arith.constant 0 : i32
        %get3A_173 = arith.index_cast %get3A_172 : i32 to index
        %get3A_174 = arith.index_cast %add3A_171 : i32 to index
        %get3A_175 = arith.constant 0 : index
        %get3A_176 = tpu.vector_load %arg11[%get3A_173, %get3A_174, %get3A_175] {strides = array<i32>} : memref<2x128x128xf32, #tpu.memory_space<vmem>>, vector<1x1x16xf32>,
        %get3A_177 = vector.shape_cast %get3A_176 : vector<1x1x16xf32> to vector<16xf32>
        %add3A_178 = arith.addf %get3A_169, %get3A_177 : vector<16xf32>
        %get3A_179 = arith.constant 1 : i32
        %get3A_180 = arith.index_cast %get3A_179 : i32 to index
        %get3A_181 = arith.index_cast %scan3A_164 : i32 to index
        %get3A_182 = arith.constant 0 : index
        %get3A_183 = tpu.vector_load %arg11[%get3A_180, %get3A_181, %get3A_182] {strides = array<i32>} : memref<2x128x128xf32, #tpu.memory_space<vmem>>, vector<1x1x16xf32>,
        %get3A_184 = vector.shape_cast %get3A_183 : vector<1x1x16xf32> to vector<16xf32>
        %mul3A_185 = arith.mulf %add3A_178, %get3A_184 : vector<16xf32>
        %get3A_186 = arith.constant 0 : i32
        %get3A_187 = arith.index_cast %get3A_186 : i32 to index
        %get3A_188 = arith.constant 0 : index
        %get3A_189 = tpu.vector_load %arg12[%get3A_187, %get3A_188] {strides = array<i32>} : memref<2x128xf32, #tpu.memory_space<vmem>>, vector<1x16xf32>,
        %get3A_190 = vector.shape_cast %get3A_189 : vector<1x16xf32> to vector<16xf32>
        %add3A_191 = arith.addf %mul3A_185, %get3A_190 : vector<16xf32>
        %add3A_192 = arith.constant 64 : i32
        %add3A_193 = arith.addi %add3A_192, %scan3A_164 : i32
        %swap3A = arith.constant 1 : i32
        %swap3A_194 = arith.index_cast %swap3A : i32 to index
        %swap3A_195 = arith.index_cast %add3A_193 : i32 to index
        %swap3A_196 = arith.constant 0 : index
        %swap3A_197 = tpu.vector_load %arg11[%swap3A_194, %swap3A_195, %swap3A_196] {strides = array<i32>} : memref<2x128x128xf32, #tpu.memory_space<vmem>>, vector<1x1x16xf32>,
        %swap3A_198 = vector.shape_cast %swap3A_197 : vector<1x1x16xf32> to vector<16xf32>
        %swap3A_199 = vector.shape_cast %add3A_191 : vector<16xf32> to vector<1x1x16xf32>
        tpu.vector_store %arg11[%swap3A_194, %swap3A_195, %swap3A_196], %swap3A_199 {strides = array<i32>} : memref<2x128x128xf32, #tpu.memory_space<vmem>>, vector<1x1x16xf32>,
        %get3A_200 = arith.constant 0 : i32
        %get3A_201 = arith.index_cast %get3A_200 : i32 to index
        %get3A_202 = arith.index_cast %scan3A_164 : i32 to index
        %get3A_203 = arith.constant 16 : index
        %get3A_204 = tpu.vector_load %arg11[%get3A_201, %get3A_202, %get3A_203] {strides = array<i32>} : memref<2x128x128xf32, #tpu.memory_space<vmem>>, vector<1x1x16xf32>,
        %get3A_205 = vector.shape_cast %get3A_204 : vector<1x1x16xf32> to vector<16xf32>
        %add3A_206 = arith.constant 64 : i32
        %add3A_207 = arith.addi %add3A_206, %scan3A_164 : i32
        %get3A_208 = arith.constant 0 : i32
        %get3A_209 = arith.index_cast %get3A_208 : i32 to index
        %get3A_210 = arith.index_cast %add3A_207 : i32 to index
        %get3A_211 = arith.constant 16 : index
        %get3A_212 = tpu.vector_load %arg11[%get3A_209, %get3A_210, %get3A_211] {strides = array<i32>} : memref<2x128x128xf32, #tpu.memory_space<vmem>>, vector<1x1x16xf32>,
        %get3A_213 = vector.shape_cast %get3A_212 : vector<1x1x16xf32> to vector<16xf32>
        %add3A_214 = arith.addf %get3A_205, %get3A_213 : vector<16xf32>
        %get3A_215 = arith.constant 1 : i32
        %get3A_216 = arith.index_cast %get3A_215 : i32 to index
        %get3A_217 = arith.index_cast %scan3A_164 : i32 to index
        %get3A_218 = arith.constant 16 : index
        %get3A_219 = tpu.vector_load %arg11[%get3A_216, %get3A_217, %get3A_218] {strides = array<i32>} : memref<2x128x128xf32, #tpu.memory_space<vmem>>, vector<1x1x16xf32>,
        %get3A_220 = vector.shape_cast %get3A_219 : vector<1x1x16xf32> to vector<16xf32>
        %mul3A_221 = arith.mulf %add3A_214, %get3A_220 : vector<16xf32>
        %get3A_222 = arith.constant 0 : i32
        %get3A_223 = arith.index_cast %get3A_222 : i32 to index
        %get3A_224 = arith.constant 16 : index
        %get3A_225 = tpu.vector_load %arg12[%get3A_223, %get3A_224] {strides = array<i32>} : memref<2x128xf32, #tpu.memory_space<vmem>>, vector<1x16xf32>,
        %get3A_226 = vector.shape_cast %get3A_225 : vector<1x16xf32> to vector<16xf32>
        %add3A_227 = arith.addf %mul3A_221, %get3A_226 : vector<16xf32>
        %add3A_228 = arith.constant 64 : i32
        %add3A_229 = arith.addi %add3A_228, %scan3A_164 : i32
        %swap3A_230 = arith.constant 1 : i32
        %swap3A_231 = arith.index_cast %swap3A_230 : i32 to index
        %swap3A_232 = arith.index_cast %add3A_229 : i32 to index
        %swap3A_233 = arith.constant 16 : index
        %swap3A_234 = tpu.vector_load %arg11[%swap3A_231, %swap3A_232, %swap3A_233] {strides = array<i32>} : memref<2x128x128xf32, #tpu.memory_space<vmem>>, vector<1x1x16xf32>,
        %swap3A_235 = vector.shape_cast %swap3A_234 : vector<1x1x16xf32> to vector<16xf32>
        %swap3A_236 = vector.shape_cast %add3A_227 : vector<16xf32> to vector<1x1x16xf32>
        tpu.vector_store %arg11[%swap3A_231, %swap3A_232, %swap3A_233], %swap3A_236 {strides = array<i32>} : memref<2x128x128xf32, #tpu.memory_space<vmem>>, vector<1x1x16xf32>,
        %get3A_237 = arith.constant 0 : i32
        %get3A_238 = arith.index_cast %get3A_237 : i32 to index
        %get3A_239 = arith.index_cast %scan3A_164 : i32 to index
        %get3A_240 = arith.constant 32 : index
        %get3A_241 = tpu.vector_load %arg11[%get3A_238, %get3A_239, %get3A_240] {strides = array<i32>} : memref<2x128x128xf32, #tpu.memory_space<vmem>>, vector<1x1x16xf32>,
        %get3A_242 = vector.shape_cast %get3A_241 : vector<1x1x16xf32> to vector<16xf32>
        %add3A_243 = arith.constant 64 : i32
        %add3A_244 = arith.addi %add3A_243, %scan3A_164 : i32
        %get3A_245 = arith.constant 0 : i32
        %get3A_246 = arith.index_cast %get3A_245 : i32 to index
        %get3A_247 = arith.index_cast %add3A_244 : i32 to index
        %get3A_248 = arith.constant 32 : index
        %get3A_249 = tpu.vector_load %arg11[%get3A_246, %get3A_247, %get3A_248] {strides = array<i32>} : memref<2x128x128xf32, #tpu.memory_space<vmem>>, vector<1x1x16xf32>,
        %get3A_250 = vector.shape_cast %get3A_249 : vector<1x1x16xf32> to vector<16xf32>
        %add3A_251 = arith.addf %get3A_242, %get3A_250 : vector<16xf32>
        %get3A_252 = arith.constant 1 : i32
        %get3A_253 = arith.index_cast %get3A_252 : i32 to index
        %get3A_254 = arith.index_cast %scan3A_164 : i32 to index
        %get3A_255 = arith.constant 32 : index
        %get3A_256 = tpu.vector_load %arg11[%get3A_253, %get3A_254, %get3A_255] {strides = array<i32>} : memref<2x128x128xf32, #tpu.memory_space<vmem>>, vector<1x1x16xf32>,
        %get3A_257 = vector.shape_cast %get3A_256 : vector<1x1x16xf32> to vector<16xf32>
        %mul3A_258 = arith.mulf %add3A_251, %get3A_257 : vector<16xf32>
        %get3A_259 = arith.constant 0 : i32
        %get3A_260 = arith.index_cast %get3A_259 : i32 to index
        %get3A_261 = arith.constant 32 : index
        %get3A_262 = tpu.vector_load %arg12[%get3A_260, %get3A_261] {strides = array<i32>} : memref<2x128xf32, #tpu.memory_space<vmem>>, vector<1x16xf32>,
        %get3A_263 = vector.shape_cast %get3A_262 : vector<1x16xf32> to vector<16xf32>
        %add3A_264 = arith.addf %mul3A_258, %get3A_263 : vector<16xf32>
        %add3A_265 = arith.constant 64 : i32
        %add3A_266 = arith.addi %add3A_265, %scan3A_164 : i32
        %swap3A_267 = arith.constant 1 : i32
        %swap3A_268 = arith.index_cast %swap3A_267 : i32 to index
        %swap3A_269 = arith.index_cast %add3A_266 : i32 to index
        %swap3A_270 = arith.constant 32 : index
        %swap3A_271 = tpu.vector_load %arg11[%swap3A_268, %swap3A_269, %swap3A_270] {strides = array<i32>} : memref<2x128x128xf32, #tpu.memory_space<vmem>>, vector<1x1x16xf32>,
        %swap3A_272 = vector.shape_cast %swap3A_271 : vector<1x1x16xf32> to vector<16xf32>
        %swap3A_273 = vector.shape_cast %add3A_264 : vector<16xf32> to vector<1x1x16xf32>
        tpu.vector_store %arg11[%swap3A_268, %swap3A_269, %swap3A_270], %swap3A_273 {strides = array<i32>} : memref<2x128x128xf32, #tpu.memory_space<vmem>>, vector<1x1x16xf32>,
        %get3A_274 = arith.constant 0 : i32
        %get3A_275 = arith.index_cast %get3A_274 : i32 to index
        %get3A_276 = arith.index_cast %scan3A_164 : i32 to index
        %get3A_277 = arith.constant 48 : index
        %get3A_278 = tpu.vector_load %arg11[%get3A_275, %get3A_276, %get3A_277] {strides = array<i32>} : memref<2x128x128xf32, #tpu.memory_space<vmem>>, vector<1x1x16xf32>,
        %get3A_279 = vector.shape_cast %get3A_278 : vector<1x1x16xf32> to vector<16xf32>
        %add3A_280 = arith.constant 64 : i32
        %add3A_281 = arith.addi %add3A_280, %scan3A_164 : i32
        %get3A_282 = arith.constant 0 : i32
        %get3A_283 = arith.index_cast %get3A_282 : i32 to index
        %get3A_284 = arith.index_cast %add3A_281 : i32 to index
        %get3A_285 = arith.constant 48 : index
        %get3A_286 = tpu.vector_load %arg11[%get3A_283, %get3A_284, %get3A_285] {strides = array<i32>} : memref<2x128x128xf32, #tpu.memory_space<vmem>>, vector<1x1x16xf32>,
        %get3A_287 = vector.shape_cast %get3A_286 : vector<1x1x16xf32> to vector<16xf32>
        %add3A_288 = arith.addf %get3A_279, %get3A_287 : vector<16xf32>
        %get3A_289 = arith.constant 1 : i32
        %get3A_290 = arith.index_cast %get3A_289 : i32 to index
        %get3A_291 = arith.index_cast %scan3A_164 : i32 to index
        %get3A_292 = arith.constant 48 : index
        %get3A_293 = tpu.vector_load %arg11[%get3A_290, %get3A_291, %get3A_292] {strides = array<i32>} : memref<2x128x128xf32, #tpu.memory_space<vmem>>, vector<1x1x16xf32>,
        %get3A_294 = vector.shape_cast %get3A_293 : vector<1x1x16xf32> to vector<16xf32>
        %mul3A_295 = arith.mulf %add3A_288, %get3A_294 : vector<16xf32>
        %get3A_296 = arith.constant 0 : i32
        %get3A_297 = arith.index_cast %get3A_296 : i32 to index
        %get3A_298 = arith.constant 48 : index
        %get3A_299 = tpu.vector_load %arg12[%get3A_297, %get3A_298] {strides = array<i32>} : memref<2x128xf32, #tpu.memory_space<vmem>>, vector<1x16xf32>,
        %get3A_300 = vector.shape_cast %get3A_299 : vector<1x16xf32> to vector<16xf32>
        %add3A_301 = arith.addf %mul3A_295, %get3A_300 : vector<16xf32>
        %add3A_302 = arith.constant 64 : i32
        %add3A_303 = arith.addi %add3A_302, %scan3A_164 : i32
        %swap3A_304 = arith.constant 1 : i32
        %swap3A_305 = arith.index_cast %swap3A_304 : i32 to index
        %swap3A_306 = arith.index_cast %add3A_303 : i32 to index
        %swap3A_307 = arith.constant 48 : index
        %swap3A_308 = tpu.vector_load %arg11[%swap3A_305, %swap3A_306, %swap3A_307] {strides = array<i32>} : memref<2x128x128xf32, #tpu.memory_space<vmem>>, vector<1x1x16xf32>,
        %swap3A_309 = vector.shape_cast %swap3A_308 : vector<1x1x16xf32> to vector<16xf32>
        %swap3A_310 = vector.shape_cast %add3A_301 : vector<16xf32> to vector<1x1x16xf32>
        tpu.vector_store %arg11[%swap3A_305, %swap3A_306, %swap3A_307], %swap3A_310 {strides = array<i32>} : memref<2x128x128xf32, #tpu.memory_space<vmem>>, vector<1x1x16xf32>,
        %get3A_311 = arith.constant 0 : i32
        %get3A_312 = arith.index_cast %get3A_311 : i32 to index
        %get3A_313 = arith.index_cast %scan3A_164 : i32 to index
        %get3A_314 = arith.constant 64 : index
        %get3A_315 = tpu.vector_load %arg11[%get3A_312, %get3A_313, %get3A_314] {strides = array<i32>} : memref<2x128x128xf32, #tpu.memory_space<vmem>>, vector<1x1x16xf32>,
        %get3A_316 = vector.shape_cast %get3A_315 : vector<1x1x16xf32> to vector<16xf32>
        %add3A_317 = arith.constant 64 : i32
        %add3A_318 = arith.addi %add3A_317, %scan3A_164 : i32
        %get3A_319 = arith.constant 0 : i32
        %get3A_320 = arith.index_cast %get3A_319 : i32 to index
        %get3A_321 = arith.index_cast %add3A_318 : i32 to index
        %get3A_322 = arith.constant 64 : index
        %get3A_323 = tpu.vector_load %arg11[%get3A_320, %get3A_321, %get3A_322] {strides = array<i32>} : memref<2x128x128xf32, #tpu.memory_space<vmem>>, vector<1x1x16xf32>,
        %get3A_324 = vector.shape_cast %get3A_323 : vector<1x1x16xf32> to vector<16xf32>
        %add3A_325 = arith.addf %get3A_316, %get3A_324 : vector<16xf32>
        %get3A_326 = arith.constant 1 : i32
        %get3A_327 = arith.index_cast %get3A_326 : i32 to index
        %get3A_328 = arith.index_cast %scan3A_164 : i32 to index
        %get3A_329 = arith.constant 64 : index
        %get3A_330 = tpu.vector_load %arg11[%get3A_327, %get3A_328, %get3A_329] {strides = array<i32>} : memref<2x128x128xf32, #tpu.memory_space<vmem>>, vector<1x1x16xf32>,
        %get3A_331 = vector.shape_cast %get3A_330 : vector<1x1x16xf32> to vector<16xf32>
        %mul3A_332 = arith.mulf %add3A_325, %get3A_331 : vector<16xf32>
        %get3A_333 = arith.constant 0 : i32
        %get3A_334 = arith.index_cast %get3A_333 : i32 to index
        %get3A_335 = arith.constant 64 : index
        %get3A_336 = tpu.vector_load %arg12[%get3A_334, %get3A_335] {strides = array<i32>} : memref<2x128xf32, #tpu.memory_space<vmem>>, vector<1x16xf32>,
        %get3A_337 = vector.shape_cast %get3A_336 : vector<1x16xf32> to vector<16xf32>
        %add3A_338 = arith.addf %mul3A_332, %get3A_337 : vector<16xf32>
        %add3A_339 = arith.constant 64 : i32
        %add3A_340 = arith.addi %add3A_339, %scan3A_164 : i32
        %swap3A_341 = arith.constant 1 : i32
        %swap3A_342 = arith.index_cast %swap3A_341 : i32 to index
        %swap3A_343 = arith.index_cast %add3A_340 : i32 to index
        %swap3A_344 = arith.constant 64 : index
        %swap3A_345 = tpu.vector_load %arg11[%swap3A_342, %swap3A_343, %swap3A_344] {strides = array<i32>} : memref<2x128x128xf32, #tpu.memory_space<vmem>>, vector<1x1x16xf32>,
        %swap3A_346 = vector.shape_cast %swap3A_345 : vector<1x1x16xf32> to vector<16xf32>
        %swap3A_347 = vector.shape_cast %add3A_338 : vector<16xf32> to vector<1x1x16xf32>
        tpu.vector_store %arg11[%swap3A_342, %swap3A_343, %swap3A_344], %swap3A_347 {strides = array<i32>} : memref<2x128x128xf32, #tpu.memory_space<vmem>>, vector<1x1x16xf32>,
        %get3A_348 = arith.constant 0 : i32
        %get3A_349 = arith.index_cast %get3A_348 : i32 to index
        %get3A_350 = arith.index_cast %scan3A_164 : i32 to index
        %get3A_351 = arith.constant 80 : index
        %get3A_352 = tpu.vector_load %arg11[%get3A_349, %get3A_350, %get3A_351] {strides = array<i32>} : memref<2x128x128xf32, #tpu.memory_space<vmem>>, vector<1x1x16xf32>,
        %get3A_353 = vector.shape_cast %get3A_352 : vector<1x1x16xf32> to vector<16xf32>
        %add3A_354 = arith.constant 64 : i32
        %add3A_355 = arith.addi %add3A_354, %scan3A_164 : i32
        %get3A_356 = arith.constant 0 : i32
        %get3A_357 = arith.index_cast %get3A_356 : i32 to index
        %get3A_358 = arith.index_cast %add3A_355 : i32 to index
        %get3A_359 = arith.constant 80 : index
        %get3A_360 = tpu.vector_load %arg11[%get3A_357, %get3A_358, %get3A_359] {strides = array<i32>} : memref<2x128x128xf32, #tpu.memory_space<vmem>>, vector<1x1x16xf32>,
        %get3A_361 = vector.shape_cast %get3A_360 : vector<1x1x16xf32> to vector<16xf32>
        %add3A_362 = arith.addf %get3A_353, %get3A_361 : vector<16xf32>
        %get3A_363 = arith.constant 1 : i32
        %get3A_364 = arith.index_cast %get3A_363 : i32 to index
        %get3A_365 = arith.index_cast %scan3A_164 : i32 to index
        %get3A_366 = arith.constant 80 : index
        %get3A_367 = tpu.vector_load %arg11[%get3A_364, %get3A_365, %get3A_366] {strides = array<i32>} : memref<2x128x128xf32, #tpu.memory_space<vmem>>, vector<1x1x16xf32>,
        %get3A_368 = vector.shape_cast %get3A_367 : vector<1x1x16xf32> to vector<16xf32>
        %mul3A_369 = arith.mulf %add3A_362, %get3A_368 : vector<16xf32>
        %get3A_370 = arith.constant 0 : i32
        %get3A_371 = arith.index_cast %get3A_370 : i32 to index
        %get3A_372 = arith.constant 80 : index
        %get3A_373 = tpu.vector_load %arg12[%get3A_371, %get3A_372] {strides = array<i32>} : memref<2x128xf32, #tpu.memory_space<vmem>>, vector<1x16xf32>,
        %get3A_374 = vector.shape_cast %get3A_373 : vector<1x16xf32> to vector<16xf32>
        %add3A_375 = arith.addf %mul3A_369, %get3A_374 : vector<16xf32>
        %add3A_376 = arith.constant 64 : i32
        %add3A_377 = arith.addi %add3A_376, %scan3A_164 : i32
        %swap3A_378 = arith.constant 1 : i32
        %swap3A_379 = arith.index_cast %swap3A_378 : i32 to index
        %swap3A_380 = arith.index_cast %add3A_377 : i32 to index
        %swap3A_381 = arith.constant 80 : index
        %swap3A_382 = tpu.vector_load %arg11[%swap3A_379, %swap3A_380, %swap3A_381] {strides = array<i32>} : memref<2x128x128xf32, #tpu.memory_space<vmem>>, vector<1x1x16xf32>,
        %swap3A_383 = vector.shape_cast %swap3A_382 : vector<1x1x16xf32> to vector<16xf32>
        %swap3A_384 = vector.shape_cast %add3A_375 : vector<16xf32> to vector<1x1x16xf32>
        tpu.vector_store %arg11[%swap3A_379, %swap3A_380, %swap3A_381], %swap3A_384 {strides = array<i32>} : memref<2x128x128xf32, #tpu.memory_space<vmem>>, vector<1x1x16xf32>,
        %get3A_385 = arith.constant 0 : i32
        %get3A_386 = arith.index_cast %get3A_385 : i32 to index
        %get3A_387 = arith.index_cast %scan3A_164 : i32 to index
        %get3A_388 = arith.constant 96 : index
        %get3A_389 = tpu.vector_load %arg11[%get3A_386, %get3A_387, %get3A_388] {strides = array<i32>} : memref<2x128x128xf32, #tpu.memory_space<vmem>>, vector<1x1x16xf32>,
        %get3A_390 = vector.shape_cast %get3A_389 : vector<1x1x16xf32> to vector<16xf32>
        %add3A_391 = arith.constant 64 : i32
        %add3A_392 = arith.addi %add3A_391, %scan3A_164 : i32
        %get3A_393 = arith.constant 0 : i32
        %get3A_394 = arith.index_cast %get3A_393 : i32 to index
        %get3A_395 = arith.index_cast %add3A_392 : i32 to index
        %get3A_396 = arith.constant 96 : index
        %get3A_397 = tpu.vector_load %arg11[%get3A_394, %get3A_395, %get3A_396] {strides = array<i32>} : memref<2x128x128xf32, #tpu.memory_space<vmem>>, vector<1x1x16xf32>,
        %get3A_398 = vector.shape_cast %get3A_397 : vector<1x1x16xf32> to vector<16xf32>
        %add3A_399 = arith.addf %get3A_390, %get3A_398 : vector<16xf32>
        %get3A_400 = arith.constant 1 : i32
        %get3A_401 = arith.index_cast %get3A_400 : i32 to index
        %get3A_402 = arith.index_cast %scan3A_164 : i32 to index
        %get3A_403 = arith.constant 96 : index
        %get3A_404 = tpu.vector_load %arg11[%get3A_401, %get3A_402, %get3A_403] {strides = array<i32>} : memref<2x128x128xf32, #tpu.memory_space<vmem>>, vector<1x1x16xf32>,
        %get3A_405 = vector.shape_cast %get3A_404 : vector<1x1x16xf32> to vector<16xf32>
        %mul3A_406 = arith.mulf %add3A_399, %get3A_405 : vector<16xf32>
        %get3A_407 = arith.constant 0 : i32
        %get3A_408 = arith.index_cast %get3A_407 : i32 to index
        %get3A_409 = arith.constant 96 : index
        %get3A_410 = tpu.vector_load %arg12[%get3A_408, %get3A_409] {strides = array<i32>} : memref<2x128xf32, #tpu.memory_space<vmem>>, vector<1x16xf32>,
        %get3A_411 = vector.shape_cast %get3A_410 : vector<1x16xf32> to vector<16xf32>
        %add3A_412 = arith.addf %mul3A_406, %get3A_411 : vector<16xf32>
        %add3A_413 = arith.constant 64 : i32
        %add3A_414 = arith.addi %add3A_413, %scan3A_164 : i32
        %swap3A_415 = arith.constant 1 : i32
        %swap3A_416 = arith.index_cast %swap3A_415 : i32 to index
        %swap3A_417 = arith.index_cast %add3A_414 : i32 to index
        %swap3A_418 = arith.constant 96 : index
        %swap3A_419 = tpu.vector_load %arg11[%swap3A_416, %swap3A_417, %swap3A_418] {strides = array<i32>} : memref<2x128x128xf32, #tpu.memory_space<vmem>>, vector<1x1x16xf32>,
        %swap3A_420 = vector.shape_cast %swap3A_419 : vector<1x1x16xf32> to vector<16xf32>
        %swap3A_421 = vector.shape_cast %add3A_412 : vector<16xf32> to vector<1x1x16xf32>
        tpu.vector_store %arg11[%swap3A_416, %swap3A_417, %swap3A_418], %swap3A_421 {strides = array<i32>} : memref<2x128x128xf32, #tpu.memory_space<vmem>>, vector<1x1x16xf32>,
        %get3A_422 = arith.constant 0 : i32
        %get3A_423 = arith.index_cast %get3A_422 : i32 to index
        %get3A_424 = arith.index_cast %scan3A_164 : i32 to index
        %get3A_425 = arith.constant 112 : index
        %get3A_426 = tpu.vector_load %arg11[%get3A_423, %get3A_424, %get3A_425] {strides = array<i32>} : memref<2x128x128xf32, #tpu.memory_space<vmem>>, vector<1x1x16xf32>,
        %get3A_427 = vector.shape_cast %get3A_426 : vector<1x1x16xf32> to vector<16xf32>
        %add3A_428 = arith.constant 64 : i32
        %add3A_429 = arith.addi %add3A_428, %scan3A_164 : i32
        %get3A_430 = arith.constant 0 : i32
        %get3A_431 = arith.index_cast %get3A_430 : i32 to index
        %get3A_432 = arith.index_cast %add3A_429 : i32 to index
        %get3A_433 = arith.constant 112 : index
        %get3A_434 = tpu.vector_load %arg11[%get3A_431, %get3A_432, %get3A_433] {strides = array<i32>} : memref<2x128x128xf32, #tpu.memory_space<vmem>>, vector<1x1x16xf32>,
        %get3A_435 = vector.shape_cast %get3A_434 : vector<1x1x16xf32> to vector<16xf32>
        %add3A_436 = arith.addf %get3A_427, %get3A_435 : vector<16xf32>
        %get3A_437 = arith.constant 1 : i32
        %get3A_438 = arith.index_cast %get3A_437 : i32 to index
        %get3A_439 = arith.index_cast %scan3A_164 : i32 to index
        %get3A_440 = arith.constant 112 : index
        %get3A_441 = tpu.vector_load %arg11[%get3A_438, %get3A_439, %get3A_440] {strides = array<i32>} : memref<2x128x128xf32, #tpu.memory_space<vmem>>, vector<1x1x16xf32>,
        %get3A_442 = vector.shape_cast %get3A_441 : vector<1x1x16xf32> to vector<16xf32>
        %mul3A_443 = arith.mulf %add3A_436, %get3A_442 : vector<16xf32>
        %get3A_444 = arith.constant 0 : i32
        %get3A_445 = arith.index_cast %get3A_444 : i32 to index
        %get3A_446 = arith.constant 112 : index
        %get3A_447 = tpu.vector_load %arg12[%get3A_445, %get3A_446] {strides = array<i32>} : memref<2x128xf32, #tpu.memory_space<vmem>>, vector<1x16xf32>,
        %get3A_448 = vector.shape_cast %get3A_447 : vector<1x16xf32> to vector<16xf32>
        %add3A_449 = arith.addf %mul3A_443, %get3A_448 : vector<16xf32>
        %add3A_450 = arith.constant 64 : i32
        %add3A_451 = arith.addi %add3A_450, %scan3A_164 : i32
        %swap3A_452 = arith.constant 1 : i32
        %swap3A_453 = arith.index_cast %swap3A_452 : i32 to index
        %swap3A_454 = arith.index_cast %add3A_451 : i32 to index
        %swap3A_455 = arith.constant 112 : index
        %swap3A_456 = tpu.vector_load %arg11[%swap3A_453, %swap3A_454, %swap3A_455] {strides = array<i32>} : memref<2x128x128xf32, #tpu.memory_space<vmem>>, vector<1x1x16xf32>,
        %swap3A_457 = vector.shape_cast %swap3A_456 : vector<1x1x16xf32> to vector<16xf32>
        %swap3A_458 = vector.shape_cast %add3A_449 : vector<16xf32> to vector<1x1x16xf32>
        tpu.vector_store %arg11[%swap3A_453, %swap3A_454, %swap3A_455], %swap3A_458 {strides = array<i32>} : memref<2x128x128xf32, #tpu.memory_space<vmem>>, vector<1x1x16xf32>,
      }
      %scan3A_162 = arith.constant 64 : i32
      %run_scoped3A_163 = arith.constant 1 : i32
      "tpu.region"() ({
        %run_scoped3A_164 = tpu.sem_alloc : memref<!tpu.dma_semaphore, #tpu.memory_space<semaphore_mem>>
        %dma_start3A_165 = arith.constant 64 : i32
        %dma_start3A_166 = arith.constant 0 : i32
        %dma_start3A_167 = tpu.memref_slice %arg11[%run_scoped3A_163, %dma_start3A_165, %dma_start3A_166] : memref<2x128x128xf32, #tpu.memory_space<vmem>> -> memref<1x64x128xf32, #tpu.memory_space<vmem>>
        %dma_start3A_168 = tpu.memref_squeeze %dma_start3A_167 : memref<1x64x128xf32, #tpu.memory_space<vmem>> -> memref<64x128xf32, #tpu.memory_space<vmem>>
        %dma_start3A_169 = arith.constant 0 : i32
        %dma_start3A_170 = arith.constant 0 : i32
        %dma_start3A_171 = tpu.memref_slice %arg8[%arg0, %dma_start3A_169, %dma_start3A_170] : memref<2x10240x128xf32, #tpu.memory_space<hbm>> -> memref<1x10240x128xf32, #tpu.memory_space<hbm>>
        %dma_start3A_172 = tpu.memref_squeeze %dma_start3A_171 : memref<1x10240x128xf32, #tpu.memory_space<hbm>> -> memref<10240x128xf32, #tpu.memory_space<hbm>>
        %dma_start3A_173 = arith.constant 0 : i32
        %dma_start3A_174 = tpu.memref_slice %dma_start3A_172[%add3A_153, %dma_start3A_173] : memref<10240x128xf32, #tpu.memory_space<hbm>> -> memref<64x128xf32, #tpu.memory_space<hbm>>
        %dma_start3A_175 = arith.constant 0 : i32
        %dma_start3A_176 = arith.constant 0 : i32
        %dma_start3A_177 = tpu.memref_slice %arg8[%arg0, %dma_start3A_175, %dma_start3A_176] : memref<2x10240x128xf32, #tpu.memory_space<hbm>> -> memref<1x10240x128xf32, #tpu.memory_space<hbm>>
        %dma_start3A_178 = tpu.memref_squeeze %dma_start3A_177 : memref<1x10240x128xf32, #tpu.memory_space<hbm>> -> memref<10240x128xf32, #tpu.memory_space<hbm>>
        %dma_start3A_179 = arith.constant 0 : i32
        %dma_start3A_180 = tpu.memref_slice %dma_start3A_178[%add3A_153, %dma_start3A_179] : memref<10240x128xf32, #tpu.memory_space<hbm>> -> memref<64x128xf32, #tpu.memory_space<hbm>>
        %dma_start3A_181 = arith.constant 64 : i32
        %dma_start3A_182 = arith.constant 0 : i32
        %dma_start3A_183 = tpu.memref_slice %arg11[%run_scoped3A_163, %dma_start3A_181, %dma_start3A_182] : memref<2x128x128xf32, #tpu.memory_space<vmem>> -> memref<1x64x128xf32, #tpu.memory_space<vmem>>
        %dma_start3A_184 = tpu.memref_squeeze %dma_start3A_183 : memref<1x64x128xf32, #tpu.memory_space<vmem>> -> memref<64x128xf32, #tpu.memory_space<vmem>>
        tpu.enqueue_dma source(%dma_start3A_184 : memref<64x128xf32, #tpu.memory_space<vmem>>) target(%dma_start3A_180 : memref<64x128xf32, #tpu.memory_space<hbm>>) target_semaphore(%run_scoped3A_164 : memref<!tpu.dma_semaphore, #tpu.memory_space<semaphore_mem>>)
        %dma_wait3A_185 = arith.constant 64 : i32
        %dma_wait3A_186 = arith.constant 0 : i32
        %dma_wait3A_187 = tpu.memref_slice %arg11[%run_scoped3A_163, %dma_wait3A_185, %dma_wait3A_186] : memref<2x128x128xf32, #tpu.memory_space<vmem>> -> memref<1x64x128xf32, #tpu.memory_space<vmem>>
        %dma_wait3A_188 = tpu.memref_squeeze %dma_wait3A_187 : memref<1x64x128xf32, #tpu.memory_space<vmem>> -> memref<64x128xf32, #tpu.memory_space<vmem>>
        %dma_wait3A_189 = arith.constant 0 : i32
        %dma_wait3A_190 = arith.constant 0 : i32
        %dma_wait3A_191 = tpu.memref_slice %arg8[%arg0, %dma_wait3A_189, %dma_wait3A_190] : memref<2x10240x128xf32, #tpu.memory_space<hbm>> -> memref<1x10240x128xf32, #tpu.memory_space<hbm>>
        %dma_wait3A_192 = tpu.memref_squeeze %dma_wait3A_191 : memref<1x10240x128xf32, #tpu.memory_space<hbm>> -> memref<10240x128xf32, #tpu.memory_space<hbm>>
        %dma_wait3A_193 = arith.constant 0 : i32
        %dma_wait3A_194 = tpu.memref_slice %dma_wait3A_192[%add3A_153, %dma_wait3A_193] : memref<10240x128xf32, #tpu.memory_space<hbm>> -> memref<64x128xf32, #tpu.memory_space<hbm>>
        %dma_wait3A_195 = arith.constant 0 : i32
        %dma_wait3A_196 = arith.constant 0 : i32
        %dma_wait3A_197 = tpu.memref_slice %arg8[%arg0, %dma_wait3A_195, %dma_wait3A_196] : memref<2x10240x128xf32, #tpu.memory_space<hbm>> -> memref<1x10240x128xf32, #tpu.memory_space<hbm>>
        %dma_wait3A_198 = tpu.memref_squeeze %dma_wait3A_197 : memref<1x10240x128xf32, #tpu.memory_space<hbm>> -> memref<10240x128xf32, #tpu.memory_space<hbm>>
        %dma_wait3A_199 = arith.constant 0 : i32
        %dma_wait3A_200 = tpu.memref_slice %dma_wait3A_198[%add3A_153, %dma_wait3A_199] : memref<10240x128xf32, #tpu.memory_space<hbm>> -> memref<64x128xf32, #tpu.memory_space<hbm>>
        %dma_wait3A_201 = arith.constant 64 : i32
        %dma_wait3A_202 = arith.constant 0 : i32
        %dma_wait3A_203 = tpu.memref_slice %arg11[%run_scoped3A_163, %dma_wait3A_201, %dma_wait3A_202] : memref<2x128x128xf32, #tpu.memory_space<vmem>> -> memref<1x64x128xf32, #tpu.memory_space<vmem>>
        %dma_wait3A_204 = tpu.memref_squeeze %dma_wait3A_203 : memref<1x64x128xf32, #tpu.memory_space<vmem>> -> memref<64x128xf32, #tpu.memory_space<vmem>>
        tpu.wait_dma2 semaphore(%run_scoped3A_164 : memref<!tpu.dma_semaphore, #tpu.memory_space<semaphore_mem>>) src(%dma_wait3A_204 : memref<64x128xf32, #tpu.memory_space<vmem>>) dst(%dma_wait3A_200 : memref<64x128xf32, #tpu.memory_space<hbm>>)
        tpu.yield
      }) : () -> ()
    }
    %scan3A_147 = arith.constant 10 : i32
    return
  }
}

#map = affine_map<(d0, d1) -> (0, 0, 0)>
#map1 = affine_map<(d0, d1) -> (0, 0)>
module attributes {stable_mosaic.version = 14 : i64} {
  func.func @k(%arg0: i32, %arg1: i32, %arg2: memref<2x10240x128xf32, #tpu.memory_space<hbm>>, %arg3: memref<1280x128xi32, #tpu.memory_space<hbm>>, %arg4: memref<1280x128xi32, #tpu.memory_space<hbm>>, %arg5: memref<10240x128xf32, #tpu.memory_space<hbm>>, %arg6: memref<10240x128xf32, #tpu.memory_space<hbm>>, %arg7: memref<2x128xf32, #tpu.memory_space<hbm>>, %arg8: memref<2x10240x128xf32, #tpu.memory_space<hbm>>, %arg9: memref<40x128xi32, #tpu.memory_space<vmem>>, %arg10: memref<40x128xi32, #tpu.memory_space<vmem>>, %arg11: memref<2x128x128xf32, #tpu.memory_space<vmem>>, %arg12: memref<2x128xf32, #tpu.memory_space<vmem>>, %arg13: memref<10240x128xf32, #tpu.memory_space<vmem_shared>>, %arg14: memref<!tpu.dma_semaphore, #tpu.memory_space<semaphore_mem>>, %arg15: memref<!tpu.dma_semaphore, #tpu.memory_space<semaphore_mem>>) attributes {dimension_semantics = [#tpu.dimension_semantics<core_parallel>, #tpu.dimension_semantics<subcore_parallel>], iteration_bounds = array<i64: 2, 16>, scalar_prefetch = 0 : i64, scratch_operands = 7 : i64, tpu.core_type = #tpu.core_type<sc_vector_subcore>, window_params = [{transform_indices = #map}, {transform_indices = #map1}, {transform_indices = #map1}, {transform_indices = #map1}, {transform_indices = #map1}, {transform_indices = #map1}, {transform_indices = #map}]} {
    %mul3A = arith.constant 640 : i32
    %mul3A_0 = arith.muli %arg1, %mul3A : i32
    "tpu.region"() ({
      %run_scoped3A = tpu.sem_alloc : memref<!tpu.dma_semaphore, #tpu.memory_space<semaphore_mem>>
      %dma_start3A_142 = arith.constant 0 : i32
      %dma_start3A_143 = tpu.memref_slice %arg13[%mul3A_0, %dma_start3A_142] : memref<10240x128xf32, #tpu.memory_space<vmem_shared>> -> memref<640x128xf32, #tpu.memory_space<vmem_shared>>
      %dma_start3A_144 = arith.constant 0 : i32
      %dma_start3A_145 = tpu.memref_slice %arg5[%mul3A_0, %dma_start3A_144] : memref<10240x128xf32, #tpu.memory_space<hbm>> -> memref<640x128xf32, #tpu.memory_space<hbm>>
      tpu.enqueue_dma source(%dma_start3A_145 : memref<640x128xf32, #tpu.memory_space<hbm>>) target(%dma_start3A_143 : memref<640x128xf32, #tpu.memory_space<vmem_shared>>) target_semaphore(%run_scoped3A : memref<!tpu.dma_semaphore, #tpu.memory_space<semaphore_mem>>)
      %dma_wait3A_146 = arith.constant 0 : i32
      %dma_wait3A_147 = tpu.memref_slice %arg13[%mul3A_0, %dma_wait3A_146] : memref<10240x128xf32, #tpu.memory_space<vmem_shared>> -> memref<640x128xf32, #tpu.memory_space<vmem_shared>>
      %dma_wait3A_148 = arith.constant 0 : i32
      %dma_wait3A_149 = tpu.memref_slice %arg5[%mul3A_0, %dma_wait3A_148] : memref<10240x128xf32, #tpu.memory_space<hbm>> -> memref<640x128xf32, #tpu.memory_space<hbm>>
      tpu.wait_dma2 semaphore(%run_scoped3A : memref<!tpu.dma_semaphore, #tpu.memory_space<semaphore_mem>>) src(%dma_wait3A_149 : memref<640x128xf32, #tpu.memory_space<hbm>>) dst(%dma_wait3A_147 : memref<640x128xf32, #tpu.memory_space<vmem_shared>>)
      tpu.yield
    }) : () -> ()
    %barrier3A = arith.constant 0 : index
    tpu.barrier barrier_id(%barrier3A)
    %mul3A_1 = arith.constant 80 : i32
    %mul3A_2 = arith.muli %arg1, %mul3A_1 : i32
    %add3A = arith.constant 0 : i32
    %add3A_3 = arith.addi %mul3A_2, %add3A : i32
    "tpu.region"() ({
      %run_scoped3A = tpu.sem_alloc : memref<!tpu.dma_semaphore, #tpu.memory_space<semaphore_mem>>
      %dma_start3A_142 = arith.constant 0 : i32
      %dma_start3A_143 = tpu.memref_slice %arg3[%add3A_3, %dma_start3A_142] : memref<1280x128xi32, #tpu.memory_space<hbm>> -> memref<40x128xi32, #tpu.memory_space<hbm>>
      %dma_start3A_144 = arith.constant 0 : i32
      %dma_start3A_145 = tpu.memref_slice %arg3[%add3A_3, %dma_start3A_144] : memref<1280x128xi32, #tpu.memory_space<hbm>> -> memref<40x128xi32, #tpu.memory_space<hbm>>
      tpu.enqueue_dma source(%dma_start3A_145 : memref<40x128xi32, #tpu.memory_space<hbm>>) target(%arg9 : memref<40x128xi32, #tpu.memory_space<vmem>>) target_semaphore(%run_scoped3A : memref<!tpu.dma_semaphore, #tpu.memory_space<semaphore_mem>>)
      %dma_wait3A_146 = arith.constant 0 : i32
      %dma_wait3A_147 = tpu.memref_slice %arg3[%add3A_3, %dma_wait3A_146] : memref<1280x128xi32, #tpu.memory_space<hbm>> -> memref<40x128xi32, #tpu.memory_space<hbm>>
      %dma_wait3A_148 = arith.constant 0 : i32
      %dma_wait3A_149 = tpu.memref_slice %arg3[%add3A_3, %dma_wait3A_148] : memref<1280x128xi32, #tpu.memory_space<hbm>> -> memref<40x128xi32, #tpu.memory_space<hbm>>
      tpu.wait_dma2 semaphore(%run_scoped3A : memref<!tpu.dma_semaphore, #tpu.memory_space<semaphore_mem>>) src(%dma_wait3A_149 : memref<40x128xi32, #tpu.memory_space<hbm>>) dst(%arg9 : memref<40x128xi32, #tpu.memory_space<vmem>>)
      tpu.yield
    }) : () -> ()
    "tpu.region"() ({
      %run_scoped3A = tpu.sem_alloc : memref<!tpu.dma_semaphore, #tpu.memory_space<semaphore_mem>>
      %dma_start3A_142 = arith.constant 0 : i32
      %dma_start3A_143 = tpu.memref_slice %arg4[%add3A_3, %dma_start3A_142] : memref<1280x128xi32, #tpu.memory_space<hbm>> -> memref<40x128xi32, #tpu.memory_space<hbm>>
      %dma_start3A_144 = arith.constant 0 : i32
      %dma_start3A_145 = tpu.memref_slice %arg4[%add3A_3, %dma_start3A_144] : memref<1280x128xi32, #tpu.memory_space<hbm>> -> memref<40x128xi32, #tpu.memory_space<hbm>>
      tpu.enqueue_dma source(%dma_start3A_145 : memref<40x128xi32, #tpu.memory_space<hbm>>) target(%arg10 : memref<40x128xi32, #tpu.memory_space<vmem>>) target_semaphore(%run_scoped3A : memref<!tpu.dma_semaphore, #tpu.memory_space<semaphore_mem>>)
      %dma_wait3A_146 = arith.constant 0 : i32
      %dma_wait3A_147 = tpu.memref_slice %arg4[%add3A_3, %dma_wait3A_146] : memref<1280x128xi32, #tpu.memory_space<hbm>> -> memref<40x128xi32, #tpu.memory_space<hbm>>
      %dma_wait3A_148 = arith.constant 0 : i32
      %dma_wait3A_149 = tpu.memref_slice %arg4[%add3A_3, %dma_wait3A_148] : memref<1280x128xi32, #tpu.memory_space<hbm>> -> memref<40x128xi32, #tpu.memory_space<hbm>>
      tpu.wait_dma2 semaphore(%run_scoped3A : memref<!tpu.dma_semaphore, #tpu.memory_space<semaphore_mem>>) src(%dma_wait3A_149 : memref<40x128xi32, #tpu.memory_space<hbm>>) dst(%arg10 : memref<40x128xi32, #tpu.memory_space<vmem>>)
      tpu.yield
    }) : () -> ()
    %dma_start3A = arith.constant 0 : i32
    %dma_start3A_4 = arith.constant 0 : i32
    %dma_start3A_5 = arith.constant 0 : i32
    %dma_start3A_6 = arith.constant 0 : i32
    %dma_start3A_7 = tpu.memref_slice %arg11[%dma_start3A_4, %dma_start3A_5, %dma_start3A_6] : memref<2x128x128xf32, #tpu.memory_space<vmem>> -> memref<1x128x128xf32, #tpu.memory_space<vmem>>
    %dma_start3A_8 = tpu.memref_squeeze %dma_start3A_7 : memref<1x128x128xf32, #tpu.memory_space<vmem>> -> memref<128x128xf32, #tpu.memory_space<vmem>>
    %dma_start3A_9 = arith.constant 0 : i32
    %dma_start3A_10 = tpu.memref_slice %arg9[%dma_start3A, %dma_start3A_9] : memref<40x128xi32, #tpu.memory_space<vmem>> -> memref<1x128xi32, #tpu.memory_space<vmem>>
    %dma_start3A_11 = tpu.memref_squeeze %dma_start3A_10 : memref<1x128xi32, #tpu.memory_space<vmem>> -> memref<128xi32, #tpu.memory_space<vmem>>
    %dma_start3A_12 = arith.constant 0 : i32
    %dma_start3A_13 = arith.constant 0 : i32
    %dma_start3A_14 = tpu.memref_slice %arg2[%arg0, %dma_start3A_12, %dma_start3A_13] : memref<2x10240x128xf32, #tpu.memory_space<hbm>> -> memref<1x10240x128xf32, #tpu.memory_space<hbm>>
    %dma_start3A_15 = tpu.memref_squeeze %dma_start3A_14 : memref<1x10240x128xf32, #tpu.memory_space<hbm>> -> memref<10240x128xf32, #tpu.memory_space<hbm>>
    %dma_start3A_16 = arith.constant 0 : i32
    %dma_start3A_17 = arith.constant 0 : i32
    %dma_start3A_18 = tpu.memref_slice %dma_start3A_15[%dma_start3A_16, %dma_start3A_17] : memref<10240x128xf32, #tpu.memory_space<hbm>> -> memref<10240x128xf32, #tpu.memory_space<hbm>>
    tpu.enqueue_indirect_dma source(%dma_start3A_18 : memref<10240x128xf32, #tpu.memory_space<hbm>>) target(%dma_start3A_8 : memref<128x128xf32, #tpu.memory_space<vmem>>) offsets(%dma_start3A_11 : memref<128xi32, #tpu.memory_space<vmem>>) semaphore(%arg14 : memref<!tpu.dma_semaphore, #tpu.memory_space<semaphore_mem>>)
    %dma_start3A_19 = arith.constant 1 : i32
    %dma_start3A_20 = arith.constant 1 : i32
    %dma_start3A_21 = arith.constant 0 : i32
    %dma_start3A_22 = arith.constant 0 : i32
    %dma_start3A_23 = tpu.memref_slice %arg11[%dma_start3A_20, %dma_start3A_21, %dma_start3A_22] : memref<2x128x128xf32, #tpu.memory_space<vmem>> -> memref<1x128x128xf32, #tpu.memory_space<vmem>>
    %dma_start3A_24 = tpu.memref_squeeze %dma_start3A_23 : memref<1x128x128xf32, #tpu.memory_space<vmem>> -> memref<128x128xf32, #tpu.memory_space<vmem>>
    %dma_start3A_25 = arith.constant 0 : i32
    %dma_start3A_26 = tpu.memref_slice %arg9[%dma_start3A_19, %dma_start3A_25] : memref<40x128xi32, #tpu.memory_space<vmem>> -> memref<1x128xi32, #tpu.memory_space<vmem>>
    %dma_start3A_27 = tpu.memref_squeeze %dma_start3A_26 : memref<1x128xi32, #tpu.memory_space<vmem>> -> memref<128xi32, #tpu.memory_space<vmem>>
    %dma_start3A_28 = arith.constant 0 : i32
    %dma_start3A_29 = arith.constant 0 : i32
    %dma_start3A_30 = tpu.memref_slice %arg2[%arg0, %dma_start3A_28, %dma_start3A_29] : memref<2x10240x128xf32, #tpu.memory_space<hbm>> -> memref<1x10240x128xf32, #tpu.memory_space<hbm>>
    %dma_start3A_31 = tpu.memref_squeeze %dma_start3A_30 : memref<1x10240x128xf32, #tpu.memory_space<hbm>> -> memref<10240x128xf32, #tpu.memory_space<hbm>>
    %dma_start3A_32 = arith.constant 0 : i32
    %dma_start3A_33 = arith.constant 0 : i32
    %dma_start3A_34 = tpu.memref_slice %dma_start3A_31[%dma_start3A_32, %dma_start3A_33] : memref<10240x128xf32, #tpu.memory_space<hbm>> -> memref<10240x128xf32, #tpu.memory_space<hbm>>
    tpu.enqueue_indirect_dma source(%dma_start3A_34 : memref<10240x128xf32, #tpu.memory_space<hbm>>) target(%dma_start3A_24 : memref<128x128xf32, #tpu.memory_space<vmem>>) offsets(%dma_start3A_27 : memref<128xi32, #tpu.memory_space<vmem>>) semaphore(%arg15 : memref<!tpu.dma_semaphore, #tpu.memory_space<semaphore_mem>>)
    %scan3A = arith.constant 0 : i32
    %scan3A_35 = arith.constant 0 : i32
    %scan3A_36 = arith.constant 20 : i32
    %scan3A_37 = arith.addi %scan3A_35, %scan3A_36 : i32
    %scan3A_38 = arith.constant 1 : i32
    scf.for %scan3A_142 = %scan3A_35 to %scan3A_37 step %scan3A_38  : i32 {
      %mul3A_143 = arith.constant 2 : i32
      %mul3A_144 = arith.muli %scan3A_142, %mul3A_143 : i32
      %dma_wait3A_145 = arith.constant 0 : i32
      %dma_wait3A_146 = arith.constant 0 : i32
      %dma_wait3A_147 = arith.constant 0 : i32
      %dma_wait3A_148 = tpu.memref_slice %arg11[%dma_wait3A_145, %dma_wait3A_146, %dma_wait3A_147] : memref<2x128x128xf32, #tpu.memory_space<vmem>> -> memref<1x128x128xf32, #tpu.memory_space<vmem>>
      %dma_wait3A_149 = tpu.memref_squeeze %dma_wait3A_148 : memref<1x128x128xf32, #tpu.memory_space<vmem>> -> memref<128x128xf32, #tpu.memory_space<vmem>>
      %dma_wait3A_150 = arith.constant 0 : i32
      %dma_wait3A_151 = arith.constant 0 : i32
      %dma_wait3A_152 = tpu.memref_slice %arg5[%dma_wait3A_150, %dma_wait3A_151] : memref<10240x128xf32, #tpu.memory_space<hbm>> -> memref<128x128xf32, #tpu.memory_space<hbm>>
      %dma_wait3A_153 = arith.constant 0 : i32
      %dma_wait3A_154 = arith.constant 0 : i32
      %dma_wait3A_155 = tpu.memref_slice %arg11[%dma_wait3A_145, %dma_wait3A_153, %dma_wait3A_154] : memref<2x128x128xf32, #tpu.memory_space<vmem>> -> memref<1x128x128xf32, #tpu.memory_space<vmem>>
      %dma_wait3A_156 = tpu.memref_squeeze %dma_wait3A_155 : memref<1x128x128xf32, #tpu.memory_space<vmem>> -> memref<128x128xf32, #tpu.memory_space<vmem>>
      %dma_wait3A_157 = arith.constant 0 : i32
      %dma_wait3A_158 = arith.constant 0 : i32
      %dma_wait3A_159 = tpu.memref_slice %arg5[%dma_wait3A_157, %dma_wait3A_158] : memref<10240x128xf32, #tpu.memory_space<hbm>> -> memref<128x128xf32, #tpu.memory_space<hbm>>
      tpu.wait_dma2 semaphore(%arg14 : memref<!tpu.dma_semaphore, #tpu.memory_space<semaphore_mem>>) src(%dma_wait3A_159 : memref<128x128xf32, #tpu.memory_space<hbm>>) dst(%dma_wait3A_156 : memref<128x128xf32, #tpu.memory_space<vmem>>)
      %add3A_160 = arith.constant 0 : i32
      %add3A_161 = arith.addi %mul3A_144, %add3A_160 : i32
      %dma_start3A_162 = arith.constant 0 : i32
      %dma_start3A_163 = arith.constant 0 : i32
      %dma_start3A_164 = arith.constant 0 : i32
      %dma_start3A_165 = tpu.memref_slice %arg11[%dma_start3A_162, %dma_start3A_163, %dma_start3A_164] : memref<2x128x128xf32, #tpu.memory_space<vmem>> -> memref<1x128x128xf32, #tpu.memory_space<vmem>>
      %dma_start3A_166 = tpu.memref_squeeze %dma_start3A_165 : memref<1x128x128xf32, #tpu.memory_space<vmem>> -> memref<128x128xf32, #tpu.memory_space<vmem>>
      %dma_start3A_167 = arith.constant 0 : i32
      %dma_start3A_168 = tpu.memref_slice %arg10[%add3A_161, %dma_start3A_167] : memref<40x128xi32, #tpu.memory_space<vmem>> -> memref<1x128xi32, #tpu.memory_space<vmem>>
      %dma_start3A_169 = tpu.memref_squeeze %dma_start3A_168 : memref<1x128xi32, #tpu.memory_space<vmem>> -> memref<128xi32, #tpu.memory_space<vmem>>
      %dma_start3A_170 = arith.constant 0 : i32
      %dma_start3A_171 = arith.constant 0 : i32
      %dma_start3A_172 = tpu.memref_slice %arg13[%dma_start3A_170, %dma_start3A_171] : memref<10240x128xf32, #tpu.memory_space<vmem_shared>> -> memref<10240x128xf32, #tpu.memory_space<vmem_shared>>
      tpu.enqueue_indirect_dma source(%dma_start3A_166 : memref<128x128xf32, #tpu.memory_space<vmem>>) target(%dma_start3A_172 : memref<10240x128xf32, #tpu.memory_space<vmem_shared>>) offsets(%dma_start3A_169 : memref<128xi32, #tpu.memory_space<vmem>>) semaphore(%arg14 : memref<!tpu.dma_semaphore, #tpu.memory_space<semaphore_mem>>) {add = true}
      %dma_wait3A_173 = arith.constant 1 : i32
      %dma_wait3A_174 = arith.constant 0 : i32
      %dma_wait3A_175 = arith.constant 0 : i32
      %dma_wait3A_176 = tpu.memref_slice %arg11[%dma_wait3A_173, %dma_wait3A_174, %dma_wait3A_175] : memref<2x128x128xf32, #tpu.memory_space<vmem>> -> memref<1x128x128xf32, #tpu.memory_space<vmem>>
      %dma_wait3A_177 = tpu.memref_squeeze %dma_wait3A_176 : memref<1x128x128xf32, #tpu.memory_space<vmem>> -> memref<128x128xf32, #tpu.memory_space<vmem>>
      %dma_wait3A_178 = arith.constant 0 : i32
      %dma_wait3A_179 = arith.constant 0 : i32
      %dma_wait3A_180 = tpu.memref_slice %arg5[%dma_wait3A_178, %dma_wait3A_179] : memref<10240x128xf32, #tpu.memory_space<hbm>> -> memref<128x128xf32, #tpu.memory_space<hbm>>
      %dma_wait3A_181 = arith.constant 0 : i32
      %dma_wait3A_182 = arith.constant 0 : i32
      %dma_wait3A_183 = tpu.memref_slice %arg11[%dma_wait3A_173, %dma_wait3A_181, %dma_wait3A_182] : memref<2x128x128xf32, #tpu.memory_space<vmem>> -> memref<1x128x128xf32, #tpu.memory_space<vmem>>
      %dma_wait3A_184 = tpu.memref_squeeze %dma_wait3A_183 : memref<1x128x128xf32, #tpu.memory_space<vmem>> -> memref<128x128xf32, #tpu.memory_space<vmem>>
      %dma_wait3A_185 = arith.constant 0 : i32
      %dma_wait3A_186 = arith.constant 0 : i32
      %dma_wait3A_187 = tpu.memref_slice %arg5[%dma_wait3A_185, %dma_wait3A_186] : memref<10240x128xf32, #tpu.memory_space<hbm>> -> memref<128x128xf32, #tpu.memory_space<hbm>>
      tpu.wait_dma2 semaphore(%arg15 : memref<!tpu.dma_semaphore, #tpu.memory_space<semaphore_mem>>) src(%dma_wait3A_187 : memref<128x128xf32, #tpu.memory_space<hbm>>) dst(%dma_wait3A_184 : memref<128x128xf32, #tpu.memory_space<vmem>>)
      %add3A_188 = arith.constant 1 : i32
      %add3A_189 = arith.addi %mul3A_144, %add3A_188 : i32
      %dma_start3A_190 = arith.constant 1 : i32
      %dma_start3A_191 = arith.constant 0 : i32
      %dma_start3A_192 = arith.constant 0 : i32
      %dma_start3A_193 = tpu.memref_slice %arg11[%dma_start3A_190, %dma_start3A_191, %dma_start3A_192] : memref<2x128x128xf32, #tpu.memory_space<vmem>> -> memref<1x128x128xf32, #tpu.memory_space<vmem>>
      %dma_start3A_194 = tpu.memref_squeeze %dma_start3A_193 : memref<1x128x128xf32, #tpu.memory_space<vmem>> -> memref<128x128xf32, #tpu.memory_space<vmem>>
      %dma_start3A_195 = arith.constant 0 : i32
      %dma_start3A_196 = tpu.memref_slice %arg10[%add3A_189, %dma_start3A_195] : memref<40x128xi32, #tpu.memory_space<vmem>> -> memref<1x128xi32, #tpu.memory_space<vmem>>
      %dma_start3A_197 = tpu.memref_squeeze %dma_start3A_196 : memref<1x128xi32, #tpu.memory_space<vmem>> -> memref<128xi32, #tpu.memory_space<vmem>>
      %dma_start3A_198 = arith.constant 0 : i32
      %dma_start3A_199 = arith.constant 0 : i32
      %dma_start3A_200 = tpu.memref_slice %arg13[%dma_start3A_198, %dma_start3A_199] : memref<10240x128xf32, #tpu.memory_space<vmem_shared>> -> memref<10240x128xf32, #tpu.memory_space<vmem_shared>>
      tpu.enqueue_indirect_dma source(%dma_start3A_194 : memref<128x128xf32, #tpu.memory_space<vmem>>) target(%dma_start3A_200 : memref<10240x128xf32, #tpu.memory_space<vmem_shared>>) offsets(%dma_start3A_197 : memref<128xi32, #tpu.memory_space<vmem>>) semaphore(%arg15 : memref<!tpu.dma_semaphore, #tpu.memory_space<semaphore_mem>>) {add = true}
      %add3A_201 = arith.constant 2 : i32
      %add3A_202 = arith.addi %mul3A_144, %add3A_201 : i32
      %add3A_203 = arith.constant 0 : i32
      %add3A_204 = arith.addi %add3A_202, %add3A_203 : i32
      %lt3A = arith.constant 40 : i32
      %lt3A_205 = arith.cmpi slt, %add3A_204, %lt3A : i32
      %convert_element_type3A = arith.extui %lt3A_205 : i1 to i32
      %cond3A = arith.constant 0 : i32
      %cond3A_206 = arith.cmpi ne, %convert_element_type3A, %cond3A : i32
      scf.if %cond3A_206 {
        %dma_wait3A_216 = arith.constant 0 : i32
        %dma_wait3A_217 = arith.constant 0 : i32
        %dma_wait3A_218 = arith.constant 0 : i32
        %dma_wait3A_219 = tpu.memref_slice %arg11[%dma_wait3A_216, %dma_wait3A_217, %dma_wait3A_218] : memref<2x128x128xf32, #tpu.memory_space<vmem>> -> memref<1x128x128xf32, #tpu.memory_space<vmem>>
        %dma_wait3A_220 = tpu.memref_squeeze %dma_wait3A_219 : memref<1x128x128xf32, #tpu.memory_space<vmem>> -> memref<128x128xf32, #tpu.memory_space<vmem>>
        %dma_wait3A_221 = arith.constant 0 : i32
        %dma_wait3A_222 = arith.constant 0 : i32
        %dma_wait3A_223 = tpu.memref_slice %arg5[%dma_wait3A_221, %dma_wait3A_222] : memref<10240x128xf32, #tpu.memory_space<hbm>> -> memref<128x128xf32, #tpu.memory_space<hbm>>
        %dma_wait3A_224 = arith.constant 0 : i32
        %dma_wait3A_225 = arith.constant 0 : i32
        %dma_wait3A_226 = tpu.memref_slice %arg11[%dma_wait3A_216, %dma_wait3A_224, %dma_wait3A_225] : memref<2x128x128xf32, #tpu.memory_space<vmem>> -> memref<1x128x128xf32, #tpu.memory_space<vmem>>
        %dma_wait3A_227 = tpu.memref_squeeze %dma_wait3A_226 : memref<1x128x128xf32, #tpu.memory_space<vmem>> -> memref<128x128xf32, #tpu.memory_space<vmem>>
        %dma_wait3A_228 = arith.constant 0 : i32
        %dma_wait3A_229 = arith.constant 0 : i32
        %dma_wait3A_230 = tpu.memref_slice %arg5[%dma_wait3A_228, %dma_wait3A_229] : memref<10240x128xf32, #tpu.memory_space<hbm>> -> memref<128x128xf32, #tpu.memory_space<hbm>>
        tpu.wait_dma2 semaphore(%arg14 : memref<!tpu.dma_semaphore, #tpu.memory_space<semaphore_mem>>) src(%dma_wait3A_230 : memref<128x128xf32, #tpu.memory_space<hbm>>) dst(%dma_wait3A_227 : memref<128x128xf32, #tpu.memory_space<vmem>>)
        %dma_start3A_231 = arith.constant 0 : i32
        %dma_start3A_232 = arith.constant 0 : i32
        %dma_start3A_233 = arith.constant 0 : i32
        %dma_start3A_234 = tpu.memref_slice %arg11[%dma_start3A_231, %dma_start3A_232, %dma_start3A_233] : memref<2x128x128xf32, #tpu.memory_space<vmem>> -> memref<1x128x128xf32, #tpu.memory_space<vmem>>
        %dma_start3A_235 = tpu.memref_squeeze %dma_start3A_234 : memref<1x128x128xf32, #tpu.memory_space<vmem>> -> memref<128x128xf32, #tpu.memory_space<vmem>>
        %dma_start3A_236 = arith.constant 0 : i32
        %dma_start3A_237 = tpu.memref_slice %arg9[%add3A_204, %dma_start3A_236] : memref<40x128xi32, #tpu.memory_space<vmem>> -> memref<1x128xi32, #tpu.memory_space<vmem>>
        %dma_start3A_238 = tpu.memref_squeeze %dma_start3A_237 : memref<1x128xi32, #tpu.memory_space<vmem>> -> memref<128xi32, #tpu.memory_space<vmem>>
        %dma_start3A_239 = arith.constant 0 : i32
        %dma_start3A_240 = arith.constant 0 : i32
        %dma_start3A_241 = tpu.memref_slice %arg2[%arg0, %dma_start3A_239, %dma_start3A_240] : memref<2x10240x128xf32, #tpu.memory_space<hbm>> -> memref<1x10240x128xf32, #tpu.memory_space<hbm>>
        %dma_start3A_242 = tpu.memref_squeeze %dma_start3A_241 : memref<1x10240x128xf32, #tpu.memory_space<hbm>> -> memref<10240x128xf32, #tpu.memory_space<hbm>>
        %dma_start3A_243 = arith.constant 0 : i32
        %dma_start3A_244 = arith.constant 0 : i32
        %dma_start3A_245 = tpu.memref_slice %dma_start3A_242[%dma_start3A_243, %dma_start3A_244] : memref<10240x128xf32, #tpu.memory_space<hbm>> -> memref<10240x128xf32, #tpu.memory_space<hbm>>
        tpu.enqueue_indirect_dma source(%dma_start3A_245 : memref<10240x128xf32, #tpu.memory_space<hbm>>) target(%dma_start3A_235 : memref<128x128xf32, #tpu.memory_space<vmem>>) offsets(%dma_start3A_238 : memref<128xi32, #tpu.memory_space<vmem>>) semaphore(%arg14 : memref<!tpu.dma_semaphore, #tpu.memory_space<semaphore_mem>>)
      } else {
      }
      %add3A_207 = arith.constant 2 : i32
      %add3A_208 = arith.addi %mul3A_144, %add3A_207 : i32
      %add3A_209 = arith.constant 1 : i32
      %add3A_210 = arith.addi %add3A_208, %add3A_209 : i32
      %lt3A_211 = arith.constant 40 : i32
      %lt3A_212 = arith.cmpi slt, %add3A_210, %lt3A_211 : i32
      %convert_element_type3A_213 = arith.extui %lt3A_212 : i1 to i32
      %cond3A_214 = arith.constant 0 : i32
      %cond3A_215 = arith.cmpi ne, %convert_element_type3A_213, %cond3A_214 : i32
      scf.if %cond3A_215 {
        %dma_wait3A_216 = arith.constant 1 : i32
        %dma_wait3A_217 = arith.constant 0 : i32
        %dma_wait3A_218 = arith.constant 0 : i32
        %dma_wait3A_219 = tpu.memref_slice %arg11[%dma_wait3A_216, %dma_wait3A_217, %dma_wait3A_218] : memref<2x128x128xf32, #tpu.memory_space<vmem>> -> memref<1x128x128xf32, #tpu.memory_space<vmem>>
        %dma_wait3A_220 = tpu.memref_squeeze %dma_wait3A_219 : memref<1x128x128xf32, #tpu.memory_space<vmem>> -> memref<128x128xf32, #tpu.memory_space<vmem>>
        %dma_wait3A_221 = arith.constant 0 : i32
        %dma_wait3A_222 = arith.constant 0 : i32
        %dma_wait3A_223 = tpu.memref_slice %arg5[%dma_wait3A_221, %dma_wait3A_222] : memref<10240x128xf32, #tpu.memory_space<hbm>> -> memref<128x128xf32, #tpu.memory_space<hbm>>
        %dma_wait3A_224 = arith.constant 0 : i32
        %dma_wait3A_225 = arith.constant 0 : i32
        %dma_wait3A_226 = tpu.memref_slice %arg11[%dma_wait3A_216, %dma_wait3A_224, %dma_wait3A_225] : memref<2x128x128xf32, #tpu.memory_space<vmem>> -> memref<1x128x128xf32, #tpu.memory_space<vmem>>
        %dma_wait3A_227 = tpu.memref_squeeze %dma_wait3A_226 : memref<1x128x128xf32, #tpu.memory_space<vmem>> -> memref<128x128xf32, #tpu.memory_space<vmem>>
        %dma_wait3A_228 = arith.constant 0 : i32
        %dma_wait3A_229 = arith.constant 0 : i32
        %dma_wait3A_230 = tpu.memref_slice %arg5[%dma_wait3A_228, %dma_wait3A_229] : memref<10240x128xf32, #tpu.memory_space<hbm>> -> memref<128x128xf32, #tpu.memory_space<hbm>>
        tpu.wait_dma2 semaphore(%arg15 : memref<!tpu.dma_semaphore, #tpu.memory_space<semaphore_mem>>) src(%dma_wait3A_230 : memref<128x128xf32, #tpu.memory_space<hbm>>) dst(%dma_wait3A_227 : memref<128x128xf32, #tpu.memory_space<vmem>>)
        %dma_start3A_231 = arith.constant 1 : i32
        %dma_start3A_232 = arith.constant 0 : i32
        %dma_start3A_233 = arith.constant 0 : i32
        %dma_start3A_234 = tpu.memref_slice %arg11[%dma_start3A_231, %dma_start3A_232, %dma_start3A_233] : memref<2x128x128xf32, #tpu.memory_space<vmem>> -> memref<1x128x128xf32, #tpu.memory_space<vmem>>
        %dma_start3A_235 = tpu.memref_squeeze %dma_start3A_234 : memref<1x128x128xf32, #tpu.memory_space<vmem>> -> memref<128x128xf32, #tpu.memory_space<vmem>>
        %dma_start3A_236 = arith.constant 0 : i32
        %dma_start3A_237 = tpu.memref_slice %arg9[%add3A_210, %dma_start3A_236] : memref<40x128xi32, #tpu.memory_space<vmem>> -> memref<1x128xi32, #tpu.memory_space<vmem>>
        %dma_start3A_238 = tpu.memref_squeeze %dma_start3A_237 : memref<1x128xi32, #tpu.memory_space<vmem>> -> memref<128xi32, #tpu.memory_space<vmem>>
        %dma_start3A_239 = arith.constant 0 : i32
        %dma_start3A_240 = arith.constant 0 : i32
        %dma_start3A_241 = tpu.memref_slice %arg2[%arg0, %dma_start3A_239, %dma_start3A_240] : memref<2x10240x128xf32, #tpu.memory_space<hbm>> -> memref<1x10240x128xf32, #tpu.memory_space<hbm>>
        %dma_start3A_242 = tpu.memref_squeeze %dma_start3A_241 : memref<1x10240x128xf32, #tpu.memory_space<hbm>> -> memref<10240x128xf32, #tpu.memory_space<hbm>>
        %dma_start3A_243 = arith.constant 0 : i32
        %dma_start3A_244 = arith.constant 0 : i32
        %dma_start3A_245 = tpu.memref_slice %dma_start3A_242[%dma_start3A_243, %dma_start3A_244] : memref<10240x128xf32, #tpu.memory_space<hbm>> -> memref<10240x128xf32, #tpu.memory_space<hbm>>
        tpu.enqueue_indirect_dma source(%dma_start3A_245 : memref<10240x128xf32, #tpu.memory_space<hbm>>) target(%dma_start3A_235 : memref<128x128xf32, #tpu.memory_space<vmem>>) offsets(%dma_start3A_238 : memref<128xi32, #tpu.memory_space<vmem>>) semaphore(%arg15 : memref<!tpu.dma_semaphore, #tpu.memory_space<semaphore_mem>>)
      } else {
      }
    }
    %scan3A_39 = arith.constant 20 : i32
    %dma_wait3A = arith.constant 0 : i32
    %dma_wait3A_40 = arith.constant 0 : i32
    %dma_wait3A_41 = arith.constant 0 : i32
    %dma_wait3A_42 = tpu.memref_slice %arg11[%dma_wait3A, %dma_wait3A_40, %dma_wait3A_41] : memref<2x128x128xf32, #tpu.memory_space<vmem>> -> memref<1x128x128xf32, #tpu.memory_space<vmem>>
    %dma_wait3A_43 = tpu.memref_squeeze %dma_wait3A_42 : memref<1x128x128xf32, #tpu.memory_space<vmem>> -> memref<128x128xf32, #tpu.memory_space<vmem>>
    %dma_wait3A_44 = arith.constant 0 : i32
    %dma_wait3A_45 = arith.constant 0 : i32
    %dma_wait3A_46 = tpu.memref_slice %arg5[%dma_wait3A_44, %dma_wait3A_45] : memref<10240x128xf32, #tpu.memory_space<hbm>> -> memref<128x128xf32, #tpu.memory_space<hbm>>
    %dma_wait3A_47 = arith.constant 0 : i32
    %dma_wait3A_48 = arith.constant 0 : i32
    %dma_wait3A_49 = tpu.memref_slice %arg11[%dma_wait3A, %dma_wait3A_47, %dma_wait3A_48] : memref<2x128x128xf32, #tpu.memory_space<vmem>> -> memref<1x128x128xf32, #tpu.memory_space<vmem>>
    %dma_wait3A_50 = tpu.memref_squeeze %dma_wait3A_49 : memref<1x128x128xf32, #tpu.memory_space<vmem>> -> memref<128x128xf32, #tpu.memory_space<vmem>>
    %dma_wait3A_51 = arith.constant 0 : i32
    %dma_wait3A_52 = arith.constant 0 : i32
    %dma_wait3A_53 = tpu.memref_slice %arg5[%dma_wait3A_51, %dma_wait3A_52] : memref<10240x128xf32, #tpu.memory_space<hbm>> -> memref<128x128xf32, #tpu.memory_space<hbm>>
    tpu.wait_dma2 semaphore(%arg14 : memref<!tpu.dma_semaphore, #tpu.memory_space<semaphore_mem>>) src(%dma_wait3A_53 : memref<128x128xf32, #tpu.memory_space<hbm>>) dst(%dma_wait3A_50 : memref<128x128xf32, #tpu.memory_space<vmem>>)
    %dma_wait3A_54 = arith.constant 1 : i32
    %dma_wait3A_55 = arith.constant 0 : i32
    %dma_wait3A_56 = arith.constant 0 : i32
    %dma_wait3A_57 = tpu.memref_slice %arg11[%dma_wait3A_54, %dma_wait3A_55, %dma_wait3A_56] : memref<2x128x128xf32, #tpu.memory_space<vmem>> -> memref<1x128x128xf32, #tpu.memory_space<vmem>>
    %dma_wait3A_58 = tpu.memref_squeeze %dma_wait3A_57 : memref<1x128x128xf32, #tpu.memory_space<vmem>> -> memref<128x128xf32, #tpu.memory_space<vmem>>
    %dma_wait3A_59 = arith.constant 0 : i32
    %dma_wait3A_60 = arith.constant 0 : i32
    %dma_wait3A_61 = tpu.memref_slice %arg5[%dma_wait3A_59, %dma_wait3A_60] : memref<10240x128xf32, #tpu.memory_space<hbm>> -> memref<128x128xf32, #tpu.memory_space<hbm>>
    %dma_wait3A_62 = arith.constant 0 : i32
    %dma_wait3A_63 = arith.constant 0 : i32
    %dma_wait3A_64 = tpu.memref_slice %arg11[%dma_wait3A_54, %dma_wait3A_62, %dma_wait3A_63] : memref<2x128x128xf32, #tpu.memory_space<vmem>> -> memref<1x128x128xf32, #tpu.memory_space<vmem>>
    %dma_wait3A_65 = tpu.memref_squeeze %dma_wait3A_64 : memref<1x128x128xf32, #tpu.memory_space<vmem>> -> memref<128x128xf32, #tpu.memory_space<vmem>>
    %dma_wait3A_66 = arith.constant 0 : i32
    %dma_wait3A_67 = arith.constant 0 : i32
    %dma_wait3A_68 = tpu.memref_slice %arg5[%dma_wait3A_66, %dma_wait3A_67] : memref<10240x128xf32, #tpu.memory_space<hbm>> -> memref<128x128xf32, #tpu.memory_space<hbm>>
    tpu.wait_dma2 semaphore(%arg15 : memref<!tpu.dma_semaphore, #tpu.memory_space<semaphore_mem>>) src(%dma_wait3A_68 : memref<128x128xf32, #tpu.memory_space<hbm>>) dst(%dma_wait3A_65 : memref<128x128xf32, #tpu.memory_space<vmem>>)
    %mul3A_69 = arith.constant 80 : i32
    %mul3A_70 = arith.muli %arg1, %mul3A_69 : i32
    %add3A_71 = arith.constant 40 : i32
    %add3A_72 = arith.addi %mul3A_70, %add3A_71 : i32
    "tpu.region"() ({
      %run_scoped3A = tpu.sem_alloc : memref<!tpu.dma_semaphore, #tpu.memory_space<semaphore_mem>>
      %dma_start3A_142 = arith.constant 0 : i32
      %dma_start3A_143 = tpu.memref_slice %arg3[%add3A_72, %dma_start3A_142] : memref<1280x128xi32, #tpu.memory_space<hbm>> -> memref<40x128xi32, #tpu.memory_space<hbm>>
      %dma_start3A_144 = arith.constant 0 : i32
      %dma_start3A_145 = tpu.memref_slice %arg3[%add3A_72, %dma_start3A_144] : memref<1280x128xi32, #tpu.memory_space<hbm>> -> memref<40x128xi32, #tpu.memory_space<hbm>>
      tpu.enqueue_dma source(%dma_start3A_145 : memref<40x128xi32, #tpu.memory_space<hbm>>) target(%arg9 : memref<40x128xi32, #tpu.memory_space<vmem>>) target_semaphore(%run_scoped3A : memref<!tpu.dma_semaphore, #tpu.memory_space<semaphore_mem>>)
      %dma_wait3A_146 = arith.constant 0 : i32
      %dma_wait3A_147 = tpu.memref_slice %arg3[%add3A_72, %dma_wait3A_146] : memref<1280x128xi32, #tpu.memory_space<hbm>> -> memref<40x128xi32, #tpu.memory_space<hbm>>
      %dma_wait3A_148 = arith.constant 0 : i32
      %dma_wait3A_149 = tpu.memref_slice %arg3[%add3A_72, %dma_wait3A_148] : memref<1280x128xi32, #tpu.memory_space<hbm>> -> memref<40x128xi32, #tpu.memory_space<hbm>>
      tpu.wait_dma2 semaphore(%run_scoped3A : memref<!tpu.dma_semaphore, #tpu.memory_space<semaphore_mem>>) src(%dma_wait3A_149 : memref<40x128xi32, #tpu.memory_space<hbm>>) dst(%arg9 : memref<40x128xi32, #tpu.memory_space<vmem>>)
      tpu.yield
    }) : () -> ()
    "tpu.region"() ({
      %run_scoped3A = tpu.sem_alloc : memref<!tpu.dma_semaphore, #tpu.memory_space<semaphore_mem>>
      %dma_start3A_142 = arith.constant 0 : i32
      %dma_start3A_143 = tpu.memref_slice %arg4[%add3A_72, %dma_start3A_142] : memref<1280x128xi32, #tpu.memory_space<hbm>> -> memref<40x128xi32, #tpu.memory_space<hbm>>
      %dma_start3A_144 = arith.constant 0 : i32
      %dma_start3A_145 = tpu.memref_slice %arg4[%add3A_72, %dma_start3A_144] : memref<1280x128xi32, #tpu.memory_space<hbm>> -> memref<40x128xi32, #tpu.memory_space<hbm>>
      tpu.enqueue_dma source(%dma_start3A_145 : memref<40x128xi32, #tpu.memory_space<hbm>>) target(%arg10 : memref<40x128xi32, #tpu.memory_space<vmem>>) target_semaphore(%run_scoped3A : memref<!tpu.dma_semaphore, #tpu.memory_space<semaphore_mem>>)
      %dma_wait3A_146 = arith.constant 0 : i32
      %dma_wait3A_147 = tpu.memref_slice %arg4[%add3A_72, %dma_wait3A_146] : memref<1280x128xi32, #tpu.memory_space<hbm>> -> memref<40x128xi32, #tpu.memory_space<hbm>>
      %dma_wait3A_148 = arith.constant 0 : i32
      %dma_wait3A_149 = tpu.memref_slice %arg4[%add3A_72, %dma_wait3A_148] : memref<1280x128xi32, #tpu.memory_space<hbm>> -> memref<40x128xi32, #tpu.memory_space<hbm>>
      tpu.wait_dma2 semaphore(%run_scoped3A : memref<!tpu.dma_semaphore, #tpu.memory_space<semaphore_mem>>) src(%dma_wait3A_149 : memref<40x128xi32, #tpu.memory_space<hbm>>) dst(%arg10 : memref<40x128xi32, #tpu.memory_space<vmem>>)
      tpu.yield
    }) : () -> ()
    %dma_start3A_73 = arith.constant 0 : i32
    %dma_start3A_74 = arith.constant 0 : i32
    %dma_start3A_75 = arith.constant 0 : i32
    %dma_start3A_76 = arith.constant 0 : i32
    %dma_start3A_77 = tpu.memref_slice %arg11[%dma_start3A_74, %dma_start3A_75, %dma_start3A_76] : memref<2x128x128xf32, #tpu.memory_space<vmem>> -> memref<1x128x128xf32, #tpu.memory_space<vmem>>
    %dma_start3A_78 = tpu.memref_squeeze %dma_start3A_77 : memref<1x128x128xf32, #tpu.memory_space<vmem>> -> memref<128x128xf32, #tpu.memory_space<vmem>>
    %dma_start3A_79 = arith.constant 0 : i32
    %dma_start3A_80 = tpu.memref_slice %arg9[%dma_start3A_73, %dma_start3A_79] : memref<40x128xi32, #tpu.memory_space<vmem>> -> memref<1x128xi32, #tpu.memory_space<vmem>>
    %dma_start3A_81 = tpu.memref_squeeze %dma_start3A_80 : memref<1x128xi32, #tpu.memory_space<vmem>> -> memref<128xi32, #tpu.memory_space<vmem>>
    %dma_start3A_82 = arith.constant 0 : i32
    %dma_start3A_83 = arith.constant 0 : i32
    %dma_start3A_84 = tpu.memref_slice %arg2[%arg0, %dma_start3A_82, %dma_start3A_83] : memref<2x10240x128xf32, #tpu.memory_space<hbm>> -> memref<1x10240x128xf32, #tpu.memory_space<hbm>>
    %dma_start3A_85 = tpu.memref_squeeze %dma_start3A_84 : memref<1x10240x128xf32, #tpu.memory_space<hbm>> -> memref<10240x128xf32, #tpu.memory_space<hbm>>
    %dma_start3A_86 = arith.constant 0 : i32
    %dma_start3A_87 = arith.constant 0 : i32
    %dma_start3A_88 = tpu.memref_slice %dma_start3A_85[%dma_start3A_86, %dma_start3A_87] : memref<10240x128xf32, #tpu.memory_space<hbm>> -> memref<10240x128xf32, #tpu.memory_space<hbm>>
    tpu.enqueue_indirect_dma source(%dma_start3A_88 : memref<10240x128xf32, #tpu.memory_space<hbm>>) target(%dma_start3A_78 : memref<128x128xf32, #tpu.memory_space<vmem>>) offsets(%dma_start3A_81 : memref<128xi32, #tpu.memory_space<vmem>>) semaphore(%arg14 : memref<!tpu.dma_semaphore, #tpu.memory_space<semaphore_mem>>)
    %dma_start3A_89 = arith.constant 1 : i32
    %dma_start3A_90 = arith.constant 1 : i32
    %dma_start3A_91 = arith.constant 0 : i32
    %dma_start3A_92 = arith.constant 0 : i32
    %dma_start3A_93 = tpu.memref_slice %arg11[%dma_start3A_90, %dma_start3A_91, %dma_start3A_92] : memref<2x128x128xf32, #tpu.memory_space<vmem>> -> memref<1x128x128xf32, #tpu.memory_space<vmem>>
    %dma_start3A_94 = tpu.memref_squeeze %dma_start3A_93 : memref<1x128x128xf32, #tpu.memory_space<vmem>> -> memref<128x128xf32, #tpu.memory_space<vmem>>
    %dma_start3A_95 = arith.constant 0 : i32
    %dma_start3A_96 = tpu.memref_slice %arg9[%dma_start3A_89, %dma_start3A_95] : memref<40x128xi32, #tpu.memory_space<vmem>> -> memref<1x128xi32, #tpu.memory_space<vmem>>
    %dma_start3A_97 = tpu.memref_squeeze %dma_start3A_96 : memref<1x128xi32, #tpu.memory_space<vmem>> -> memref<128xi32, #tpu.memory_space<vmem>>
    %dma_start3A_98 = arith.constant 0 : i32
    %dma_start3A_99 = arith.constant 0 : i32
    %dma_start3A_100 = tpu.memref_slice %arg2[%arg0, %dma_start3A_98, %dma_start3A_99] : memref<2x10240x128xf32, #tpu.memory_space<hbm>> -> memref<1x10240x128xf32, #tpu.memory_space<hbm>>
    %dma_start3A_101 = tpu.memref_squeeze %dma_start3A_100 : memref<1x10240x128xf32, #tpu.memory_space<hbm>> -> memref<10240x128xf32, #tpu.memory_space<hbm>>
    %dma_start3A_102 = arith.constant 0 : i32
    %dma_start3A_103 = arith.constant 0 : i32
    %dma_start3A_104 = tpu.memref_slice %dma_start3A_101[%dma_start3A_102, %dma_start3A_103] : memref<10240x128xf32, #tpu.memory_space<hbm>> -> memref<10240x128xf32, #tpu.memory_space<hbm>>
    tpu.enqueue_indirect_dma source(%dma_start3A_104 : memref<10240x128xf32, #tpu.memory_space<hbm>>) target(%dma_start3A_94 : memref<128x128xf32, #tpu.memory_space<vmem>>) offsets(%dma_start3A_97 : memref<128xi32, #tpu.memory_space<vmem>>) semaphore(%arg15 : memref<!tpu.dma_semaphore, #tpu.memory_space<semaphore_mem>>)
    %scan3A_105 = arith.constant 0 : i32
    %scan3A_106 = arith.constant 0 : i32
    %scan3A_107 = arith.constant 20 : i32
    %scan3A_108 = arith.addi %scan3A_106, %scan3A_107 : i32
    %scan3A_109 = arith.constant 1 : i32
    scf.for %scan3A_142 = %scan3A_106 to %scan3A_108 step %scan3A_109  : i32 {
      %mul3A_143 = arith.constant 2 : i32
      %mul3A_144 = arith.muli %scan3A_142, %mul3A_143 : i32
      %dma_wait3A_145 = arith.constant 0 : i32
      %dma_wait3A_146 = arith.constant 0 : i32
      %dma_wait3A_147 = arith.constant 0 : i32
      %dma_wait3A_148 = tpu.memref_slice %arg11[%dma_wait3A_145, %dma_wait3A_146, %dma_wait3A_147] : memref<2x128x128xf32, #tpu.memory_space<vmem>> -> memref<1x128x128xf32, #tpu.memory_space<vmem>>
      %dma_wait3A_149 = tpu.memref_squeeze %dma_wait3A_148 : memref<1x128x128xf32, #tpu.memory_space<vmem>> -> memref<128x128xf32, #tpu.memory_space<vmem>>
      %dma_wait3A_150 = arith.constant 0 : i32
      %dma_wait3A_151 = arith.constant 0 : i32
      %dma_wait3A_152 = tpu.memref_slice %arg5[%dma_wait3A_150, %dma_wait3A_151] : memref<10240x128xf32, #tpu.memory_space<hbm>> -> memref<128x128xf32, #tpu.memory_space<hbm>>
      %dma_wait3A_153 = arith.constant 0 : i32
      %dma_wait3A_154 = arith.constant 0 : i32
      %dma_wait3A_155 = tpu.memref_slice %arg11[%dma_wait3A_145, %dma_wait3A_153, %dma_wait3A_154] : memref<2x128x128xf32, #tpu.memory_space<vmem>> -> memref<1x128x128xf32, #tpu.memory_space<vmem>>
      %dma_wait3A_156 = tpu.memref_squeeze %dma_wait3A_155 : memref<1x128x128xf32, #tpu.memory_space<vmem>> -> memref<128x128xf32, #tpu.memory_space<vmem>>
      %dma_wait3A_157 = arith.constant 0 : i32
      %dma_wait3A_158 = arith.constant 0 : i32
      %dma_wait3A_159 = tpu.memref_slice %arg5[%dma_wait3A_157, %dma_wait3A_158] : memref<10240x128xf32, #tpu.memory_space<hbm>> -> memref<128x128xf32, #tpu.memory_space<hbm>>
      tpu.wait_dma2 semaphore(%arg14 : memref<!tpu.dma_semaphore, #tpu.memory_space<semaphore_mem>>) src(%dma_wait3A_159 : memref<128x128xf32, #tpu.memory_space<hbm>>) dst(%dma_wait3A_156 : memref<128x128xf32, #tpu.memory_space<vmem>>)
      %add3A_160 = arith.constant 0 : i32
      %add3A_161 = arith.addi %mul3A_144, %add3A_160 : i32
      %dma_start3A_162 = arith.constant 0 : i32
      %dma_start3A_163 = arith.constant 0 : i32
      %dma_start3A_164 = arith.constant 0 : i32
      %dma_start3A_165 = tpu.memref_slice %arg11[%dma_start3A_162, %dma_start3A_163, %dma_start3A_164] : memref<2x128x128xf32, #tpu.memory_space<vmem>> -> memref<1x128x128xf32, #tpu.memory_space<vmem>>
      %dma_start3A_166 = tpu.memref_squeeze %dma_start3A_165 : memref<1x128x128xf32, #tpu.memory_space<vmem>> -> memref<128x128xf32, #tpu.memory_space<vmem>>
      %dma_start3A_167 = arith.constant 0 : i32
      %dma_start3A_168 = tpu.memref_slice %arg10[%add3A_161, %dma_start3A_167] : memref<40x128xi32, #tpu.memory_space<vmem>> -> memref<1x128xi32, #tpu.memory_space<vmem>>
      %dma_start3A_169 = tpu.memref_squeeze %dma_start3A_168 : memref<1x128xi32, #tpu.memory_space<vmem>> -> memref<128xi32, #tpu.memory_space<vmem>>
      %dma_start3A_170 = arith.constant 0 : i32
      %dma_start3A_171 = arith.constant 0 : i32
      %dma_start3A_172 = tpu.memref_slice %arg13[%dma_start3A_170, %dma_start3A_171] : memref<10240x128xf32, #tpu.memory_space<vmem_shared>> -> memref<10240x128xf32, #tpu.memory_space<vmem_shared>>
      tpu.enqueue_indirect_dma source(%dma_start3A_166 : memref<128x128xf32, #tpu.memory_space<vmem>>) target(%dma_start3A_172 : memref<10240x128xf32, #tpu.memory_space<vmem_shared>>) offsets(%dma_start3A_169 : memref<128xi32, #tpu.memory_space<vmem>>) semaphore(%arg14 : memref<!tpu.dma_semaphore, #tpu.memory_space<semaphore_mem>>) {add = true}
      %dma_wait3A_173 = arith.constant 1 : i32
      %dma_wait3A_174 = arith.constant 0 : i32
      %dma_wait3A_175 = arith.constant 0 : i32
      %dma_wait3A_176 = tpu.memref_slice %arg11[%dma_wait3A_173, %dma_wait3A_174, %dma_wait3A_175] : memref<2x128x128xf32, #tpu.memory_space<vmem>> -> memref<1x128x128xf32, #tpu.memory_space<vmem>>
      %dma_wait3A_177 = tpu.memref_squeeze %dma_wait3A_176 : memref<1x128x128xf32, #tpu.memory_space<vmem>> -> memref<128x128xf32, #tpu.memory_space<vmem>>
      %dma_wait3A_178 = arith.constant 0 : i32
      %dma_wait3A_179 = arith.constant 0 : i32
      %dma_wait3A_180 = tpu.memref_slice %arg5[%dma_wait3A_178, %dma_wait3A_179] : memref<10240x128xf32, #tpu.memory_space<hbm>> -> memref<128x128xf32, #tpu.memory_space<hbm>>
      %dma_wait3A_181 = arith.constant 0 : i32
      %dma_wait3A_182 = arith.constant 0 : i32
      %dma_wait3A_183 = tpu.memref_slice %arg11[%dma_wait3A_173, %dma_wait3A_181, %dma_wait3A_182] : memref<2x128x128xf32, #tpu.memory_space<vmem>> -> memref<1x128x128xf32, #tpu.memory_space<vmem>>
      %dma_wait3A_184 = tpu.memref_squeeze %dma_wait3A_183 : memref<1x128x128xf32, #tpu.memory_space<vmem>> -> memref<128x128xf32, #tpu.memory_space<vmem>>
      %dma_wait3A_185 = arith.constant 0 : i32
      %dma_wait3A_186 = arith.constant 0 : i32
      %dma_wait3A_187 = tpu.memref_slice %arg5[%dma_wait3A_185, %dma_wait3A_186] : memref<10240x128xf32, #tpu.memory_space<hbm>> -> memref<128x128xf32, #tpu.memory_space<hbm>>
      tpu.wait_dma2 semaphore(%arg15 : memref<!tpu.dma_semaphore, #tpu.memory_space<semaphore_mem>>) src(%dma_wait3A_187 : memref<128x128xf32, #tpu.memory_space<hbm>>) dst(%dma_wait3A_184 : memref<128x128xf32, #tpu.memory_space<vmem>>)
      %add3A_188 = arith.constant 1 : i32
      %add3A_189 = arith.addi %mul3A_144, %add3A_188 : i32
      %dma_start3A_190 = arith.constant 1 : i32
      %dma_start3A_191 = arith.constant 0 : i32
      %dma_start3A_192 = arith.constant 0 : i32
      %dma_start3A_193 = tpu.memref_slice %arg11[%dma_start3A_190, %dma_start3A_191, %dma_start3A_192] : memref<2x128x128xf32, #tpu.memory_space<vmem>> -> memref<1x128x128xf32, #tpu.memory_space<vmem>>
      %dma_start3A_194 = tpu.memref_squeeze %dma_start3A_193 : memref<1x128x128xf32, #tpu.memory_space<vmem>> -> memref<128x128xf32, #tpu.memory_space<vmem>>
      %dma_start3A_195 = arith.constant 0 : i32
      %dma_start3A_196 = tpu.memref_slice %arg10[%add3A_189, %dma_start3A_195] : memref<40x128xi32, #tpu.memory_space<vmem>> -> memref<1x128xi32, #tpu.memory_space<vmem>>
      %dma_start3A_197 = tpu.memref_squeeze %dma_start3A_196 : memref<1x128xi32, #tpu.memory_space<vmem>> -> memref<128xi32, #tpu.memory_space<vmem>>
      %dma_start3A_198 = arith.constant 0 : i32
      %dma_start3A_199 = arith.constant 0 : i32
      %dma_start3A_200 = tpu.memref_slice %arg13[%dma_start3A_198, %dma_start3A_199] : memref<10240x128xf32, #tpu.memory_space<vmem_shared>> -> memref<10240x128xf32, #tpu.memory_space<vmem_shared>>
      tpu.enqueue_indirect_dma source(%dma_start3A_194 : memref<128x128xf32, #tpu.memory_space<vmem>>) target(%dma_start3A_200 : memref<10240x128xf32, #tpu.memory_space<vmem_shared>>) offsets(%dma_start3A_197 : memref<128xi32, #tpu.memory_space<vmem>>) semaphore(%arg15 : memref<!tpu.dma_semaphore, #tpu.memory_space<semaphore_mem>>) {add = true}
      %add3A_201 = arith.constant 2 : i32
      %add3A_202 = arith.addi %mul3A_144, %add3A_201 : i32
      %add3A_203 = arith.constant 0 : i32
      %add3A_204 = arith.addi %add3A_202, %add3A_203 : i32
      %lt3A = arith.constant 40 : i32
      %lt3A_205 = arith.cmpi slt, %add3A_204, %lt3A : i32
      %convert_element_type3A = arith.extui %lt3A_205 : i1 to i32
      %cond3A = arith.constant 0 : i32
      %cond3A_206 = arith.cmpi ne, %convert_element_type3A, %cond3A : i32
      scf.if %cond3A_206 {
        %dma_wait3A_216 = arith.constant 0 : i32
        %dma_wait3A_217 = arith.constant 0 : i32
        %dma_wait3A_218 = arith.constant 0 : i32
        %dma_wait3A_219 = tpu.memref_slice %arg11[%dma_wait3A_216, %dma_wait3A_217, %dma_wait3A_218] : memref<2x128x128xf32, #tpu.memory_space<vmem>> -> memref<1x128x128xf32, #tpu.memory_space<vmem>>
        %dma_wait3A_220 = tpu.memref_squeeze %dma_wait3A_219 : memref<1x128x128xf32, #tpu.memory_space<vmem>> -> memref<128x128xf32, #tpu.memory_space<vmem>>
        %dma_wait3A_221 = arith.constant 0 : i32
        %dma_wait3A_222 = arith.constant 0 : i32
        %dma_wait3A_223 = tpu.memref_slice %arg5[%dma_wait3A_221, %dma_wait3A_222] : memref<10240x128xf32, #tpu.memory_space<hbm>> -> memref<128x128xf32, #tpu.memory_space<hbm>>
        %dma_wait3A_224 = arith.constant 0 : i32
        %dma_wait3A_225 = arith.constant 0 : i32
        %dma_wait3A_226 = tpu.memref_slice %arg11[%dma_wait3A_216, %dma_wait3A_224, %dma_wait3A_225] : memref<2x128x128xf32, #tpu.memory_space<vmem>> -> memref<1x128x128xf32, #tpu.memory_space<vmem>>
        %dma_wait3A_227 = tpu.memref_squeeze %dma_wait3A_226 : memref<1x128x128xf32, #tpu.memory_space<vmem>> -> memref<128x128xf32, #tpu.memory_space<vmem>>
        %dma_wait3A_228 = arith.constant 0 : i32
        %dma_wait3A_229 = arith.constant 0 : i32
        %dma_wait3A_230 = tpu.memref_slice %arg5[%dma_wait3A_228, %dma_wait3A_229] : memref<10240x128xf32, #tpu.memory_space<hbm>> -> memref<128x128xf32, #tpu.memory_space<hbm>>
        tpu.wait_dma2 semaphore(%arg14 : memref<!tpu.dma_semaphore, #tpu.memory_space<semaphore_mem>>) src(%dma_wait3A_230 : memref<128x128xf32, #tpu.memory_space<hbm>>) dst(%dma_wait3A_227 : memref<128x128xf32, #tpu.memory_space<vmem>>)
        %dma_start3A_231 = arith.constant 0 : i32
        %dma_start3A_232 = arith.constant 0 : i32
        %dma_start3A_233 = arith.constant 0 : i32
        %dma_start3A_234 = tpu.memref_slice %arg11[%dma_start3A_231, %dma_start3A_232, %dma_start3A_233] : memref<2x128x128xf32, #tpu.memory_space<vmem>> -> memref<1x128x128xf32, #tpu.memory_space<vmem>>
        %dma_start3A_235 = tpu.memref_squeeze %dma_start3A_234 : memref<1x128x128xf32, #tpu.memory_space<vmem>> -> memref<128x128xf32, #tpu.memory_space<vmem>>
        %dma_start3A_236 = arith.constant 0 : i32
        %dma_start3A_237 = tpu.memref_slice %arg9[%add3A_204, %dma_start3A_236] : memref<40x128xi32, #tpu.memory_space<vmem>> -> memref<1x128xi32, #tpu.memory_space<vmem>>
        %dma_start3A_238 = tpu.memref_squeeze %dma_start3A_237 : memref<1x128xi32, #tpu.memory_space<vmem>> -> memref<128xi32, #tpu.memory_space<vmem>>
        %dma_start3A_239 = arith.constant 0 : i32
        %dma_start3A_240 = arith.constant 0 : i32
        %dma_start3A_241 = tpu.memref_slice %arg2[%arg0, %dma_start3A_239, %dma_start3A_240] : memref<2x10240x128xf32, #tpu.memory_space<hbm>> -> memref<1x10240x128xf32, #tpu.memory_space<hbm>>
        %dma_start3A_242 = tpu.memref_squeeze %dma_start3A_241 : memref<1x10240x128xf32, #tpu.memory_space<hbm>> -> memref<10240x128xf32, #tpu.memory_space<hbm>>
        %dma_start3A_243 = arith.constant 0 : i32
        %dma_start3A_244 = arith.constant 0 : i32
        %dma_start3A_245 = tpu.memref_slice %dma_start3A_242[%dma_start3A_243, %dma_start3A_244] : memref<10240x128xf32, #tpu.memory_space<hbm>> -> memref<10240x128xf32, #tpu.memory_space<hbm>>
        tpu.enqueue_indirect_dma source(%dma_start3A_245 : memref<10240x128xf32, #tpu.memory_space<hbm>>) target(%dma_start3A_235 : memref<128x128xf32, #tpu.memory_space<vmem>>) offsets(%dma_start3A_238 : memref<128xi32, #tpu.memory_space<vmem>>) semaphore(%arg14 : memref<!tpu.dma_semaphore, #tpu.memory_space<semaphore_mem>>)
      } else {
      }
      %add3A_207 = arith.constant 2 : i32
      %add3A_208 = arith.addi %mul3A_144, %add3A_207 : i32
      %add3A_209 = arith.constant 1 : i32
      %add3A_210 = arith.addi %add3A_208, %add3A_209 : i32
      %lt3A_211 = arith.constant 40 : i32
      %lt3A_212 = arith.cmpi slt, %add3A_210, %lt3A_211 : i32
      %convert_element_type3A_213 = arith.extui %lt3A_212 : i1 to i32
      %cond3A_214 = arith.constant 0 : i32
      %cond3A_215 = arith.cmpi ne, %convert_element_type3A_213, %cond3A_214 : i32
      scf.if %cond3A_215 {
        %dma_wait3A_216 = arith.constant 1 : i32
        %dma_wait3A_217 = arith.constant 0 : i32
        %dma_wait3A_218 = arith.constant 0 : i32
        %dma_wait3A_219 = tpu.memref_slice %arg11[%dma_wait3A_216, %dma_wait3A_217, %dma_wait3A_218] : memref<2x128x128xf32, #tpu.memory_space<vmem>> -> memref<1x128x128xf32, #tpu.memory_space<vmem>>
        %dma_wait3A_220 = tpu.memref_squeeze %dma_wait3A_219 : memref<1x128x128xf32, #tpu.memory_space<vmem>> -> memref<128x128xf32, #tpu.memory_space<vmem>>
        %dma_wait3A_221 = arith.constant 0 : i32
        %dma_wait3A_222 = arith.constant 0 : i32
        %dma_wait3A_223 = tpu.memref_slice %arg5[%dma_wait3A_221, %dma_wait3A_222] : memref<10240x128xf32, #tpu.memory_space<hbm>> -> memref<128x128xf32, #tpu.memory_space<hbm>>
        %dma_wait3A_224 = arith.constant 0 : i32
        %dma_wait3A_225 = arith.constant 0 : i32
        %dma_wait3A_226 = tpu.memref_slice %arg11[%dma_wait3A_216, %dma_wait3A_224, %dma_wait3A_225] : memref<2x128x128xf32, #tpu.memory_space<vmem>> -> memref<1x128x128xf32, #tpu.memory_space<vmem>>
        %dma_wait3A_227 = tpu.memref_squeeze %dma_wait3A_226 : memref<1x128x128xf32, #tpu.memory_space<vmem>> -> memref<128x128xf32, #tpu.memory_space<vmem>>
        %dma_wait3A_228 = arith.constant 0 : i32
        %dma_wait3A_229 = arith.constant 0 : i32
        %dma_wait3A_230 = tpu.memref_slice %arg5[%dma_wait3A_228, %dma_wait3A_229] : memref<10240x128xf32, #tpu.memory_space<hbm>> -> memref<128x128xf32, #tpu.memory_space<hbm>>
        tpu.wait_dma2 semaphore(%arg15 : memref<!tpu.dma_semaphore, #tpu.memory_space<semaphore_mem>>) src(%dma_wait3A_230 : memref<128x128xf32, #tpu.memory_space<hbm>>) dst(%dma_wait3A_227 : memref<128x128xf32, #tpu.memory_space<vmem>>)
        %dma_start3A_231 = arith.constant 1 : i32
        %dma_start3A_232 = arith.constant 0 : i32
        %dma_start3A_233 = arith.constant 0 : i32
        %dma_start3A_234 = tpu.memref_slice %arg11[%dma_start3A_231, %dma_start3A_232, %dma_start3A_233] : memref<2x128x128xf32, #tpu.memory_space<vmem>> -> memref<1x128x128xf32, #tpu.memory_space<vmem>>
        %dma_start3A_235 = tpu.memref_squeeze %dma_start3A_234 : memref<1x128x128xf32, #tpu.memory_space<vmem>> -> memref<128x128xf32, #tpu.memory_space<vmem>>
        %dma_start3A_236 = arith.constant 0 : i32
        %dma_start3A_237 = tpu.memref_slice %arg9[%add3A_210, %dma_start3A_236] : memref<40x128xi32, #tpu.memory_space<vmem>> -> memref<1x128xi32, #tpu.memory_space<vmem>>
        %dma_start3A_238 = tpu.memref_squeeze %dma_start3A_237 : memref<1x128xi32, #tpu.memory_space<vmem>> -> memref<128xi32, #tpu.memory_space<vmem>>
        %dma_start3A_239 = arith.constant 0 : i32
        %dma_start3A_240 = arith.constant 0 : i32
        %dma_start3A_241 = tpu.memref_slice %arg2[%arg0, %dma_start3A_239, %dma_start3A_240] : memref<2x10240x128xf32, #tpu.memory_space<hbm>> -> memref<1x10240x128xf32, #tpu.memory_space<hbm>>
        %dma_start3A_242 = tpu.memref_squeeze %dma_start3A_241 : memref<1x10240x128xf32, #tpu.memory_space<hbm>> -> memref<10240x128xf32, #tpu.memory_space<hbm>>
        %dma_start3A_243 = arith.constant 0 : i32
        %dma_start3A_244 = arith.constant 0 : i32
        %dma_start3A_245 = tpu.memref_slice %dma_start3A_242[%dma_start3A_243, %dma_start3A_244] : memref<10240x128xf32, #tpu.memory_space<hbm>> -> memref<10240x128xf32, #tpu.memory_space<hbm>>
        tpu.enqueue_indirect_dma source(%dma_start3A_245 : memref<10240x128xf32, #tpu.memory_space<hbm>>) target(%dma_start3A_235 : memref<128x128xf32, #tpu.memory_space<vmem>>) offsets(%dma_start3A_238 : memref<128xi32, #tpu.memory_space<vmem>>) semaphore(%arg15 : memref<!tpu.dma_semaphore, #tpu.memory_space<semaphore_mem>>)
      } else {
      }
    }
    %scan3A_110 = arith.constant 20 : i32
    %dma_wait3A_111 = arith.constant 0 : i32
    %dma_wait3A_112 = arith.constant 0 : i32
    %dma_wait3A_113 = arith.constant 0 : i32
    %dma_wait3A_114 = tpu.memref_slice %arg11[%dma_wait3A_111, %dma_wait3A_112, %dma_wait3A_113] : memref<2x128x128xf32, #tpu.memory_space<vmem>> -> memref<1x128x128xf32, #tpu.memory_space<vmem>>
    %dma_wait3A_115 = tpu.memref_squeeze %dma_wait3A_114 : memref<1x128x128xf32, #tpu.memory_space<vmem>> -> memref<128x128xf32, #tpu.memory_space<vmem>>
    %dma_wait3A_116 = arith.constant 0 : i32
    %dma_wait3A_117 = arith.constant 0 : i32
    %dma_wait3A_118 = tpu.memref_slice %arg5[%dma_wait3A_116, %dma_wait3A_117] : memref<10240x128xf32, #tpu.memory_space<hbm>> -> memref<128x128xf32, #tpu.memory_space<hbm>>
    %dma_wait3A_119 = arith.constant 0 : i32
    %dma_wait3A_120 = arith.constant 0 : i32
    %dma_wait3A_121 = tpu.memref_slice %arg11[%dma_wait3A_111, %dma_wait3A_119, %dma_wait3A_120] : memref<2x128x128xf32, #tpu.memory_space<vmem>> -> memref<1x128x128xf32, #tpu.memory_space<vmem>>
    %dma_wait3A_122 = tpu.memref_squeeze %dma_wait3A_121 : memref<1x128x128xf32, #tpu.memory_space<vmem>> -> memref<128x128xf32, #tpu.memory_space<vmem>>
    %dma_wait3A_123 = arith.constant 0 : i32
    %dma_wait3A_124 = arith.constant 0 : i32
    %dma_wait3A_125 = tpu.memref_slice %arg5[%dma_wait3A_123, %dma_wait3A_124] : memref<10240x128xf32, #tpu.memory_space<hbm>> -> memref<128x128xf32, #tpu.memory_space<hbm>>
    tpu.wait_dma2 semaphore(%arg14 : memref<!tpu.dma_semaphore, #tpu.memory_space<semaphore_mem>>) src(%dma_wait3A_125 : memref<128x128xf32, #tpu.memory_space<hbm>>) dst(%dma_wait3A_122 : memref<128x128xf32, #tpu.memory_space<vmem>>)
    %dma_wait3A_126 = arith.constant 1 : i32
    %dma_wait3A_127 = arith.constant 0 : i32
    %dma_wait3A_128 = arith.constant 0 : i32
    %dma_wait3A_129 = tpu.memref_slice %arg11[%dma_wait3A_126, %dma_wait3A_127, %dma_wait3A_128] : memref<2x128x128xf32, #tpu.memory_space<vmem>> -> memref<1x128x128xf32, #tpu.memory_space<vmem>>
    %dma_wait3A_130 = tpu.memref_squeeze %dma_wait3A_129 : memref<1x128x128xf32, #tpu.memory_space<vmem>> -> memref<128x128xf32, #tpu.memory_space<vmem>>
    %dma_wait3A_131 = arith.constant 0 : i32
    %dma_wait3A_132 = arith.constant 0 : i32
    %dma_wait3A_133 = tpu.memref_slice %arg5[%dma_wait3A_131, %dma_wait3A_132] : memref<10240x128xf32, #tpu.memory_space<hbm>> -> memref<128x128xf32, #tpu.memory_space<hbm>>
    %dma_wait3A_134 = arith.constant 0 : i32
    %dma_wait3A_135 = arith.constant 0 : i32
    %dma_wait3A_136 = tpu.memref_slice %arg11[%dma_wait3A_126, %dma_wait3A_134, %dma_wait3A_135] : memref<2x128x128xf32, #tpu.memory_space<vmem>> -> memref<1x128x128xf32, #tpu.memory_space<vmem>>
    %dma_wait3A_137 = tpu.memref_squeeze %dma_wait3A_136 : memref<1x128x128xf32, #tpu.memory_space<vmem>> -> memref<128x128xf32, #tpu.memory_space<vmem>>
    %dma_wait3A_138 = arith.constant 0 : i32
    %dma_wait3A_139 = arith.constant 0 : i32
    %dma_wait3A_140 = tpu.memref_slice %arg5[%dma_wait3A_138, %dma_wait3A_139] : memref<10240x128xf32, #tpu.memory_space<hbm>> -> memref<128x128xf32, #tpu.memory_space<hbm>>
    tpu.wait_dma2 semaphore(%arg15 : memref<!tpu.dma_semaphore, #tpu.memory_space<semaphore_mem>>) src(%dma_wait3A_140 : memref<128x128xf32, #tpu.memory_space<hbm>>) dst(%dma_wait3A_137 : memref<128x128xf32, #tpu.memory_space<vmem>>)
    %barrier3A_141 = arith.constant 0 : index
    tpu.barrier barrier_id(%barrier3A_141)
    "tpu.region"() ({
      %run_scoped3A = tpu.sem_alloc : memref<!tpu.dma_semaphore, #tpu.memory_space<semaphore_mem>>
      %dma_start3A_142 = arith.constant 0 : i32
      %dma_start3A_143 = arith.constant 0 : i32
      %dma_start3A_144 = tpu.memref_slice %arg8[%arg0, %dma_start3A_142, %dma_start3A_143] : memref<2x10240x128xf32, #tpu.memory_space<hbm>> -> memref<1x10240x128xf32, #tpu.memory_space<hbm>>
      %dma_start3A_145 = tpu.memref_squeeze %dma_start3A_144 : memref<1x10240x128xf32, #tpu.memory_space<hbm>> -> memref<10240x128xf32, #tpu.memory_space<hbm>>
      %dma_start3A_146 = arith.constant 0 : i32
      %dma_start3A_147 = tpu.memref_slice %dma_start3A_145[%mul3A_0, %dma_start3A_146] : memref<10240x128xf32, #tpu.memory_space<hbm>> -> memref<640x128xf32, #tpu.memory_space<hbm>>
      %dma_start3A_148 = arith.constant 0 : i32
      %dma_start3A_149 = tpu.memref_slice %arg13[%mul3A_0, %dma_start3A_148] : memref<10240x128xf32, #tpu.memory_space<vmem_shared>> -> memref<640x128xf32, #tpu.memory_space<vmem_shared>>
      tpu.enqueue_dma source(%dma_start3A_149 : memref<640x128xf32, #tpu.memory_space<vmem_shared>>) target(%dma_start3A_147 : memref<640x128xf32, #tpu.memory_space<hbm>>) target_semaphore(%run_scoped3A : memref<!tpu.dma_semaphore, #tpu.memory_space<semaphore_mem>>)
      %dma_wait3A_150 = arith.constant 0 : i32
      %dma_wait3A_151 = arith.constant 0 : i32
      %dma_wait3A_152 = tpu.memref_slice %arg8[%arg0, %dma_wait3A_150, %dma_wait3A_151] : memref<2x10240x128xf32, #tpu.memory_space<hbm>> -> memref<1x10240x128xf32, #tpu.memory_space<hbm>>
      %dma_wait3A_153 = tpu.memref_squeeze %dma_wait3A_152 : memref<1x10240x128xf32, #tpu.memory_space<hbm>> -> memref<10240x128xf32, #tpu.memory_space<hbm>>
      %dma_wait3A_154 = arith.constant 0 : i32
      %dma_wait3A_155 = tpu.memref_slice %dma_wait3A_153[%mul3A_0, %dma_wait3A_154] : memref<10240x128xf32, #tpu.memory_space<hbm>> -> memref<640x128xf32, #tpu.memory_space<hbm>>
      %dma_wait3A_156 = arith.constant 0 : i32
      %dma_wait3A_157 = tpu.memref_slice %arg13[%mul3A_0, %dma_wait3A_156] : memref<10240x128xf32, #tpu.memory_space<vmem_shared>> -> memref<640x128xf32, #tpu.memory_space<vmem_shared>>
      tpu.wait_dma2 semaphore(%run_scoped3A : memref<!tpu.dma_semaphore, #tpu.memory_space<semaphore_mem>>) src(%dma_wait3A_157 : memref<640x128xf32, #tpu.memory_space<vmem_shared>>) dst(%dma_wait3A_155 : memref<640x128xf32, #tpu.memory_space<hbm>>)
      tpu.yield
    }) : () -> ()
    return
  }
}

#map = affine_map<(d0, d1) -> (0, 0, 0)>
#map1 = affine_map<(d0, d1) -> (0, 0)>
module attributes {stable_mosaic.version = 14 : i64} {
  func.func @k(%arg0: i32, %arg1: i32, %arg2: memref<32x40x128xi32, #tpu.memory_space<hbm>>, %arg3: memref<10240x128xf32, #tpu.memory_space<hbm>>, %arg4: memref<128x128xf32, #tpu.memory_space<hbm>>, %arg5: memref<2x10240x128xf32, #tpu.memory_space<hbm>>, %arg6: memref<40x128xi32, #tpu.memory_space<vmem>>, %arg7: memref<128x128xf32, #tpu.memory_space<vmem>>, %arg8: memref<10240x128xf32, #tpu.memory_space<vmem_shared>>, %arg9: memref<!tpu.dma_semaphore, #tpu.memory_space<semaphore_mem>>) attributes {dimension_semantics = [#tpu.dimension_semantics<core_parallel>, #tpu.dimension_semantics<subcore_parallel>], iteration_bounds = array<i64: 2, 16>, scalar_prefetch = 0 : i64, scratch_operands = 4 : i64, tpu.core_type = #tpu.core_type<sc_vector_subcore>, window_params = [{transform_indices = #map}, {transform_indices = #map1}, {transform_indices = #map1}, {transform_indices = #map}]} {
    %mul3A = arith.constant 16 : i32
    %mul3A_0 = arith.muli %arg0, %mul3A : i32
    %add3A = arith.addi %mul3A_0, %arg1 : i32
    %mul3A_1 = arith.constant 640 : i32
    %mul3A_2 = arith.muli %arg1, %mul3A_1 : i32
    "tpu.region"() ({
      %run_scoped3A = tpu.sem_alloc : memref<!tpu.dma_semaphore, #tpu.memory_space<semaphore_mem>>
      %dma_start3A = arith.constant 0 : i32
      %dma_start3A_9 = tpu.memref_slice %arg8[%mul3A_2, %dma_start3A] : memref<10240x128xf32, #tpu.memory_space<vmem_shared>> -> memref<640x128xf32, #tpu.memory_space<vmem_shared>>
      %dma_start3A_10 = arith.constant 0 : i32
      %dma_start3A_11 = tpu.memref_slice %arg3[%mul3A_2, %dma_start3A_10] : memref<10240x128xf32, #tpu.memory_space<hbm>> -> memref<640x128xf32, #tpu.memory_space<hbm>>
      tpu.enqueue_dma source(%dma_start3A_11 : memref<640x128xf32, #tpu.memory_space<hbm>>) target(%dma_start3A_9 : memref<640x128xf32, #tpu.memory_space<vmem_shared>>) target_semaphore(%run_scoped3A : memref<!tpu.dma_semaphore, #tpu.memory_space<semaphore_mem>>)
      %dma_wait3A = arith.constant 0 : i32
      %dma_wait3A_12 = tpu.memref_slice %arg8[%mul3A_2, %dma_wait3A] : memref<10240x128xf32, #tpu.memory_space<vmem_shared>> -> memref<640x128xf32, #tpu.memory_space<vmem_shared>>
      %dma_wait3A_13 = arith.constant 0 : i32
      %dma_wait3A_14 = tpu.memref_slice %arg3[%mul3A_2, %dma_wait3A_13] : memref<10240x128xf32, #tpu.memory_space<hbm>> -> memref<640x128xf32, #tpu.memory_space<hbm>>
      tpu.wait_dma2 semaphore(%run_scoped3A : memref<!tpu.dma_semaphore, #tpu.memory_space<semaphore_mem>>) src(%dma_wait3A_14 : memref<640x128xf32, #tpu.memory_space<hbm>>) dst(%dma_wait3A_12 : memref<640x128xf32, #tpu.memory_space<vmem_shared>>)
      tpu.yield
    }) : () -> ()
    "tpu.region"() ({
      %run_scoped3A = tpu.sem_alloc : memref<!tpu.dma_semaphore, #tpu.memory_space<semaphore_mem>>
      tpu.enqueue_dma source(%arg4 : memref<128x128xf32, #tpu.memory_space<hbm>>) target(%arg7 : memref<128x128xf32, #tpu.memory_space<vmem>>) target_semaphore(%run_scoped3A : memref<!tpu.dma_semaphore, #tpu.memory_space<semaphore_mem>>)
      tpu.wait_dma2 semaphore(%run_scoped3A : memref<!tpu.dma_semaphore, #tpu.memory_space<semaphore_mem>>) src(%arg4 : memref<128x128xf32, #tpu.memory_space<hbm>>) dst(%arg7 : memref<128x128xf32, #tpu.memory_space<vmem>>)
      tpu.yield
    }) : () -> ()
    "tpu.region"() ({
      %run_scoped3A = tpu.sem_alloc : memref<!tpu.dma_semaphore, #tpu.memory_space<semaphore_mem>>
      %dma_start3A = arith.constant 0 : i32
      %dma_start3A_9 = arith.constant 0 : i32
      %dma_start3A_10 = tpu.memref_slice %arg2[%add3A, %dma_start3A, %dma_start3A_9] : memref<32x40x128xi32, #tpu.memory_space<hbm>> -> memref<1x40x128xi32, #tpu.memory_space<hbm>>
      %dma_start3A_11 = tpu.memref_squeeze %dma_start3A_10 : memref<1x40x128xi32, #tpu.memory_space<hbm>> -> memref<40x128xi32, #tpu.memory_space<hbm>>
      %dma_start3A_12 = arith.constant 0 : i32
      %dma_start3A_13 = arith.constant 0 : i32
      %dma_start3A_14 = tpu.memref_slice %arg2[%add3A, %dma_start3A_12, %dma_start3A_13] : memref<32x40x128xi32, #tpu.memory_space<hbm>> -> memref<1x40x128xi32, #tpu.memory_space<hbm>>
      %dma_start3A_15 = tpu.memref_squeeze %dma_start3A_14 : memref<1x40x128xi32, #tpu.memory_space<hbm>> -> memref<40x128xi32, #tpu.memory_space<hbm>>
      tpu.enqueue_dma source(%dma_start3A_15 : memref<40x128xi32, #tpu.memory_space<hbm>>) target(%arg6 : memref<40x128xi32, #tpu.memory_space<vmem>>) target_semaphore(%run_scoped3A : memref<!tpu.dma_semaphore, #tpu.memory_space<semaphore_mem>>)
      %dma_wait3A = arith.constant 0 : i32
      %dma_wait3A_16 = arith.constant 0 : i32
      %dma_wait3A_17 = tpu.memref_slice %arg2[%add3A, %dma_wait3A, %dma_wait3A_16] : memref<32x40x128xi32, #tpu.memory_space<hbm>> -> memref<1x40x128xi32, #tpu.memory_space<hbm>>
      %dma_wait3A_18 = tpu.memref_squeeze %dma_wait3A_17 : memref<1x40x128xi32, #tpu.memory_space<hbm>> -> memref<40x128xi32, #tpu.memory_space<hbm>>
      %dma_wait3A_19 = arith.constant 0 : i32
      %dma_wait3A_20 = arith.constant 0 : i32
      %dma_wait3A_21 = tpu.memref_slice %arg2[%add3A, %dma_wait3A_19, %dma_wait3A_20] : memref<32x40x128xi32, #tpu.memory_space<hbm>> -> memref<1x40x128xi32, #tpu.memory_space<hbm>>
      %dma_wait3A_22 = tpu.memref_squeeze %dma_wait3A_21 : memref<1x40x128xi32, #tpu.memory_space<hbm>> -> memref<40x128xi32, #tpu.memory_space<hbm>>
      tpu.wait_dma2 semaphore(%run_scoped3A : memref<!tpu.dma_semaphore, #tpu.memory_space<semaphore_mem>>) src(%dma_wait3A_22 : memref<40x128xi32, #tpu.memory_space<hbm>>) dst(%arg6 : memref<40x128xi32, #tpu.memory_space<vmem>>)
      tpu.yield
    }) : () -> ()
    %barrier3A = arith.constant 0 : index
    tpu.barrier barrier_id(%barrier3A)
    %scan3A = arith.constant 0 : i32
    %scan3A_3 = arith.constant 0 : i32
    %scan3A_4 = arith.constant 5 : i32
    %scan3A_5 = arith.addi %scan3A_3, %scan3A_4 : i32
    %scan3A_6 = arith.constant 1 : i32
    scf.for %scan3A_9 = %scan3A_3 to %scan3A_5 step %scan3A_6  : i32 {
      %mul3A_10 = arith.constant 8 : i32
      %mul3A_11 = arith.muli %scan3A_9, %mul3A_10 : i32
      %add3A_12 = arith.constant 0 : i32
      %add3A_13 = arith.addi %mul3A_11, %add3A_12 : i32
      %dma_start3A = arith.constant 0 : i32
      %dma_start3A_14 = tpu.memref_slice %arg6[%add3A_13, %dma_start3A] : memref<40x128xi32, #tpu.memory_space<vmem>> -> memref<1x128xi32, #tpu.memory_space<vmem>>
      %dma_start3A_15 = tpu.memref_squeeze %dma_start3A_14 : memref<1x128xi32, #tpu.memory_space<vmem>> -> memref<128xi32, #tpu.memory_space<vmem>>
      %dma_start3A_16 = arith.constant 0 : i32
      %dma_start3A_17 = arith.constant 0 : i32
      %dma_start3A_18 = tpu.memref_slice %arg8[%dma_start3A_16, %dma_start3A_17] : memref<10240x128xf32, #tpu.memory_space<vmem_shared>> -> memref<10240x128xf32, #tpu.memory_space<vmem_shared>>
      tpu.enqueue_indirect_dma source(%arg7 : memref<128x128xf32, #tpu.memory_space<vmem>>) target(%dma_start3A_18 : memref<10240x128xf32, #tpu.memory_space<vmem_shared>>) offsets(%dma_start3A_15 : memref<128xi32, #tpu.memory_space<vmem>>) semaphore(%arg9 : memref<!tpu.dma_semaphore, #tpu.memory_space<semaphore_mem>>) {add = true}
      %mul3A_19 = arith.constant 8 : i32
      %mul3A_20 = arith.muli %scan3A_9, %mul3A_19 : i32
      %add3A_21 = arith.constant 1 : i32
      %add3A_22 = arith.addi %mul3A_20, %add3A_21 : i32
      %dma_start3A_23 = arith.constant 0 : i32
      %dma_start3A_24 = tpu.memref_slice %arg6[%add3A_22, %dma_start3A_23] : memref<40x128xi32, #tpu.memory_space<vmem>> -> memref<1x128xi32, #tpu.memory_space<vmem>>
      %dma_start3A_25 = tpu.memref_squeeze %dma_start3A_24 : memref<1x128xi32, #tpu.memory_space<vmem>> -> memref<128xi32, #tpu.memory_space<vmem>>
      %dma_start3A_26 = arith.constant 0 : i32
      %dma_start3A_27 = arith.constant 0 : i32
      %dma_start3A_28 = tpu.memref_slice %arg8[%dma_start3A_26, %dma_start3A_27] : memref<10240x128xf32, #tpu.memory_space<vmem_shared>> -> memref<10240x128xf32, #tpu.memory_space<vmem_shared>>
      tpu.enqueue_indirect_dma source(%arg7 : memref<128x128xf32, #tpu.memory_space<vmem>>) target(%dma_start3A_28 : memref<10240x128xf32, #tpu.memory_space<vmem_shared>>) offsets(%dma_start3A_25 : memref<128xi32, #tpu.memory_space<vmem>>) semaphore(%arg9 : memref<!tpu.dma_semaphore, #tpu.memory_space<semaphore_mem>>) {add = true}
      %mul3A_29 = arith.constant 8 : i32
      %mul3A_30 = arith.muli %scan3A_9, %mul3A_29 : i32
      %add3A_31 = arith.constant 2 : i32
      %add3A_32 = arith.addi %mul3A_30, %add3A_31 : i32
      %dma_start3A_33 = arith.constant 0 : i32
      %dma_start3A_34 = tpu.memref_slice %arg6[%add3A_32, %dma_start3A_33] : memref<40x128xi32, #tpu.memory_space<vmem>> -> memref<1x128xi32, #tpu.memory_space<vmem>>
      %dma_start3A_35 = tpu.memref_squeeze %dma_start3A_34 : memref<1x128xi32, #tpu.memory_space<vmem>> -> memref<128xi32, #tpu.memory_space<vmem>>
      %dma_start3A_36 = arith.constant 0 : i32
      %dma_start3A_37 = arith.constant 0 : i32
      %dma_start3A_38 = tpu.memref_slice %arg8[%dma_start3A_36, %dma_start3A_37] : memref<10240x128xf32, #tpu.memory_space<vmem_shared>> -> memref<10240x128xf32, #tpu.memory_space<vmem_shared>>
      tpu.enqueue_indirect_dma source(%arg7 : memref<128x128xf32, #tpu.memory_space<vmem>>) target(%dma_start3A_38 : memref<10240x128xf32, #tpu.memory_space<vmem_shared>>) offsets(%dma_start3A_35 : memref<128xi32, #tpu.memory_space<vmem>>) semaphore(%arg9 : memref<!tpu.dma_semaphore, #tpu.memory_space<semaphore_mem>>) {add = true}
      %mul3A_39 = arith.constant 8 : i32
      %mul3A_40 = arith.muli %scan3A_9, %mul3A_39 : i32
      %add3A_41 = arith.constant 3 : i32
      %add3A_42 = arith.addi %mul3A_40, %add3A_41 : i32
      %dma_start3A_43 = arith.constant 0 : i32
      %dma_start3A_44 = tpu.memref_slice %arg6[%add3A_42, %dma_start3A_43] : memref<40x128xi32, #tpu.memory_space<vmem>> -> memref<1x128xi32, #tpu.memory_space<vmem>>
      %dma_start3A_45 = tpu.memref_squeeze %dma_start3A_44 : memref<1x128xi32, #tpu.memory_space<vmem>> -> memref<128xi32, #tpu.memory_space<vmem>>
      %dma_start3A_46 = arith.constant 0 : i32
      %dma_start3A_47 = arith.constant 0 : i32
      %dma_start3A_48 = tpu.memref_slice %arg8[%dma_start3A_46, %dma_start3A_47] : memref<10240x128xf32, #tpu.memory_space<vmem_shared>> -> memref<10240x128xf32, #tpu.memory_space<vmem_shared>>
      tpu.enqueue_indirect_dma source(%arg7 : memref<128x128xf32, #tpu.memory_space<vmem>>) target(%dma_start3A_48 : memref<10240x128xf32, #tpu.memory_space<vmem_shared>>) offsets(%dma_start3A_45 : memref<128xi32, #tpu.memory_space<vmem>>) semaphore(%arg9 : memref<!tpu.dma_semaphore, #tpu.memory_space<semaphore_mem>>) {add = true}
      %mul3A_49 = arith.constant 8 : i32
      %mul3A_50 = arith.muli %scan3A_9, %mul3A_49 : i32
      %add3A_51 = arith.constant 4 : i32
      %add3A_52 = arith.addi %mul3A_50, %add3A_51 : i32
      %dma_start3A_53 = arith.constant 0 : i32
      %dma_start3A_54 = tpu.memref_slice %arg6[%add3A_52, %dma_start3A_53] : memref<40x128xi32, #tpu.memory_space<vmem>> -> memref<1x128xi32, #tpu.memory_space<vmem>>
      %dma_start3A_55 = tpu.memref_squeeze %dma_start3A_54 : memref<1x128xi32, #tpu.memory_space<vmem>> -> memref<128xi32, #tpu.memory_space<vmem>>
      %dma_start3A_56 = arith.constant 0 : i32
      %dma_start3A_57 = arith.constant 0 : i32
      %dma_start3A_58 = tpu.memref_slice %arg8[%dma_start3A_56, %dma_start3A_57] : memref<10240x128xf32, #tpu.memory_space<vmem_shared>> -> memref<10240x128xf32, #tpu.memory_space<vmem_shared>>
      tpu.enqueue_indirect_dma source(%arg7 : memref<128x128xf32, #tpu.memory_space<vmem>>) target(%dma_start3A_58 : memref<10240x128xf32, #tpu.memory_space<vmem_shared>>) offsets(%dma_start3A_55 : memref<128xi32, #tpu.memory_space<vmem>>) semaphore(%arg9 : memref<!tpu.dma_semaphore, #tpu.memory_space<semaphore_mem>>) {add = true}
      %mul3A_59 = arith.constant 8 : i32
      %mul3A_60 = arith.muli %scan3A_9, %mul3A_59 : i32
      %add3A_61 = arith.constant 5 : i32
      %add3A_62 = arith.addi %mul3A_60, %add3A_61 : i32
      %dma_start3A_63 = arith.constant 0 : i32
      %dma_start3A_64 = tpu.memref_slice %arg6[%add3A_62, %dma_start3A_63] : memref<40x128xi32, #tpu.memory_space<vmem>> -> memref<1x128xi32, #tpu.memory_space<vmem>>
      %dma_start3A_65 = tpu.memref_squeeze %dma_start3A_64 : memref<1x128xi32, #tpu.memory_space<vmem>> -> memref<128xi32, #tpu.memory_space<vmem>>
      %dma_start3A_66 = arith.constant 0 : i32
      %dma_start3A_67 = arith.constant 0 : i32
      %dma_start3A_68 = tpu.memref_slice %arg8[%dma_start3A_66, %dma_start3A_67] : memref<10240x128xf32, #tpu.memory_space<vmem_shared>> -> memref<10240x128xf32, #tpu.memory_space<vmem_shared>>
      tpu.enqueue_indirect_dma source(%arg7 : memref<128x128xf32, #tpu.memory_space<vmem>>) target(%dma_start3A_68 : memref<10240x128xf32, #tpu.memory_space<vmem_shared>>) offsets(%dma_start3A_65 : memref<128xi32, #tpu.memory_space<vmem>>) semaphore(%arg9 : memref<!tpu.dma_semaphore, #tpu.memory_space<semaphore_mem>>) {add = true}
      %mul3A_69 = arith.constant 8 : i32
      %mul3A_70 = arith.muli %scan3A_9, %mul3A_69 : i32
      %add3A_71 = arith.constant 6 : i32
      %add3A_72 = arith.addi %mul3A_70, %add3A_71 : i32
      %dma_start3A_73 = arith.constant 0 : i32
      %dma_start3A_74 = tpu.memref_slice %arg6[%add3A_72, %dma_start3A_73] : memref<40x128xi32, #tpu.memory_space<vmem>> -> memref<1x128xi32, #tpu.memory_space<vmem>>
      %dma_start3A_75 = tpu.memref_squeeze %dma_start3A_74 : memref<1x128xi32, #tpu.memory_space<vmem>> -> memref<128xi32, #tpu.memory_space<vmem>>
      %dma_start3A_76 = arith.constant 0 : i32
      %dma_start3A_77 = arith.constant 0 : i32
      %dma_start3A_78 = tpu.memref_slice %arg8[%dma_start3A_76, %dma_start3A_77] : memref<10240x128xf32, #tpu.memory_space<vmem_shared>> -> memref<10240x128xf32, #tpu.memory_space<vmem_shared>>
      tpu.enqueue_indirect_dma source(%arg7 : memref<128x128xf32, #tpu.memory_space<vmem>>) target(%dma_start3A_78 : memref<10240x128xf32, #tpu.memory_space<vmem_shared>>) offsets(%dma_start3A_75 : memref<128xi32, #tpu.memory_space<vmem>>) semaphore(%arg9 : memref<!tpu.dma_semaphore, #tpu.memory_space<semaphore_mem>>) {add = true}
      %mul3A_79 = arith.constant 8 : i32
      %mul3A_80 = arith.muli %scan3A_9, %mul3A_79 : i32
      %add3A_81 = arith.constant 7 : i32
      %add3A_82 = arith.addi %mul3A_80, %add3A_81 : i32
      %dma_start3A_83 = arith.constant 0 : i32
      %dma_start3A_84 = tpu.memref_slice %arg6[%add3A_82, %dma_start3A_83] : memref<40x128xi32, #tpu.memory_space<vmem>> -> memref<1x128xi32, #tpu.memory_space<vmem>>
      %dma_start3A_85 = tpu.memref_squeeze %dma_start3A_84 : memref<1x128xi32, #tpu.memory_space<vmem>> -> memref<128xi32, #tpu.memory_space<vmem>>
      %dma_start3A_86 = arith.constant 0 : i32
      %dma_start3A_87 = arith.constant 0 : i32
      %dma_start3A_88 = tpu.memref_slice %arg8[%dma_start3A_86, %dma_start3A_87] : memref<10240x128xf32, #tpu.memory_space<vmem_shared>> -> memref<10240x128xf32, #tpu.memory_space<vmem_shared>>
      tpu.enqueue_indirect_dma source(%arg7 : memref<128x128xf32, #tpu.memory_space<vmem>>) target(%dma_start3A_88 : memref<10240x128xf32, #tpu.memory_space<vmem_shared>>) offsets(%dma_start3A_85 : memref<128xi32, #tpu.memory_space<vmem>>) semaphore(%arg9 : memref<!tpu.dma_semaphore, #tpu.memory_space<semaphore_mem>>) {add = true}
      %dma_wait3A = arith.constant 0 : i32
      %dma_wait3A_89 = arith.constant 0 : i32
      %dma_wait3A_90 = tpu.memref_slice %arg3[%dma_wait3A, %dma_wait3A_89] : memref<10240x128xf32, #tpu.memory_space<hbm>> -> memref<128x128xf32, #tpu.memory_space<hbm>>
      %dma_wait3A_91 = arith.constant 0 : i32
      %dma_wait3A_92 = arith.constant 0 : i32
      %dma_wait3A_93 = tpu.memref_slice %arg3[%dma_wait3A_91, %dma_wait3A_92] : memref<10240x128xf32, #tpu.memory_space<hbm>> -> memref<128x128xf32, #tpu.memory_space<hbm>>
      tpu.wait_dma2 semaphore(%arg9 : memref<!tpu.dma_semaphore, #tpu.memory_space<semaphore_mem>>) src(%dma_wait3A_93 : memref<128x128xf32, #tpu.memory_space<hbm>>) dst(%arg7 : memref<128x128xf32, #tpu.memory_space<vmem>>)
      %dma_wait3A_94 = arith.constant 0 : i32
      %dma_wait3A_95 = arith.constant 0 : i32
      %dma_wait3A_96 = tpu.memref_slice %arg3[%dma_wait3A_94, %dma_wait3A_95] : memref<10240x128xf32, #tpu.memory_space<hbm>> -> memref<128x128xf32, #tpu.memory_space<hbm>>
      %dma_wait3A_97 = arith.constant 0 : i32
      %dma_wait3A_98 = arith.constant 0 : i32
      %dma_wait3A_99 = tpu.memref_slice %arg3[%dma_wait3A_97, %dma_wait3A_98] : memref<10240x128xf32, #tpu.memory_space<hbm>> -> memref<128x128xf32, #tpu.memory_space<hbm>>
      tpu.wait_dma2 semaphore(%arg9 : memref<!tpu.dma_semaphore, #tpu.memory_space<semaphore_mem>>) src(%dma_wait3A_99 : memref<128x128xf32, #tpu.memory_space<hbm>>) dst(%arg7 : memref<128x128xf32, #tpu.memory_space<vmem>>)
      %dma_wait3A_100 = arith.constant 0 : i32
      %dma_wait3A_101 = arith.constant 0 : i32
      %dma_wait3A_102 = tpu.memref_slice %arg3[%dma_wait3A_100, %dma_wait3A_101] : memref<10240x128xf32, #tpu.memory_space<hbm>> -> memref<128x128xf32, #tpu.memory_space<hbm>>
      %dma_wait3A_103 = arith.constant 0 : i32
      %dma_wait3A_104 = arith.constant 0 : i32
      %dma_wait3A_105 = tpu.memref_slice %arg3[%dma_wait3A_103, %dma_wait3A_104] : memref<10240x128xf32, #tpu.memory_space<hbm>> -> memref<128x128xf32, #tpu.memory_space<hbm>>
      tpu.wait_dma2 semaphore(%arg9 : memref<!tpu.dma_semaphore, #tpu.memory_space<semaphore_mem>>) src(%dma_wait3A_105 : memref<128x128xf32, #tpu.memory_space<hbm>>) dst(%arg7 : memref<128x128xf32, #tpu.memory_space<vmem>>)
      %dma_wait3A_106 = arith.constant 0 : i32
      %dma_wait3A_107 = arith.constant 0 : i32
      %dma_wait3A_108 = tpu.memref_slice %arg3[%dma_wait3A_106, %dma_wait3A_107] : memref<10240x128xf32, #tpu.memory_space<hbm>> -> memref<128x128xf32, #tpu.memory_space<hbm>>
      %dma_wait3A_109 = arith.constant 0 : i32
      %dma_wait3A_110 = arith.constant 0 : i32
      %dma_wait3A_111 = tpu.memref_slice %arg3[%dma_wait3A_109, %dma_wait3A_110] : memref<10240x128xf32, #tpu.memory_space<hbm>> -> memref<128x128xf32, #tpu.memory_space<hbm>>
      tpu.wait_dma2 semaphore(%arg9 : memref<!tpu.dma_semaphore, #tpu.memory_space<semaphore_mem>>) src(%dma_wait3A_111 : memref<128x128xf32, #tpu.memory_space<hbm>>) dst(%arg7 : memref<128x128xf32, #tpu.memory_space<vmem>>)
      %dma_wait3A_112 = arith.constant 0 : i32
      %dma_wait3A_113 = arith.constant 0 : i32
      %dma_wait3A_114 = tpu.memref_slice %arg3[%dma_wait3A_112, %dma_wait3A_113] : memref<10240x128xf32, #tpu.memory_space<hbm>> -> memref<128x128xf32, #tpu.memory_space<hbm>>
      %dma_wait3A_115 = arith.constant 0 : i32
      %dma_wait3A_116 = arith.constant 0 : i32
      %dma_wait3A_117 = tpu.memref_slice %arg3[%dma_wait3A_115, %dma_wait3A_116] : memref<10240x128xf32, #tpu.memory_space<hbm>> -> memref<128x128xf32, #tpu.memory_space<hbm>>
      tpu.wait_dma2 semaphore(%arg9 : memref<!tpu.dma_semaphore, #tpu.memory_space<semaphore_mem>>) src(%dma_wait3A_117 : memref<128x128xf32, #tpu.memory_space<hbm>>) dst(%arg7 : memref<128x128xf32, #tpu.memory_space<vmem>>)
      %dma_wait3A_118 = arith.constant 0 : i32
      %dma_wait3A_119 = arith.constant 0 : i32
      %dma_wait3A_120 = tpu.memref_slice %arg3[%dma_wait3A_118, %dma_wait3A_119] : memref<10240x128xf32, #tpu.memory_space<hbm>> -> memref<128x128xf32, #tpu.memory_space<hbm>>
      %dma_wait3A_121 = arith.constant 0 : i32
      %dma_wait3A_122 = arith.constant 0 : i32
      %dma_wait3A_123 = tpu.memref_slice %arg3[%dma_wait3A_121, %dma_wait3A_122] : memref<10240x128xf32, #tpu.memory_space<hbm>> -> memref<128x128xf32, #tpu.memory_space<hbm>>
      tpu.wait_dma2 semaphore(%arg9 : memref<!tpu.dma_semaphore, #tpu.memory_space<semaphore_mem>>) src(%dma_wait3A_123 : memref<128x128xf32, #tpu.memory_space<hbm>>) dst(%arg7 : memref<128x128xf32, #tpu.memory_space<vmem>>)
      %dma_wait3A_124 = arith.constant 0 : i32
      %dma_wait3A_125 = arith.constant 0 : i32
      %dma_wait3A_126 = tpu.memref_slice %arg3[%dma_wait3A_124, %dma_wait3A_125] : memref<10240x128xf32, #tpu.memory_space<hbm>> -> memref<128x128xf32, #tpu.memory_space<hbm>>
      %dma_wait3A_127 = arith.constant 0 : i32
      %dma_wait3A_128 = arith.constant 0 : i32
      %dma_wait3A_129 = tpu.memref_slice %arg3[%dma_wait3A_127, %dma_wait3A_128] : memref<10240x128xf32, #tpu.memory_space<hbm>> -> memref<128x128xf32, #tpu.memory_space<hbm>>
      tpu.wait_dma2 semaphore(%arg9 : memref<!tpu.dma_semaphore, #tpu.memory_space<semaphore_mem>>) src(%dma_wait3A_129 : memref<128x128xf32, #tpu.memory_space<hbm>>) dst(%arg7 : memref<128x128xf32, #tpu.memory_space<vmem>>)
      %dma_wait3A_130 = arith.constant 0 : i32
      %dma_wait3A_131 = arith.constant 0 : i32
      %dma_wait3A_132 = tpu.memref_slice %arg3[%dma_wait3A_130, %dma_wait3A_131] : memref<10240x128xf32, #tpu.memory_space<hbm>> -> memref<128x128xf32, #tpu.memory_space<hbm>>
      %dma_wait3A_133 = arith.constant 0 : i32
      %dma_wait3A_134 = arith.constant 0 : i32
      %dma_wait3A_135 = tpu.memref_slice %arg3[%dma_wait3A_133, %dma_wait3A_134] : memref<10240x128xf32, #tpu.memory_space<hbm>> -> memref<128x128xf32, #tpu.memory_space<hbm>>
      tpu.wait_dma2 semaphore(%arg9 : memref<!tpu.dma_semaphore, #tpu.memory_space<semaphore_mem>>) src(%dma_wait3A_135 : memref<128x128xf32, #tpu.memory_space<hbm>>) dst(%arg7 : memref<128x128xf32, #tpu.memory_space<vmem>>)
    }
    %scan3A_7 = arith.constant 5 : i32
    %barrier3A_8 = arith.constant 0 : index
    tpu.barrier barrier_id(%barrier3A_8)
    "tpu.region"() ({
      %run_scoped3A = tpu.sem_alloc : memref<!tpu.dma_semaphore, #tpu.memory_space<semaphore_mem>>
      %dma_start3A = arith.constant 0 : i32
      %dma_start3A_9 = arith.constant 0 : i32
      %dma_start3A_10 = tpu.memref_slice %arg5[%arg0, %dma_start3A, %dma_start3A_9] : memref<2x10240x128xf32, #tpu.memory_space<hbm>> -> memref<1x10240x128xf32, #tpu.memory_space<hbm>>
      %dma_start3A_11 = tpu.memref_squeeze %dma_start3A_10 : memref<1x10240x128xf32, #tpu.memory_space<hbm>> -> memref<10240x128xf32, #tpu.memory_space<hbm>>
      %dma_start3A_12 = arith.constant 0 : i32
      %dma_start3A_13 = tpu.memref_slice %dma_start3A_11[%mul3A_2, %dma_start3A_12] : memref<10240x128xf32, #tpu.memory_space<hbm>> -> memref<640x128xf32, #tpu.memory_space<hbm>>
      %dma_start3A_14 = arith.constant 0 : i32
      %dma_start3A_15 = tpu.memref_slice %arg8[%mul3A_2, %dma_start3A_14] : memref<10240x128xf32, #tpu.memory_space<vmem_shared>> -> memref<640x128xf32, #tpu.memory_space<vmem_shared>>
      tpu.enqueue_dma source(%dma_start3A_15 : memref<640x128xf32, #tpu.memory_space<vmem_shared>>) target(%dma_start3A_13 : memref<640x128xf32, #tpu.memory_space<hbm>>) target_semaphore(%run_scoped3A : memref<!tpu.dma_semaphore, #tpu.memory_space<semaphore_mem>>)
      %dma_wait3A = arith.constant 0 : i32
      %dma_wait3A_16 = arith.constant 0 : i32
      %dma_wait3A_17 = tpu.memref_slice %arg5[%arg0, %dma_wait3A, %dma_wait3A_16] : memref<2x10240x128xf32, #tpu.memory_space<hbm>> -> memref<1x10240x128xf32, #tpu.memory_space<hbm>>
      %dma_wait3A_18 = tpu.memref_squeeze %dma_wait3A_17 : memref<1x10240x128xf32, #tpu.memory_space<hbm>> -> memref<10240x128xf32, #tpu.memory_space<hbm>>
      %dma_wait3A_19 = arith.constant 0 : i32
      %dma_wait3A_20 = tpu.memref_slice %dma_wait3A_18[%mul3A_2, %dma_wait3A_19] : memref<10240x128xf32, #tpu.memory_space<hbm>> -> memref<640x128xf32, #tpu.memory_space<hbm>>
      %dma_wait3A_21 = arith.constant 0 : i32
      %dma_wait3A_22 = tpu.memref_slice %arg8[%mul3A_2, %dma_wait3A_21] : memref<10240x128xf32, #tpu.memory_space<vmem_shared>> -> memref<640x128xf32, #tpu.memory_space<vmem_shared>>
      tpu.wait_dma2 semaphore(%run_scoped3A : memref<!tpu.dma_semaphore, #tpu.memory_space<semaphore_mem>>) src(%dma_wait3A_22 : memref<640x128xf32, #tpu.memory_space<vmem_shared>>) dst(%dma_wait3A_20 : memref<640x128xf32, #tpu.memory_space<hbm>>)
      tpu.yield
    }) : () -> ()
    return
  }
}

module attributes {stable_mosaic.version = 14 : i64} {
  func.func @body(%arg0: i32, %arg1: memref<640x256xf32, #tpu.memory_space<vmem>>, %arg2: memref<256x256xf32, #tpu.memory_space<vmem>>, %arg3: memref<640x16xf32, #tpu.memory_space<vmem>>, %arg4: memref<640x16xf32, #tpu.memory_space<vmem>>, %arg5: memref<2x640x128xf32, #tpu.memory_space<vmem>>, %arg6: memref<640x16xf32, #tpu.memory_space<vmem>>) attributes {dimension_semantics = [#tpu.dimension_semantics<arbitrary>], iteration_bounds = array<i64: 16>, scalar_prefetch = 0 : i64, scratch_operands = 0 : i64, tpu.core_type = #tpu.core_type<tc>, window_params = [{transform_indices = @transform_0, window_bounds = array<i64: 640, 256>}, {pipeline_mode = #tpu.pipeline_mode<synchronous>, transform_indices = @transform_1, window_bounds = array<i64: 256, 256>}, {transform_indices = @transform_2, window_bounds = array<i64: 640, 16>}, {transform_indices = @transform_3, window_bounds = array<i64: 640, 16>}, {transform_indices = @transform_4, window_bounds = array<i64: 2, 640, 128>}, {transform_indices = @transform_5, window_bounds = array<i64: 640, 16>}]} {
    %get3A = arith.constant 0 : index
    %get3A_0 = arith.constant 0 : index
    %get3A_1 = vector.load %arg3[%get3A, %get3A_0] : memref<640x16xf32, #tpu.memory_space<vmem>>, vector<640x1xf32>
    %get3A_2 = arith.constant 0 : index
    %get3A_3 = arith.constant 0 : index
    %get3A_4 = vector.load %arg4[%get3A_2, %get3A_3] : memref<640x16xf32, #tpu.memory_space<vmem>>, vector<640x1xf32>
    %add3A = arith.addf %get3A_1, %get3A_4 : vector<640x1xf32>
    %add3A_5 = arith.constant 1.000000e+00 : f32
    %add3A_6 = vector.broadcast %add3A_5 : f32 to vector<640x1xf32>
    %add3A_7 = arith.addf %add3A, %add3A_6 : vector<640x1xf32>
    %rsqrt3A = math.rsqrt %add3A_7 : vector<640x1xf32>
    %broadcast_in_dim3A = vector.shape_cast %rsqrt3A : vector<640x1xf32> to vector<640x1xf32>
    %broadcast_in_dim3A_8 = vector.broadcast %broadcast_in_dim3A : vector<640x1xf32> to vector<640x16xf32>
    %swap3A = arith.constant 0 : index
    %swap3A_9 = arith.constant 0 : index
    %swap3A_10 = vector.load %arg6[%swap3A, %swap3A_9] : memref<640x16xf32, #tpu.memory_space<vmem>>, vector<640x16xf32>
    tpu.vector_store %arg6[%swap3A, %swap3A_9], %broadcast_in_dim3A_8 {strides = array<i32>} : memref<640x16xf32, #tpu.memory_space<vmem>>, vector<640x16xf32>,
    %get3A_11 = arith.constant 0 : index
    %get3A_12 = arith.constant 0 : index
    %get3A_13 = vector.load %arg1[%get3A_11, %get3A_12] : memref<640x256xf32, #tpu.memory_space<vmem>>, vector<640x256xf32>
    %mul3A = vector.broadcast %rsqrt3A : vector<640x1xf32> to vector<640x256xf32>
    %mul3A_14 = arith.mulf %get3A_13, %mul3A : vector<640x256xf32>
    %get3A_15 = arith.constant 0 : index
    %get3A_16 = arith.constant 0 : index
    %get3A_17 = vector.load %arg2[%get3A_15, %get3A_16] : memref<256x256xf32, #tpu.memory_space<vmem>>, vector<256x256xf32>
    %dot_general3A = arith.constant dense<0.000000e+00> : vector<640x256xf32>
    %dot_general3A_18 = tpu.matmul %mul3A_14, %get3A_17, %dot_general3A {dimension_numbers = #tpu.dot_dimension_numbers<[1], [0], [0], [1], [0, 0, 1, 1], [], []>, transpose_lhs_hint = false} : vector<640x256xf32>, vector<256x256xf32>, vector<640x256xf32> -> vector<640x256xf32>
    %slice3A = vector.extract_strided_slice %dot_general3A_18 {offsets = [0, 0], sizes = [640, 128], strides = [1, 1]} : vector<640x256xf32> to vector<640x128xf32>
    %swap3A_19 = arith.constant 0 : index
    %swap3A_20 = arith.constant 0 : index
    %swap3A_21 = arith.constant 0 : index
    %swap3A_22 = vector.load %arg5[%swap3A_19, %swap3A_20, %swap3A_21] : memref<2x640x128xf32, #tpu.memory_space<vmem>>, vector<1x640x128xf32>
    %swap3A_23 = vector.shape_cast %swap3A_22 : vector<1x640x128xf32> to vector<640x128xf32>
    %swap3A_24 = vector.shape_cast %slice3A : vector<640x128xf32> to vector<1x640x128xf32>
    tpu.vector_store %arg5[%swap3A_19, %swap3A_20, %swap3A_21], %swap3A_24 {strides = array<i32>} : memref<2x640x128xf32, #tpu.memory_space<vmem>>, vector<1x640x128xf32>,
    %slice3A_25 = vector.extract_strided_slice %dot_general3A_18 {offsets = [0, 128], sizes = [640, 128], strides = [1, 1]} : vector<640x256xf32> to vector<640x128xf32>
    %swap3A_26 = arith.constant 1 : index
    %swap3A_27 = arith.constant 0 : index
    %swap3A_28 = arith.constant 0 : index
    %swap3A_29 = vector.load %arg5[%swap3A_26, %swap3A_27, %swap3A_28] : memref<2x640x128xf32, #tpu.memory_space<vmem>>, vector<1x640x128xf32>
    %swap3A_30 = vector.shape_cast %swap3A_29 : vector<1x640x128xf32> to vector<640x128xf32>
    %swap3A_31 = vector.shape_cast %slice3A_25 : vector<640x128xf32> to vector<1x640x128xf32>
    tpu.vector_store %arg5[%swap3A_26, %swap3A_27, %swap3A_28], %swap3A_31 {strides = array<i32>} : memref<2x640x128xf32, #tpu.memory_space<vmem>>, vector<1x640x128xf32>,
    return
  }
  func.func @transform_0(%arg0: i32) -> (i32, i32) {
    %c0_i32 = arith.constant 0 : i32
    %c0_i32_0 = arith.constant 0 : i32
    return %arg0, %c0_i32 : i32, i32
  }
  func.func @transform_1(%arg0: i32) -> (i32, i32) {
    %c0_i32 = arith.constant 0 : i32
    %c0_i32_0 = arith.constant 0 : i32
    %c0_i32_1 = arith.constant 0 : i32
    return %c0_i32, %c0_i32_0 : i32, i32
  }
  func.func @transform_2(%arg0: i32) -> (i32, i32) {
    %c0_i32 = arith.constant 0 : i32
    %c0_i32_0 = arith.constant 0 : i32
    return %arg0, %c0_i32 : i32, i32
  }
  func.func @transform_3(%arg0: i32) -> (i32, i32) {
    %c0_i32 = arith.constant 0 : i32
    %c0_i32_0 = arith.constant 0 : i32
    return %arg0, %c0_i32 : i32, i32
  }
  func.func @transform_4(%arg0: i32) -> (i32, i32, i32) {
    %c0_i32 = arith.constant 0 : i32
    %c0_i32_0 = arith.constant 0 : i32
    %c0_i32_1 = arith.constant 0 : i32
    return %c0_i32, %arg0, %c0_i32_0 : i32, i32, i32
  }
  func.func @transform_5(%arg0: i32) -> (i32, i32) {
    %c0_i32 = arith.constant 0 : i32
    %c0_i32_0 = arith.constant 0 : i32
    return %arg0, %c0_i32 : i32, i32
  }
}

module attributes {stable_mosaic.version = 14 : i64} {
  func.func @body(%arg0: i32, %arg1: memref<2x640x128xf32, #tpu.memory_space<vmem>>, %arg2: memref<2x640x128xf32, #tpu.memory_space<vmem>>, %arg3: memref<640x16xf32, #tpu.memory_space<vmem>>, %arg4: memref<256x256xf32, #tpu.memory_space<vmem>>, %arg5: memref<1x256xf32, #tpu.memory_space<vmem>>, %arg6: memref<2x640x128xf32, #tpu.memory_space<vmem>>, %arg7: memref<640x128xf32, #tpu.memory_space<vmem>>) attributes {dimension_semantics = [#tpu.dimension_semantics<arbitrary>], iteration_bounds = array<i64: 16>, scalar_prefetch = 0 : i64, scratch_operands = 0 : i64, tpu.core_type = #tpu.core_type<tc>, window_params = [{transform_indices = @transform_0, window_bounds = array<i64: 2, 640, 128>}, {transform_indices = @transform_1, window_bounds = array<i64: 2, 640, 128>}, {transform_indices = @transform_2, window_bounds = array<i64: 640, 16>}, {pipeline_mode = #tpu.pipeline_mode<synchronous>, transform_indices = @transform_3, window_bounds = array<i64: 256, 256>}, {pipeline_mode = #tpu.pipeline_mode<synchronous>, transform_indices = @transform_4, window_bounds = array<i64: 1, 256>}, {transform_indices = @transform_5, window_bounds = array<i64: 2, 640, 128>}, {transform_indices = @transform_6, window_bounds = array<i64: 640, 128>}]} {
    %get3A = arith.constant 0 : index
    %get3A_0 = arith.constant 0 : index
    %get3A_1 = vector.load %arg3[%get3A, %get3A_0] : memref<640x16xf32, #tpu.memory_space<vmem>>, vector<640x1xf32>
    %get3A_2 = arith.constant 0 : index
    %get3A_3 = arith.constant 0 : index
    %get3A_4 = vector.load %arg5[%get3A_2, %get3A_3] : memref<1x256xf32, #tpu.memory_space<vmem>>, vector<1x256xf32>
    %get3A_5 = arith.constant 0 : index
    %get3A_6 = arith.constant 0 : index
    %get3A_7 = vector.load %arg4[%get3A_5, %get3A_6] : memref<256x256xf32, #tpu.memory_space<vmem>>, vector<256x256xf32>
    %get3A_8 = arith.constant 0 : index
    %get3A_9 = arith.constant 0 : index
    %get3A_10 = arith.constant 0 : index
    %get3A_11 = vector.load %arg1[%get3A_8, %get3A_9, %get3A_10] : memref<2x640x128xf32, #tpu.memory_space<vmem>>, vector<1x640x128xf32>
    %get3A_12 = vector.shape_cast %get3A_11 : vector<1x640x128xf32> to vector<640x128xf32>
    %get3A_13 = arith.constant 0 : index
    %get3A_14 = arith.constant 0 : index
    %get3A_15 = arith.constant 0 : index
    %get3A_16 = vector.load %arg2[%get3A_13, %get3A_14, %get3A_15] : memref<2x640x128xf32, #tpu.memory_space<vmem>>, vector<1x640x128xf32>
    %get3A_17 = vector.shape_cast %get3A_16 : vector<1x640x128xf32> to vector<640x128xf32>
    %add3A = arith.addf %get3A_12, %get3A_17 : vector<640x128xf32>
    %mul3A = vector.broadcast %get3A_1 : vector<640x1xf32> to vector<640x128xf32>
    %mul3A_18 = arith.mulf %add3A, %mul3A : vector<640x128xf32>
    %slice3A = vector.extract_strided_slice %get3A_4 {offsets = [0, 0], sizes = [1, 128], strides = [1, 1]} : vector<1x256xf32> to vector<1x128xf32>
    %add3A_19 = vector.broadcast %slice3A : vector<1x128xf32> to vector<640x128xf32>
    %add3A_20 = arith.addf %mul3A_18, %add3A_19 : vector<640x128xf32>
    %max3A = arith.constant 0.000000e+00 : f32
    %max3A_21 = vector.broadcast %max3A : f32 to vector<640x128xf32>
    %max3A_22 = arith.maximumf %add3A_20, %max3A_21 : vector<640x128xf32>
    %mul3A_23 = vector.broadcast %get3A_1 : vector<640x1xf32> to vector<640x128xf32>
    %mul3A_24 = arith.mulf %max3A_22, %mul3A_23 : vector<640x128xf32>
    %get3A_25 = arith.constant 1 : index
    %get3A_26 = arith.constant 0 : index
    %get3A_27 = arith.constant 0 : index
    %get3A_28 = vector.load %arg1[%get3A_25, %get3A_26, %get3A_27] : memref<2x640x128xf32, #tpu.memory_space<vmem>>, vector<1x640x128xf32>
    %get3A_29 = vector.shape_cast %get3A_28 : vector<1x640x128xf32> to vector<640x128xf32>
    %get3A_30 = arith.constant 1 : index
    %get3A_31 = arith.constant 0 : index
    %get3A_32 = arith.constant 0 : index
    %get3A_33 = vector.load %arg2[%get3A_30, %get3A_31, %get3A_32] : memref<2x640x128xf32, #tpu.memory_space<vmem>>, vector<1x640x128xf32>
    %get3A_34 = vector.shape_cast %get3A_33 : vector<1x640x128xf32> to vector<640x128xf32>
    %add3A_35 = arith.addf %get3A_29, %get3A_34 : vector<640x128xf32>
    %mul3A_36 = vector.broadcast %get3A_1 : vector<640x1xf32> to vector<640x128xf32>
    %mul3A_37 = arith.mulf %add3A_35, %mul3A_36 : vector<640x128xf32>
    %slice3A_38 = vector.extract_strided_slice %get3A_4 {offsets = [0, 128], sizes = [1, 128], strides = [1, 1]} : vector<1x256xf32> to vector<1x128xf32>
    %add3A_39 = vector.broadcast %slice3A_38 : vector<1x128xf32> to vector<640x128xf32>
    %add3A_40 = arith.addf %mul3A_37, %add3A_39 : vector<640x128xf32>
    %max3A_41 = arith.constant 0.000000e+00 : f32
    %max3A_42 = vector.broadcast %max3A_41 : f32 to vector<640x128xf32>
    %max3A_43 = arith.maximumf %add3A_40, %max3A_42 : vector<640x128xf32>
    %mul3A_44 = vector.broadcast %get3A_1 : vector<640x1xf32> to vector<640x128xf32>
    %mul3A_45 = arith.mulf %max3A_43, %mul3A_44 : vector<640x128xf32>
    %slice3A_46 = vector.extract_strided_slice %get3A_7 {offsets = [0, 0], sizes = [128, 256], strides = [1, 1]} : vector<256x256xf32> to vector<128x256xf32>
    %dot_general3A = arith.constant dense<0.000000e+00> : vector<640x256xf32>
    %dot_general3A_47 = tpu.matmul %mul3A_24, %slice3A_46, %dot_general3A {dimension_numbers = #tpu.dot_dimension_numbers<[1], [0], [0], [1], [0, 0, 1, 1], [], []>, transpose_lhs_hint = false} : vector<640x128xf32>, vector<128x256xf32>, vector<640x256xf32> -> vector<640x256xf32>
    %slice3A_48 = vector.extract_strided_slice %get3A_7 {offsets = [128, 0], sizes = [128, 256], strides = [1, 1]} : vector<256x256xf32> to vector<128x256xf32>
    %dot_general3A_49 = arith.constant dense<0.000000e+00> : vector<640x256xf32>
    %dot_general3A_50 = tpu.matmul %mul3A_45, %slice3A_48, %dot_general3A_49 {dimension_numbers = #tpu.dot_dimension_numbers<[1], [0], [0], [1], [0, 0, 1, 1], [], []>, transpose_lhs_hint = false} : vector<640x128xf32>, vector<128x256xf32>, vector<640x256xf32> -> vector<640x256xf32>
    %add3A_51 = arith.addf %dot_general3A_47, %dot_general3A_50 : vector<640x256xf32>
    %slice3A_52 = vector.extract_strided_slice %add3A_51 {offsets = [0, 0], sizes = [640, 128], strides = [1, 1]} : vector<640x256xf32> to vector<640x128xf32>
    %swap3A = arith.constant 0 : index
    %swap3A_53 = arith.constant 0 : index
    %swap3A_54 = arith.constant 0 : index
    %swap3A_55 = vector.load %arg6[%swap3A, %swap3A_53, %swap3A_54] : memref<2x640x128xf32, #tpu.memory_space<vmem>>, vector<1x640x128xf32>
    %swap3A_56 = vector.shape_cast %swap3A_55 : vector<1x640x128xf32> to vector<640x128xf32>
    %swap3A_57 = vector.shape_cast %slice3A_52 : vector<640x128xf32> to vector<1x640x128xf32>
    tpu.vector_store %arg6[%swap3A, %swap3A_53, %swap3A_54], %swap3A_57 {strides = array<i32>} : memref<2x640x128xf32, #tpu.memory_space<vmem>>, vector<1x640x128xf32>,
    %slice3A_58 = vector.extract_strided_slice %add3A_51 {offsets = [0, 128], sizes = [640, 128], strides = [1, 1]} : vector<640x256xf32> to vector<640x128xf32>
    %swap3A_59 = arith.constant 1 : index
    %swap3A_60 = arith.constant 0 : index
    %swap3A_61 = arith.constant 0 : index
    %swap3A_62 = vector.load %arg6[%swap3A_59, %swap3A_60, %swap3A_61] : memref<2x640x128xf32, #tpu.memory_space<vmem>>, vector<1x640x128xf32>
    %swap3A_63 = vector.shape_cast %swap3A_62 : vector<1x640x128xf32> to vector<640x128xf32>
    %swap3A_64 = vector.shape_cast %slice3A_58 : vector<640x128xf32> to vector<1x640x128xf32>
    tpu.vector_store %arg6[%swap3A_59, %swap3A_60, %swap3A_61], %swap3A_64 {strides = array<i32>} : memref<2x640x128xf32, #tpu.memory_space<vmem>>, vector<1x640x128xf32>,
    %broadcast_in_dim3A = vector.shape_cast %get3A_1 : vector<640x1xf32> to vector<640x1xf32>
    %broadcast_in_dim3A_65 = vector.broadcast %broadcast_in_dim3A : vector<640x1xf32> to vector<640x128xf32>
    %swap3A_66 = arith.constant 0 : index
    %swap3A_67 = arith.constant 0 : index
    %swap3A_68 = vector.load %arg7[%swap3A_66, %swap3A_67] : memref<640x128xf32, #tpu.memory_space<vmem>>, vector<640x128xf32>
    tpu.vector_store %arg7[%swap3A_66, %swap3A_67], %broadcast_in_dim3A_65 {strides = array<i32>} : memref<640x128xf32, #tpu.memory_space<vmem>>, vector<640x128xf32>,
    return
  }
  func.func @transform_0(%arg0: i32) -> (i32, i32, i32) {
    %c0_i32 = arith.constant 0 : i32
    %c0_i32_0 = arith.constant 0 : i32
    %c0_i32_1 = arith.constant 0 : i32
    return %c0_i32, %arg0, %c0_i32_0 : i32, i32, i32
  }
  func.func @transform_1(%arg0: i32) -> (i32, i32, i32) {
    %c0_i32 = arith.constant 0 : i32
    %c0_i32_0 = arith.constant 0 : i32
    %c0_i32_1 = arith.constant 0 : i32
    return %c0_i32, %arg0, %c0_i32_0 : i32, i32, i32
  }
  func.func @transform_2(%arg0: i32) -> (i32, i32) {
    %c0_i32 = arith.constant 0 : i32
    %c0_i32_0 = arith.constant 0 : i32
    return %arg0, %c0_i32 : i32, i32
  }
  func.func @transform_3(%arg0: i32) -> (i32, i32) {
    %c0_i32 = arith.constant 0 : i32
    %c0_i32_0 = arith.constant 0 : i32
    %c0_i32_1 = arith.constant 0 : i32
    return %c0_i32, %c0_i32_0 : i32, i32
  }
  func.func @transform_4(%arg0: i32) -> (i32, i32) {
    %c0_i32 = arith.constant 0 : i32
    %c0_i32_0 = arith.constant 0 : i32
    %c0_i32_1 = arith.constant 0 : i32
    return %c0_i32, %c0_i32_0 : i32, i32
  }
  func.func @transform_5(%arg0: i32) -> (i32, i32, i32) {
    %c0_i32 = arith.constant 0 : i32
    %c0_i32_0 = arith.constant 0 : i32
    %c0_i32_1 = arith.constant 0 : i32
    return %c0_i32, %arg0, %c0_i32_0 : i32, i32, i32
  }
  func.func @transform_6(%arg0: i32) -> (i32, i32) {
    %c0_i32 = arith.constant 0 : i32
    %c0_i32_0 = arith.constant 0 : i32
    return %arg0, %c0_i32 : i32, i32
  }
}

</mosaic_0001>

<sc_bundles>
// kernel: kernel.10.cloned.1.call-start
scs
__scs_entry_jumppad:
0x0: {  	(pc) =	sbr.rel $0x88, $3  }
0x1: {  	(tag) =	ssettag $0x0;
	lr =	simm.s32 $0x1  }
0x2: {  	[smem:$0x3F9B] =	sst lr;
	_ =	strace $0xD0000000  }
0x3: {  	_ = 	snop  }
0x4: {  	_ = 	snop  }
0x5: {  	_ = 	snop  }
0x6: {  	_ = 	snop  }
0x7: {  	_ = 	snop  }
__scs_overlays_trampoline_lowered:
0x8: {  	[smem:$0x3FAA] =	sst s0  }
0x9: {  	[smem:$0x3FAB] =	sst s1  }
0xa: {  	[smem:$0x3FAC] =	sst s2  }
0xb: {  	[smem:$0x3FAD] =	sst s3  }
0xc: {  	[smem:$0x3FAE] =	sst s4  }
0xd: {  	[smem:$0x3FAF] =	sst s5  }
0xe: {  	[smem:$0x3FB0] =	sst s6  }
0xf: {  	[smem:$0x3FB1] =	sst s7  }
0x10: {  	[smem:$0x3FB2] =	sst s8  }
0x11: {  	[smem:$0x3FB3] =	sst s9;
	s0 =	simm.s32 @!p0 $0x0  }
0x12: {  	s1 =	sld [smem:$0x3F99];
	s0 =	simm.s32 @p0 $0x1  }
0x13: {  	[smem:$0x3FB4] =	sst s0;
	s0 =	simm.s32 @!p1 $0x0  }
0x14: {  	s2 =	sld [smem:$0x3F98];
	s0 =	simm.s32 @p1 $0x1  }
0x15: {  	[smem:$0x3FB5] =	sst s0;
	s0 =	simm.s32 @!p2 $0x0  }
0x16: {  	s3 =	sld [smem:$0x3FDB];
	s0 =	simm.s32 @p2 $0x1  }
0x17: {  	s4 =	simm.s32 $0x1BF5;
	[smem:$0x3FB7] =	sst s0  }
0x18: {  	s0 =	sld [smem:$0x3F9A];
	_ =	swait.ge [sflag:s4], $0x0  }
0x19: {  	s7 =	sld [smem:$0x3F9B]  }
0x1a: {  	s8 =	sadd.s32 $0xFFFFE003, lr  }
0x1b: {  	s9 =	sadd.s32 $0xFFFFFEF7, lr;
	s5 =	simm.s32 $0xFFFFFFFF;
	p2 =	slt.u32 s8, $0xFFFFF086  }
0x1c: {  	p1 =	slt.u32 s9, $0xF7A;
	s5 =	simm.s32 @!p2 $0x0  }
0x1d: {  	s5 =	simm.s32 @p1 $0x1;
	p0 =	seq.s32 s7, s2  }
0x1e: {  	s7 =	smul.u32 @!p0 $0xF7A, s2;
	p2 =	seq.s32 @!p0 s5, $0x0  }
0x1f: {  	s9 =	smul.u32 $0xF7A, s1;
	s8 =	simm.s32 @!p0 $0x1BF5;
	p2 =	por !p2, p0  }
0x20: {  	[sflag:s8] =	ssyncset.s32 @!p0 $0xFFFFF086;
	s6 =	sadd.s32 @!p0 s3, s7;
	s7 =	simm.s32 @!p0 $0x108  }
0x21: {  	s3 =	sadd.s32 s3, s9;
	s6 =	sadd.s32 @!p0 $0x88, s6;
	s7 =	simm.s32 @p2 $0x1082  }
0x22: {  	[simem:s7], [sflag:s8] =	dma.local @!p0 [hbm:s6], $0xF7A  }
0x23: {  	s9 =	sor.u32 $0xD0000000, s2;
	s6 =	simm.s32 $0x108;
	_ =	swait.ge @!p0 [sflag:s8], $0x0  }
0x24: {  	s3 =	sadd.s32 $0x88, s3;
	s6 =	simm.s32 @!p1 $0x1082;
	[sflag:s4] =	ssyncset.s32 $0xFFFFF086  }
0x25: {  	[simem:s6], [sflag:s4] =	dma.local [hbm:s3], $0xF7A  }
0x26: {  	[smem:$0x3F9B] =	sst s1;
	(tag) =	ssettag s2;
	_ =	strace s9  }
0x27: {  	s1 =	sld [smem:$0x3FAB]  }
0x28: {  	s2 =	sld [smem:$0x3FAC]  }
0x29: {  	s4 =	sld [smem:$0x3FAE]  }
0x2a: {  	p0 =	seq.s32 s5, $0x0;
	s5 =	sld [smem:$0x3FAF]  }
0x2b: {  	s6 =	sld [smem:$0x3FB0]  }
0x2c: {  	s7 =	sld [smem:$0x3FB1]  }
0x2d: {  	s3 =	simm.s32 $0x108;
	s8 =	sld [smem:$0x3FB2]  }
0x2e: {  	s3 =	simm.s32 @!p0 $0x1082;
	s9 =	sld [smem:$0x3FB3]  }
0x2f: {  	lr =	sadd.s32 s0, s3;
	s0 =	sld [smem:$0x3FAA]  }
0x30: {  	s3 =	sld [smem:$0x3FAD]  }
0x31: {  	[smem:$0x3FB6] =	sst s10  }
0x32: {  	s10 =	sld [smem:$0x3FB4];
	_ =	sdelay $0x3  }
0x33: {  	p0 =	seq.s32 s10, $0x1;
	s10 =	sld [smem:$0x3FB6];
	_ =	sdelay $0x3  }
0x34: {  	[smem:$0x3FB6] =	sst s10  }
0x35: {  	s10 =	sld [smem:$0x3FB5];
	_ =	sdelay $0x3  }
0x36: {  	p1 =	seq.s32 s10, $0x1;
	s10 =	sld [smem:$0x3FB6];
	_ =	sdelay $0x3  }
0x37: {  	[smem:$0x3FB6] =	sst s10  }
0x38: {  	s10 =	sld [smem:$0x3FB7]  }
0x39: {  	_ = 	snop;
	(pc) =	sbr.ind lr, $3  }
0x3a: {  	_ = 	snop  }
0x3b: {  	_ = 	snop  }
0x3c: {  	p2 =	seq.s32 s10, $0x1;
	s10 =	sld [smem:$0x3FB6]  }
0x3d: {  	_ =	shalt  }
0x3e: {  	_ =	shalt  }
0x3f: {  	_ =	shalt  }
0x40: {  	_ =	shalt  }
0x41: {  	_ =	shalt  }
0x42: {  	_ =	shalt  }
0x43: {  	_ =	shalt  }
0x44: {  	_ =	shalt  }
0x45: {  	_ =	shalt  }
0x46: {  	_ =	shalt  }
0x47: {  	_ =	shalt  }
0x48: {  	_ =	shalt  }
0x49: {  	_ =	shalt  }
0x4a: {  	_ =	shalt  }
0x4b: {  	_ =	shalt  }
0x4c: {  	_ =	shalt  }
0x4d: {  	_ =	shalt  }
0x4e: {  	_ =	shalt  }
0x4f: {  	_ =	shalt  }
0x50: {  	_ =	shalt  }
0x51: {  	_ =	shalt  }
0x52: {  	_ =	shalt  }
0x53: {  	_ =	shalt  }
0x54: {  	_ =	shalt  }
0x55: {  	_ =	shalt  }
0x56: {  	_ =	shalt  }
0x57: {  	_ =	shalt  }
0x58: {  	_ =	shalt  }
0x59: {  	_ =	shalt  }
0x5a: {  	_ =	shalt  }
0x5b: {  	_ =	shalt  }
0x5c: {  	_ =	shalt  }
0x5d: {  	_ =	shalt  }
0x5e: {  	_ =	shalt  }
0x5f: {  	_ =	shalt  }
0x60: {  	_ =	shalt  }
0x61: {  	_ =	shalt  }
0x62: {  	_ =	shalt  }
0x63: {  	_ =	shalt  }
0x64: {  	_ =	shalt  }
0x65: {  	_ =	shalt  }
0x66: {  	_ =	shalt  }
0x67: {  	_ =	shalt  }
0x68: {  	_ =	shalt  }
0x69: {  	_ =	shalt  }
0x6a: {  	_ =	shalt  }
0x6b: {  	_ =	shalt  }
0x6c: {  	_ =	shalt  }
0x6d: {  	_ =	shalt  }
0x6e: {  	_ =	shalt  }
0x6f: {  	_ =	shalt  }
0x70: {  	_ =	shalt  }
0x71: {  	_ =	shalt  }
0x72: {  	_ =	shalt  }
0x73: {  	_ =	shalt  }
0x74: {  	_ =	shalt  }
0x75: {  	_ =	shalt  }
0x76: {  	_ =	shalt  }
0x77: {  	_ =	shalt  }
0x78: {  	_ =	shalt  }
0x79: {  	_ =	shalt  }
0x7a: {  	_ =	shalt  }
0x7b: {  	_ =	shalt  }
0x7c: {  	_ =	shalt  }
0x7d: {  	_ =	shalt  }
0x7e: {  	_ =	shalt  }
0x7f: {  	_ =	shalt  }
0x80: {  	_ =	shalt  }
0x81: {  	_ =	shalt  }
0x82: {  	_ =	shalt  }
0x83: {  	_ =	shalt  }
0x84: {  	_ =	shalt  }
0x85: {  	_ =	shalt  }
0x86: {  	_ =	shalt  }
0x87: {  	_ =	shalt  }
.Lfunc_end0:
.L_simem_size_0:
called_computation.1_lowered:
.L_overlay_start_0:
0x88: {  	s2 =	sld [smem:$0x3FD9]  }
0x89: {  	s3 =	sld [smem:$0x3FFE];
	_ =	sdelay $0x1  }
0x8a: {  	s1 =	srdreg.scid  }
0x8b: {  	s0 =	sand.u32 $0x1, s1  }
0x8c: {  	s17 =	sshll.u32 s0, $0xA;
	s2 =	sadd.s32 s3, s2  }
0x8d: {  	s2 =	sadd.s32 s2, s17  }
0x8e: {  	[smem:$0x3FC2] =	sst s2  }
0x8f: {  	_ = 	snop  }
0x90: {  	s2 =	sld [smem:$0x3FD0];
	(tm) =	ssettm $0x1  }
0x91: {  	s18 =	sld [smem:$0x3FFB];
	_ =	sdelay $0x3  }
0x92: {  	_ =	strace s18  }
0x93: {  	s3 =	sld [smem:$0x3FFC];
	_ =	sdelay $0x3  }
0x94: {  	_ =	strace s3  }
0x95: {  	s3 =	sld [smem:$0x3FFD];
	_ =	sdelay $0x3  }
0x96: {  	_ =	strace s3  }
0x97: {  	_ =	strace $0x8FFFFFFF  }
0x98: {  	s19 =	sld [smem:$0x3FDB];
	_ =	sdelay $0x1  }
0x99: {  	s4 =	simm.s32 $_scs_section_size  }
0x9a: {  	s5 =	simm.s32 $_size__tile_overlayer_lowered;
	s6 =	simm.s32 $_tile_overlayer_lowered  }
0x9b: {  	s22 =	simm.s32 $0x1BFF;
	s21 =	sshll.u32 s6, $0x1;
	s3 =	sadd.s32 s4, s19  }
0x9c: {  	s7 =	simm.s32 $0x0;
	s20 =	sshll.u32 s5, $0x1;
	s5 =	sadd.s32 s21, s3  }
0x9d: {  	[timem:s7], [sflag:s22] =	dma.local [hbm:s5], s20  }
0x9e: {  	_ =	swait.ge [sflag:s22], s20  }
0x9f: {  	s4 =	ssub.s32 $0x0, s20;
	[sflag:s22] =	ssyncset.done $0x0  }
0xa0: {  	[sflag:s22] =	ssyncadd.s32 s4;
	_ =	sdelay $0x1  }
0xa1: {  	s23 =	simm.s32 $0x1B8B  }
0xa2: {  	_ =	swait.ge [sflag:s23], $0x1  }
0xa3: {  	[sflag:s23] =	ssyncset.done $0x0  }
0xa4: {  	s25 =	simm.s32 $0x1B8E;
	s24 =	sld [smem:$0x3FFE];
	[sflag:s23] =	ssyncadd.s32 $0xFFFFFFFF  }
0xa5: {  	s26 =	simm.s32 $execute0_lowered;
	[smem:$0x3FD2] =	sst s25  }
0xa6: {  	s5 =	sshll.u32 s26, $0x1;
	_ =	strace $0x80000049;
	[dreg:$0x1] =	wrdreg $0xFFFFFFFF  }
0xa7: {  	s28 =	simm.s32 $_size_execute0_lowered;
	s3 =	sadd.s32 s3, s5;
	[dreg:$0x0] =	wrdreg $0x0  }
0xa8: {  	s5 =	sshll.u32 s28, $0x1;
	[dreg:$0x2] =	wrdreg s3  }
0xa9: {  	[dreg:$0x3] =	wrdreg s5  }
0xaa: {  	[dreg:$0x4] =	wrdreg $0xC0  }
0xab: {  	_ =	task [dreg:s7], $0x5FFFF  }
0xac: {  	[dreg:$0x1] =	wrdreg $0xFFFFFFFF  }
0xad: {  	[dreg:$0x0] =	wrdreg $0x60  }
0xae: {  	[dreg:$0x2] =	wrdreg s24  }
0xaf: {  	[dreg:$0x3] =	wrdreg s2  }
0xb0: {  	[dreg:$0x4] =	wrdreg $0xA8000  }
0xb1: {  	[dreg:$0x5] =	wrdreg $0x9  }
0xb2: {  	_ =	task.clear_ibuf [dreg:s7], $0x6FFFF;
	_ =	strace $0x90000049  }
0xb3: {  	s29 =	simm.s32 $0x9;
	_ =	strace $0x8000004B  }
0xb4: {  	_ =	swait.ge [sflag:s29], $0x1  }
0xb5: {  	[sflag:s29] =	ssyncadd.s32 $0xFFFFFFFF  }
0xb6: {  	_ =	strace $0x9000004B  }
0xb7: {  	_ =	sfence  }
0xb8: {  	s30 =	sld [smem:$0x0];
	_ =	sdelay $0x2  }
0xb9: {  	s31 =	sshll.u32 s1, $0xD;
	s1 =	sshrl.u32 s1, $0x2  }
0xba: {  	s3 =	sand.u32 $0x4000, s31;
	s1 =	sadd.s32 s1, s30  }
0xbb: {  	s0 =	sor.u32 s3, s0;
	s1 =	sshll.u32 s1, $0x11  }
0xbc: {  	s0 =	sor.u32 s1, s0  }
0xbd: {  	s0 =	sadd.s32 $0x8F2B, s0  }
0xbe: {  	[sflag:s0] =	ssyncadd.remote.s32 $0x1  }
0xbf: {  	_ =	sfence.sel $0xFFFF  }
0xc0: {  	[dreg:$0x0] =	wrdreg $0xFFFFFFFF;
	(pc) =	sbr.abs _section_cstart, $3  }
0xc1: {  	[dreg:$0x1] =	wrdreg $0xFFFFFFFF  }
0xc2: {  	_ =	task.clear_ibuf [dreg:s7], $0x2FFFF;
	_ =	strace $0x9FFFFFFF  }
0xc3: {  	(tm) =	ssettm $0x7FFFFFFF  }
tec
execute0_lowered:
.L_overlay_start_1:
0x0: {  	(tag) =	ssettag $0x1  }
0x1: {  	s4 =	rddreg [dreg:$0x0]  }
0x2: {  	s5 =	rddreg [dreg:$0x1]  }
0x3: {  	s1 =	rddreg [dreg:$0x2]  }
0x4: {  	s0 =	rddreg [dreg:$0x3]  }
0x5: {  	s2 =	simm.s32 $0x0;
	s3 =	srdreg.scid;
	s15 =	simm.s32 $0x80  }
0x6: {  	s16 =	simm.s32 $0x2800;
	s17 =	simm.s32 $0x6800;
	s18 =	simm.s32 $0x1  }
0x7: {  	s19 =	simm.s32 $0x2;
	s20 =	simm.s32 $0x2700;
	s6 =	sand.u32 $0x1, s3  }
0x8: {  	s21 =	simm.s32 $0x2780;
	s3 =	stileid.u32;
	s7 =	smul.u32 $0x28000, s6  }
0x9: {  	[smem:$0x7FF] =	sst s2;
	s9 =	sadd.s32 $0xACC00, s4;
	s8 =	smul.u32 $0x50000, s3  }
0xa: {  	s10 =	sadd.s32 $0x7400, s4;
	_ =	strace $0x8000004A;
	s22 =	smul.u32 $0x2800, s3  }
0xb: {  	s26 =	ssub.s32 $0x2, s6;
	s29 =	smul.u32 $0x500, s3;
	s30 =	sshll.u32 s3, $0x6  }
0xc: {  	s6 =	sshrl.u32 s26, $0x1;
	s11 =	sadd.s32 s7, s4;
	s28 =	sshrl.u32 s8, $0x2  }
0xd: {  	s12 =	ssub.s32 s26, s6;
	s4 =	sadd.s32 s5, s22;
	s31 =	sshrl.u32 s22, $0x3  }
0xe: {  	s5 =	sor.u32 $0x1C03, s30;
	s6 =	sadd.s32 s9, s29;
	s7 =	sadd.s32 s10, s29  }
0xf: {  	s13 =	sadd.s32 s28, s1;
	s14 =	sadd.s32 $0x280, s31;
	s8 =	sadd.s32 $0xC400, s11  }
0x10: {  	s23 =	sadd.s32 $0x5C400, s11;
	s11 =	smax.u32 s12, $0x1;
	s9 =	sadd.s32 s9, s14  }
0x11: {  	s10 =	sadd.s32 s10, s14;
	s12 =	sshrl.u32 s13, $0x3;
	s13 =	simm.s32 $0x3  }
0x12: {  	s14 =	simm.s32 $0x1400;
	s22 =	sadd.s32 s22, s23;
	s23 =	simm.s32 $0x0  }
.LBB2_1:
0x13: {  	[spmem:s12], [sflag:s5] =	dma.local [hbm:s4], $0x2800  }
0x14: {  	_ =	swait.ge [sflag:s13], $0x2800  }
0x15: {  	[sflag:s13] =	ssyncset.done $0x0  }
0x16: {  	[sflag:s13] =	ssyncadd.s32 $0xFFFFD800  }
0x17: {  	[bflag:$0x0] =	sbarrier.arrive $0xFFFF  }
0x18: {  	[tilespmem:s2], [sflag:$0x3] =	stream.linear.gather [hbm4b:s6+s2], $0x1400, $0x38;
	[tilespmem:$0x1E800] =	vst v63  }
0x19: {  	_ =	swait.ge [sflag:s13], $0x1400  }
0x1a: {  	[sflag:s13] =	ssyncset.done $0x0  }
0x1b: {  	[sflag:s13] =	ssyncadd.s32 $0xFFFFEC00  }
0x1c: {  	[tilespmem:s14], [sflag:$0x3] =	stream.linear.gather [hbm4b:s7+s2], $0x1400, $0x38;
	[tilespmem:$0x1E800] =	vst v63  }
0x1d: {  	_ =	swait.ge [sflag:s13], $0x1400  }
0x1e: {  	[sflag:s13] =	ssyncset.done $0x0  }
0x1f: {  	[sflag:s13] =	ssyncadd.s32 $0xFFFFEC00  }
0x20: {  	[tilespmem:s16], [sflag:$0x1] =	stream.indirect.gather [hbm4b:s8+s15], $0x80, s2, s15, $0xb8;
	[tilespmem:$0x1E800] =	vst v63  }
0x21: {  	_ = 	snop  }
0x22: {  	[tilespmem:s17], [sflag:$0x2] =	stream.indirect.gather [hbm4b:s8+s15], $0x80, s15, s15, $0xb8;
	[tilespmem:$0x1E800] =	vst v63  }
0x23: {  	_ =	swait.ge [sflag:s18], $0x4000  }
0x24: {  	[sflag:s18] =	ssyncset.done $0x0  }
0x25: {  	s24 =	simm.s32 $0x1400;
	[sflag:s18] =	ssyncadd.s32 $0xFFFFC000  }
0x26: {  	[spmem:s1] =	stream.indirect.scatter.add.f32 [tilespmem:s16], [sflag:$0x1], $0x80, s24, s15, $0xb8;
	[tilespmem:$0x1E800] =	vst v63  }
0x27: {  	_ =	swait.ge [sflag:s19], $0x4000  }
0x28: {  	[sflag:s19] =	ssyncset.done $0x0  }
0x29: {  	s30 =	simm.s32 $0x1480;
	[sflag:s19] =	ssyncadd.s32 $0xFFFFC000  }
0x2a: {  	[spmem:s1] =	stream.indirect.scatter.add.f32 [tilespmem:s17], [sflag:$0x2], $0x80, s30, s15, $0xb8;
	[tilespmem:$0x1E800] =	vst v63  }
0x2b: {  	_ =	swait.ge [sflag:s18], $0x4000  }
0x2c: {  	[sflag:s18] =	ssyncset.done $0x0  }
0x2d: {  	s31 =	simm.s32 $0x100;
	[sflag:s18] =	ssyncadd.s32 $0xFFFFC000  }
0x2e: {  	[tilespmem:s16], [sflag:$0x1] =	stream.indirect.gather [hbm4b:s8+s15], $0x80, s31, s15, $0xb8;
	[tilespmem:$0x1E800] =	vst v63  }
0x2f: {  	_ =	swait.ge [sflag:s19], $0x4000  }
0x30: {  	[sflag:s19] =	ssyncset.done $0x0  }
0x31: {  	s25 =	simm.s32 $0x180;
	s24 =	simm.s32 $0x400;
	[sflag:s19] =	ssyncadd.s32 $0xFFFFC000  }
.LBB2_2:
0x32: {  	[tilespmem:s17], [sflag:$0x2] =	stream.indirect.gather [hbm4b:s8+s15], $0x80, s25, s15, $0xb8;
	[tilespmem:$0x1E800] =	vst v63  }
0x33: {  	s25 =	smov.u32 s24  }
0x34: {  	p0 =	sne.s32 s24, $0x4800;
	s24 =	sadd.s32 $0x400, s24;
	_ =	swait.ge [sflag:s18], $0x4000  }
0x35: {  	s25 =	sshra.s32 s25, $0x2;
	[sflag:s18] =	ssyncset.done $0x0  }
0x36: {  	s26 =	sadd.s32 $0x1400, s25;
	[sflag:s18] =	ssyncadd.s32 $0xFFFFC000  }
0x37: {  	[spmem:s1] =	stream.indirect.scatter.add.f32 [tilespmem:s16], [sflag:$0x1], $0x80, s26, s15, $0xb8;
	[tilespmem:$0x1E800] =	vst v63  }
0x38: {  	_ =	swait.ge [sflag:s19], $0x4000  }
0x39: {  	[sflag:s19] =	ssyncset.done $0x0  }
0x3a: {  	s26 =	sadd.s32 $0x1480, s25;
	[sflag:s19] =	ssyncadd.s32 $0xFFFFC000  }
0x3b: {  	[spmem:s1] =	stream.indirect.scatter.add.f32 [tilespmem:s17], [sflag:$0x2], $0x80, s26, s15, $0xb8;
	[tilespmem:$0x1E800] =	vst v63  }
0x3c: {  	_ =	swait.ge [sflag:s18], $0x4000  }
0x3d: {  	[sflag:s18] =	ssyncset.done $0x0  }
.Ltmp0:
0x3e: {  	s26 =	sadd.s32 $0x100, s25;
	[sflag:s18] =	ssyncadd.s32 $0xFFFFC000;
	(pc) =	sbr.rel @p0 .LBB2_2-.Ltmp0, $4  }
0x3f: {  	[tilespmem:s16], [sflag:$0x1] =	stream.indirect.gather [hbm4b:s8+s15], $0x80, s26, s15, $0xb8;
	[tilespmem:$0x1E800] =	vst v63  }
0x40: {  	_ =	swait.ge [sflag:s19], $0x4000  }
0x41: {  	[sflag:s19] =	ssyncset.done $0x0  }
0x42: {  	s25 =	sadd.s32 $0x180, s25;
	[sflag:s19] =	ssyncadd.s32 $0xFFFFC000  }
0x43: {  	[tilespmem:s17], [sflag:$0x2] =	stream.indirect.gather [hbm4b:s8+s15], $0x80, s25, s15, $0xb8;
	[tilespmem:$0x1E800] =	vst v63  }
0x44: {  	_ =	swait.ge [sflag:s18], $0x4000  }
0x45: {  	[sflag:s18] =	ssyncset.done $0x0  }
0x46: {  	[sflag:s18] =	ssyncadd.s32 $0xFFFFC000  }
0x47: {  	[spmem:s1] =	stream.indirect.scatter.add.f32 [tilespmem:s16], [sflag:$0x1], $0x80, s20, s15, $0xb8;
	[tilespmem:$0x1E800] =	vst v63  }
0x48: {  	_ =	swait.ge [sflag:s19], $0x4000  }
0x49: {  	[sflag:s19] =	ssyncset.done $0x0  }
0x4a: {  	[sflag:s19] =	ssyncadd.s32 $0xFFFFC000  }
0x4b: {  	[spmem:s1] =	stream.indirect.scatter.add.f32 [tilespmem:s17], [sflag:$0x2], $0x80, s21, s15, $0xb8;
	[tilespmem:$0x1E800] =	vst v63  }
0x4c: {  	_ =	swait.ge [sflag:s18], $0x4000  }
0x4d: {  	[sflag:s18] =	ssyncset.done $0x0  }
0x4e: {  	[sflag:s18] =	ssyncadd.s32 $0xFFFFC000  }
0x4f: {  	_ =	swait.ge [sflag:s19], $0x4000  }
0x50: {  	[sflag:s19] =	ssyncset.done $0x0  }
0x51: {  	s24 =	simm.s32 $0x0;
	[sflag:s19] =	ssyncadd.s32 $0xFFFFC000  }
0x52: {  	[tilespmem:s24], [sflag:$0x3] =	stream.linear.gather [hbm4b:s9+s24], $0x1400, $0x38;
	[tilespmem:$0x1E800] =	vst v63  }
0x53: {  	_ =	swait.ge [sflag:s13], $0x1400  }
0x54: {  	[sflag:s13] =	ssyncset.done $0x0  }
0x55: {  	[sflag:s13] =	ssyncadd.s32 $0xFFFFEC00  }
0x56: {  	[tilespmem:s14], [sflag:$0x3] =	stream.linear.gather [hbm4b:s10+s24], $0x1400, $0x38;
	[tilespmem:$0x1E800] =	vst v63  }
0x57: {  	_ =	swait.ge [sflag:s13], $0x1400  }
0x58: {  	[sflag:s13] =	ssyncset.done $0x0  }
0x59: {  	[sflag:s13] =	ssyncadd.s32 $0xFFFFEC00  }
0x5a: {  	[tilespmem:s16], [sflag:$0x1] =	stream.indirect.gather [hbm4b:s8+s15], $0x80, s24, s15, $0xb8;
	[tilespmem:$0x1E800] =	vst v63  }
0x5b: {  	_ = 	snop  }
0x5c: {  	[tilespmem:s17], [sflag:$0x2] =	stream.indirect.gather [hbm4b:s8+s15], $0x80, s15, s15, $0xb8;
	[tilespmem:$0x1E800] =	vst v63  }
0x5d: {  	_ =	swait.ge [sflag:s18], $0x4000  }
0x5e: {  	[sflag:s18] =	ssyncset.done $0x0  }
0x5f: {  	s29 =	simm.s32 $0x1400;
	[sflag:s18] =	ssyncadd.s32 $0xFFFFC000  }
0x60: {  	[spmem:s1] =	stream.indirect.scatter.add.f32 [tilespmem:s16], [sflag:$0x1], $0x80, s29, s15, $0xb8;
	[tilespmem:$0x1E800] =	vst v63  }
0x61: {  	_ =	swait.ge [sflag:s19], $0x4000  }
0x62: {  	[sflag:s19] =	ssyncset.done $0x0  }
0x63: {  	s30 =	simm.s32 $0x1480;
	[sflag:s19] =	ssyncadd.s32 $0xFFFFC000  }
0x64: {  	[spmem:s1] =	stream.indirect.scatter.add.f32 [tilespmem:s17], [sflag:$0x2], $0x80, s30, s15, $0xb8;
	[tilespmem:$0x1E800] =	vst v63  }
0x65: {  	_ =	swait.ge [sflag:s18], $0x4000  }
0x66: {  	[sflag:s18] =	ssyncset.done $0x0  }
0x67: {  	s31 =	simm.s32 $0x100;
	[sflag:s18] =	ssyncadd.s32 $0xFFFFC000  }
0x68: {  	[tilespmem:s16], [sflag:$0x1] =	stream.indirect.gather [hbm4b:s8+s15], $0x80, s31, s15, $0xb8;
	[tilespmem:$0x1E800] =	vst v63  }
0x69: {  	_ =	swait.ge [sflag:s19], $0x4000  }
0x6a: {  	[sflag:s19] =	ssyncset.done $0x0  }
0x6b: {  	s25 =	simm.s32 $0x180;
	s24 =	simm.s32 $0x400;
	[sflag:s19] =	ssyncadd.s32 $0xFFFFC000  }
.LBB2_4:
0x6c: {  	[tilespmem:s17], [sflag:$0x2] =	stream.indirect.gather [hbm4b:s8+s15], $0x80, s25, s15, $0xb8;
	[tilespmem:$0x1E800] =	vst v63  }
0x6d: {  	s25 =	smov.u32 s24  }
0x6e: {  	p0 =	sne.s32 s24, $0x4800;
	s24 =	sadd.s32 $0x400, s24;
	_ =	swait.ge [sflag:s18], $0x4000  }
0x6f: {  	s25 =	sshra.s32 s25, $0x2;
	[sflag:s18] =	ssyncset.done $0x0  }
0x70: {  	s26 =	sadd.s32 $0x1400, s25;
	[sflag:s18] =	ssyncadd.s32 $0xFFFFC000  }
0x71: {  	[spmem:s1] =	stream.indirect.scatter.add.f32 [tilespmem:s16], [sflag:$0x1], $0x80, s26, s15, $0xb8;
	[tilespmem:$0x1E800] =	vst v63  }
0x72: {  	_ =	swait.ge [sflag:s19], $0x4000  }
0x73: {  	[sflag:s19] =	ssyncset.done $0x0  }
0x74: {  	s26 =	sadd.s32 $0x1480, s25;
	[sflag:s19] =	ssyncadd.s32 $0xFFFFC000  }
0x75: {  	[spmem:s1] =	stream.indirect.scatter.add.f32 [tilespmem:s17], [sflag:$0x2], $0x80, s26, s15, $0xb8;
	[tilespmem:$0x1E800] =	vst v63  }
0x76: {  	_ =	swait.ge [sflag:s18], $0x4000  }
0x77: {  	[sflag:s18] =	ssyncset.done $0x0  }
.Ltmp1:
0x78: {  	s26 =	sadd.s32 $0x100, s25;
	[sflag:s18] =	ssyncadd.s32 $0xFFFFC000;
	(pc) =	sbr.rel @p0 .LBB2_4-.Ltmp1, $4  }
0x79: {  	[tilespmem:s16], [sflag:$0x1] =	stream.indirect.gather [hbm4b:s8+s15], $0x80, s26, s15, $0xb8;
	[tilespmem:$0x1E800] =	vst v63  }
0x7a: {  	_ =	swait.ge [sflag:s19], $0x4000  }
0x7b: {  	[sflag:s19] =	ssyncset.done $0x0  }
0x7c: {  	s25 =	sadd.s32 $0x180, s25;
	[sflag:s19] =	ssyncadd.s32 $0xFFFFC000  }
0x7d: {  	[tilespmem:s17], [sflag:$0x2] =	stream.indirect.gather [hbm4b:s8+s15], $0x80, s25, s15, $0xb8;
	[tilespmem:$0x1E800] =	vst v63  }
0x7e: {  	_ =	swait.ge [sflag:s18], $0x4000  }
0x7f: {  	[sflag:s18] =	ssyncset.done $0x0  }
0x80: {  	[sflag:s18] =	ssyncadd.s32 $0xFFFFC000  }
0x81: {  	[spmem:s1] =	stream.indirect.scatter.add.f32 [tilespmem:s16], [sflag:$0x1], $0x80, s20, s15, $0xb8;
	[tilespmem:$0x1E800] =	vst v63  }
0x82: {  	_ =	swait.ge [sflag:s19], $0x4000  }
0x83: {  	[sflag:s19] =	ssyncset.done $0x0  }
0x84: {  	[sflag:s19] =	ssyncadd.s32 $0xFFFFC000  }
0x85: {  	[spmem:s1] =	stream.indirect.scatter.add.f32 [tilespmem:s17], [sflag:$0x2], $0x80, s21, s15, $0xb8;
	[tilespmem:$0x1E800] =	vst v63  }
0x86: {  	_ =	swait.ge [sflag:s18], $0x4000  }
0x87: {  	[sflag:s18] =	ssyncset.done $0x0  }
0x88: {  	[sflag:s18] =	ssyncadd.s32 $0xFFFFC000  }
0x89: {  	_ =	swait.ge [sflag:s19], $0x4000  }
0x8a: {  	s23 =	sadd.s32 $0x1, s23;
	[sflag:s19] =	ssyncset.done $0x0  }
0x8b: {  	p0 =	sne.s32 s23, s11;
	[sflag:s19] =	ssyncadd.s32 $0xFFFFC000  }
.Ltmp2:
0x8c: {  	[bflag:$0x0] =	sbarrier.arrive $0xFFFF;
	(pc) =	sbr.rel @p0 .LBB2_1-.Ltmp2, $4  }
0x8d: {  	[hbm:s22], [sflag:s5] =	dma.local [spmem:s12], $0x2800  }
0x8e: {  	_ =	swait.ge [sflag:s13], $0x2800  }
0x8f: {  	[sflag:s13] =	ssyncset.done $0x0  }
0x90: {  	[sflag:s13] =	ssyncadd.s32 $0xFFFFD800  }
0x91: {  	_ =	sfence.sel $0x180000  }
0x92: {  	[bflag:$0x0] =	sbarrier.arrive $0xFFFF  }
0x93: {  	p0 =	sne.s32 s3, $0x0;
	_ =	strace $0x9000004A  }
0x94: {  	s0 =	sadd.s32 @!p0 $0x100000, s0;
	[bflag:$0x2] =	sbarrier.arrive $0xFFFF  }
0x95: {  	[sflag:s0] =	ssyncadd.tile.s32 @!p0 $0x1;
	_ =	shalt  }
.Lfunc_end2:
_tile_overlayer_lowered:
.L_overlay_start_2:
0x96: {  	(tag) =	ssettag $0x2  }
0x97: {  	s0 =	rddreg [dreg:$0x0];
	s2 =	stileid.u32  }
0x98: {  	s1 =	rddreg [dreg:$0x1];
	p0 =	sne.s32 s2, $0x0  }
0x99: {  	s3 =	rddreg [dreg:$0x2];
	[bflag:$0x3] =	sbarrier.arrive $0xFFFF;
	s2 =	simm.s32 @!p0 $0x1C03  }
0x9a: {  	[timem:s3], [sflag:s2] =	dma.local @!p0 [hbm:s0], s1  }
0x9b: {  	s0 =	simm.s32 @!p0 $0x3  }
0x9c: {  	_ =	swait.ge @!p0 [sflag:s0], s1  }
0x9d: {  	s1 =	ssub.s32 @!p0 $0x0, s1;
	[sflag:s0] =	ssyncset.done @!p0 $0x0  }
0x9e: {  	[sflag:s0] =	ssyncadd.s32 @!p0 s1  }
0x9f: {  	[bflag:$0x3] =	sbarrier.arrive $0xFFFF  }
0xa0: {  	_ =	shalt  }

// kernel: kernel.13.cloned.1.call-start
scs
__scs_entry_jumppad:
0x0: {  	(pc) =	sbr.rel $0x88, $3  }
0x1: {  	(tag) =	ssettag $0x0;
	lr =	simm.s32 $0x1  }
0x2: {  	[smem:$0x3F9B] =	sst lr;
	_ =	strace $0xD0000000  }
0x3: {  	_ = 	snop  }
0x4: {  	_ = 	snop  }
0x5: {  	_ = 	snop  }
0x6: {  	_ = 	snop  }
0x7: {  	_ = 	snop  }
__scs_overlays_trampoline_lowered:
0x8: {  	[smem:$0x3FAA] =	sst s0  }
0x9: {  	[smem:$0x3FAB] =	sst s1  }
0xa: {  	[smem:$0x3FAC] =	sst s2  }
0xb: {  	[smem:$0x3FAD] =	sst s3  }
0xc: {  	[smem:$0x3FAE] =	sst s4  }
0xd: {  	[smem:$0x3FAF] =	sst s5  }
0xe: {  	[smem:$0x3FB0] =	sst s6  }
0xf: {  	[smem:$0x3FB1] =	sst s7  }
0x10: {  	[smem:$0x3FB2] =	sst s8  }
0x11: {  	[smem:$0x3FB3] =	sst s9;
	s0 =	simm.s32 @!p0 $0x0  }
0x12: {  	s1 =	sld [smem:$0x3F99];
	s0 =	simm.s32 @p0 $0x1  }
0x13: {  	[smem:$0x3FB4] =	sst s0;
	s0 =	simm.s32 @!p1 $0x0  }
0x14: {  	s2 =	sld [smem:$0x3F98];
	s0 =	simm.s32 @p1 $0x1  }
0x15: {  	[smem:$0x3FB5] =	sst s0;
	s0 =	simm.s32 @!p2 $0x0  }
0x16: {  	s3 =	sld [smem:$0x3FDB];
	s0 =	simm.s32 @p2 $0x1  }
0x17: {  	s4 =	simm.s32 $0x1BF5;
	[smem:$0x3FB7] =	sst s0  }
0x18: {  	s0 =	sld [smem:$0x3F9A];
	_ =	swait.ge [sflag:s4], $0x0  }
0x19: {  	s7 =	sld [smem:$0x3F9B]  }
0x1a: {  	s8 =	sadd.s32 $0xFFFFE003, lr  }
0x1b: {  	s9 =	sadd.s32 $0xFFFFFEF7, lr;
	s5 =	simm.s32 $0xFFFFFFFF;
	p2 =	slt.u32 s8, $0xFFFFF086  }
0x1c: {  	p1 =	slt.u32 s9, $0xF7A;
	s5 =	simm.s32 @!p2 $0x0  }
0x1d: {  	s5 =	simm.s32 @p1 $0x1;
	p0 =	seq.s32 s7, s2  }
0x1e: {  	s7 =	smul.u32 @!p0 $0xF7A, s2;
	p2 =	seq.s32 @!p0 s5, $0x0  }
0x1f: {  	s9 =	smul.u32 $0xF7A, s1;
	s8 =	simm.s32 @!p0 $0x1BF5;
	p2 =	por !p2, p0  }
0x20: {  	[sflag:s8] =	ssyncset.s32 @!p0 $0xFFFFF086;
	s6 =	sadd.s32 @!p0 s3, s7;
	s7 =	simm.s32 @!p0 $0x108  }
0x21: {  	s3 =	sadd.s32 s3, s9;
	s6 =	sadd.s32 @!p0 $0x88, s6;
	s7 =	simm.s32 @p2 $0x1082  }
0x22: {  	[simem:s7], [sflag:s8] =	dma.local @!p0 [hbm:s6], $0xF7A  }
0x23: {  	s9 =	sor.u32 $0xD0000000, s2;
	s6 =	simm.s32 $0x108;
	_ =	swait.ge @!p0 [sflag:s8], $0x0  }
0x24: {  	s3 =	sadd.s32 $0x88, s3;
	s6 =	simm.s32 @!p1 $0x1082;
	[sflag:s4] =	ssyncset.s32 $0xFFFFF086  }
0x25: {  	[simem:s6], [sflag:s4] =	dma.local [hbm:s3], $0xF7A  }
0x26: {  	[smem:$0x3F9B] =	sst s1;
	(tag) =	ssettag s2;
	_ =	strace s9  }
0x27: {  	s1 =	sld [smem:$0x3FAB]  }
0x28: {  	s2 =	sld [smem:$0x3FAC]  }
0x29: {  	s4 =	sld [smem:$0x3FAE]  }
0x2a: {  	p0 =	seq.s32 s5, $0x0;
	s5 =	sld [smem:$0x3FAF]  }
0x2b: {  	s6 =	sld [smem:$0x3FB0]  }
0x2c: {  	s7 =	sld [smem:$0x3FB1]  }
0x2d: {  	s3 =	simm.s32 $0x108;
	s8 =	sld [smem:$0x3FB2]  }
0x2e: {  	s3 =	simm.s32 @!p0 $0x1082;
	s9 =	sld [smem:$0x3FB3]  }
0x2f: {  	lr =	sadd.s32 s0, s3;
	s0 =	sld [smem:$0x3FAA]  }
0x30: {  	s3 =	sld [smem:$0x3FAD]  }
0x31: {  	[smem:$0x3FB6] =	sst s10  }
0x32: {  	s10 =	sld [smem:$0x3FB4];
	_ =	sdelay $0x3  }
0x33: {  	p0 =	seq.s32 s10, $0x1;
	s10 =	sld [smem:$0x3FB6];
	_ =	sdelay $0x3  }
0x34: {  	[smem:$0x3FB6] =	sst s10  }
0x35: {  	s10 =	sld [smem:$0x3FB5];
	_ =	sdelay $0x3  }
0x36: {  	p1 =	seq.s32 s10, $0x1;
	s10 =	sld [smem:$0x3FB6];
	_ =	sdelay $0x3  }
0x37: {  	[smem:$0x3FB6] =	sst s10  }
0x38: {  	s10 =	sld [smem:$0x3FB7]  }
0x39: {  	_ = 	snop;
	(pc) =	sbr.ind lr, $3  }
0x3a: {  	_ = 	snop  }
0x3b: {  	_ = 	snop  }
0x3c: {  	p2 =	seq.s32 s10, $0x1;
	s10 =	sld [smem:$0x3FB6]  }
0x3d: {  	_ =	shalt  }
0x3e: {  	_ =	shalt  }
0x3f: {  	_ =	shalt  }
0x40: {  	_ =	shalt  }
0x41: {  	_ =	shalt  }
0x42: {  	_ =	shalt  }
0x43: {  	_ =	shalt  }
0x44: {  	_ =	shalt  }
0x45: {  	_ =	shalt  }
0x46: {  	_ =	shalt  }
0x47: {  	_ =	shalt  }
0x48: {  	_ =	shalt  }
0x49: {  	_ =	shalt  }
0x4a: {  	_ =	shalt  }
0x4b: {  	_ =	shalt  }
0x4c: {  	_ =	shalt  }
0x4d: {  	_ =	shalt  }
0x4e: {  	_ =	shalt  }
0x4f: {  	_ =	shalt  }
0x50: {  	_ =	shalt  }
0x51: {  	_ =	shalt  }
0x52: {  	_ =	shalt  }
0x53: {  	_ =	shalt  }
0x54: {  	_ =	shalt  }
0x55: {  	_ =	shalt  }
0x56: {  	_ =	shalt  }
0x57: {  	_ =	shalt  }
0x58: {  	_ =	shalt  }
0x59: {  	_ =	shalt  }
0x5a: {  	_ =	shalt  }
0x5b: {  	_ =	shalt  }
0x5c: {  	_ =	shalt  }
0x5d: {  	_ =	shalt  }
0x5e: {  	_ =	shalt  }
0x5f: {  	_ =	shalt  }
0x60: {  	_ =	shalt  }
0x61: {  	_ =	shalt  }
0x62: {  	_ =	shalt  }
0x63: {  	_ =	shalt  }
0x64: {  	_ =	shalt  }
0x65: {  	_ =	shalt  }
0x66: {  	_ =	shalt  }
0x67: {  	_ =	shalt  }
0x68: {  	_ =	shalt  }
0x69: {  	_ =	shalt  }
0x6a: {  	_ =	shalt  }
0x6b: {  	_ =	shalt  }
0x6c: {  	_ =	shalt  }
0x6d: {  	_ =	shalt  }
0x6e: {  	_ =	shalt  }
0x6f: {  	_ =	shalt  }
0x70: {  	_ =	shalt  }
0x71: {  	_ =	shalt  }
0x72: {  	_ =	shalt  }
0x73: {  	_ =	shalt  }
0x74: {  	_ =	shalt  }
0x75: {  	_ =	shalt  }
0x76: {  	_ =	shalt  }
0x77: {  	_ =	shalt  }
0x78: {  	_ =	shalt  }
0x79: {  	_ =	shalt  }
0x7a: {  	_ =	shalt  }
0x7b: {  	_ =	shalt  }
0x7c: {  	_ =	shalt  }
0x7d: {  	_ =	shalt  }
0x7e: {  	_ =	shalt  }
0x7f: {  	_ =	shalt  }
0x80: {  	_ =	shalt  }
0x81: {  	_ =	shalt  }
0x82: {  	_ =	shalt  }
0x83: {  	_ =	shalt  }
0x84: {  	_ =	shalt  }
0x85: {  	_ =	shalt  }
0x86: {  	_ =	shalt  }
0x87: {  	_ =	shalt  }
.Lfunc_end0:
.L_simem_size_0:
called_computation.2_lowered:
.L_overlay_start_0:
0x88: {  	s2 =	sld [smem:$0x3FD9]  }
0x89: {  	s3 =	sld [smem:$0x3FFE];
	_ =	sdelay $0x1  }
0x8a: {  	s1 =	srdreg.scid  }
0x8b: {  	s0 =	sand.u32 $0x1, s1  }
0x8c: {  	s17 =	sshll.u32 s0, $0xA;
	s2 =	sadd.s32 s3, s2  }
0x8d: {  	s2 =	sadd.s32 s2, s17  }
0x8e: {  	[smem:$0x3FC2] =	sst s2  }
0x8f: {  	_ = 	snop  }
0x90: {  	s2 =	sld [smem:$0x3FC4]  }
0x91: {  	s18 =	sld [smem:$0x3FD0];
	(tm) =	ssettm $0x1  }
0x92: {  	s4 =	sld [smem:$0x3FFB];
	_ =	sdelay $0x3  }
0x93: {  	_ =	strace s4  }
0x94: {  	s4 =	sld [smem:$0x3FFC];
	_ =	sdelay $0x3  }
0x95: {  	_ =	strace s4  }
0x96: {  	s4 =	sld [smem:$0x3FFD];
	_ =	sdelay $0x3  }
0x97: {  	_ =	strace s4  }
0x98: {  	_ =	strace $0x8FFFFFFF  }
0x99: {  	s19 =	sld [smem:$0x3FDB];
	_ =	sdelay $0x1  }
0x9a: {  	s5 =	simm.s32 $_scs_section_size  }
0x9b: {  	s6 =	simm.s32 $_size__tile_overlayer_lowered;
	s7 =	simm.s32 $_tile_overlayer_lowered  }
0x9c: {  	s22 =	simm.s32 $0x1BFF;
	s21 =	sshll.u32 s7, $0x1;
	s4 =	sadd.s32 s5, s19  }
0x9d: {  	s8 =	simm.s32 $0x0;
	s20 =	sshll.u32 s6, $0x1;
	s6 =	sadd.s32 s21, s4  }
0x9e: {  	[timem:s8], [sflag:s22] =	dma.local [hbm:s6], s20  }
0x9f: {  	_ =	swait.ge [sflag:s22], s20  }
0xa0: {  	s5 =	ssub.s32 $0x0, s20;
	[sflag:s22] =	ssyncset.done $0x0  }
0xa1: {  	[sflag:s22] =	ssyncadd.s32 s5;
	_ =	sdelay $0x1  }
0xa2: {  	s23 =	simm.s32 $0x1B8B  }
0xa3: {  	_ =	swait.ge [sflag:s23], $0x1  }
0xa4: {  	[sflag:s23] =	ssyncset.done $0x0  }
0xa5: {  	s25 =	simm.s32 $0x1B8E;
	s24 =	sld [smem:$0x3FFE];
	[sflag:s23] =	ssyncadd.s32 $0xFFFFFFFF  }
0xa6: {  	s26 =	simm.s32 $execute0_lowered;
	[smem:$0x3FD2] =	sst s25  }
0xa7: {  	s6 =	sshll.u32 s26, $0x1;
	_ =	strace $0x8000004C;
	[dreg:$0x1] =	wrdreg $0xFFFFFFFF  }
0xa8: {  	s28 =	simm.s32 $_size_execute0_lowered;
	s4 =	sadd.s32 s4, s6;
	[dreg:$0x0] =	wrdreg $0x0  }
0xa9: {  	s6 =	sshll.u32 s28, $0x1;
	[dreg:$0x2] =	wrdreg s4  }
0xaa: {  	[dreg:$0x3] =	wrdreg s6  }
0xab: {  	[dreg:$0x4] =	wrdreg $0xC0  }
0xac: {  	_ =	task [dreg:s8], $0x5FFFF  }
0xad: {  	[dreg:$0x1] =	wrdreg $0xFFFFFFFF  }
0xae: {  	[dreg:$0x0] =	wrdreg $0x60  }
0xaf: {  	[dreg:$0x2] =	wrdreg s24  }
0xb0: {  	[dreg:$0x3] =	wrdreg s18  }
0xb1: {  	[dreg:$0x4] =	wrdreg s2  }
0xb2: {  	[dreg:$0x5] =	wrdreg $0xA9000  }
0xb3: {  	[dreg:$0x6] =	wrdreg $0x9  }
0xb4: {  	_ =	task.clear_ibuf [dreg:s8], $0x7FFFF;
	_ =	strace $0x9000004C  }
0xb5: {  	s29 =	simm.s32 $0x9;
	_ =	strace $0x8000004E  }
0xb6: {  	_ =	swait.ge [sflag:s29], $0x1  }
0xb7: {  	[sflag:s29] =	ssyncadd.s32 $0xFFFFFFFF  }
0xb8: {  	_ =	strace $0x9000004E  }
0xb9: {  	_ =	sfence  }
0xba: {  	s30 =	sld [smem:$0x0];
	_ =	sdelay $0x2  }
0xbb: {  	s31 =	sshll.u32 s1, $0xD;
	s1 =	sshrl.u32 s1, $0x2  }
0xbc: {  	s3 =	sand.u32 $0x4000, s31;
	s1 =	sadd.s32 s1, s30  }
0xbd: {  	s0 =	sor.u32 s3, s0;
	s1 =	sshll.u32 s1, $0x11  }
0xbe: {  	s0 =	sor.u32 s1, s0  }
0xbf: {  	s0 =	sadd.s32 $0x8F2B, s0  }
0xc0: {  	[sflag:s0] =	ssyncadd.remote.s32 $0x1  }
0xc1: {  	_ =	sfence.sel $0xFFFF  }
0xc2: {  	[dreg:$0x0] =	wrdreg $0xFFFFFFFF;
	(pc) =	sbr.abs _section_cstart, $3  }
0xc3: {  	[dreg:$0x1] =	wrdreg $0xFFFFFFFF  }
0xc4: {  	_ =	task.clear_ibuf [dreg:s8], $0x2FFFF;
	_ =	strace $0x9FFFFFFF  }
0xc5: {  	(tm) =	ssettm $0x7FFFFFFF  }
tec
execute0_lowered:
.L_overlay_start_1:
0x0: {  	(tag) =	ssettag $0x1  }
0x1: {  	s0 =	rddreg [dreg:$0x0]  }
0x2: {  	s3 =	rddreg [dreg:$0x1]  }
0x3: {  	s6 =	rddreg [dreg:$0x2]  }
0x4: {  	s1 =	rddreg [dreg:$0x3];
	s2 =	simm.s32 $0x0;
	s4 =	srdreg.scid  }
0x5: {  	s11 =	stileid.u32;
	s17 =	simm.s32 $0x3;
	s18 =	simm.s32 $0x1400  }
0x6: {  	s19 =	simm.s32 $0x80;
	s28 =	simm.s32 $0x4800;
	s29 =	simm.s32 $0x8800  }
0x7: {  	s30 =	simm.s32 $0x0;
	s31 =	simm.s32 $0x0;
	[smem:$0x7FF] =	sst s2  }
0x8: {  	s7 =	sadd.s32 $0xACC00, s0;
	s12 =	sand.u32 $0x1, s4;
	s9 =	smul.u32 $0x50000, s11  }
0x9: {  	s13 =	sadd.s32 $0x7400, s0;
	s4 =	sadd.s32 $0x5C400, s0;
	s21 =	smul.u32 $0x2800, s11  }
0xa: {  	s22 =	sshll.u32 s11, $0x6;
	s23 =	smul.u32 $0x500, s11;
	_ =	strace $0x8000004D  }
0xb: {  	s5 =	smul.u32 $0x28000, s12;
	s8 =	ssub.s32 $0x2, s12;
	s24 =	sor.u32 $0x1C03, s22  }
0xc: {  	s26 =	sshll.u32 s12, $0x4;
	s22 =	simm.s32 $0x1;
	s10 =	sshrl.u32 s8, $0x1  }
0xd: {  	s20 =	sshrl.u32 s9, $0x2;
	s3 =	sadd.s32 s3, s21;
	[dreg:$0x6] =	wrdreg s24  }
0xe: {  	s25 =	sshrl.u32 s21, $0x3;
	s9 =	sadd.s32 s13, s23;
	s21 =	simm.s32 $0x6800  }
0xf: {  	s24 =	simm.s32 $0x2700;
	s0 =	sadd.s32 s5, s0;
	s5 =	smul.u32 $0x280, s11  }
0x10: {  	s15 =	ssub.s32 s8, s10;
	s16 =	sadd.s32 s20, s1;
	[dreg:$0x5] =	wrdreg s3  }
0x11: {  	s8 =	sadd.s32 s7, s23;
	s3 =	sadd.s32 $0x280, s25;
	s20 =	simm.s32 $0x2800  }
0x12: {  	s23 =	simm.s32 $0x2;
	s25 =	simm.s32 $0x2780;
	s10 =	sadd.s32 $0xC400, s0  }
0x13: {  	s11 =	sadd.s32 s7, s3;
	s12 =	sadd.s32 s13, s3;
	s13 =	sadd.s32 s6, s26  }
0x14: {  	s14 =	sadd.s32 $0xB1C00, s0;
	s15 =	smax.u32 s15, $0x1;
	s16 =	sshrl.u32 s16, $0x3  }
.LBB2_1:
0x15: {  	s0 =	rddreg [dreg:$0x5]  }
0x16: {  	s3 =	rddreg [dreg:$0x6]  }
0x17: {  	[spmem:s16], [sflag:s3] =	dma.local [hbm:s0], $0x2800  }
0x18: {  	_ =	swait.ge [sflag:s17], $0x2800  }
0x19: {  	[sflag:s17] =	ssyncset.done $0x0  }
0x1a: {  	[sflag:s17] =	ssyncadd.s32 $0xFFFFD800  }
0x1b: {  	[bflag:$0x0] =	sbarrier.arrive $0xFFFF  }
0x1c: {  	[tilespmem:s2], [sflag:$0x3] =	stream.linear.gather [hbm4b:s8+s2], $0x1400, $0x38;
	[tilespmem:$0x1E900] =	vst v63  }
0x1d: {  	_ =	swait.ge [sflag:s17], $0x1400  }
0x1e: {  	[sflag:s17] =	ssyncset.done $0x0  }
0x1f: {  	[sflag:s17] =	ssyncadd.s32 $0xFFFFEC00  }
0x20: {  	[tilespmem:s18], [sflag:$0x3] =	stream.linear.gather [hbm4b:s9+s2], $0x1400, $0x38;
	[tilespmem:$0x1E900] =	vst v63  }
0x21: {  	_ =	swait.ge [sflag:s17], $0x1400  }
0x22: {  	[sflag:s17] =	ssyncset.done $0x0  }
0x23: {  	[sflag:s17] =	ssyncadd.s32 $0xFFFFEC00  }
0x24: {  	[tilespmem:s20], [sflag:$0x1] =	stream.indirect.gather [hbm4b:s10+s19], $0x80, s2, s19, $0xb8;
	[tilespmem:$0x1E900] =	vst v63  }
0x25: {  	_ = 	snop  }
0x26: {  	[tilespmem:s21], [sflag:$0x2] =	stream.indirect.gather [hbm4b:s10+s19], $0x80, s19, s19, $0xb8;
	[tilespmem:$0x1E900] =	vst v63  }
0x27: {  	_ =	swait.ge [sflag:s22], $0x4000  }
0x28: {  	[sflag:s22] =	ssyncset.done $0x0  }
0x29: {  	s6 =	simm.s32 $0x1400;
	[sflag:s22] =	ssyncadd.s32 $0xFFFFC000  }
0x2a: {  	[spmem:s1] =	stream.indirect.scatter.add.f32 [tilespmem:s20], [sflag:$0x1], $0x80, s6, s19, $0xb8;
	[tilespmem:$0x1E900] =	vst v63  }
0x2b: {  	_ =	swait.ge [sflag:s23], $0x4000  }
0x2c: {  	[sflag:s23] =	ssyncset.done $0x0  }
0x2d: {  	s7 =	simm.s32 $0x1480;
	[sflag:s23] =	ssyncadd.s32 $0xFFFFC000  }
0x2e: {  	[spmem:s1] =	stream.indirect.scatter.add.f32 [tilespmem:s21], [sflag:$0x2], $0x80, s7, s19, $0xb8;
	[tilespmem:$0x1E900] =	vst v63  }
0x2f: {  	_ =	swait.ge [sflag:s22], $0x4000  }
0x30: {  	[sflag:s22] =	ssyncset.done $0x0  }
0x31: {  	s26 =	simm.s32 $0x100;
	[sflag:s22] =	ssyncadd.s32 $0xFFFFC000  }
0x32: {  	[tilespmem:s20], [sflag:$0x1] =	stream.indirect.gather [hbm4b:s10+s19], $0x80, s26, s19, $0xb8;
	[tilespmem:$0x1E900] =	vst v63  }
0x33: {  	_ =	swait.ge [sflag:s23], $0x4000  }
0x34: {  	[sflag:s23] =	ssyncset.done $0x0  }
0x35: {  	s0 =	simm.s32 $0x400;
	s3 =	simm.s32 $0x180;
	[sflag:s23] =	ssyncadd.s32 $0xFFFFC000  }
.LBB2_2:
0x36: {  	[tilespmem:s21], [sflag:$0x2] =	stream.indirect.gather [hbm4b:s10+s19], $0x80, s3, s19, $0xb8;
	[tilespmem:$0x1E900] =	vst v63  }
0x37: {  	s3 =	smov.u32 s0  }
0x38: {  	p0 =	sne.s32 s0, $0x4800;
	s0 =	sadd.s32 $0x400, s0;
	_ =	swait.ge [sflag:s22], $0x4000  }
0x39: {  	s3 =	sshra.s32 s3, $0x2;
	[sflag:s22] =	ssyncset.done $0x0  }
0x3a: {  	s6 =	sadd.s32 $0x1400, s3;
	[sflag:s22] =	ssyncadd.s32 $0xFFFFC000  }
0x3b: {  	[spmem:s1] =	stream.indirect.scatter.add.f32 [tilespmem:s20], [sflag:$0x1], $0x80, s6, s19, $0xb8;
	[tilespmem:$0x1E900] =	vst v63  }
0x3c: {  	_ =	swait.ge [sflag:s23], $0x4000  }
0x3d: {  	[sflag:s23] =	ssyncset.done $0x0  }
0x3e: {  	s6 =	sadd.s32 $0x1480, s3;
	[sflag:s23] =	ssyncadd.s32 $0xFFFFC000  }
0x3f: {  	[spmem:s1] =	stream.indirect.scatter.add.f32 [tilespmem:s21], [sflag:$0x2], $0x80, s6, s19, $0xb8;
	[tilespmem:$0x1E900] =	vst v63  }
0x40: {  	_ =	swait.ge [sflag:s22], $0x4000  }
0x41: {  	[sflag:s22] =	ssyncset.done $0x0  }
.Ltmp0:
0x42: {  	s6 =	sadd.s32 $0x100, s3;
	[sflag:s22] =	ssyncadd.s32 $0xFFFFC000;
	(pc) =	sbr.rel @p0 .LBB2_2-.Ltmp0, $4  }
0x43: {  	[tilespmem:s20], [sflag:$0x1] =	stream.indirect.gather [hbm4b:s10+s19], $0x80, s6, s19, $0xb8;
	[tilespmem:$0x1E900] =	vst v63  }
0x44: {  	_ =	swait.ge [sflag:s23], $0x4000  }
0x45: {  	[sflag:s23] =	ssyncset.done $0x0  }
0x46: {  	s3 =	sadd.s32 $0x180, s3;
	[sflag:s23] =	ssyncadd.s32 $0xFFFFC000  }
0x47: {  	[tilespmem:s21], [sflag:$0x2] =	stream.indirect.gather [hbm4b:s10+s19], $0x80, s3, s19, $0xb8;
	[tilespmem:$0x1E900] =	vst v63  }
0x48: {  	_ =	swait.ge [sflag:s22], $0x4000  }
0x49: {  	[sflag:s22] =	ssyncset.done $0x0  }
0x4a: {  	[sflag:s22] =	ssyncadd.s32 $0xFFFFC000  }
0x4b: {  	[spmem:s1] =	stream.indirect.scatter.add.f32 [tilespmem:s20], [sflag:$0x1], $0x80, s24, s19, $0xb8;
	[tilespmem:$0x1E900] =	vst v63  }
0x4c: {  	_ =	swait.ge [sflag:s23], $0x4000  }
0x4d: {  	[sflag:s23] =	ssyncset.done $0x0  }
0x4e: {  	[sflag:s23] =	ssyncadd.s32 $0xFFFFC000  }
0x4f: {  	[spmem:s1] =	stream.indirect.scatter.add.f32 [tilespmem:s21], [sflag:$0x2], $0x80, s25, s19, $0xb8;
	[tilespmem:$0x1E900] =	vst v63  }
0x50: {  	_ =	swait.ge [sflag:s22], $0x4000  }
0x51: {  	[sflag:s22] =	ssyncset.done $0x0  }
0x52: {  	[sflag:s22] =	ssyncadd.s32 $0xFFFFC000  }
0x53: {  	_ =	swait.ge [sflag:s23], $0x4000  }
0x54: {  	[sflag:s23] =	ssyncset.done $0x0  }
0x55: {  	s0 =	simm.s32 $0x0;
	[sflag:s23] =	ssyncadd.s32 $0xFFFFC000  }
0x56: {  	[tilespmem:s0], [sflag:$0x3] =	stream.linear.gather [hbm4b:s11+s0], $0x1400, $0x38;
	[tilespmem:$0x1E900] =	vst v63  }
0x57: {  	_ =	swait.ge [sflag:s17], $0x1400  }
0x58: {  	[sflag:s17] =	ssyncset.done $0x0  }
0x59: {  	[sflag:s17] =	ssyncadd.s32 $0xFFFFEC00  }
0x5a: {  	[tilespmem:s18], [sflag:$0x3] =	stream.linear.gather [hbm4b:s12+s0], $0x1400, $0x38;
	[tilespmem:$0x1E900] =	vst v63  }
0x5b: {  	_ =	swait.ge [sflag:s17], $0x1400  }
0x5c: {  	[sflag:s17] =	ssyncset.done $0x0  }
0x5d: {  	[sflag:s17] =	ssyncadd.s32 $0xFFFFEC00  }
0x5e: {  	[tilespmem:s20], [sflag:$0x1] =	stream.indirect.gather [hbm4b:s10+s19], $0x80, s0, s19, $0xb8;
	[tilespmem:$0x1E900] =	vst v63  }
0x5f: {  	_ = 	snop  }
0x60: {  	[tilespmem:s21], [sflag:$0x2] =	stream.indirect.gather [hbm4b:s10+s19], $0x80, s19, s19, $0xb8;
	[tilespmem:$0x1E900] =	vst v63  }
0x61: {  	_ =	swait.ge [sflag:s22], $0x4000  }
0x62: {  	[sflag:s22] =	ssyncset.done $0x0  }
0x63: {  	s6 =	simm.s32 $0x1400;
	[sflag:s22] =	ssyncadd.s32 $0xFFFFC000  }
0x64: {  	[spmem:s1] =	stream.indirect.scatter.add.f32 [tilespmem:s20], [sflag:$0x1], $0x80, s6, s19, $0xb8;
	[tilespmem:$0x1E900] =	vst v63  }
0x65: {  	_ =	swait.ge [sflag:s23], $0x4000  }
0x66: {  	[sflag:s23] =	ssyncset.done $0x0  }
0x67: {  	s7 =	simm.s32 $0x1480;
	[sflag:s23] =	ssyncadd.s32 $0xFFFFC000  }
0x68: {  	[spmem:s1] =	stream.indirect.scatter.add.f32 [tilespmem:s21], [sflag:$0x2], $0x80, s7, s19, $0xb8;
	[tilespmem:$0x1E900] =	vst v63  }
0x69: {  	_ =	swait.ge [sflag:s22], $0x4000  }
0x6a: {  	[sflag:s22] =	ssyncset.done $0x0  }
0x6b: {  	s26 =	simm.s32 $0x100;
	[sflag:s22] =	ssyncadd.s32 $0xFFFFC000  }
0x6c: {  	[tilespmem:s20], [sflag:$0x1] =	stream.indirect.gather [hbm4b:s10+s19], $0x80, s26, s19, $0xb8;
	[tilespmem:$0x1E900] =	vst v63  }
0x6d: {  	_ =	swait.ge [sflag:s23], $0x4000  }
0x6e: {  	[sflag:s23] =	ssyncset.done $0x0  }
0x6f: {  	s3 =	simm.s32 $0x180;
	s0 =	simm.s32 $0x400;
	[sflag:s23] =	ssyncadd.s32 $0xFFFFC000  }
.LBB2_4:
0x70: {  	[tilespmem:s21], [sflag:$0x2] =	stream.indirect.gather [hbm4b:s10+s19], $0x80, s3, s19, $0xb8;
	[tilespmem:$0x1E900] =	vst v63  }
0x71: {  	s3 =	smov.u32 s0  }
0x72: {  	p0 =	sne.s32 s0, $0x4800;
	s0 =	sadd.s32 $0x400, s0;
	_ =	swait.ge [sflag:s22], $0x4000  }
0x73: {  	s3 =	sshra.s32 s3, $0x2;
	[sflag:s22] =	ssyncset.done $0x0  }
0x74: {  	s6 =	sadd.s32 $0x1400, s3;
	[sflag:s22] =	ssyncadd.s32 $0xFFFFC000  }
0x75: {  	[spmem:s1] =	stream.indirect.scatter.add.f32 [tilespmem:s20], [sflag:$0x1], $0x80, s6, s19, $0xb8;
	[tilespmem:$0x1E900] =	vst v63  }
0x76: {  	_ =	swait.ge [sflag:s23], $0x4000  }
0x77: {  	[sflag:s23] =	ssyncset.done $0x0  }
0x78: {  	s6 =	sadd.s32 $0x1480, s3;
	[sflag:s23] =	ssyncadd.s32 $0xFFFFC000  }
0x79: {  	[spmem:s1] =	stream.indirect.scatter.add.f32 [tilespmem:s21], [sflag:$0x2], $0x80, s6, s19, $0xb8;
	[tilespmem:$0x1E900] =	vst v63  }
0x7a: {  	_ =	swait.ge [sflag:s22], $0x4000  }
0x7b: {  	[sflag:s22] =	ssyncset.done $0x0  }
.Ltmp1:
0x7c: {  	s6 =	sadd.s32 $0x100, s3;
	[sflag:s22] =	ssyncadd.s32 $0xFFFFC000;
	(pc) =	sbr.rel @p0 .LBB2_4-.Ltmp1, $4  }
0x7d: {  	[tilespmem:s20], [sflag:$0x1] =	stream.indirect.gather [hbm4b:s10+s19], $0x80, s6, s19, $0xb8;
	[tilespmem:$0x1E900] =	vst v63  }
0x7e: {  	_ =	swait.ge [sflag:s23], $0x4000  }
0x7f: {  	[sflag:s23] =	ssyncset.done $0x0  }
0x80: {  	s3 =	sadd.s32 $0x180, s3;
	[sflag:s23] =	ssyncadd.s32 $0xFFFFC000  }
0x81: {  	[tilespmem:s21], [sflag:$0x2] =	stream.indirect.gather [hbm4b:s10+s19], $0x80, s3, s19, $0xb8;
	[tilespmem:$0x1E900] =	vst v63  }
0x82: {  	_ =	swait.ge [sflag:s22], $0x4000  }
0x83: {  	[sflag:s22] =	ssyncset.done $0x0  }
0x84: {  	[sflag:s22] =	ssyncadd.s32 $0xFFFFC000  }
0x85: {  	[spmem:s1] =	stream.indirect.scatter.add.f32 [tilespmem:s20], [sflag:$0x1], $0x80, s24, s19, $0xb8;
	[tilespmem:$0x1E900] =	vst v63  }
0x86: {  	_ =	swait.ge [sflag:s23], $0x4000  }
0x87: {  	[sflag:s23] =	ssyncset.done $0x0  }
0x88: {  	[sflag:s23] =	ssyncadd.s32 $0xFFFFC000  }
0x89: {  	[spmem:s1] =	stream.indirect.scatter.add.f32 [tilespmem:s21], [sflag:$0x2], $0x80, s25, s19, $0xb8;
	[tilespmem:$0x1E900] =	vst v63  }
0x8a: {  	_ =	swait.ge [sflag:s22], $0x4000  }
0x8b: {  	[sflag:s22] =	ssyncset.done $0x0  }
0x8c: {  	[sflag:s22] =	ssyncadd.s32 $0xFFFFC000  }
0x8d: {  	_ =	swait.ge [sflag:s23], $0x4000  }
0x8e: {  	[sflag:s23] =	ssyncset.done $0x0  }
0x8f: {  	[sflag:s23] =	ssyncadd.s32 $0xFFFFC000  }
0x90: {  	s0 =	simm.s32 $0xA800;
	[bflag:$0x0] =	sbarrier.arrive $0xFFFF  }
0x91: {  	[tilespmem:s0], [sflag:$0x3] =	stream.linear.gather [hbm4b:s13+s31], $0x80, $0x38;
	[tilespmem:$0x1E900] =	vst v63  }
0x92: {  	_ =	swait.ge [sflag:s17], $0x80  }
0x93: {  	[sflag:s17] =	ssyncset.done $0x0  }
0x94: {  	s0 =	simm.s32 $0x0;
	[sflag:s17] =	ssyncadd.s32 $0xFFFFFF80  }
.LBB2_6:
0x95: {  	s3 =	sshll.u32 s0, $0x6  }
0x96: {  	s3 =	sadd.s32 s5, s3  }
0x97: {  	s6 =	sshll.u32 s3, $0x7  }
0x98: {  	s6 =	sand.u32 $0x3FFFFF80, s6  }
0x99: {  	s6 =	sadd.s32 s6, s1  }
0x9a: {  	[tilespmem:s20], [sflag:$0x3] =	stream.linear.gather [spmem:s6], $0x2000, $0x38;
	[tilespmem:$0x1E900] =	vst v63  }
0x9b: {  	_ =	swait.ge [sflag:s17], $0x2000  }
0x9c: {  	s3 =	sshll.u32 s3, $0x4;
	[sflag:s17] =	ssyncset.done $0x0  }
0x9d: {  	s7 =	sadd.s32 s10, s3;
	[sflag:s17] =	ssyncadd.s32 $0xFFFFE000  }
0x9e: {  	[tilespmem:s28], [sflag:$0x3] =	stream.linear.gather [hbm4b:s7+s31], $0x2000, $0x38;
	[tilespmem:$0x1E900] =	vst v63  }
0x9f: {  	_ =	swait.ge [sflag:s17], $0x2000  }
0xa0: {  	[sflag:s17] =	ssyncset.done $0x0  }
0xa1: {  	s26 =	sadd.s32 s4, s3;
	[sflag:s17] =	ssyncadd.s32 $0xFFFFE000  }
0xa2: {  	[tilespmem:s21], [sflag:$0x3] =	stream.linear.gather [hbm4b:s26+s31], $0x2000, $0x38;
	[tilespmem:$0x1E900] =	vst v63  }
0xa3: {  	_ =	swait.ge [sflag:s17], $0x2000  }
0xa4: {  	[sflag:s17] =	ssyncset.done $0x0  }
0xa5: {  	s26 =	simm.s32 $0x0;
	[sflag:s17] =	ssyncadd.s32 $0xFFFFE000  }
0xa6: {  	v0 =	vld [tilespmem:s26+$0x2800]  }
0xa7: {  	v1 =	vld [tilespmem:s26+$0x4800];
	_ =	sdelay $0x1  }
0xa8: {  	v2 =	vld [tilespmem:s26+$0x6800];
	_ =	sdelay $0x1  }
0xa9: {  	v3 =	vld [tilespmem:$0xA800]  }
0xaa: {  	v0 =	vadd.f32 v1, v0;
	_ =	sdelay $0x1  }
0xab: {  	v1 =	vld [tilespmem:s26+$0x2810];
	v0 =	vmul.f32 v2, v0  }
0xac: {  	v2 =	vld [tilespmem:s26+$0x4810]  }
0xad: {  	v0 =	vadd.f32 v3, v0  }
0xae: {  	v3 =	vld [tilespmem:s26+$0x6810]  }
0xaf: {  	[tilespmem:s26+$0x8800] =	vst v0  }
0xb0: {  	v0 =	vld [tilespmem:$0xA810]  }
0xb1: {  	v1 =	vadd.f32 v2, v1;
	_ =	sdelay $0x1  }
0xb2: {  	v2 =	vld [tilespmem:s26+$0x2820];
	v1 =	vmul.f32 v3, v1  }
0xb3: {  	v3 =	vld [tilespmem:s26+$0x4820]  }
0xb4: {  	v0 =	vadd.f32 v0, v1  }
0xb5: {  	v1 =	vld [tilespmem:s26+$0x6820]  }
0xb6: {  	[tilespmem:s26+$0x8810] =	vst v0  }
0xb7: {  	v0 =	vld [tilespmem:$0xA820]  }
0xb8: {  	v2 =	vadd.f32 v3, v2;
	_ =	sdelay $0x1  }
0xb9: {  	v3 =	vld [tilespmem:s26+$0x4830];
	v1 =	vmul.f32 v1, v2  }
0xba: {  	v2 =	vld [tilespmem:s26+$0x2830]  }
0xbb: {  	v0 =	vadd.f32 v0, v1  }
0xbc: {  	v1 =	vld [tilespmem:s26+$0x6830]  }
0xbd: {  	[tilespmem:s26+$0x8820] =	vst v0  }
0xbe: {  	v0 =	vld [tilespmem:$0xA830]  }
0xbf: {  	v2 =	vadd.f32 v3, v2;
	_ =	sdelay $0x1  }
0xc0: {  	v3 =	vld [tilespmem:s26+$0x4840];
	v1 =	vmul.f32 v1, v2  }
0xc1: {  	v2 =	vld [tilespmem:s26+$0x2840]  }
0xc2: {  	v0 =	vadd.f32 v0, v1  }
0xc3: {  	v1 =	vld [tilespmem:s26+$0x6840]  }
0xc4: {  	[tilespmem:s26+$0x8830] =	vst v0  }
0xc5: {  	v0 =	vld [tilespmem:$0xA840]  }
0xc6: {  	v2 =	vadd.f32 v3, v2;
	_ =	sdelay $0x1  }
0xc7: {  	v3 =	vld [tilespmem:s26+$0x4850];
	v1 =	vmul.f32 v1, v2  }
0xc8: {  	v2 =	vld [tilespmem:s26+$0x2850]  }
0xc9: {  	v0 =	vadd.f32 v0, v1  }
0xca: {  	v1 =	vld [tilespmem:s26+$0x6850]  }
0xcb: {  	[tilespmem:s26+$0x8840] =	vst v0  }
0xcc: {  	v0 =	vld [tilespmem:$0xA850]  }
0xcd: {  	v2 =	vadd.f32 v3, v2;
	_ =	sdelay $0x1  }
0xce: {  	v3 =	vld [tilespmem:s26+$0x4860];
	v1 =	vmul.f32 v1, v2  }
0xcf: {  	v2 =	vld [tilespmem:s26+$0x2860]  }
0xd0: {  	v0 =	vadd.f32 v0, v1  }
0xd1: {  	v1 =	vld [tilespmem:s26+$0x6860]  }
0xd2: {  	[tilespmem:s26+$0x8850] =	vst v0  }
0xd3: {  	v0 =	vld [tilespmem:$0xA860]  }
0xd4: {  	v2 =	vadd.f32 v3, v2;
	_ =	sdelay $0x1  }
0xd5: {  	v4 =	vld [tilespmem:s26+$0x4870];
	v1 =	vmul.f32 v1, v2  }
0xd6: {  	v3 =	vld [tilespmem:s26+$0x2870]  }
0xd7: {  	v0 =	vadd.f32 v0, v1  }
0xd8: {  	v2 =	vld [tilespmem:s26+$0x6870]  }
0xd9: {  	[tilespmem:s26+$0x8860] =	vst v0  }
0xda: {  	v1 =	vld [tilespmem:$0xA870]  }
0xdb: {  	v3 =	vadd.f32 v4, v3  }
0xdc: {  	s7 =	simm.s32 $0x80  }
0xdd: {  	s6 =	simm.s32 $0x400;
	v2 =	vmul.f32 v2, v3;
	v0 =	vld [tilespmem:s7+$0x2800]  }
.LBB2_7:
0xde: {  	p0 =	sne.s32 s6, $0x7E00;
	v3 =	vld [tilespmem:s7+$0x4800]  }
0xdf: {  	v1 =	vadd.f32 v1, v2  }
0xe0: {  	v2 =	vld [tilespmem:s7+$0x6800]  }
0xe1: {  	[tilespmem:s26+$0x8870] =	vst v1;
	s26 =	smov.u32 s7  }
0xe2: {  	v1 =	vld [tilespmem:$0xA800]  }
0xe3: {  	v0 =	vadd.f32 v3, v0;
	_ =	sdelay $0x1  }
0xe4: {  	v0 =	vmul.f32 v2, v0;
	v2 =	vld [tilespmem:s26+$0x2810]  }
0xe5: {  	v3 =	vld [tilespmem:s26+$0x4810]  }
0xe6: {  	v0 =	vadd.f32 v1, v0  }
0xe7: {  	v1 =	vld [tilespmem:s26+$0x6810]  }
0xe8: {  	[tilespmem:s26+$0x8800] =	vst v0  }
0xe9: {  	v0 =	vld [tilespmem:$0xA810]  }
0xea: {  	v2 =	vadd.f32 v3, v2;
	_ =	sdelay $0x1  }
0xeb: {  	v1 =	vmul.f32 v1, v2;
	v2 =	vld [tilespmem:s26+$0x2820]  }
0xec: {  	v3 =	vld [tilespmem:s26+$0x4820]  }
0xed: {  	v0 =	vadd.f32 v0, v1  }
0xee: {  	v1 =	vld [tilespmem:s26+$0x6820]  }
0xef: {  	[tilespmem:s26+$0x8810] =	vst v0  }
0xf0: {  	v0 =	vld [tilespmem:$0xA820]  }
0xf1: {  	v2 =	vadd.f32 v3, v2;
	_ =	sdelay $0x1  }
0xf2: {  	v1 =	vmul.f32 v1, v2;
	v2 =	vld [tilespmem:s26+$0x2830]  }
0xf3: {  	v3 =	vld [tilespmem:s26+$0x4830]  }
0xf4: {  	v0 =	vadd.f32 v0, v1  }
0xf5: {  	v1 =	vld [tilespmem:s26+$0x6830]  }
0xf6: {  	[tilespmem:s26+$0x8820] =	vst v0  }
0xf7: {  	v0 =	vld [tilespmem:$0xA830]  }
0xf8: {  	v2 =	vadd.f32 v3, v2;
	_ =	sdelay $0x1  }
0xf9: {  	v1 =	vmul.f32 v1, v2;
	v2 =	vld [tilespmem:s26+$0x2840]  }
0xfa: {  	v3 =	vld [tilespmem:s26+$0x4840]  }
0xfb: {  	v0 =	vadd.f32 v0, v1  }
0xfc: {  	v1 =	vld [tilespmem:s26+$0x6840]  }
0xfd: {  	[tilespmem:s26+$0x8830] =	vst v0  }
0xfe: {  	v0 =	vld [tilespmem:$0xA840]  }
0xff: {  	v2 =	vadd.f32 v3, v2;
	_ =	sdelay $0x1  }
0x100: {  	v1 =	vmul.f32 v1, v2;
	v2 =	vld [tilespmem:s26+$0x2850]  }
0x101: {  	v3 =	vld [tilespmem:s26+$0x4850]  }
0x102: {  	v0 =	vadd.f32 v0, v1  }
0x103: {  	v1 =	vld [tilespmem:s26+$0x6850]  }
0x104: {  	[tilespmem:s26+$0x8840] =	vst v0  }
0x105: {  	v0 =	vld [tilespmem:$0xA850]  }
0x106: {  	v2 =	vadd.f32 v3, v2;
	_ =	sdelay $0x1  }
0x107: {  	v1 =	vmul.f32 v1, v2;
	v2 =	vld [tilespmem:s26+$0x2860]  }
0x108: {  	v3 =	vld [tilespmem:s26+$0x4860]  }
0x109: {  	v0 =	vadd.f32 v0, v1  }
0x10a: {  	v1 =	vld [tilespmem:s26+$0x6860]  }
0x10b: {  	[tilespmem:s26+$0x8850] =	vst v0  }
0x10c: {  	v0 =	vld [tilespmem:$0xA860]  }
0x10d: {  	v2 =	vadd.f32 v3, v2;
	_ =	sdelay $0x1  }
0x10e: {  	v1 =	vmul.f32 v1, v2;
	v2 =	vld [tilespmem:s26+$0x2870]  }
0x10f: {  	v3 =	vld [tilespmem:s26+$0x4870]  }
0x110: {  	v0 =	vadd.f32 v0, v1  }
0x111: {  	v4 =	vld [tilespmem:s26+$0x6870]  }
.Ltmp2:
0x112: {  	[tilespmem:s26+$0x8860] =	vst v0;
	(pc) =	sbr.rel @p0 .LBB2_7-.Ltmp2, $4  }
0x113: {  	v1 =	vld [tilespmem:$0xA870]  }
0x114: {  	v2 =	vadd.f32 v3, v2  }
0x115: {  	s7 =	sshra.s32 s6, $0x2  }
0x116: {  	s6 =	sadd.s32 $0x200, s6;
	v0 =	vld [tilespmem:s7+$0x2800];
	v2 =	vmul.f32 v4, v2  }
0x117: {  	v3 =	vld [tilespmem:s7+$0x4800]  }
0x118: {  	v1 =	vadd.f32 v1, v2  }
0x119: {  	v42 =	vld [tilespmem:s7+$0x6800]  }
0x11a: {  	[tilespmem:s26+$0x8870] =	vst v1  }
0x11b: {  	v1 =	vld [tilespmem:$0xA800]  }
0x11c: {  	v0 =	vadd.f32 v3, v0;
	_ =	sdelay $0x1  }
0x11d: {  	v43 =	vld [tilespmem:s7+$0x2810];
	v0 =	vmul.f32 v42, v0  }
0x11e: {  	v44 =	vld [tilespmem:s7+$0x4810]  }
0x11f: {  	v0 =	vadd.f32 v1, v0  }
0x120: {  	v45 =	vld [tilespmem:s7+$0x6810]  }
0x121: {  	[tilespmem:s7+$0x8800] =	vst v0  }
0x122: {  	v0 =	vld [tilespmem:$0xA810]  }
0x123: {  	v2 =	vadd.f32 v44, v43;
	_ =	sdelay $0x1  }
0x124: {  	v46 =	vld [tilespmem:s7+$0x2820];
	v1 =	vmul.f32 v45, v2  }
0x125: {  	v47 =	vld [tilespmem:s7+$0x4820]  }
0x126: {  	v0 =	vadd.f32 v0, v1  }
0x127: {  	v48 =	vld [tilespmem:s7+$0x6820]  }
0x128: {  	[tilespmem:s7+$0x8810] =	vst v0  }
0x129: {  	v0 =	vld [tilespmem:$0xA820]  }
0x12a: {  	v2 =	vadd.f32 v47, v46;
	_ =	sdelay $0x1  }
0x12b: {  	v49 =	vld [tilespmem:s7+$0x2830];
	v1 =	vmul.f32 v48, v2  }
0x12c: {  	v50 =	vld [tilespmem:s7+$0x4830]  }
0x12d: {  	v0 =	vadd.f32 v0, v1  }
0x12e: {  	v51 =	vld [tilespmem:s7+$0x6830]  }
0x12f: {  	[tilespmem:s7+$0x8820] =	vst v0  }
0x130: {  	v0 =	vld [tilespmem:$0xA830]  }
0x131: {  	v2 =	vadd.f32 v50, v49;
	_ =	sdelay $0x1  }
0x132: {  	v52 =	vld [tilespmem:s7+$0x2840];
	v1 =	vmul.f32 v51, v2  }
0x133: {  	v53 =	vld [tilespmem:s7+$0x4840]  }
0x134: {  	v0 =	vadd.f32 v0, v1  }
0x135: {  	v54 =	vld [tilespmem:s7+$0x6840]  }
0x136: {  	[tilespmem:s7+$0x8830] =	vst v0  }
0x137: {  	v0 =	vld [tilespmem:$0xA840]  }
0x138: {  	v2 =	vadd.f32 v53, v52;
	_ =	sdelay $0x1  }
0x139: {  	v55 =	vld [tilespmem:s7+$0x2850];
	v1 =	vmul.f32 v54, v2  }
0x13a: {  	v56 =	vld [tilespmem:s7+$0x4850]  }
0x13b: {  	v0 =	vadd.f32 v0, v1  }
0x13c: {  	v57 =	vld [tilespmem:s7+$0x6850]  }
0x13d: {  	[tilespmem:s7+$0x8840] =	vst v0  }
0x13e: {  	v0 =	vld [tilespmem:$0xA850]  }
0x13f: {  	v2 =	vadd.f32 v56, v55;
	_ =	sdelay $0x1  }
0x140: {  	v58 =	vld [tilespmem:s7+$0x2860];
	v1 =	vmul.f32 v57, v2  }
0x141: {  	v59 =	vld [tilespmem:s7+$0x4860]  }
0x142: {  	v0 =	vadd.f32 v0, v1  }
0x143: {  	v60 =	vld [tilespmem:s7+$0x6860]  }
0x144: {  	[tilespmem:s7+$0x8850] =	vst v0  }
0x145: {  	v0 =	vld [tilespmem:$0xA860]  }
0x146: {  	v2 =	vadd.f32 v59, v58;
	_ =	sdelay $0x1  }
0x147: {  	v61 =	vld [tilespmem:s7+$0x2870];
	v1 =	vmul.f32 v60, v2  }
0x148: {  	v62 =	vld [tilespmem:s7+$0x4870]  }
0x149: {  	v0 =	vadd.f32 v0, v1  }
0x14a: {  	v63 =	vld [tilespmem:s7+$0x6870]  }
0x14b: {  	[tilespmem:s7+$0x8860] =	vst v0  }
0x14c: {  	v0 =	vld [tilespmem:$0xA870]  }
0x14d: {  	v2 =	vadd.f32 v62, v61;
	_ =	sdelay $0x1  }
0x14e: {  	v1 =	vmul.f32 v63, v2;
	_ =	sdelay $0x1  }
0x14f: {  	s0 =	sadd.s32 $0x1, s0;
	v0 =	vadd.f32 v0, v1  }
0x150: {  	p0 =	sne.s32 s0, $0xA  }
.Ltmp3:
0x151: {  	s3 =	sadd.s32 s3, s14;
	[tilespmem:s7+$0x8870] =	vst v0;
	(pc) =	sbr.rel @p0 .LBB2_6-.Ltmp3, $4  }
0x152: {  	[hbm4b:s3+s2] =	stream.linear.scatter [tilespmem:s29], [sflag:$0x3], $0x2000, $0x38;
	[tilespmem:$0x1E900] =	vst v63  }
0x153: {  	_ =	swait.ge [sflag:s17], $0x2000  }
0x154: {  	[sflag:s17] =	ssyncset.done $0x0  }
0x155: {  	[sflag:s17] =	ssyncadd.s32 $0xFFFFE000  }
0x156: {  	s30 =	sadd.s32 $0x1, s30  }
0x157: {  	p0 =	sne.s32 s30, s15  }
.Ltmp4:
0x158: {  	_ = 	snop;
	(pc) =	sbr.rel @p0 .LBB2_1-.Ltmp4, $1  }
0x159: {  	_ =	sdelay $0x3  }
0x15a: {  	_ =	sfence.sel $0x180000  }
0x15b: {  	[bflag:$0x0] =	sbarrier.arrive $0xFFFF  }
0x15c: {  	_ =	strace $0x9000004D  }
0x15d: {  	s0 =	stileid.u32;
	[bflag:$0x2] =	sbarrier.arrive $0xFFFF  }
0x15e: {  	p0 =	sne.s32 s0, $0x0;
	s0 =	rddreg [dreg:$0x4]  }
0x15f: {  	s0 =	sadd.s32 @!p0 $0x100000, s0  }
0x160: {  	[sflag:s0] =	ssyncadd.tile.s32 @!p0 $0x1;
	_ =	shalt  }
.Lfunc_end2:
_tile_overlayer_lowered:
.L_overlay_start_2:
0x161: {  	(tag) =	ssettag $0x2  }
0x162: {  	s0 =	rddreg [dreg:$0x0];
	s2 =	stileid.u32  }
0x163: {  	s1 =	rddreg [dreg:$0x1];
	p0 =	sne.s32 s2, $0x0  }
0x164: {  	s3 =	rddreg [dreg:$0x2];
	[bflag:$0x3] =	sbarrier.arrive $0xFFFF;
	s2 =	simm.s32 @!p0 $0x1C03  }
0x165: {  	[timem:s3], [sflag:s2] =	dma.local @!p0 [hbm:s0], s1  }
0x166: {  	s0 =	simm.s32 @!p0 $0x3  }
0x167: {  	_ =	swait.ge @!p0 [sflag:s0], s1  }
0x168: {  	s1 =	ssub.s32 @!p0 $0x0, s1;
	[sflag:s0] =	ssyncset.done @!p0 $0x0  }
0x169: {  	[sflag:s0] =	ssyncadd.s32 @!p0 s1  }
0x16a: {  	[bflag:$0x3] =	sbarrier.arrive $0xFFFF  }
0x16b: {  	_ =	shalt  }

// kernel: kernel.7.cloned.1.call-start
scs
__scs_entry_jumppad:
0x0: {  	(pc) =	sbr.rel $0x88, $3  }
0x1: {  	(tag) =	ssettag $0x0;
	lr =	simm.s32 $0x1  }
0x2: {  	[smem:$0x3F9B] =	sst lr;
	_ =	strace $0xD0000000  }
0x3: {  	_ = 	snop  }
0x4: {  	_ = 	snop  }
0x5: {  	_ = 	snop  }
0x6: {  	_ = 	snop  }
0x7: {  	_ = 	snop  }
__scs_overlays_trampoline_lowered:
0x8: {  	[smem:$0x3FAA] =	sst s0  }
0x9: {  	[smem:$0x3FAB] =	sst s1  }
0xa: {  	[smem:$0x3FAC] =	sst s2  }
0xb: {  	[smem:$0x3FAD] =	sst s3  }
0xc: {  	[smem:$0x3FAE] =	sst s4  }
0xd: {  	[smem:$0x3FAF] =	sst s5  }
0xe: {  	[smem:$0x3FB0] =	sst s6  }
0xf: {  	[smem:$0x3FB1] =	sst s7  }
0x10: {  	[smem:$0x3FB2] =	sst s8  }
0x11: {  	[smem:$0x3FB3] =	sst s9;
	s0 =	simm.s32 @!p0 $0x0  }
0x12: {  	s1 =	sld [smem:$0x3F99];
	s0 =	simm.s32 @p0 $0x1  }
0x13: {  	[smem:$0x3FB4] =	sst s0;
	s0 =	simm.s32 @!p1 $0x0  }
0x14: {  	s2 =	sld [smem:$0x3F98];
	s0 =	simm.s32 @p1 $0x1  }
0x15: {  	[smem:$0x3FB5] =	sst s0;
	s0 =	simm.s32 @!p2 $0x0  }
0x16: {  	s3 =	sld [smem:$0x3FDB];
	s0 =	simm.s32 @p2 $0x1  }
0x17: {  	s4 =	simm.s32 $0x1BF5;
	[smem:$0x3FB7] =	sst s0  }
0x18: {  	s0 =	sld [smem:$0x3F9A];
	_ =	swait.ge [sflag:s4], $0x0  }
0x19: {  	s7 =	sld [smem:$0x3F9B]  }
0x1a: {  	s8 =	sadd.s32 $0xFFFFE003, lr  }
0x1b: {  	s9 =	sadd.s32 $0xFFFFFEF7, lr;
	s5 =	simm.s32 $0xFFFFFFFF;
	p2 =	slt.u32 s8, $0xFFFFF086  }
0x1c: {  	p1 =	slt.u32 s9, $0xF7A;
	s5 =	simm.s32 @!p2 $0x0  }
0x1d: {  	s5 =	simm.s32 @p1 $0x1;
	p0 =	seq.s32 s7, s2  }
0x1e: {  	s7 =	smul.u32 @!p0 $0xF7A, s2;
	p2 =	seq.s32 @!p0 s5, $0x0  }
0x1f: {  	s9 =	smul.u32 $0xF7A, s1;
	s8 =	simm.s32 @!p0 $0x1BF5;
	p2 =	por !p2, p0  }
0x20: {  	[sflag:s8] =	ssyncset.s32 @!p0 $0xFFFFF086;
	s6 =	sadd.s32 @!p0 s3, s7;
	s7 =	simm.s32 @!p0 $0x108  }
0x21: {  	s3 =	sadd.s32 s3, s9;
	s6 =	sadd.s32 @!p0 $0x88, s6;
	s7 =	simm.s32 @p2 $0x1082  }
0x22: {  	[simem:s7], [sflag:s8] =	dma.local @!p0 [hbm:s6], $0xF7A  }
0x23: {  	s9 =	sor.u32 $0xD0000000, s2;
	s6 =	simm.s32 $0x108;
	_ =	swait.ge @!p0 [sflag:s8], $0x0  }
0x24: {  	s3 =	sadd.s32 $0x88, s3;
	s6 =	simm.s32 @!p1 $0x1082;
	[sflag:s4] =	ssyncset.s32 $0xFFFFF086  }
0x25: {  	[simem:s6], [sflag:s4] =	dma.local [hbm:s3], $0xF7A  }
0x26: {  	[smem:$0x3F9B] =	sst s1;
	(tag) =	ssettag s2;
	_ =	strace s9  }
0x27: {  	s1 =	sld [smem:$0x3FAB]  }
0x28: {  	s2 =	sld [smem:$0x3FAC]  }
0x29: {  	s4 =	sld [smem:$0x3FAE]  }
0x2a: {  	p0 =	seq.s32 s5, $0x0;
	s5 =	sld [smem:$0x3FAF]  }
0x2b: {  	s6 =	sld [smem:$0x3FB0]  }
0x2c: {  	s7 =	sld [smem:$0x3FB1]  }
0x2d: {  	s3 =	simm.s32 $0x108;
	s8 =	sld [smem:$0x3FB2]  }
0x2e: {  	s3 =	simm.s32 @!p0 $0x1082;
	s9 =	sld [smem:$0x3FB3]  }
0x2f: {  	lr =	sadd.s32 s0, s3;
	s0 =	sld [smem:$0x3FAA]  }
0x30: {  	s3 =	sld [smem:$0x3FAD]  }
0x31: {  	[smem:$0x3FB6] =	sst s10  }
0x32: {  	s10 =	sld [smem:$0x3FB4];
	_ =	sdelay $0x3  }
0x33: {  	p0 =	seq.s32 s10, $0x1;
	s10 =	sld [smem:$0x3FB6];
	_ =	sdelay $0x3  }
0x34: {  	[smem:$0x3FB6] =	sst s10  }
0x35: {  	s10 =	sld [smem:$0x3FB5];
	_ =	sdelay $0x3  }
0x36: {  	p1 =	seq.s32 s10, $0x1;
	s10 =	sld [smem:$0x3FB6];
	_ =	sdelay $0x3  }
0x37: {  	[smem:$0x3FB6] =	sst s10  }
0x38: {  	s10 =	sld [smem:$0x3FB7]  }
0x39: {  	_ = 	snop;
	(pc) =	sbr.ind lr, $3  }
0x3a: {  	_ = 	snop  }
0x3b: {  	_ = 	snop  }
0x3c: {  	p2 =	seq.s32 s10, $0x1;
	s10 =	sld [smem:$0x3FB6]  }
0x3d: {  	_ =	shalt  }
0x3e: {  	_ =	shalt  }
0x3f: {  	_ =	shalt  }
0x40: {  	_ =	shalt  }
0x41: {  	_ =	shalt  }
0x42: {  	_ =	shalt  }
0x43: {  	_ =	shalt  }
0x44: {  	_ =	shalt  }
0x45: {  	_ =	shalt  }
0x46: {  	_ =	shalt  }
0x47: {  	_ =	shalt  }
0x48: {  	_ =	shalt  }
0x49: {  	_ =	shalt  }
0x4a: {  	_ =	shalt  }
0x4b: {  	_ =	shalt  }
0x4c: {  	_ =	shalt  }
0x4d: {  	_ =	shalt  }
0x4e: {  	_ =	shalt  }
0x4f: {  	_ =	shalt  }
0x50: {  	_ =	shalt  }
0x51: {  	_ =	shalt  }
0x52: {  	_ =	shalt  }
0x53: {  	_ =	shalt  }
0x54: {  	_ =	shalt  }
0x55: {  	_ =	shalt  }
0x56: {  	_ =	shalt  }
0x57: {  	_ =	shalt  }
0x58: {  	_ =	shalt  }
0x59: {  	_ =	shalt  }
0x5a: {  	_ =	shalt  }
0x5b: {  	_ =	shalt  }
0x5c: {  	_ =	shalt  }
0x5d: {  	_ =	shalt  }
0x5e: {  	_ =	shalt  }
0x5f: {  	_ =	shalt  }
0x60: {  	_ =	shalt  }
0x61: {  	_ =	shalt  }
0x62: {  	_ =	shalt  }
0x63: {  	_ =	shalt  }
0x64: {  	_ =	shalt  }
0x65: {  	_ =	shalt  }
0x66: {  	_ =	shalt  }
0x67: {  	_ =	shalt  }
0x68: {  	_ =	shalt  }
0x69: {  	_ =	shalt  }
0x6a: {  	_ =	shalt  }
0x6b: {  	_ =	shalt  }
0x6c: {  	_ =	shalt  }
0x6d: {  	_ =	shalt  }
0x6e: {  	_ =	shalt  }
0x6f: {  	_ =	shalt  }
0x70: {  	_ =	shalt  }
0x71: {  	_ =	shalt  }
0x72: {  	_ =	shalt  }
0x73: {  	_ =	shalt  }
0x74: {  	_ =	shalt  }
0x75: {  	_ =	shalt  }
0x76: {  	_ =	shalt  }
0x77: {  	_ =	shalt  }
0x78: {  	_ =	shalt  }
0x79: {  	_ =	shalt  }
0x7a: {  	_ =	shalt  }
0x7b: {  	_ =	shalt  }
0x7c: {  	_ =	shalt  }
0x7d: {  	_ =	shalt  }
0x7e: {  	_ =	shalt  }
0x7f: {  	_ =	shalt  }
0x80: {  	_ =	shalt  }
0x81: {  	_ =	shalt  }
0x82: {  	_ =	shalt  }
0x83: {  	_ =	shalt  }
0x84: {  	_ =	shalt  }
0x85: {  	_ =	shalt  }
0x86: {  	_ =	shalt  }
0x87: {  	_ =	shalt  }
.Lfunc_end0:
.L_simem_size_0:
called_computation_lowered:
.L_overlay_start_0:
0x88: {  	s2 =	sld [smem:$0x3FD9]  }
0x89: {  	s3 =	sld [smem:$0x3FFE];
	_ =	sdelay $0x1  }
0x8a: {  	s1 =	srdreg.scid  }
0x8b: {  	s0 =	sand.u32 $0x1, s1  }
0x8c: {  	s17 =	sshll.u32 s0, $0xA;
	s2 =	sadd.s32 s3, s2  }
0x8d: {  	s2 =	sadd.s32 s2, s17  }
0x8e: {  	[smem:$0x3FC2] =	sst s2  }
0x8f: {  	_ = 	snop  }
0x90: {  	s2 =	sld [smem:$0x3FD0];
	(tm) =	ssettm $0x1  }
0x91: {  	s18 =	sld [smem:$0x3FFB];
	_ =	sdelay $0x3  }
0x92: {  	_ =	strace s18  }
0x93: {  	s3 =	sld [smem:$0x3FFC];
	_ =	sdelay $0x3  }
0x94: {  	_ =	strace s3  }
0x95: {  	s3 =	sld [smem:$0x3FFD];
	_ =	sdelay $0x3  }
0x96: {  	_ =	strace s3  }
0x97: {  	_ =	strace $0x8FFFFFFF  }
0x98: {  	s19 =	sld [smem:$0x3FDB];
	_ =	sdelay $0x1  }
0x99: {  	s4 =	simm.s32 $_scs_section_size  }
0x9a: {  	s5 =	simm.s32 $_size__tile_overlayer_lowered;
	s6 =	simm.s32 $_tile_overlayer_lowered  }
0x9b: {  	s22 =	simm.s32 $0x1BFF;
	s21 =	sshll.u32 s6, $0x1;
	s3 =	sadd.s32 s4, s19  }
0x9c: {  	s7 =	simm.s32 $0x0;
	s20 =	sshll.u32 s5, $0x1;
	s5 =	sadd.s32 s21, s3  }
0x9d: {  	[timem:s7], [sflag:s22] =	dma.local [hbm:s5], s20  }
0x9e: {  	_ =	swait.ge [sflag:s22], s20  }
0x9f: {  	s4 =	ssub.s32 $0x0, s20;
	[sflag:s22] =	ssyncset.done $0x0  }
0xa0: {  	[sflag:s22] =	ssyncadd.s32 s4;
	_ =	sdelay $0x1  }
0xa1: {  	s23 =	simm.s32 $0x1B8B  }
0xa2: {  	_ =	swait.ge [sflag:s23], $0x1  }
0xa3: {  	[sflag:s23] =	ssyncset.done $0x0  }
0xa4: {  	s25 =	simm.s32 $0x1B8E;
	s24 =	sld [smem:$0x3FFE];
	[sflag:s23] =	ssyncadd.s32 $0xFFFFFFFF  }
0xa5: {  	s26 =	simm.s32 $execute0_lowered;
	[smem:$0x3FD2] =	sst s25  }
0xa6: {  	s5 =	sshll.u32 s26, $0x1;
	_ =	strace $0x80000046;
	[dreg:$0x1] =	wrdreg $0xFFFFFFFF  }
0xa7: {  	s28 =	simm.s32 $_size_execute0_lowered;
	s3 =	sadd.s32 s3, s5;
	[dreg:$0x0] =	wrdreg $0x0  }
0xa8: {  	s5 =	sshll.u32 s28, $0x1;
	[dreg:$0x2] =	wrdreg s3  }
0xa9: {  	[dreg:$0x3] =	wrdreg s5  }
0xaa: {  	[dreg:$0x4] =	wrdreg $0xC0  }
0xab: {  	_ =	task [dreg:s7], $0x5FFFF  }
0xac: {  	[dreg:$0x1] =	wrdreg $0xFFFFFFFF  }
0xad: {  	[dreg:$0x0] =	wrdreg $0x60  }
0xae: {  	[dreg:$0x2] =	wrdreg s24  }
0xaf: {  	[dreg:$0x3] =	wrdreg s2  }
0xb0: {  	[dreg:$0x4] =	wrdreg $0x54000  }
0xb1: {  	[dreg:$0x5] =	wrdreg $0x9  }
0xb2: {  	_ =	task.clear_ibuf [dreg:s7], $0x6FFFF;
	_ =	strace $0x90000046  }
0xb3: {  	s29 =	simm.s32 $0x9;
	_ =	strace $0x80000048  }
0xb4: {  	_ =	swait.ge [sflag:s29], $0x1  }
0xb5: {  	[sflag:s29] =	ssyncadd.s32 $0xFFFFFFFF  }
0xb6: {  	_ =	strace $0x90000048  }
0xb7: {  	_ =	sfence  }
0xb8: {  	s30 =	sld [smem:$0x0];
	_ =	sdelay $0x2  }
0xb9: {  	s31 =	sshll.u32 s1, $0xD;
	s1 =	sshrl.u32 s1, $0x2  }
0xba: {  	s3 =	sand.u32 $0x4000, s31;
	s1 =	sadd.s32 s1, s30  }
0xbb: {  	s0 =	sor.u32 s3, s0;
	s1 =	sshll.u32 s1, $0x11  }
0xbc: {  	s0 =	sor.u32 s1, s0  }
0xbd: {  	s0 =	sadd.s32 $0x8F2B, s0  }
0xbe: {  	[sflag:s0] =	ssyncadd.remote.s32 $0x1  }
0xbf: {  	_ =	sfence.sel $0xFFFF  }
0xc0: {  	[dreg:$0x0] =	wrdreg $0xFFFFFFFF;
	(pc) =	sbr.abs _section_cstart, $3  }
0xc1: {  	[dreg:$0x1] =	wrdreg $0xFFFFFFFF  }
0xc2: {  	_ =	task.clear_ibuf [dreg:s7], $0x2FFFF;
	_ =	strace $0x9FFFFFFF  }
0xc3: {  	(tm) =	ssettm $0x7FFFFFFF  }
tec
execute0_lowered:
.L_overlay_start_1:
0x0: {  	(tag) =	ssettag $0x1  }
0x1: {  	s3 =	rddreg [dreg:$0x0]  }
0x2: {  	s0 =	srdreg.scid;
	s4 =	rddreg [dreg:$0x1]  }
0x3: {  	s7 =	stileid.u32;
	s2 =	rddreg [dreg:$0x2];
	s31 =	simm.s32 $0x0  }
0x4: {  	s20 =	simm.s32 $0x100;
	[smem:$0x7FF] =	sst s31;
	s6 =	sadd.s32 $0xC400, s3  }
0x5: {  	s22 =	simm.s32 $0x180;
	_ =	strace $0x80000047;
	[dreg:$0x4] =	wrdreg s6  }
0x6: {  	s23 =	simm.s32 $0x200;
	s24 =	simm.s32 $0x280;
	[dreg:$0x7] =	wrdreg s20  }
0x7: {  	s25 =	simm.s32 $0x300;
	s9 =	simm.s32 $0x400;
	[dreg:$0x8] =	wrdreg s22  }
0x8: {  	s10 =	simm.s32 $0x480;
	s12 =	simm.s32 $0x500;
	[dreg:$0x9] =	wrdreg s23  }
0x9: {  	s13 =	simm.s32 $0x580;
	s15 =	simm.s32 $0x600;
	[dreg:$0xa] =	wrdreg s24  }
0xa: {  	s16 =	simm.s32 $0x680;
	s28 =	simm.s32 $0xA80;
	[dreg:$0xb] =	wrdreg s25  }
0xb: {  	s29 =	simm.s32 $0xB00;
	s30 =	simm.s32 $0xB80;
	[dreg:$0xd] =	wrdreg s9  }
0xc: {  	s18 =	simm.s32 $0xC00;
	p0 =	por $0x0, $0x0;
	[dreg:$0xe] =	wrdreg s10  }
0xd: {  	s0 =	sand.u32 $0x1, s0;
	s8 =	smul.u32 $0x50000, s7;
	[dreg:$0xf] =	wrdreg s12  }
0xe: {  	s14 =	sshll.u32 s7, $0x6;
	s1 =	sshll.u32 s0, $0x4;
	[dreg:$0x10] =	wrdreg s13  }
0xf: {  	s21 =	smul.u32 $0x28000, s0;
	s0 =	ssub.s32 $0x2, s0;
	[dreg:$0x11] =	wrdreg s15  }
0x10: {  	s6 =	simm.s32 $0x380;
	[dreg:$0x12] =	wrdreg s16;
	s22 =	simm.s32 $0x700  }
0x11: {  	s23 =	simm.s32 $0x780;
	s24 =	simm.s32 $0x800;
	s25 =	simm.s32 $0x880  }
0x12: {  	s9 =	simm.s32 $0x80;
	s10 =	simm.s32 $0x980;
	[dreg:$0xc] =	wrdreg s6  }
0x13: {  	s20 =	simm.s32 $0xD00;
	s12 =	simm.s32 $0x1100;
	[dreg:$0x13] =	wrdreg s22  }
0x14: {  	s13 =	simm.s32 $0x1180;
	s15 =	simm.s32 $0x1280;
	[dreg:$0x14] =	wrdreg s23  }
0x15: {  	s16 =	simm.s32 $0x1300;
	s1 =	sor.u32 s7, s1;
	[dreg:$0x15] =	wrdreg s24  }
0x16: {  	s26 =	sshrl.u32 s0, $0x1;
	s11 =	sshrl.u32 s8, $0x2;
	[dreg:$0x16] =	wrdreg s25  }
0x17: {  	s8 =	simm.s32 $0x1400;
	s6 =	simm.s32 $0x1;
	[dreg:$0x18] =	wrdreg s10  }
0x18: {  	s22 =	simm.s32 $0xE00;
	s23 =	simm.s32 $0xE80;
	s24 =	simm.s32 $0xF00  }
0x19: {  	s25 =	simm.s32 $0xF80;
	s10 =	simm.s32 $0x1000;
	s5 =	smul.u32 $0x280, s1  }
0x1a: {  	s1 =	smul.u32 $0x2800, s7;
	s0 =	ssub.s32 s0, s26;
	s26 =	simm.s32 $0x900  }
0x1b: {  	s0 =	smax.u32 s0, $0x1;
	[dreg:$0x17] =	wrdreg s26;
	s26 =	simm.s32 $0xA00  }
0x1c: {  	s5 =	sadd.s32 s5, s3;
	s4 =	sadd.s32 s4, s1;
	p1 =	sne.s32 s0, $0x1  }
0x1d: {  	[dreg:$0x5] =	wrdreg s4;
	s19 =	sadd.s32 $0x2400, s5;
	s5 =	sadd.s32 s21, s3  }
.Ltmp0:
0x1e: {  	s4 =	sadd.s32 s11, s2;
	s3 =	sor.u32 $0x1C02, s14;
	(pc) =	sbr.rel @!p1 .LBB2_3-.Ltmp0, $4  }
0x1f: {  	s21 =	simm.s32 $0xD80;
	s11 =	simm.s32 $0x1080;
	s14 =	simm.s32 $0x1200  }
0x20: {  	[dreg:$0x6] =	wrdreg s19;
	s17 =	sadd.s32 $0xCC00, s5;
	s4 =	sshrl.u32 s4, $0x3  }
0x21: {  	s5 =	simm.s32 $0x2;
	s19 =	simm.s32 $0xC80;
	s7 =	sadd.s32 s1, s17  }
0x22: {  	s1 =	sadd.s32 $0xFFFFFFFF, s0;
	s17 =	simm.s32 $0x1380;
	s0 =	rddreg [dreg:$0x5]  }
0x23: {  	[spmem:s4], [sflag:s3] =	dma.local [hbm:s0], $0x2800  }
0x24: {  	_ =	swait.ge [sflag:s5], $0x2800  }
0x25: {  	[sflag:s5] =	ssyncset.done $0x0  }
0x26: {  	s0 =	rddreg [dreg:$0x4];
	[sflag:s5] =	ssyncadd.s32 $0xFFFFD800  }
0x27: {  	[tilespmem:s8], [sflag:$0x2] =	stream.linear.gather [hbm4b:s0+s31], $0x4000, $0x38;
	[tilespmem:$0x19400] =	vst v63  }
0x28: {  	_ =	swait.ge [sflag:s5], $0x4000  }
0x29: {  	[sflag:s5] =	ssyncset.done $0x0  }
0x2a: {  	s0 =	rddreg [dreg:$0x6];
	[sflag:s5] =	ssyncadd.s32 $0xFFFFC000  }
0x2b: {  	[tilespmem:s31], [sflag:$0x2] =	stream.linear.gather [hbm4b:s0+s31], $0x1400, $0x38;
	[tilespmem:$0x19400] =	vst v63  }
0x2c: {  	_ =	swait.ge [sflag:s5], $0x1400  }
0x2d: {  	[sflag:s5] =	ssyncset.done $0x0  }
0x2e: {  	[sflag:s5] =	ssyncadd.s32 $0xFFFFEC00  }
0x2f: {  	[bflag:$0x0] =	sbarrier.arrive $0xFFFF  }
0x30: {  	[spmem:s2] =	stream.indirect.scatter.add.f32 [tilespmem:s8], [sflag:$0x1], $0x80, s31, s9, $0xb8;
	[tilespmem:$0x19400] =	vst v63  }
0x31: {  	s0 =	rddreg [dreg:$0x7]  }
0x32: {  	[spmem:s2] =	stream.indirect.scatter.add.f32 [tilespmem:s8], [sflag:$0x1], $0x80, s9, s9, $0xb8;
	[tilespmem:$0x19400] =	vst v63  }
0x33: {  	[dreg:$0x19] =	wrdreg s1  }
0x34: {  	[spmem:s2] =	stream.indirect.scatter.add.f32 [tilespmem:s8], [sflag:$0x1], $0x80, s0, s9, $0xb8;
	[tilespmem:$0x19400] =	vst v63  }
0x35: {  	s1 =	rddreg [dreg:$0x8]  }
0x36: {  	[spmem:s2] =	stream.indirect.scatter.add.f32 [tilespmem:s8], [sflag:$0x1], $0x80, s1, s9, $0xb8;
	[tilespmem:$0x19400] =	vst v63  }
0x37: {  	s0 =	rddreg [dreg:$0x9]  }
0x38: {  	[spmem:s2] =	stream.indirect.scatter.add.f32 [tilespmem:s8], [sflag:$0x1], $0x80, s0, s9, $0xb8;
	[tilespmem:$0x19400] =	vst v63  }
0x39: {  	s1 =	rddreg [dreg:$0xa]  }
0x3a: {  	[spmem:s2] =	stream.indirect.scatter.add.f32 [tilespmem:s8], [sflag:$0x1], $0x80, s1, s9, $0xb8;
	[tilespmem:$0x19400] =	vst v63  }
0x3b: {  	s0 =	rddreg [dreg:$0xb]  }
0x3c: {  	[spmem:s2] =	stream.indirect.scatter.add.f32 [tilespmem:s8], [sflag:$0x1], $0x80, s0, s9, $0xb8;
	[tilespmem:$0x19400] =	vst v63  }
0x3d: {  	s1 =	rddreg [dreg:$0xc]  }
0x3e: {  	[spmem:s2] =	stream.indirect.scatter.add.f32 [tilespmem:s8], [sflag:$0x1], $0x80, s1, s9, $0xb8;
	[tilespmem:$0x19400] =	vst v63  }
0x3f: {  	_ =	swait.ge [sflag:s6], $0x4000  }
0x40: {  	[sflag:s6] =	ssyncset.done $0x0  }
0x41: {  	[sflag:s6] =	ssyncadd.s32 $0xFFFFC000  }
0x42: {  	_ =	swait.ge [sflag:s6], $0x4000  }
0x43: {  	[sflag:s6] =	ssyncset.done $0x0  }
0x44: {  	[sflag:s6] =	ssyncadd.s32 $0xFFFFC000  }
0x45: {  	_ =	swait.ge [sflag:s6], $0x4000  }
0x46: {  	[sflag:s6] =	ssyncset.done $0x0  }
0x47: {  	[sflag:s6] =	ssyncadd.s32 $0xFFFFC000  }
0x48: {  	_ =	swait.ge [sflag:s6], $0x4000  }
0x49: {  	[sflag:s6] =	ssyncset.done $0x0  }
0x4a: {  	[sflag:s6] =	ssyncadd.s32 $0xFFFFC000  }
0x4b: {  	_ =	swait.ge [sflag:s6], $0x4000  }
0x4c: {  	[sflag:s6] =	ssyncset.done $0x0  }
0x4d: {  	[sflag:s6] =	ssyncadd.s32 $0xFFFFC000  }
0x4e: {  	_ =	swait.ge [sflag:s6], $0x4000  }
0x4f: {  	[sflag:s6] =	ssyncset.done $0x0  }
0x50: {  	[sflag:s6] =	ssyncadd.s32 $0xFFFFC000  }
0x51: {  	_ =	swait.ge [sflag:s6], $0x4000  }
0x52: {  	[sflag:s6] =	ssyncset.done $0x0  }
0x53: {  	[sflag:s6] =	ssyncadd.s32 $0xFFFFC000  }
0x54: {  	_ =	swait.ge [sflag:s6], $0x4000  }
0x55: {  	[sflag:s6] =	ssyncset.done $0x0  }
0x56: {  	s0 =	rddreg [dreg:$0xd];
	[sflag:s6] =	ssyncadd.s32 $0xFFFFC000  }
0x57: {  	[spmem:s2] =	stream.indirect.scatter.add.f32 [tilespmem:s8], [sflag:$0x1], $0x80, s0, s9, $0xb8;
	[tilespmem:$0x19400] =	vst v63  }
0x58: {  	s1 =	rddreg [dreg:$0xe]  }
0x59: {  	[spmem:s2] =	stream.indirect.scatter.add.f32 [tilespmem:s8], [sflag:$0x1], $0x80, s1, s9, $0xb8;
	[tilespmem:$0x19400] =	vst v63  }
0x5a: {  	s0 =	rddreg [dreg:$0xf]  }
0x5b: {  	[spmem:s2] =	stream.indirect.scatter.add.f32 [tilespmem:s8], [sflag:$0x1], $0x80, s0, s9, $0xb8;
	[tilespmem:$0x19400] =	vst v63  }
0x5c: {  	s1 =	rddreg [dreg:$0x10]  }
0x5d: {  	[spmem:s2] =	stream.indirect.scatter.add.f32 [tilespmem:s8], [sflag:$0x1], $0x80, s1, s9, $0xb8;
	[tilespmem:$0x19400] =	vst v63  }
0x5e: {  	s0 =	rddreg [dreg:$0x11]  }
0x5f: {  	[spmem:s2] =	stream.indirect.scatter.add.f32 [tilespmem:s8], [sflag:$0x1], $0x80, s0, s9, $0xb8;
	[tilespmem:$0x19400] =	vst v63  }
0x60: {  	s1 =	rddreg [dreg:$0x12]  }
0x61: {  	[spmem:s2] =	stream.indirect.scatter.add.f32 [tilespmem:s8], [sflag:$0x1], $0x80, s1, s9, $0xb8;
	[tilespmem:$0x19400] =	vst v63  }
0x62: {  	s0 =	rddreg [dreg:$0x13]  }
0x63: {  	[spmem:s2] =	stream.indirect.scatter.add.f32 [tilespmem:s8], [sflag:$0x1], $0x80, s0, s9, $0xb8;
	[tilespmem:$0x19400] =	vst v63  }
0x64: {  	s1 =	rddreg [dreg:$0x14]  }
0x65: {  	[spmem:s2] =	stream.indirect.scatter.add.f32 [tilespmem:s8], [sflag:$0x1], $0x80, s1, s9, $0xb8;
	[tilespmem:$0x19400] =	vst v63  }
0x66: {  	_ =	swait.ge [sflag:s6], $0x4000  }
0x67: {  	[sflag:s6] =	ssyncset.done $0x0  }
0x68: {  	[sflag:s6] =	ssyncadd.s32 $0xFFFFC000  }
0x69: {  	_ =	swait.ge [sflag:s6], $0x4000  }
0x6a: {  	[sflag:s6] =	ssyncset.done $0x0  }
0x6b: {  	[sflag:s6] =	ssyncadd.s32 $0xFFFFC000  }
0x6c: {  	_ =	swait.ge [sflag:s6], $0x4000  }
0x6d: {  	[sflag:s6] =	ssyncset.done $0x0  }
0x6e: {  	[sflag:s6] =	ssyncadd.s32 $0xFFFFC000  }
0x6f: {  	_ =	swait.ge [sflag:s6], $0x4000  }
0x70: {  	[sflag:s6] =	ssyncset.done $0x0  }
0x71: {  	[sflag:s6] =	ssyncadd.s32 $0xFFFFC000  }
0x72: {  	_ =	swait.ge [sflag:s6], $0x4000  }
0x73: {  	[sflag:s6] =	ssyncset.done $0x0  }
0x74: {  	[sflag:s6] =	ssyncadd.s32 $0xFFFFC000  }
0x75: {  	_ =	swait.ge [sflag:s6], $0x4000  }
0x76: {  	[sflag:s6] =	ssyncset.done $0x0  }
0x77: {  	[sflag:s6] =	ssyncadd.s32 $0xFFFFC000  }
0x78: {  	_ =	swait.ge [sflag:s6], $0x4000  }
0x79: {  	[sflag:s6] =	ssyncset.done $0x0  }
0x7a: {  	[sflag:s6] =	ssyncadd.s32 $0xFFFFC000  }
0x7b: {  	_ =	swait.ge [sflag:s6], $0x4000  }
0x7c: {  	[sflag:s6] =	ssyncset.done $0x0  }
0x7d: {  	s0 =	rddreg [dreg:$0x15];
	[sflag:s6] =	ssyncadd.s32 $0xFFFFC000  }
0x7e: {  	[spmem:s2] =	stream.indirect.scatter.add.f32 [tilespmem:s8], [sflag:$0x1], $0x80, s0, s9, $0xb8;
	[tilespmem:$0x19400] =	vst v63  }
0x7f: {  	s1 =	rddreg [dreg:$0x16]  }
0x80: {  	[spmem:s2] =	stream.indirect.scatter.add.f32 [tilespmem:s8], [sflag:$0x1], $0x80, s1, s9, $0xb8;
	[tilespmem:$0x19400] =	vst v63  }
0x81: {  	s0 =	rddreg [dreg:$0x17]  }
0x82: {  	[spmem:s2] =	stream.indirect.scatter.add.f32 [tilespmem:s8], [sflag:$0x1], $0x80, s0, s9, $0xb8;
	[tilespmem:$0x19400] =	vst v63  }
0x83: {  	s1 =	rddreg [dreg:$0x18]  }
0x84: {  	[spmem:s2] =	stream.indirect.scatter.add.f32 [tilespmem:s8], [sflag:$0x1], $0x80, s1, s9, $0xb8;
	[tilespmem:$0x19400] =	vst v63  }
0x85: {  	_ = 	snop  }
0x86: {  	[spmem:s2] =	stream.indirect.scatter.add.f32 [tilespmem:s8], [sflag:$0x1], $0x80, s26, s9, $0xb8;
	[tilespmem:$0x19400] =	vst v63  }
0x87: {  	_ = 	snop  }
0x88: {  	[spmem:s2] =	stream.indirect.scatter.add.f32 [tilespmem:s8], [sflag:$0x1], $0x80, s28, s9, $0xb8;
	[tilespmem:$0x19400] =	vst v63  }
0x89: {  	_ = 	snop  }
0x8a: {  	[spmem:s2] =	stream.indirect.scatter.add.f32 [tilespmem:s8], [sflag:$0x1], $0x80, s29, s9, $0xb8;
	[tilespmem:$0x19400] =	vst v63  }
0x8b: {  	_ = 	snop  }
0x8c: {  	[spmem:s2] =	stream.indirect.scatter.add.f32 [tilespmem:s8], [sflag:$0x1], $0x80, s30, s9, $0xb8;
	[tilespmem:$0x19400] =	vst v63  }
0x8d: {  	_ =	swait.ge [sflag:s6], $0x4000  }
0x8e: {  	[sflag:s6] =	ssyncset.done $0x0  }
0x8f: {  	[sflag:s6] =	ssyncadd.s32 $0xFFFFC000  }
0x90: {  	_ =	swait.ge [sflag:s6], $0x4000  }
0x91: {  	[sflag:s6] =	ssyncset.done $0x0  }
0x92: {  	[sflag:s6] =	ssyncadd.s32 $0xFFFFC000  }
0x93: {  	_ =	swait.ge [sflag:s6], $0x4000  }
0x94: {  	[sflag:s6] =	ssyncset.done $0x0  }
0x95: {  	[sflag:s6] =	ssyncadd.s32 $0xFFFFC000  }
0x96: {  	_ =	swait.ge [sflag:s6], $0x4000  }
0x97: {  	[sflag:s6] =	ssyncset.done $0x0  }
0x98: {  	[sflag:s6] =	ssyncadd.s32 $0xFFFFC000  }
0x99: {  	_ =	swait.ge [sflag:s6], $0x4000  }
0x9a: {  	[sflag:s6] =	ssyncset.done $0x0  }
0x9b: {  	[sflag:s6] =	ssyncadd.s32 $0xFFFFC000  }
0x9c: {  	_ =	swait.ge [sflag:s6], $0x4000  }
0x9d: {  	[sflag:s6] =	ssyncset.done $0x0  }
0x9e: {  	[sflag:s6] =	ssyncadd.s32 $0xFFFFC000  }
0x9f: {  	_ =	swait.ge [sflag:s6], $0x4000  }
0xa0: {  	[sflag:s6] =	ssyncset.done $0x0  }
0xa1: {  	[sflag:s6] =	ssyncadd.s32 $0xFFFFC000  }
0xa2: {  	_ =	swait.ge [sflag:s6], $0x4000  }
0xa3: {  	[sflag:s6] =	ssyncset.done $0x0  }
0xa4: {  	[sflag:s6] =	ssyncadd.s32 $0xFFFFC000  }
0xa5: {  	[spmem:s2] =	stream.indirect.scatter.add.f32 [tilespmem:s8], [sflag:$0x1], $0x80, s18, s9, $0xb8;
	[tilespmem:$0x19400] =	vst v63  }
0xa6: {  	_ = 	snop  }
0xa7: {  	[spmem:s2] =	stream.indirect.scatter.add.f32 [tilespmem:s8], [sflag:$0x1], $0x80, s19, s9, $0xb8;
	[tilespmem:$0x19400] =	vst v63  }
0xa8: {  	_ = 	snop  }
0xa9: {  	[spmem:s2] =	stream.indirect.scatter.add.f32 [tilespmem:s8], [sflag:$0x1], $0x80, s20, s9, $0xb8;
	[tilespmem:$0x19400] =	vst v63  }
0xaa: {  	_ = 	snop  }
0xab: {  	[spmem:s2] =	stream.indirect.scatter.add.f32 [tilespmem:s8], [sflag:$0x1], $0x80, s21, s9, $0xb8;
	[tilespmem:$0x19400] =	vst v63  }
0xac: {  	_ = 	snop  }
0xad: {  	[spmem:s2] =	stream.indirect.scatter.add.f32 [tilespmem:s8], [sflag:$0x1], $0x80, s22, s9, $0xb8;
	[tilespmem:$0x19400] =	vst v63  }
0xae: {  	_ = 	snop  }
0xaf: {  	[spmem:s2] =	stream.indirect.scatter.add.f32 [tilespmem:s8], [sflag:$0x1], $0x80, s23, s9, $0xb8;
	[tilespmem:$0x19400] =	vst v63  }
0xb0: {  	_ = 	snop  }
0xb1: {  	[spmem:s2] =	stream.indirect.scatter.add.f32 [tilespmem:s8], [sflag:$0x1], $0x80, s24, s9, $0xb8;
	[tilespmem:$0x19400] =	vst v63  }
0xb2: {  	_ = 	snop  }
0xb3: {  	[spmem:s2] =	stream.indirect.scatter.add.f32 [tilespmem:s8], [sflag:$0x1], $0x80, s25, s9, $0xb8;
	[tilespmem:$0x19400] =	vst v63  }
0xb4: {  	_ =	swait.ge [sflag:s6], $0x4000  }
0xb5: {  	[sflag:s6] =	ssyncset.done $0x0  }
0xb6: {  	[sflag:s6] =	ssyncadd.s32 $0xFFFFC000  }
0xb7: {  	_ =	swait.ge [sflag:s6], $0x4000  }
0xb8: {  	[sflag:s6] =	ssyncset.done $0x0  }
0xb9: {  	[sflag:s6] =	ssyncadd.s32 $0xFFFFC000  }
0xba: {  	_ =	swait.ge [sflag:s6], $0x4000  }
0xbb: {  	[sflag:s6] =	ssyncset.done $0x0  }
0xbc: {  	[sflag:s6] =	ssyncadd.s32 $0xFFFFC000  }
0xbd: {  	_ =	swait.ge [sflag:s6], $0x4000  }
0xbe: {  	[sflag:s6] =	ssyncset.done $0x0  }
0xbf: {  	[sflag:s6] =	ssyncadd.s32 $0xFFFFC000  }
0xc0: {  	_ =	swait.ge [sflag:s6], $0x4000  }
0xc1: {  	[sflag:s6] =	ssyncset.done $0x0  }
0xc2: {  	[sflag:s6] =	ssyncadd.s32 $0xFFFFC000  }
0xc3: {  	_ =	swait.ge [sflag:s6], $0x4000  }
0xc4: {  	[sflag:s6] =	ssyncset.done $0x0  }
0xc5: {  	[sflag:s6] =	ssyncadd.s32 $0xFFFFC000  }
0xc6: {  	_ =	swait.ge [sflag:s6], $0x4000  }
0xc7: {  	[sflag:s6] =	ssyncset.done $0x0  }
0xc8: {  	[sflag:s6] =	ssyncadd.s32 $0xFFFFC000  }
0xc9: {  	_ =	swait.ge [sflag:s6], $0x4000  }
0xca: {  	[sflag:s6] =	ssyncset.done $0x0  }
0xcb: {  	[sflag:s6] =	ssyncadd.s32 $0xFFFFC000  }
0xcc: {  	[spmem:s2] =	stream.indirect.scatter.add.f32 [tilespmem:s8], [sflag:$0x1], $0x80, s10, s9, $0xb8;
	[tilespmem:$0x19400] =	vst v63  }
0xcd: {  	_ = 	snop  }
0xce: {  	[spmem:s2] =	stream.indirect.scatter.add.f32 [tilespmem:s8], [sflag:$0x1], $0x80, s11, s9, $0xb8;
	[tilespmem:$0x19400] =	vst v63  }
0xcf: {  	_ = 	snop  }
0xd0: {  	[spmem:s2] =	stream.indirect.scatter.add.f32 [tilespmem:s8], [sflag:$0x1], $0x80, s12, s9, $0xb8;
	[tilespmem:$0x19400] =	vst v63  }
0xd1: {  	_ = 	snop  }
0xd2: {  	[spmem:s2] =	stream.indirect.scatter.add.f32 [tilespmem:s8], [sflag:$0x1], $0x80, s13, s9, $0xb8;
	[tilespmem:$0x19400] =	vst v63  }
0xd3: {  	_ = 	snop  }
0xd4: {  	[spmem:s2] =	stream.indirect.scatter.add.f32 [tilespmem:s8], [sflag:$0x1], $0x80, s14, s9, $0xb8;
	[tilespmem:$0x19400] =	vst v63  }
0xd5: {  	_ = 	snop  }
0xd6: {  	[spmem:s2] =	stream.indirect.scatter.add.f32 [tilespmem:s8], [sflag:$0x1], $0x80, s15, s9, $0xb8;
	[tilespmem:$0x19400] =	vst v63  }
0xd7: {  	_ = 	snop  }
0xd8: {  	[spmem:s2] =	stream.indirect.scatter.add.f32 [tilespmem:s8], [sflag:$0x1], $0x80, s16, s9, $0xb8;
	[tilespmem:$0x19400] =	vst v63  }
0xd9: {  	_ = 	snop  }
0xda: {  	[spmem:s2] =	stream.indirect.scatter.add.f32 [tilespmem:s8], [sflag:$0x1], $0x80, s17, s9, $0xb8;
	[tilespmem:$0x19400] =	vst v63  }
0xdb: {  	_ =	swait.ge [sflag:s6], $0x4000  }
0xdc: {  	[sflag:s6] =	ssyncset.done $0x0  }
0xdd: {  	[sflag:s6] =	ssyncadd.s32 $0xFFFFC000  }
0xde: {  	_ =	swait.ge [sflag:s6], $0x4000  }
0xdf: {  	[sflag:s6] =	ssyncset.done $0x0  }
0xe0: {  	[sflag:s6] =	ssyncadd.s32 $0xFFFFC000  }
0xe1: {  	_ =	swait.ge [sflag:s6], $0x4000  }
0xe2: {  	[sflag:s6] =	ssyncset.done $0x0  }
0xe3: {  	[sflag:s6] =	ssyncadd.s32 $0xFFFFC000  }
0xe4: {  	_ =	swait.ge [sflag:s6], $0x4000  }
0xe5: {  	[sflag:s6] =	ssyncset.done $0x0  }
0xe6: {  	[sflag:s6] =	ssyncadd.s32 $0xFFFFC000  }
0xe7: {  	_ =	swait.ge [sflag:s6], $0x4000  }
0xe8: {  	[sflag:s6] =	ssyncset.done $0x0  }
0xe9: {  	[sflag:s6] =	ssyncadd.s32 $0xFFFFC000  }
0xea: {  	_ =	swait.ge [sflag:s6], $0x4000  }
0xeb: {  	[sflag:s6] =	ssyncset.done $0x0  }
0xec: {  	[sflag:s6] =	ssyncadd.s32 $0xFFFFC000  }
0xed: {  	_ =	swait.ge [sflag:s6], $0x4000  }
0xee: {  	[sflag:s6] =	ssyncset.done $0x0  }
0xef: {  	[sflag:s6] =	ssyncadd.s32 $0xFFFFC000  }
0xf0: {  	_ =	swait.ge [sflag:s6], $0x4000  }
0xf1: {  	[sflag:s6] =	ssyncset.done $0x0  }
0xf2: {  	[sflag:s6] =	ssyncadd.s32 $0xFFFFC000  }
0xf3: {  	[bflag:$0x0] =	sbarrier.arrive $0xFFFF  }
0xf4: {  	[hbm:s7], [sflag:s3] =	dma.local [spmem:s4], $0x2800  }
0xf5: {  	s1 =	rddreg [dreg:$0x19]  }
0xf6: {  	p1 =	sne.s32 s1, $0x1  }
.Ltmp1:
0xf7: {  	_ = 	snop;
	(pc) =	sbr.rel @!p1 .LBB2_3-.Ltmp1, $3  }
0xf8: {  	_ =	sdelay $0x1  }
0xf9: {  	p0 =	por $0x1, $0x1;
	_ =	swait.ge [sflag:s5], $0x2800  }
0xfa: {  	s1 =	sadd.s32 $0xFFFFFFFF, s1;
	s0 =	rddreg [dreg:$0x5];
	[sflag:s5] =	ssyncset.done $0x0  }
.LBB2_2:
0xfb: {  	[sflag:s5] =	ssyncadd.s32 $0xFFFFD800  }
0xfc: {  	[spmem:s4], [sflag:s3] =	dma.local [hbm:s0], $0x2800  }
0xfd: {  	_ =	swait.ge [sflag:s5], $0x2800  }
0xfe: {  	[sflag:s5] =	ssyncset.done $0x0  }
0xff: {  	s10 =	rddreg [dreg:$0x4];
	[sflag:s5] =	ssyncadd.s32 $0xFFFFD800  }
0x100: {  	[tilespmem:s8], [sflag:$0x2] =	stream.linear.gather [hbm4b:s10+s31], $0x4000, $0x38;
	[tilespmem:$0x19400] =	vst v63  }
0x101: {  	_ =	swait.ge [sflag:s5], $0x4000  }
0x102: {  	[sflag:s5] =	ssyncset.done $0x0  }
0x103: {  	s10 =	rddreg [dreg:$0x6];
	[sflag:s5] =	ssyncadd.s32 $0xFFFFC000  }
0x104: {  	[tilespmem:s31], [sflag:$0x2] =	stream.linear.gather [hbm4b:s10+s31], $0x1400, $0x38;
	[tilespmem:$0x19400] =	vst v63  }
0x105: {  	_ =	swait.ge [sflag:s5], $0x1400  }
0x106: {  	[sflag:s5] =	ssyncset.done $0x0  }
0x107: {  	[sflag:s5] =	ssyncadd.s32 $0xFFFFEC00  }
0x108: {  	[bflag:$0x0] =	sbarrier.arrive $0xFFFF  }
0x109: {  	[spmem:s2] =	stream.indirect.scatter.add.f32 [tilespmem:s8], [sflag:$0x1], $0x80, s31, s9, $0xb8;
	[tilespmem:$0x19400] =	vst v63  }
0x10a: {  	_ = 	snop  }
0x10b: {  	[spmem:s2] =	stream.indirect.scatter.add.f32 [tilespmem:s8], [sflag:$0x1], $0x80, s9, s9, $0xb8;
	[tilespmem:$0x19400] =	vst v63  }
0x10c: {  	s0 =	rddreg [dreg:$0x7]  }
0x10d: {  	[spmem:s2] =	stream.indirect.scatter.add.f32 [tilespmem:s8], [sflag:$0x1], $0x80, s0, s9, $0xb8;
	[tilespmem:$0x19400] =	vst v63  }
0x10e: {  	s10 =	rddreg [dreg:$0x8]  }
0x10f: {  	[spmem:s2] =	stream.indirect.scatter.add.f32 [tilespmem:s8], [sflag:$0x1], $0x80, s10, s9, $0xb8;
	[tilespmem:$0x19400] =	vst v63  }
0x110: {  	s0 =	rddreg [dreg:$0x9]  }
0x111: {  	[spmem:s2] =	stream.indirect.scatter.add.f32 [tilespmem:s8], [sflag:$0x1], $0x80, s0, s9, $0xb8;
	[tilespmem:$0x19400] =	vst v63  }
0x112: {  	s10 =	rddreg [dreg:$0xa]  }
0x113: {  	[spmem:s2] =	stream.indirect.scatter.add.f32 [tilespmem:s8], [sflag:$0x1], $0x80, s10, s9, $0xb8;
	[tilespmem:$0x19400] =	vst v63  }
0x114: {  	s0 =	rddreg [dreg:$0xb]  }
0x115: {  	[spmem:s2] =	stream.indirect.scatter.add.f32 [tilespmem:s8], [sflag:$0x1], $0x80, s0, s9, $0xb8;
	[tilespmem:$0x19400] =	vst v63  }
0x116: {  	s10 =	rddreg [dreg:$0xc]  }
0x117: {  	[spmem:s2] =	stream.indirect.scatter.add.f32 [tilespmem:s8], [sflag:$0x1], $0x80, s10, s9, $0xb8;
	[tilespmem:$0x19400] =	vst v63  }
0x118: {  	_ =	swait.ge [sflag:s6], $0x4000  }
0x119: {  	[sflag:s6] =	ssyncset.done $0x0  }
0x11a: {  	[sflag:s6] =	ssyncadd.s32 $0xFFFFC000  }
0x11b: {  	_ =	swait.ge [sflag:s6], $0x4000  }
0x11c: {  	[sflag:s6] =	ssyncset.done $0x0  }
0x11d: {  	[sflag:s6] =	ssyncadd.s32 $0xFFFFC000  }
0x11e: {  	_ =	swait.ge [sflag:s6], $0x4000  }
0x11f: {  	[sflag:s6] =	ssyncset.done $0x0  }
0x120: {  	[sflag:s6] =	ssyncadd.s32 $0xFFFFC000  }
0x121: {  	_ =	swait.ge [sflag:s6], $0x4000  }
0x122: {  	[sflag:s6] =	ssyncset.done $0x0  }
0x123: {  	[sflag:s6] =	ssyncadd.s32 $0xFFFFC000  }
0x124: {  	_ =	swait.ge [sflag:s6], $0x4000  }
0x125: {  	[sflag:s6] =	ssyncset.done $0x0  }
0x126: {  	[sflag:s6] =	ssyncadd.s32 $0xFFFFC000  }
0x127: {  	_ =	swait.ge [sflag:s6], $0x4000  }
0x128: {  	[sflag:s6] =	ssyncset.done $0x0  }
0x129: {  	[sflag:s6] =	ssyncadd.s32 $0xFFFFC000  }
0x12a: {  	_ =	swait.ge [sflag:s6], $0x4000  }
0x12b: {  	[sflag:s6] =	ssyncset.done $0x0  }
0x12c: {  	[sflag:s6] =	ssyncadd.s32 $0xFFFFC000  }
0x12d: {  	_ =	swait.ge [sflag:s6], $0x4000  }
0x12e: {  	[sflag:s6] =	ssyncset.done $0x0  }
0x12f: {  	s0 =	rddreg [dreg:$0xd];
	[sflag:s6] =	ssyncadd.s32 $0xFFFFC000  }
0x130: {  	[spmem:s2] =	stream.indirect.scatter.add.f32 [tilespmem:s8], [sflag:$0x1], $0x80, s0, s9, $0xb8;
	[tilespmem:$0x19400] =	vst v63  }
0x131: {  	s10 =	rddreg [dreg:$0xe]  }
0x132: {  	[spmem:s2] =	stream.indirect.scatter.add.f32 [tilespmem:s8], [sflag:$0x1], $0x80, s10, s9, $0xb8;
	[tilespmem:$0x19400] =	vst v63  }
0x133: {  	s0 =	rddreg [dreg:$0xf]  }
0x134: {  	[spmem:s2] =	stream.indirect.scatter.add.f32 [tilespmem:s8], [sflag:$0x1], $0x80, s0, s9, $0xb8;
	[tilespmem:$0x19400] =	vst v63  }
0x135: {  	s10 =	rddreg [dreg:$0x10]  }
0x136: {  	[spmem:s2] =	stream.indirect.scatter.add.f32 [tilespmem:s8], [sflag:$0x1], $0x80, s10, s9, $0xb8;
	[tilespmem:$0x19400] =	vst v63  }
0x137: {  	s0 =	rddreg [dreg:$0x11]  }
0x138: {  	[spmem:s2] =	stream.indirect.scatter.add.f32 [tilespmem:s8], [sflag:$0x1], $0x80, s0, s9, $0xb8;
	[tilespmem:$0x19400] =	vst v63  }
0x139: {  	s10 =	rddreg [dreg:$0x12]  }
0x13a: {  	[spmem:s2] =	stream.indirect.scatter.add.f32 [tilespmem:s8], [sflag:$0x1], $0x80, s10, s9, $0xb8;
	[tilespmem:$0x19400] =	vst v63  }
0x13b: {  	s0 =	rddreg [dreg:$0x13]  }
0x13c: {  	[spmem:s2] =	stream.indirect.scatter.add.f32 [tilespmem:s8], [sflag:$0x1], $0x80, s0, s9, $0xb8;
	[tilespmem:$0x19400] =	vst v63  }
0x13d: {  	s10 =	rddreg [dreg:$0x14]  }
0x13e: {  	[spmem:s2] =	stream.indirect.scatter.add.f32 [tilespmem:s8], [sflag:$0x1], $0x80, s10, s9, $0xb8;
	[tilespmem:$0x19400] =	vst v63  }
0x13f: {  	_ =	swait.ge [sflag:s6], $0x4000  }
0x140: {  	[sflag:s6] =	ssyncset.done $0x0  }
0x141: {  	[sflag:s6] =	ssyncadd.s32 $0xFFFFC000  }
0x142: {  	_ =	swait.ge [sflag:s6], $0x4000  }
0x143: {  	[sflag:s6] =	ssyncset.done $0x0  }
0x144: {  	[sflag:s6] =	ssyncadd.s32 $0xFFFFC000  }
0x145: {  	_ =	swait.ge [sflag:s6], $0x4000  }
0x146: {  	[sflag:s6] =	ssyncset.done $0x0  }
0x147: {  	[sflag:s6] =	ssyncadd.s32 $0xFFFFC000  }
0x148: {  	_ =	swait.ge [sflag:s6], $0x4000  }
0x149: {  	[sflag:s6] =	ssyncset.done $0x0  }
0x14a: {  	[sflag:s6] =	ssyncadd.s32 $0xFFFFC000  }
0x14b: {  	_ =	swait.ge [sflag:s6], $0x4000  }
0x14c: {  	[sflag:s6] =	ssyncset.done $0x0  }
0x14d: {  	[sflag:s6] =	ssyncadd.s32 $0xFFFFC000  }
0x14e: {  	_ =	swait.ge [sflag:s6], $0x4000  }
0x14f: {  	[sflag:s6] =	ssyncset.done $0x0  }
0x150: {  	[sflag:s6] =	ssyncadd.s32 $0xFFFFC000  }
0x151: {  	_ =	swait.ge [sflag:s6], $0x4000  }
0x152: {  	[sflag:s6] =	ssyncset.done $0x0  }
0x153: {  	[sflag:s6] =	ssyncadd.s32 $0xFFFFC000  }
0x154: {  	_ =	swait.ge [sflag:s6], $0x4000  }
0x155: {  	[sflag:s6] =	ssyncset.done $0x0  }
0x156: {  	s0 =	rddreg [dreg:$0x15];
	[sflag:s6] =	ssyncadd.s32 $0xFFFFC000  }
0x157: {  	[spmem:s2] =	stream.indirect.scatter.add.f32 [tilespmem:s8], [sflag:$0x1], $0x80, s0, s9, $0xb8;
	[tilespmem:$0x19400] =	vst v63  }
0x158: {  	s10 =	rddreg [dreg:$0x16]  }
0x159: {  	[spmem:s2] =	stream.indirect.scatter.add.f32 [tilespmem:s8], [sflag:$0x1], $0x80, s10, s9, $0xb8;
	[tilespmem:$0x19400] =	vst v63  }
0x15a: {  	s0 =	rddreg [dreg:$0x17]  }
0x15b: {  	[spmem:s2] =	stream.indirect.scatter.add.f32 [tilespmem:s8], [sflag:$0x1], $0x80, s0, s9, $0xb8;
	[tilespmem:$0x19400] =	vst v63  }
0x15c: {  	s10 =	rddreg [dreg:$0x18]  }
0x15d: {  	[spmem:s2] =	stream.indirect.scatter.add.f32 [tilespmem:s8], [sflag:$0x1], $0x80, s10, s9, $0xb8;
	[tilespmem:$0x19400] =	vst v63  }
0x15e: {  	_ = 	snop  }
0x15f: {  	[spmem:s2] =	stream.indirect.scatter.add.f32 [tilespmem:s8], [sflag:$0x1], $0x80, s26, s9, $0xb8;
	[tilespmem:$0x19400] =	vst v63  }
0x160: {  	_ = 	snop  }
0x161: {  	[spmem:s2] =	stream.indirect.scatter.add.f32 [tilespmem:s8], [sflag:$0x1], $0x80, s28, s9, $0xb8;
	[tilespmem:$0x19400] =	vst v63  }
0x162: {  	_ = 	snop  }
0x163: {  	[spmem:s2] =	stream.indirect.scatter.add.f32 [tilespmem:s8], [sflag:$0x1], $0x80, s29, s9, $0xb8;
	[tilespmem:$0x19400] =	vst v63  }
0x164: {  	_ = 	snop  }
0x165: {  	[spmem:s2] =	stream.indirect.scatter.add.f32 [tilespmem:s8], [sflag:$0x1], $0x80, s30, s9, $0xb8;
	[tilespmem:$0x19400] =	vst v63  }
0x166: {  	_ =	swait.ge [sflag:s6], $0x4000  }
0x167: {  	[sflag:s6] =	ssyncset.done $0x0  }
0x168: {  	[sflag:s6] =	ssyncadd.s32 $0xFFFFC000  }
0x169: {  	_ =	swait.ge [sflag:s6], $0x4000  }
0x16a: {  	[sflag:s6] =	ssyncset.done $0x0  }
0x16b: {  	[sflag:s6] =	ssyncadd.s32 $0xFFFFC000  }
0x16c: {  	_ =	swait.ge [sflag:s6], $0x4000  }
0x16d: {  	[sflag:s6] =	ssyncset.done $0x0  }
0x16e: {  	[sflag:s6] =	ssyncadd.s32 $0xFFFFC000  }
0x16f: {  	_ =	swait.ge [sflag:s6], $0x4000  }
0x170: {  	[sflag:s6] =	ssyncset.done $0x0  }
0x171: {  	[sflag:s6] =	ssyncadd.s32 $0xFFFFC000  }
0x172: {  	_ =	swait.ge [sflag:s6], $0x4000  }
0x173: {  	[sflag:s6] =	ssyncset.done $0x0  }
0x174: {  	[sflag:s6] =	ssyncadd.s32 $0xFFFFC000  }
0x175: {  	_ =	swait.ge [sflag:s6], $0x4000  }
0x176: {  	[sflag:s6] =	ssyncset.done $0x0  }
0x177: {  	[sflag:s6] =	ssyncadd.s32 $0xFFFFC000  }
0x178: {  	_ =	swait.ge [sflag:s6], $0x4000  }
0x179: {  	[sflag:s6] =	ssyncset.done $0x0  }
0x17a: {  	[sflag:s6] =	ssyncadd.s32 $0xFFFFC000  }
0x17b: {  	_ =	swait.ge [sflag:s6], $0x4000  }
0x17c: {  	[sflag:s6] =	ssyncset.done $0x0  }
0x17d: {  	[sflag:s6] =	ssyncadd.s32 $0xFFFFC000  }
0x17e: {  	[spmem:s2] =	stream.indirect.scatter.add.f32 [tilespmem:s8], [sflag:$0x1], $0x80, s18, s9, $0xb8;
	[tilespmem:$0x19400] =	vst v63  }
0x17f: {  	_ = 	snop  }
0x180: {  	[spmem:s2] =	stream.indirect.scatter.add.f32 [tilespmem:s8], [sflag:$0x1], $0x80, s19, s9, $0xb8;
	[tilespmem:$0x19400] =	vst v63  }
0x181: {  	_ = 	snop  }
0x182: {  	[spmem:s2] =	stream.indirect.scatter.add.f32 [tilespmem:s8], [sflag:$0x1], $0x80, s20, s9, $0xb8;
	[tilespmem:$0x19400] =	vst v63  }
0x183: {  	_ = 	snop  }
0x184: {  	[spmem:s2] =	stream.indirect.scatter.add.f32 [tilespmem:s8], [sflag:$0x1], $0x80, s21, s9, $0xb8;
	[tilespmem:$0x19400] =	vst v63  }
0x185: {  	_ = 	snop  }
0x186: {  	[spmem:s2] =	stream.indirect.scatter.add.f32 [tilespmem:s8], [sflag:$0x1], $0x80, s22, s9, $0xb8;
	[tilespmem:$0x19400] =	vst v63  }
0x187: {  	_ = 	snop  }
0x188: {  	[spmem:s2] =	stream.indirect.scatter.add.f32 [tilespmem:s8], [sflag:$0x1], $0x80, s23, s9, $0xb8;
	[tilespmem:$0x19400] =	vst v63  }
0x189: {  	_ = 	snop  }
0x18a: {  	[spmem:s2] =	stream.indirect.scatter.add.f32 [tilespmem:s8], [sflag:$0x1], $0x80, s24, s9, $0xb8;
	[tilespmem:$0x19400] =	vst v63  }
0x18b: {  	_ = 	snop  }
0x18c: {  	[spmem:s2] =	stream.indirect.scatter.add.f32 [tilespmem:s8], [sflag:$0x1], $0x80, s25, s9, $0xb8;
	[tilespmem:$0x19400] =	vst v63  }
0x18d: {  	_ =	swait.ge [sflag:s6], $0x4000  }
0x18e: {  	[sflag:s6] =	ssyncset.done $0x0  }
0x18f: {  	[sflag:s6] =	ssyncadd.s32 $0xFFFFC000  }
0x190: {  	_ =	swait.ge [sflag:s6], $0x4000  }
0x191: {  	[sflag:s6] =	ssyncset.done $0x0  }
0x192: {  	[sflag:s6] =	ssyncadd.s32 $0xFFFFC000  }
0x193: {  	_ =	swait.ge [sflag:s6], $0x4000  }
0x194: {  	[sflag:s6] =	ssyncset.done $0x0  }
0x195: {  	[sflag:s6] =	ssyncadd.s32 $0xFFFFC000  }
0x196: {  	_ =	swait.ge [sflag:s6], $0x4000  }
0x197: {  	[sflag:s6] =	ssyncset.done $0x0  }
0x198: {  	[sflag:s6] =	ssyncadd.s32 $0xFFFFC000  }
0x199: {  	_ =	swait.ge [sflag:s6], $0x4000  }
0x19a: {  	[sflag:s6] =	ssyncset.done $0x0  }
0x19b: {  	[sflag:s6] =	ssyncadd.s32 $0xFFFFC000  }
0x19c: {  	_ =	swait.ge [sflag:s6], $0x4000  }
0x19d: {  	[sflag:s6] =	ssyncset.done $0x0  }
0x19e: {  	[sflag:s6] =	ssyncadd.s32 $0xFFFFC000  }
0x19f: {  	_ =	swait.ge [sflag:s6], $0x4000  }
0x1a0: {  	[sflag:s6] =	ssyncset.done $0x0  }
0x1a1: {  	[sflag:s6] =	ssyncadd.s32 $0xFFFFC000  }
0x1a2: {  	_ =	swait.ge [sflag:s6], $0x4000  }
0x1a3: {  	[sflag:s6] =	ssyncset.done $0x0  }
0x1a4: {  	s10 =	simm.s32 $0x1000;
	[sflag:s6] =	ssyncadd.s32 $0xFFFFC000  }
0x1a5: {  	[spmem:s2] =	stream.indirect.scatter.add.f32 [tilespmem:s8], [sflag:$0x1], $0x80, s10, s9, $0xb8;
	[tilespmem:$0x19400] =	vst v63  }
0x1a6: {  	_ = 	snop  }
0x1a7: {  	[spmem:s2] =	stream.indirect.scatter.add.f32 [tilespmem:s8], [sflag:$0x1], $0x80, s11, s9, $0xb8;
	[tilespmem:$0x19400] =	vst v63  }
0x1a8: {  	_ = 	snop  }
0x1a9: {  	[spmem:s2] =	stream.indirect.scatter.add.f32 [tilespmem:s8], [sflag:$0x1], $0x80, s12, s9, $0xb8;
	[tilespmem:$0x19400] =	vst v63  }
0x1aa: {  	_ = 	snop  }
0x1ab: {  	[spmem:s2] =	stream.indirect.scatter.add.f32 [tilespmem:s8], [sflag:$0x1], $0x80, s13, s9, $0xb8;
	[tilespmem:$0x19400] =	vst v63  }
0x1ac: {  	_ = 	snop  }
0x1ad: {  	[spmem:s2] =	stream.indirect.scatter.add.f32 [tilespmem:s8], [sflag:$0x1], $0x80, s14, s9, $0xb8;
	[tilespmem:$0x19400] =	vst v63  }
0x1ae: {  	_ = 	snop  }
0x1af: {  	[spmem:s2] =	stream.indirect.scatter.add.f32 [tilespmem:s8], [sflag:$0x1], $0x80, s15, s9, $0xb8;
	[tilespmem:$0x19400] =	vst v63  }
0x1b0: {  	_ = 	snop  }
0x1b1: {  	[spmem:s2] =	stream.indirect.scatter.add.f32 [tilespmem:s8], [sflag:$0x1], $0x80, s16, s9, $0xb8;
	[tilespmem:$0x19400] =	vst v63  }
0x1b2: {  	_ = 	snop  }
0x1b3: {  	[spmem:s2] =	stream.indirect.scatter.add.f32 [tilespmem:s8], [sflag:$0x1], $0x80, s17, s9, $0xb8;
	[tilespmem:$0x19400] =	vst v63  }
0x1b4: {  	_ =	swait.ge [sflag:s6], $0x4000  }
0x1b5: {  	[sflag:s6] =	ssyncset.done $0x0  }
0x1b6: {  	[sflag:s6] =	ssyncadd.s32 $0xFFFFC000  }
0x1b7: {  	_ =	swait.ge [sflag:s6], $0x4000  }
0x1b8: {  	[sflag:s6] =	ssyncset.done $0x0  }
0x1b9: {  	[sflag:s6] =	ssyncadd.s32 $0xFFFFC000  }
0x1ba: {  	_ =	swait.ge [sflag:s6], $0x4000  }
0x1bb: {  	[sflag:s6] =	ssyncset.done $0x0  }
0x1bc: {  	[sflag:s6] =	ssyncadd.s32 $0xFFFFC000  }
0x1bd: {  	_ =	swait.ge [sflag:s6], $0x4000  }
0x1be: {  	[sflag:s6] =	ssyncset.done $0x0  }
0x1bf: {  	[sflag:s6] =	ssyncadd.s32 $0xFFFFC000  }
0x1c0: {  	_ =	swait.ge [sflag:s6], $0x4000  }
0x1c1: {  	[sflag:s6] =	ssyncset.done $0x0  }
0x1c2: {  	[sflag:s6] =	ssyncadd.s32 $0xFFFFC000  }
0x1c3: {  	_ =	swait.ge [sflag:s6], $0x4000  }
0x1c4: {  	[sflag:s6] =	ssyncset.done $0x0  }
0x1c5: {  	[sflag:s6] =	ssyncadd.s32 $0xFFFFC000  }
0x1c6: {  	_ =	swait.ge [sflag:s6], $0x4000  }
0x1c7: {  	[sflag:s6] =	ssyncset.done $0x0  }
0x1c8: {  	[sflag:s6] =	ssyncadd.s32 $0xFFFFC000  }
0x1c9: {  	_ =	swait.ge [sflag:s6], $0x4000  }
0x1ca: {  	p1 =	sne.s32 s1, $0x1;
	[sflag:s6] =	ssyncset.done $0x0  }
.Ltmp2:
0x1cb: {  	[sflag:s6] =	ssyncadd.s32 $0xFFFFC000;
	(pc) =	sbr.rel @p1 .LBB2_2-.Ltmp2, $4  }
0x1cc: {  	[bflag:$0x0] =	sbarrier.arrive $0xFFFF  }
0x1cd: {  	[hbm:s7], [sflag:s3] =	dma.local [spmem:s4], $0x2800  }
0x1ce: {  	_ =	swait.ge [sflag:s5], $0x2800  }
0x1cf: {  	s1 =	sadd.s32 $0xFFFFFFFF, s1;
	s0 =	rddreg [dreg:$0x5];
	[sflag:s5] =	ssyncset.done $0x0  }
.LBB2_3:
0x1d0: {  	[sflag:s5] =	ssyncadd.s32 @p0 $0xFFFFD800  }
0x1d1: {  	[spmem:s4], [sflag:s3] =	dma.local [hbm:s0], $0x2800  }
0x1d2: {  	_ =	swait.ge [sflag:s5], $0x2800  }
0x1d3: {  	[sflag:s5] =	ssyncset.done $0x0  }
0x1d4: {  	s1 =	rddreg [dreg:$0x4];
	[sflag:s5] =	ssyncadd.s32 $0xFFFFD800  }
0x1d5: {  	[tilespmem:s8], [sflag:$0x2] =	stream.linear.gather [hbm4b:s1+s31], $0x4000, $0x38;
	[tilespmem:$0x19400] =	vst v63  }
0x1d6: {  	_ =	swait.ge [sflag:s5], $0x4000  }
0x1d7: {  	[sflag:s5] =	ssyncset.done $0x0  }
0x1d8: {  	s1 =	rddreg [dreg:$0x6];
	[sflag:s5] =	ssyncadd.s32 $0xFFFFC000  }
0x1d9: {  	[tilespmem:s31], [sflag:$0x2] =	stream.linear.gather [hbm4b:s1+s31], $0x1400, $0x38;
	[tilespmem:$0x19400] =	vst v63  }
0x1da: {  	_ =	swait.ge [sflag:s5], $0x1400  }
0x1db: {  	[sflag:s5] =	ssyncset.done $0x0  }
0x1dc: {  	[sflag:s5] =	ssyncadd.s32 $0xFFFFEC00  }
0x1dd: {  	[bflag:$0x0] =	sbarrier.arrive $0xFFFF  }
0x1de: {  	[spmem:s2] =	stream.indirect.scatter.add.f32 [tilespmem:s8], [sflag:$0x1], $0x80, s31, s9, $0xb8;
	[tilespmem:$0x19400] =	vst v63  }
0x1df: {  	_ = 	snop  }
0x1e0: {  	[spmem:s2] =	stream.indirect.scatter.add.f32 [tilespmem:s8], [sflag:$0x1], $0x80, s9, s9, $0xb8;
	[tilespmem:$0x19400] =	vst v63  }
0x1e1: {  	s31 =	rddreg [dreg:$0x7]  }
0x1e2: {  	[spmem:s2] =	stream.indirect.scatter.add.f32 [tilespmem:s8], [sflag:$0x1], $0x80, s31, s9, $0xb8;
	[tilespmem:$0x19400] =	vst v63  }
0x1e3: {  	s1 =	rddreg [dreg:$0x8]  }
0x1e4: {  	[spmem:s2] =	stream.indirect.scatter.add.f32 [tilespmem:s8], [sflag:$0x1], $0x80, s1, s9, $0xb8;
	[tilespmem:$0x19400] =	vst v63  }
0x1e5: {  	s0 =	rddreg [dreg:$0x9]  }
0x1e6: {  	[spmem:s2] =	stream.indirect.scatter.add.f32 [tilespmem:s8], [sflag:$0x1], $0x80, s0, s9, $0xb8;
	[tilespmem:$0x19400] =	vst v63  }
0x1e7: {  	s31 =	rddreg [dreg:$0xa]  }
0x1e8: {  	[spmem:s2] =	stream.indirect.scatter.add.f32 [tilespmem:s8], [sflag:$0x1], $0x80, s31, s9, $0xb8;
	[tilespmem:$0x19400] =	vst v63  }
0x1e9: {  	s0 =	rddreg [dreg:$0xb]  }
0x1ea: {  	[spmem:s2] =	stream.indirect.scatter.add.f32 [tilespmem:s8], [sflag:$0x1], $0x80, s0, s9, $0xb8;
	[tilespmem:$0x19400] =	vst v63  }
0x1eb: {  	s31 =	rddreg [dreg:$0xc]  }
0x1ec: {  	[spmem:s2] =	stream.indirect.scatter.add.f32 [tilespmem:s8], [sflag:$0x1], $0x80, s31, s9, $0xb8;
	[tilespmem:$0x19400] =	vst v63  }
0x1ed: {  	_ =	swait.ge [sflag:s6], $0x4000  }
0x1ee: {  	[sflag:s6] =	ssyncset.done $0x0  }
0x1ef: {  	[sflag:s6] =	ssyncadd.s32 $0xFFFFC000  }
0x1f0: {  	_ =	swait.ge [sflag:s6], $0x4000  }
0x1f1: {  	[sflag:s6] =	ssyncset.done $0x0  }
0x1f2: {  	[sflag:s6] =	ssyncadd.s32 $0xFFFFC000  }
0x1f3: {  	_ =	swait.ge [sflag:s6], $0x4000  }
0x1f4: {  	[sflag:s6] =	ssyncset.done $0x0  }
0x1f5: {  	[sflag:s6] =	ssyncadd.s32 $0xFFFFC000  }
0x1f6: {  	_ =	swait.ge [sflag:s6], $0x4000  }
0x1f7: {  	[sflag:s6] =	ssyncset.done $0x0  }
0x1f8: {  	[sflag:s6] =	ssyncadd.s32 $0xFFFFC000  }
0x1f9: {  	_ =	swait.ge [sflag:s6], $0x4000  }
0x1fa: {  	[sflag:s6] =	ssyncset.done $0x0  }
0x1fb: {  	[sflag:s6] =	ssyncadd.s32 $0xFFFFC000  }
0x1fc: {  	_ =	swait.ge [sflag:s6], $0x4000  }
0x1fd: {  	[sflag:s6] =	ssyncset.done $0x0  }
0x1fe: {  	[sflag:s6] =	ssyncadd.s32 $0xFFFFC000  }
0x1ff: {  	_ =	swait.ge [sflag:s6], $0x4000  }
0x200: {  	[sflag:s6] =	ssyncset.done $0x0  }
0x201: {  	[sflag:s6] =	ssyncadd.s32 $0xFFFFC000  }
0x202: {  	_ =	swait.ge [sflag:s6], $0x4000  }
0x203: {  	[sflag:s6] =	ssyncset.done $0x0  }
0x204: {  	s1 =	rddreg [dreg:$0xd];
	[sflag:s6] =	ssyncadd.s32 $0xFFFFC000  }
0x205: {  	[spmem:s2] =	stream.indirect.scatter.add.f32 [tilespmem:s8], [sflag:$0x1], $0x80, s1, s9, $0xb8;
	[tilespmem:$0x19400] =	vst v63  }
0x206: {  	s31 =	rddreg [dreg:$0xe]  }
0x207: {  	[spmem:s2] =	stream.indirect.scatter.add.f32 [tilespmem:s8], [sflag:$0x1], $0x80, s31, s9, $0xb8;
	[tilespmem:$0x19400] =	vst v63  }
0x208: {  	s0 =	rddreg [dreg:$0xf]  }
0x209: {  	[spmem:s2] =	stream.indirect.scatter.add.f32 [tilespmem:s8], [sflag:$0x1], $0x80, s0, s9, $0xb8;
	[tilespmem:$0x19400] =	vst v63  }
0x20a: {  	s31 =	rddreg [dreg:$0x10]  }
0x20b: {  	[spmem:s2] =	stream.indirect.scatter.add.f32 [tilespmem:s8], [sflag:$0x1], $0x80, s31, s9, $0xb8;
	[tilespmem:$0x19400] =	vst v63  }
0x20c: {  	s0 =	rddreg [dreg:$0x11]  }
0x20d: {  	[spmem:s2] =	stream.indirect.scatter.add.f32 [tilespmem:s8], [sflag:$0x1], $0x80, s0, s9, $0xb8;
	[tilespmem:$0x19400] =	vst v63  }
0x20e: {  	s31 =	rddreg [dreg:$0x12]  }
0x20f: {  	[spmem:s2] =	stream.indirect.scatter.add.f32 [tilespmem:s8], [sflag:$0x1], $0x80, s31, s9, $0xb8;
	[tilespmem:$0x19400] =	vst v63  }
0x210: {  	s0 =	rddreg [dreg:$0x13]  }
0x211: {  	[spmem:s2] =	stream.indirect.scatter.add.f32 [tilespmem:s8], [sflag:$0x1], $0x80, s0, s9, $0xb8;
	[tilespmem:$0x19400] =	vst v63  }
0x212: {  	s31 =	rddreg [dreg:$0x14]  }
0x213: {  	[spmem:s2] =	stream.indirect.scatter.add.f32 [tilespmem:s8], [sflag:$0x1], $0x80, s31, s9, $0xb8;
	[tilespmem:$0x19400] =	vst v63  }
0x214: {  	_ =	swait.ge [sflag:s6], $0x4000  }
0x215: {  	[sflag:s6] =	ssyncset.done $0x0  }
0x216: {  	[sflag:s6] =	ssyncadd.s32 $0xFFFFC000  }
0x217: {  	_ =	swait.ge [sflag:s6], $0x4000  }
0x218: {  	[sflag:s6] =	ssyncset.done $0x0  }
0x219: {  	[sflag:s6] =	ssyncadd.s32 $0xFFFFC000  }
0x21a: {  	_ =	swait.ge [sflag:s6], $0x4000  }
0x21b: {  	[sflag:s6] =	ssyncset.done $0x0  }
0x21c: {  	[sflag:s6] =	ssyncadd.s32 $0xFFFFC000  }
0x21d: {  	_ =	swait.ge [sflag:s6], $0x4000  }
0x21e: {  	[sflag:s6] =	ssyncset.done $0x0  }
0x21f: {  	[sflag:s6] =	ssyncadd.s32 $0xFFFFC000  }
0x220: {  	_ =	swait.ge [sflag:s6], $0x4000  }
0x221: {  	[sflag:s6] =	ssyncset.done $0x0  }
0x222: {  	[sflag:s6] =	ssyncadd.s32 $0xFFFFC000  }
0x223: {  	_ =	swait.ge [sflag:s6], $0x4000  }
0x224: {  	[sflag:s6] =	ssyncset.done $0x0  }
0x225: {  	[sflag:s6] =	ssyncadd.s32 $0xFFFFC000  }
0x226: {  	_ =	swait.ge [sflag:s6], $0x4000  }
0x227: {  	[sflag:s6] =	ssyncset.done $0x0  }
0x228: {  	[sflag:s6] =	ssyncadd.s32 $0xFFFFC000  }
0x229: {  	_ =	swait.ge [sflag:s6], $0x4000  }
0x22a: {  	[sflag:s6] =	ssyncset.done $0x0  }
0x22b: {  	s1 =	rddreg [dreg:$0x15];
	[sflag:s6] =	ssyncadd.s32 $0xFFFFC000  }
0x22c: {  	[spmem:s2] =	stream.indirect.scatter.add.f32 [tilespmem:s8], [sflag:$0x1], $0x80, s1, s9, $0xb8;
	[tilespmem:$0x19400] =	vst v63  }
0x22d: {  	s31 =	rddreg [dreg:$0x16]  }
0x22e: {  	[spmem:s2] =	stream.indirect.scatter.add.f32 [tilespmem:s8], [sflag:$0x1], $0x80, s31, s9, $0xb8;
	[tilespmem:$0x19400] =	vst v63  }
0x22f: {  	s0 =	rddreg [dreg:$0x17]  }
0x230: {  	[spmem:s2] =	stream.indirect.scatter.add.f32 [tilespmem:s8], [sflag:$0x1], $0x80, s0, s9, $0xb8;
	[tilespmem:$0x19400] =	vst v63  }
0x231: {  	s31 =	rddreg [dreg:$0x18]  }
0x232: {  	[spmem:s2] =	stream.indirect.scatter.add.f32 [tilespmem:s8], [sflag:$0x1], $0x80, s31, s9, $0xb8;
	[tilespmem:$0x19400] =	vst v63  }
0x233: {  	_ = 	snop  }
0x234: {  	[spmem:s2] =	stream.indirect.scatter.add.f32 [tilespmem:s8], [sflag:$0x1], $0x80, s26, s9, $0xb8;
	[tilespmem:$0x19400] =	vst v63  }
0x235: {  	_ = 	snop  }
0x236: {  	[spmem:s2] =	stream.indirect.scatter.add.f32 [tilespmem:s8], [sflag:$0x1], $0x80, s28, s9, $0xb8;
	[tilespmem:$0x19400] =	vst v63  }
0x237: {  	_ = 	snop  }
0x238: {  	[spmem:s2] =	stream.indirect.scatter.add.f32 [tilespmem:s8], [sflag:$0x1], $0x80, s29, s9, $0xb8;
	[tilespmem:$0x19400] =	vst v63  }
0x239: {  	_ = 	snop  }
0x23a: {  	[spmem:s2] =	stream.indirect.scatter.add.f32 [tilespmem:s8], [sflag:$0x1], $0x80, s30, s9, $0xb8;
	[tilespmem:$0x19400] =	vst v63  }
0x23b: {  	_ =	swait.ge [sflag:s6], $0x4000  }
0x23c: {  	[sflag:s6] =	ssyncset.done $0x0  }
0x23d: {  	[sflag:s6] =	ssyncadd.s32 $0xFFFFC000  }
0x23e: {  	_ =	swait.ge [sflag:s6], $0x4000  }
0x23f: {  	[sflag:s6] =	ssyncset.done $0x0  }
0x240: {  	[sflag:s6] =	ssyncadd.s32 $0xFFFFC000  }
0x241: {  	_ =	swait.ge [sflag:s6], $0x4000  }
0x242: {  	[sflag:s6] =	ssyncset.done $0x0  }
0x243: {  	[sflag:s6] =	ssyncadd.s32 $0xFFFFC000  }
0x244: {  	_ =	swait.ge [sflag:s6], $0x4000  }
0x245: {  	[sflag:s6] =	ssyncset.done $0x0  }
0x246: {  	[sflag:s6] =	ssyncadd.s32 $0xFFFFC000  }
0x247: {  	_ =	swait.ge [sflag:s6], $0x4000  }
0x248: {  	[sflag:s6] =	ssyncset.done $0x0  }
0x249: {  	[sflag:s6] =	ssyncadd.s32 $0xFFFFC000  }
0x24a: {  	_ =	swait.ge [sflag:s6], $0x4000  }
0x24b: {  	[sflag:s6] =	ssyncset.done $0x0  }
0x24c: {  	[sflag:s6] =	ssyncadd.s32 $0xFFFFC000  }
0x24d: {  	_ =	swait.ge [sflag:s6], $0x4000  }
0x24e: {  	[sflag:s6] =	ssyncset.done $0x0  }
0x24f: {  	[sflag:s6] =	ssyncadd.s32 $0xFFFFC000  }
0x250: {  	_ =	swait.ge [sflag:s6], $0x4000  }
0x251: {  	[sflag:s6] =	ssyncset.done $0x0  }
0x252: {  	[sflag:s6] =	ssyncadd.s32 $0xFFFFC000  }
0x253: {  	[spmem:s2] =	stream.indirect.scatter.add.f32 [tilespmem:s8], [sflag:$0x1], $0x80, s18, s9, $0xb8;
	[tilespmem:$0x19400] =	vst v63  }
0x254: {  	_ = 	snop  }
0x255: {  	[spmem:s2] =	stream.indirect.scatter.add.f32 [tilespmem:s8], [sflag:$0x1], $0x80, s19, s9, $0xb8;
	[tilespmem:$0x19400] =	vst v63  }
0x256: {  	_ = 	snop  }
0x257: {  	[spmem:s2] =	stream.indirect.scatter.add.f32 [tilespmem:s8], [sflag:$0x1], $0x80, s20, s9, $0xb8;
	[tilespmem:$0x19400] =	vst v63  }
0x258: {  	_ = 	snop  }
0x259: {  	[spmem:s2] =	stream.indirect.scatter.add.f32 [tilespmem:s8], [sflag:$0x1], $0x80, s21, s9, $0xb8;
	[tilespmem:$0x19400] =	vst v63  }
0x25a: {  	_ = 	snop  }
0x25b: {  	[spmem:s2] =	stream.indirect.scatter.add.f32 [tilespmem:s8], [sflag:$0x1], $0x80, s22, s9, $0xb8;
	[tilespmem:$0x19400] =	vst v63  }
0x25c: {  	_ = 	snop  }
0x25d: {  	[spmem:s2] =	stream.indirect.scatter.add.f32 [tilespmem:s8], [sflag:$0x1], $0x80, s23, s9, $0xb8;
	[tilespmem:$0x19400] =	vst v63  }
0x25e: {  	_ = 	snop  }
0x25f: {  	[spmem:s2] =	stream.indirect.scatter.add.f32 [tilespmem:s8], [sflag:$0x1], $0x80, s24, s9, $0xb8;
	[tilespmem:$0x19400] =	vst v63  }
0x260: {  	_ = 	snop  }
0x261: {  	[spmem:s2] =	stream.indirect.scatter.add.f32 [tilespmem:s8], [sflag:$0x1], $0x80, s25, s9, $0xb8;
	[tilespmem:$0x19400] =	vst v63  }
0x262: {  	_ =	swait.ge [sflag:s6], $0x4000  }
0x263: {  	[sflag:s6] =	ssyncset.done $0x0  }
0x264: {  	[sflag:s6] =	ssyncadd.s32 $0xFFFFC000  }
0x265: {  	_ =	swait.ge [sflag:s6], $0x4000  }
0x266: {  	[sflag:s6] =	ssyncset.done $0x0  }
0x267: {  	[sflag:s6] =	ssyncadd.s32 $0xFFFFC000  }
0x268: {  	_ =	swait.ge [sflag:s6], $0x4000  }
0x269: {  	[sflag:s6] =	ssyncset.done $0x0  }
0x26a: {  	[sflag:s6] =	ssyncadd.s32 $0xFFFFC000  }
0x26b: {  	_ =	swait.ge [sflag:s6], $0x4000  }
0x26c: {  	[sflag:s6] =	ssyncset.done $0x0  }
0x26d: {  	[sflag:s6] =	ssyncadd.s32 $0xFFFFC000  }
0x26e: {  	_ =	swait.ge [sflag:s6], $0x4000  }
0x26f: {  	[sflag:s6] =	ssyncset.done $0x0  }
0x270: {  	[sflag:s6] =	ssyncadd.s32 $0xFFFFC000  }
0x271: {  	_ =	swait.ge [sflag:s6], $0x4000  }
0x272: {  	[sflag:s6] =	ssyncset.done $0x0  }
0x273: {  	[sflag:s6] =	ssyncadd.s32 $0xFFFFC000  }
0x274: {  	_ =	swait.ge [sflag:s6], $0x4000  }
0x275: {  	[sflag:s6] =	ssyncset.done $0x0  }
0x276: {  	[sflag:s6] =	ssyncadd.s32 $0xFFFFC000  }
0x277: {  	_ =	swait.ge [sflag:s6], $0x4000  }
0x278: {  	[sflag:s6] =	ssyncset.done $0x0  }
0x279: {  	[sflag:s6] =	ssyncadd.s32 $0xFFFFC000  }
0x27a: {  	[spmem:s2] =	stream.indirect.scatter.add.f32 [tilespmem:s8], [sflag:$0x1], $0x80, s10, s9, $0xb8;
	[tilespmem:$0x19400] =	vst v63  }
0x27b: {  	_ = 	snop  }
0x27c: {  	[spmem:s2] =	stream.indirect.scatter.add.f32 [tilespmem:s8], [sflag:$0x1], $0x80, s11, s9, $0xb8;
	[tilespmem:$0x19400] =	vst v63  }
0x27d: {  	_ = 	snop  }
0x27e: {  	[spmem:s2] =	stream.indirect.scatter.add.f32 [tilespmem:s8], [sflag:$0x1], $0x80, s12, s9, $0xb8;
	[tilespmem:$0x19400] =	vst v63  }
0x27f: {  	_ = 	snop  }
0x280: {  	[spmem:s2] =	stream.indirect.scatter.add.f32 [tilespmem:s8], [sflag:$0x1], $0x80, s13, s9, $0xb8;
	[tilespmem:$0x19400] =	vst v63  }
0x281: {  	_ = 	snop  }
0x282: {  	[spmem:s2] =	stream.indirect.scatter.add.f32 [tilespmem:s8], [sflag:$0x1], $0x80, s14, s9, $0xb8;
	[tilespmem:$0x19400] =	vst v63  }
0x283: {  	_ = 	snop  }
0x284: {  	[spmem:s2] =	stream.indirect.scatter.add.f32 [tilespmem:s8], [sflag:$0x1], $0x80, s15, s9, $0xb8;
	[tilespmem:$0x19400] =	vst v63  }
0x285: {  	_ = 	snop  }
0x286: {  	[spmem:s2] =	stream.indirect.scatter.add.f32 [tilespmem:s8], [sflag:$0x1], $0x80, s16, s9, $0xb8;
	[tilespmem:$0x19400] =	vst v63  }
0x287: {  	_ = 	snop  }
0x288: {  	[spmem:s2] =	stream.indirect.scatter.add.f32 [tilespmem:s8], [sflag:$0x1], $0x80, s17, s9, $0xb8;
	[tilespmem:$0x19400] =	vst v63  }
0x289: {  	_ =	swait.ge [sflag:s6], $0x4000  }
0x28a: {  	[sflag:s6] =	ssyncset.done $0x0  }
0x28b: {  	[sflag:s6] =	ssyncadd.s32 $0xFFFFC000  }
0x28c: {  	_ =	swait.ge [sflag:s6], $0x4000  }
0x28d: {  	[sflag:s6] =	ssyncset.done $0x0  }
0x28e: {  	[sflag:s6] =	ssyncadd.s32 $0xFFFFC000  }
0x28f: {  	_ =	swait.ge [sflag:s6], $0x4000  }
0x290: {  	[sflag:s6] =	ssyncset.done $0x0  }
0x291: {  	[sflag:s6] =	ssyncadd.s32 $0xFFFFC000  }
0x292: {  	_ =	swait.ge [sflag:s6], $0x4000  }
0x293: {  	[sflag:s6] =	ssyncset.done $0x0  }
0x294: {  	[sflag:s6] =	ssyncadd.s32 $0xFFFFC000  }
0x295: {  	_ =	swait.ge [sflag:s6], $0x4000  }
0x296: {  	[sflag:s6] =	ssyncset.done $0x0  }
0x297: {  	[sflag:s6] =	ssyncadd.s32 $0xFFFFC000  }
0x298: {  	_ =	swait.ge [sflag:s6], $0x4000  }
0x299: {  	[sflag:s6] =	ssyncset.done $0x0  }
0x29a: {  	[sflag:s6] =	ssyncadd.s32 $0xFFFFC000  }
0x29b: {  	_ =	swait.ge [sflag:s6], $0x4000  }
0x29c: {  	[sflag:s6] =	ssyncset.done $0x0  }
0x29d: {  	[sflag:s6] =	ssyncadd.s32 $0xFFFFC000  }
0x29e: {  	_ =	swait.ge [sflag:s6], $0x4000  }
0x29f: {  	[sflag:s6] =	ssyncset.done $0x0  }
0x2a0: {  	[sflag:s6] =	ssyncadd.s32 $0xFFFFC000  }
0x2a1: {  	[bflag:$0x0] =	sbarrier.arrive $0xFFFF  }
0x2a2: {  	[hbm:s7], [sflag:s3] =	dma.local [spmem:s4], $0x2800  }
0x2a3: {  	_ =	swait.ge [sflag:s5], $0x2800  }
0x2a4: {  	[sflag:s5] =	ssyncset.done $0x0  }
0x2a5: {  	[sflag:s5] =	ssyncadd.s32 $0xFFFFD800  }
0x2a6: {  	_ =	sfence.sel $0x180000  }
0x2a7: {  	[bflag:$0x0] =	sbarrier.arrive $0xFFFF  }
0x2a8: {  	_ =	strace $0x90000047  }
0x2a9: {  	s31 =	stileid.u32;
	[bflag:$0x2] =	sbarrier.arrive $0xFFFF  }
0x2aa: {  	p0 =	sne.s32 s31, $0x0;
	s0 =	rddreg [dreg:$0x3]  }
0x2ab: {  	s0 =	sadd.s32 @!p0 $0x100000, s0  }
0x2ac: {  	[sflag:s0] =	ssyncadd.tile.s32 @!p0 $0x1;
	_ =	shalt  }
.Lfunc_end2:
_tile_overlayer_lowered:
.L_overlay_start_2:
0x2ad: {  	(tag) =	ssettag $0x2  }
0x2ae: {  	s0 =	rddreg [dreg:$0x0];
	s2 =	stileid.u32  }
0x2af: {  	s1 =	rddreg [dreg:$0x1];
	p0 =	sne.s32 s2, $0x0  }
0x2b0: {  	s3 =	rddreg [dreg:$0x2];
	[bflag:$0x3] =	sbarrier.arrive $0xFFFF;
	s2 =	simm.s32 @!p0 $0x1C02  }
0x2b1: {  	[timem:s3], [sflag:s2] =	dma.local @!p0 [hbm:s0], s1  }
0x2b2: {  	s0 =	simm.s32 @!p0 $0x2  }
0x2b3: {  	_ =	swait.ge @!p0 [sflag:s0], s1  }
0x2b4: {  	s1 =	ssub.s32 @!p0 $0x0, s1;
	[sflag:s0] =	ssyncset.done @!p0 $0x0  }
0x2b5: {  	[sflag:s0] =	ssyncadd.s32 @!p0 s1  }
0x2b6: {  	[bflag:$0x3] =	sbarrier.arrive $0xFFFF  }
0x2b7: {  	_ =	shalt  }

</sc_bundles>
